<compile_context>
chip_gen: v7x
topology: tpu7x:2x2x1
jax: 0.10.2.dev20260603
libtpu: 0.0.44.dev20260713+nightly
codegen_flags: <defaults>
</compile_context>

<pallas_src>
import functools

import jax
import jax.numpy as jnp
from jax import lax
from jax.experimental import pallas as pl
from jax.experimental.pallas import tpu as pltpu
from jax.experimental.pallas import tpu_sc as plsc

_FIELD_IDX = (0,) * 7 + (1,) * 7 + (2,) * 6 + (3,) * 6
_NF = 26
_NT = 4
_D = 16
_B = 4096
_ROWS = 260000
_PAIRS = _NF * (_NF - 1) // 2
_LOOK = _NT * _NF

_NC = 2
_NS = 16
_NW = _NC * _NS
_HALF = _B // 2
_PER_W = _HALF * _LOOK // _NW
_IDXROWS = _PER_W // 128
_CHUNKS = 4
_CROWS = _PER_W // _CHUNKS
_G = _CROWS // 128


def _sc_gather_body(w_hbm, gidx_hbm, out_hbm, idx_v, rows_v, sem):
    wid = lax.axis_index("s") * _NC + lax.axis_index("c")
    pltpu.sync_copy(gidx_hbm.at[pl.ds(wid * _IDXROWS, _IDXROWS)], idx_v)
    for c in range(_CHUNKS):
        cps = [
            pltpu.async_copy(
                w_hbm.at[idx_v.at[c * _G + g]],
                rows_v.at[pl.ds(g * 128, 128)],
                sem,
            )
            for g in range(_G)
        ]
        for cp in cps:
            cp.wait()
        pltpu.sync_copy(
            rows_v, out_hbm.at[pl.ds(wid * _PER_W + c * _CROWS, _CROWS)]
        )


@functools.cache
def _sc_gather():
    return functools.partial(
        pl.kernel,
        mesh=plsc.VectorSubcoreMesh(core_axis_name="c", subcore_axis_name="s"),
        out_type=jax.ShapeDtypeStruct((_HALF * _LOOK, _D), jnp.float32),
        scratch_types=[
            pltpu.VMEM((_IDXROWS, 128), jnp.int32),
            pltpu.VMEM((_CROWS, _D), jnp.float32),
            pltpu.SemaphoreType.DMA,
        ],
        compiler_params=pltpu.CompilerParams(use_tc_tiling_on_sc=False),
    )(_sc_gather_body)


_SEGS = []
for _i in range(_NF - 1):
    _segs = []
    _j = _i + 1
    while _j < _NF:
        _f = _FIELD_IDX[_j]
        _j2 = _j
        while _j2 < _NF and _FIELD_IDX[_j2] == _f:
            _j2 += 1
        _segs.append((_f, _j2 - _j))
        _j = _j2
    _SEGS.append(_segs)


def _pairs_body(e_ref, o_ref):
    e = e_ref[...]
    parts = []
    for i in range(_NF - 1):
        fi = _FIELD_IDX[i]
        r = e[:, (fi * _NF + i + 1) * _D:(fi * _NF + _NF) * _D]
        lsegs = []
        for f, cnt in _SEGS[i]:
            v = e[:, (f * _NF + i) * _D:(f * _NF + i + 1) * _D]
            lsegs.append(v if cnt == 1 else jnp.tile(v, (1, cnt)))
        left = lsegs[0] if len(lsegs) == 1 else jnp.concatenate(lsegs, axis=1)
        parts.append(left * r)
    o_ref[...] = jnp.concatenate(parts, axis=1)


_BB = 256
_TC_PAIRS = pl.pallas_call(
    _pairs_body,
    grid=(_HALF // _BB,),
    in_specs=[pl.BlockSpec((_BB, _LOOK * _D), lambda i: (i, 0))],
    out_specs=pl.BlockSpec((_BB, _PAIRS * _D), lambda i: (i, 0)),
    out_shape=jax.ShapeDtypeStruct((_HALF, _PAIRS * _D), jnp.float32),
    compiler_params=pltpu.CompilerParams(dimension_semantics=("arbitrary",)),
)


def kernel(x, W):
    wf = W.reshape(_NT * _ROWS, _D)
    feat_offs = (jnp.arange(_NF, dtype=x.dtype) * 10000)[None, None, :]
    table_offs = (jnp.arange(_NT, dtype=x.dtype) * _ROWS)[None, :, None]
    gidx = (x[:, None, :] + feat_offs + table_offs).reshape(_B * _LOOK // 128, 128)
    halves = []
    for h in range(2):
        gh = lax.slice_in_dim(gidx, h * _IDXROWS * _NW, (h + 1) * _IDXROWS * _NW)
        e = _sc_gather()(wf, gh)
        halves.append(_TC_PAIRS(e.reshape(_HALF, _LOOK * _D)))
    out = jnp.concatenate(halves, axis=0)
    return out.reshape(_B, _PAIRS, _D)

# --- scband reference (transcript-rebuilt; emitter-appended) ---
"""Pipeline reference for scband-field-aware-factorization-machine-38920993636399 (READ-ONLY COPY).

The authoritative reference and input builder live on the scoring server;
editing this copy changes nothing except your own understanding.
"""

import jax, jax.numpy as jnp
import numpy as np

FIELD_DIMS = [10000] * 26
FIELD_IDX = [0]*7 + [1]*7 + [2]*6 + [3]*6 + [4]
NUM_FIELDS = FIELD_IDX[-1]  # 4
NUM_FEATURES = len(FIELD_DIMS)  # 26
EMBED_DIM = 16
BATCH = 4096
TOTAL = int(sum(FIELD_DIMS))
OFFSETS = np.array((0, *np.cumsum(FIELD_DIMS)[:-1]), dtype=np.int64)


def setup_inputs(seed: int = 0) -> dict:
    key = jax.random.key(seed)
    k1, k2 = jax.random.split(key)
    x = jax.random.randint(k1, (BATCH, NUM_FEATURES), 0, 10000, dtype=jnp.int32)
    # xavier_uniform bound for [TOTAL, EMBED_DIM] table
    bound = float(np.sqrt(6.0 / (TOTAL + EMBED_DIM)))
    W = jax.random.uniform(k2, (NUM_FIELDS, TOTAL, EMBED_DIM), minval=-bound, maxval=bound, dtype=jnp.float32)
    return {"x": x, "W": W}


def reference(x, W):
    # x: int[B, num_features]; W: float32[num_fields, sum(field_dims), embed_dim]
    offs = jnp.asarray(OFFSETS, dtype=x.dtype)
    xi = x + offs[None, :]
    # per-field embedding lookups (gathers)
    xs = [jnp.take(W[f], xi, axis=0) for f in range(NUM_FIELDS)]  # each [B, F, D]
    ix = []
    for i in range(NUM_FEATURES - 1):
        for j in range(i + 1, NUM_FEATURES):
            ix.append(xs[FIELD_IDX[j]][:, i] * xs[FIELD_IDX[i]][:, j])
    return jnp.stack(ix, axis=1)  # [B, num_pairs, D]

if __name__ == "__main__":
    import jax
    _d = setup_inputs()
    print(jax.jit(kernel)(*tuple(_d.values())))

</pallas_src>

<mosaic_0001>
#map = affine_map<(d0, d1) -> (0, 0)>
module attributes {stable_mosaic.version = 14 : i64} {
  func.func @_sc_gather_body(%arg0: i32, %arg1: i32, %arg2: memref<1040000x16xf32, #tpu.memory_space<hbm>>, %arg3: memref<1664x128xi32, #tpu.memory_space<hbm>>, %arg4: memref<212992x16xf32, #tpu.memory_space<hbm>>, %arg5: memref<52x128xi32, #tpu.memory_space<vmem>>, %arg6: memref<1664x16xf32, #tpu.memory_space<vmem>>, %arg7: memref<!tpu.dma_semaphore, #tpu.memory_space<semaphore_mem>>) attributes {dimension_semantics = [#tpu.dimension_semantics<core_parallel>, #tpu.dimension_semantics<subcore_parallel>], iteration_bounds = array<i64: 2, 16>, scalar_prefetch = 0 : i64, scratch_operands = 3 : i64, tpu.core_type = #tpu.core_type<sc_vector_subcore>, window_params = [{transform_indices = #map}, {transform_indices = #map}, {transform_indices = #map}]} {
    %mul3A = arith.constant 2 : i32
    %mul3A_0 = arith.muli %arg1, %mul3A : i32
    %add3A = arith.addi %mul3A_0, %arg0 : i32
    %mul3A_1 = arith.constant 52 : i32
    %mul3A_2 = arith.muli %add3A, %mul3A_1 : i32
    "tpu.region"() ({
      %run_scoped3A = tpu.sem_alloc : memref<!tpu.dma_semaphore, #tpu.memory_space<semaphore_mem>>
      %dma_start3A_1057 = arith.constant 0 : i32
      %dma_start3A_1058 = tpu.memref_slice %arg3[%mul3A_2, %dma_start3A_1057] : memref<1664x128xi32, #tpu.memory_space<hbm>> -> memref<52x128xi32, #tpu.memory_space<hbm>>
      %dma_start3A_1059 = arith.constant 0 : i32
      %dma_start3A_1060 = tpu.memref_slice %arg3[%mul3A_2, %dma_start3A_1059] : memref<1664x128xi32, #tpu.memory_space<hbm>> -> memref<52x128xi32, #tpu.memory_space<hbm>>
      tpu.enqueue_dma source(%dma_start3A_1060 : memref<52x128xi32, #tpu.memory_space<hbm>>) target(%arg5 : memref<52x128xi32, #tpu.memory_space<vmem>>) target_semaphore(%run_scoped3A : memref<!tpu.dma_semaphore, #tpu.memory_space<semaphore_mem>>)
      %dma_wait3A_1061 = arith.constant 0 : i32
      %dma_wait3A_1062 = tpu.memref_slice %arg3[%mul3A_2, %dma_wait3A_1061] : memref<1664x128xi32, #tpu.memory_space<hbm>> -> memref<52x128xi32, #tpu.memory_space<hbm>>
      %dma_wait3A_1063 = arith.constant 0 : i32
      %dma_wait3A_1064 = tpu.memref_slice %arg3[%mul3A_2, %dma_wait3A_1063] : memref<1664x128xi32, #tpu.memory_space<hbm>> -> memref<52x128xi32, #tpu.memory_space<hbm>>
      tpu.wait_dma2 semaphore(%run_scoped3A : memref<!tpu.dma_semaphore, #tpu.memory_space<semaphore_mem>>) src(%dma_wait3A_1064 : memref<52x128xi32, #tpu.memory_space<hbm>>) dst(%arg5 : memref<52x128xi32, #tpu.memory_space<vmem>>)
      tpu.yield
    }) : () -> ()
    %dma_start3A = arith.constant 0 : i32
    %dma_start3A_3 = arith.constant 0 : i32
    %dma_start3A_4 = arith.constant 0 : i32
    %dma_start3A_5 = tpu.memref_slice %arg6[%dma_start3A_3, %dma_start3A_4] : memref<1664x16xf32, #tpu.memory_space<vmem>> -> memref<128x16xf32, #tpu.memory_space<vmem>>
    %dma_start3A_6 = arith.constant 0 : i32
    %dma_start3A_7 = tpu.memref_slice %arg5[%dma_start3A, %dma_start3A_6] : memref<52x128xi32, #tpu.memory_space<vmem>> -> memref<1x128xi32, #tpu.memory_space<vmem>>
    %dma_start3A_8 = tpu.memref_squeeze %dma_start3A_7 : memref<1x128xi32, #tpu.memory_space<vmem>> -> memref<128xi32, #tpu.memory_space<vmem>>
    %dma_start3A_9 = arith.constant 0 : i32
    %dma_start3A_10 = arith.constant 0 : i32
    %dma_start3A_11 = tpu.memref_slice %arg2[%dma_start3A_9, %dma_start3A_10] : memref<1040000x16xf32, #tpu.memory_space<hbm>> -> memref<1040000x16xf32, #tpu.memory_space<hbm>>
    tpu.enqueue_indirect_dma source(%dma_start3A_11 : memref<1040000x16xf32, #tpu.memory_space<hbm>>) target(%dma_start3A_5 : memref<128x16xf32, #tpu.memory_space<vmem>>) offsets(%dma_start3A_8 : memref<128xi32, #tpu.memory_space<vmem>>) semaphore(%arg7 : memref<!tpu.dma_semaphore, #tpu.memory_space<semaphore_mem>>)
    %dma_start3A_12 = arith.constant 1 : i32
    %dma_start3A_13 = arith.constant 128 : i32
    %dma_start3A_14 = arith.constant 0 : i32
    %dma_start3A_15 = tpu.memref_slice %arg6[%dma_start3A_13, %dma_start3A_14] : memref<1664x16xf32, #tpu.memory_space<vmem>> -> memref<128x16xf32, #tpu.memory_space<vmem>>
    %dma_start3A_16 = arith.constant 0 : i32
    %dma_start3A_17 = tpu.memref_slice %arg5[%dma_start3A_12, %dma_start3A_16] : memref<52x128xi32, #tpu.memory_space<vmem>> -> memref<1x128xi32, #tpu.memory_space<vmem>>
    %dma_start3A_18 = tpu.memref_squeeze %dma_start3A_17 : memref<1x128xi32, #tpu.memory_space<vmem>> -> memref<128xi32, #tpu.memory_space<vmem>>
    %dma_start3A_19 = arith.constant 0 : i32
    %dma_start3A_20 = arith.constant 0 : i32
    %dma_start3A_21 = tpu.memref_slice %arg2[%dma_start3A_19, %dma_start3A_20] : memref<1040000x16xf32, #tpu.memory_space<hbm>> -> memref<1040000x16xf32, #tpu.memory_space<hbm>>
    tpu.enqueue_indirect_dma source(%dma_start3A_21 : memref<1040000x16xf32, #tpu.memory_space<hbm>>) target(%dma_start3A_15 : memref<128x16xf32, #tpu.memory_space<vmem>>) offsets(%dma_start3A_18 : memref<128xi32, #tpu.memory_space<vmem>>) semaphore(%arg7 : memref<!tpu.dma_semaphore, #tpu.memory_space<semaphore_mem>>)
    %dma_start3A_22 = arith.constant 2 : i32
    %dma_start3A_23 = arith.constant 256 : i32
    %dma_start3A_24 = arith.constant 0 : i32
    %dma_start3A_25 = tpu.memref_slice %arg6[%dma_start3A_23, %dma_start3A_24] : memref<1664x16xf32, #tpu.memory_space<vmem>> -> memref<128x16xf32, #tpu.memory_space<vmem>>
    %dma_start3A_26 = arith.constant 0 : i32
    %dma_start3A_27 = tpu.memref_slice %arg5[%dma_start3A_22, %dma_start3A_26] : memref<52x128xi32, #tpu.memory_space<vmem>> -> memref<1x128xi32, #tpu.memory_space<vmem>>
    %dma_start3A_28 = tpu.memref_squeeze %dma_start3A_27 : memref<1x128xi32, #tpu.memory_space<vmem>> -> memref<128xi32, #tpu.memory_space<vmem>>
    %dma_start3A_29 = arith.constant 0 : i32
    %dma_start3A_30 = arith.constant 0 : i32
    %dma_start3A_31 = tpu.memref_slice %arg2[%dma_start3A_29, %dma_start3A_30] : memref<1040000x16xf32, #tpu.memory_space<hbm>> -> memref<1040000x16xf32, #tpu.memory_space<hbm>>
    tpu.enqueue_indirect_dma source(%dma_start3A_31 : memref<1040000x16xf32, #tpu.memory_space<hbm>>) target(%dma_start3A_25 : memref<128x16xf32, #tpu.memory_space<vmem>>) offsets(%dma_start3A_28 : memref<128xi32, #tpu.memory_space<vmem>>) semaphore(%arg7 : memref<!tpu.dma_semaphore, #tpu.memory_space<semaphore_mem>>)
    %dma_start3A_32 = arith.constant 3 : i32
    %dma_start3A_33 = arith.constant 384 : i32
    %dma_start3A_34 = arith.constant 0 : i32
    %dma_start3A_35 = tpu.memref_slice %arg6[%dma_start3A_33, %dma_start3A_34] : memref<1664x16xf32, #tpu.memory_space<vmem>> -> memref<128x16xf32, #tpu.memory_space<vmem>>
    %dma_start3A_36 = arith.constant 0 : i32
    %dma_start3A_37 = tpu.memref_slice %arg5[%dma_start3A_32, %dma_start3A_36] : memref<52x128xi32, #tpu.memory_space<vmem>> -> memref<1x128xi32, #tpu.memory_space<vmem>>
    %dma_start3A_38 = tpu.memref_squeeze %dma_start3A_37 : memref<1x128xi32, #tpu.memory_space<vmem>> -> memref<128xi32, #tpu.memory_space<vmem>>
    %dma_start3A_39 = arith.constant 0 : i32
    %dma_start3A_40 = arith.constant 0 : i32
    %dma_start3A_41 = tpu.memref_slice %arg2[%dma_start3A_39, %dma_start3A_40] : memref<1040000x16xf32, #tpu.memory_space<hbm>> -> memref<1040000x16xf32, #tpu.memory_space<hbm>>
    tpu.enqueue_indirect_dma source(%dma_start3A_41 : memref<1040000x16xf32, #tpu.memory_space<hbm>>) target(%dma_start3A_35 : memref<128x16xf32, #tpu.memory_space<vmem>>) offsets(%dma_start3A_38 : memref<128xi32, #tpu.memory_space<vmem>>) semaphore(%arg7 : memref<!tpu.dma_semaphore, #tpu.memory_space<semaphore_mem>>)
    %dma_start3A_42 = arith.constant 4 : i32
    %dma_start3A_43 = arith.constant 512 : i32
    %dma_start3A_44 = arith.constant 0 : i32
    %dma_start3A_45 = tpu.memref_slice %arg6[%dma_start3A_43, %dma_start3A_44] : memref<1664x16xf32, #tpu.memory_space<vmem>> -> memref<128x16xf32, #tpu.memory_space<vmem>>
    %dma_start3A_46 = arith.constant 0 : i32
    %dma_start3A_47 = tpu.memref_slice %arg5[%dma_start3A_42, %dma_start3A_46] : memref<52x128xi32, #tpu.memory_space<vmem>> -> memref<1x128xi32, #tpu.memory_space<vmem>>
    %dma_start3A_48 = tpu.memref_squeeze %dma_start3A_47 : memref<1x128xi32, #tpu.memory_space<vmem>> -> memref<128xi32, #tpu.memory_space<vmem>>
    %dma_start3A_49 = arith.constant 0 : i32
    %dma_start3A_50 = arith.constant 0 : i32
    %dma_start3A_51 = tpu.memref_slice %arg2[%dma_start3A_49, %dma_start3A_50] : memref<1040000x16xf32, #tpu.memory_space<hbm>> -> memref<1040000x16xf32, #tpu.memory_space<hbm>>
    tpu.enqueue_indirect_dma source(%dma_start3A_51 : memref<1040000x16xf32, #tpu.memory_space<hbm>>) target(%dma_start3A_45 : memref<128x16xf32, #tpu.memory_space<vmem>>) offsets(%dma_start3A_48 : memref<128xi32, #tpu.memory_space<vmem>>) semaphore(%arg7 : memref<!tpu.dma_semaphore, #tpu.memory_space<semaphore_mem>>)
    %dma_start3A_52 = arith.constant 5 : i32
    %dma_start3A_53 = arith.constant 640 : i32
    %dma_start3A_54 = arith.constant 0 : i32
    %dma_start3A_55 = tpu.memref_slice %arg6[%dma_start3A_53, %dma_start3A_54] : memref<1664x16xf32, #tpu.memory_space<vmem>> -> memref<128x16xf32, #tpu.memory_space<vmem>>
    %dma_start3A_56 = arith.constant 0 : i32
    %dma_start3A_57 = tpu.memref_slice %arg5[%dma_start3A_52, %dma_start3A_56] : memref<52x128xi32, #tpu.memory_space<vmem>> -> memref<1x128xi32, #tpu.memory_space<vmem>>
    %dma_start3A_58 = tpu.memref_squeeze %dma_start3A_57 : memref<1x128xi32, #tpu.memory_space<vmem>> -> memref<128xi32, #tpu.memory_space<vmem>>
    %dma_start3A_59 = arith.constant 0 : i32
    %dma_start3A_60 = arith.constant 0 : i32
    %dma_start3A_61 = tpu.memref_slice %arg2[%dma_start3A_59, %dma_start3A_60] : memref<1040000x16xf32, #tpu.memory_space<hbm>> -> memref<1040000x16xf32, #tpu.memory_space<hbm>>
    tpu.enqueue_indirect_dma source(%dma_start3A_61 : memref<1040000x16xf32, #tpu.memory_space<hbm>>) target(%dma_start3A_55 : memref<128x16xf32, #tpu.memory_space<vmem>>) offsets(%dma_start3A_58 : memref<128xi32, #tpu.memory_space<vmem>>) semaphore(%arg7 : memref<!tpu.dma_semaphore, #tpu.memory_space<semaphore_mem>>)
    %dma_start3A_62 = arith.constant 6 : i32
    %dma_start3A_63 = arith.constant 768 : i32
    %dma_start3A_64 = arith.constant 0 : i32
    %dma_start3A_65 = tpu.memref_slice %arg6[%dma_start3A_63, %dma_start3A_64] : memref<1664x16xf32, #tpu.memory_space<vmem>> -> memref<128x16xf32, #tpu.memory_space<vmem>>
    %dma_start3A_66 = arith.constant 0 : i32
    %dma_start3A_67 = tpu.memref_slice %arg5[%dma_start3A_62, %dma_start3A_66] : memref<52x128xi32, #tpu.memory_space<vmem>> -> memref<1x128xi32, #tpu.memory_space<vmem>>
    %dma_start3A_68 = tpu.memref_squeeze %dma_start3A_67 : memref<1x128xi32, #tpu.memory_space<vmem>> -> memref<128xi32, #tpu.memory_space<vmem>>
    %dma_start3A_69 = arith.constant 0 : i32
    %dma_start3A_70 = arith.constant 0 : i32
    %dma_start3A_71 = tpu.memref_slice %arg2[%dma_start3A_69, %dma_start3A_70] : memref<1040000x16xf32, #tpu.memory_space<hbm>> -> memref<1040000x16xf32, #tpu.memory_space<hbm>>
    tpu.enqueue_indirect_dma source(%dma_start3A_71 : memref<1040000x16xf32, #tpu.memory_space<hbm>>) target(%dma_start3A_65 : memref<128x16xf32, #tpu.memory_space<vmem>>) offsets(%dma_start3A_68 : memref<128xi32, #tpu.memory_space<vmem>>) semaphore(%arg7 : memref<!tpu.dma_semaphore, #tpu.memory_space<semaphore_mem>>)
    %dma_start3A_72 = arith.constant 7 : i32
    %dma_start3A_73 = arith.constant 896 : i32
    %dma_start3A_74 = arith.constant 0 : i32
    %dma_start3A_75 = tpu.memref_slice %arg6[%dma_start3A_73, %dma_start3A_74] : memref<1664x16xf32, #tpu.memory_space<vmem>> -> memref<128x16xf32, #tpu.memory_space<vmem>>
    %dma_start3A_76 = arith.constant 0 : i32
    %dma_start3A_77 = tpu.memref_slice %arg5[%dma_start3A_72, %dma_start3A_76] : memref<52x128xi32, #tpu.memory_space<vmem>> -> memref<1x128xi32, #tpu.memory_space<vmem>>
    %dma_start3A_78 = tpu.memref_squeeze %dma_start3A_77 : memref<1x128xi32, #tpu.memory_space<vmem>> -> memref<128xi32, #tpu.memory_space<vmem>>
    %dma_start3A_79 = arith.constant 0 : i32
    %dma_start3A_80 = arith.constant 0 : i32
    %dma_start3A_81 = tpu.memref_slice %arg2[%dma_start3A_79, %dma_start3A_80] : memref<1040000x16xf32, #tpu.memory_space<hbm>> -> memref<1040000x16xf32, #tpu.memory_space<hbm>>
    tpu.enqueue_indirect_dma source(%dma_start3A_81 : memref<1040000x16xf32, #tpu.memory_space<hbm>>) target(%dma_start3A_75 : memref<128x16xf32, #tpu.memory_space<vmem>>) offsets(%dma_start3A_78 : memref<128xi32, #tpu.memory_space<vmem>>) semaphore(%arg7 : memref<!tpu.dma_semaphore, #tpu.memory_space<semaphore_mem>>)
    %dma_start3A_82 = arith.constant 8 : i32
    %dma_start3A_83 = arith.constant 1024 : i32
    %dma_start3A_84 = arith.constant 0 : i32
    %dma_start3A_85 = tpu.memref_slice %arg6[%dma_start3A_83, %dma_start3A_84] : memref<1664x16xf32, #tpu.memory_space<vmem>> -> memref<128x16xf32, #tpu.memory_space<vmem>>
    %dma_start3A_86 = arith.constant 0 : i32
    %dma_start3A_87 = tpu.memref_slice %arg5[%dma_start3A_82, %dma_start3A_86] : memref<52x128xi32, #tpu.memory_space<vmem>> -> memref<1x128xi32, #tpu.memory_space<vmem>>
    %dma_start3A_88 = tpu.memref_squeeze %dma_start3A_87 : memref<1x128xi32, #tpu.memory_space<vmem>> -> memref<128xi32, #tpu.memory_space<vmem>>
    %dma_start3A_89 = arith.constant 0 : i32
    %dma_start3A_90 = arith.constant 0 : i32
    %dma_start3A_91 = tpu.memref_slice %arg2[%dma_start3A_89, %dma_start3A_90] : memref<1040000x16xf32, #tpu.memory_space<hbm>> -> memref<1040000x16xf32, #tpu.memory_space<hbm>>
    tpu.enqueue_indirect_dma source(%dma_start3A_91 : memref<1040000x16xf32, #tpu.memory_space<hbm>>) target(%dma_start3A_85 : memref<128x16xf32, #tpu.memory_space<vmem>>) offsets(%dma_start3A_88 : memref<128xi32, #tpu.memory_space<vmem>>) semaphore(%arg7 : memref<!tpu.dma_semaphore, #tpu.memory_space<semaphore_mem>>)
    %dma_start3A_92 = arith.constant 9 : i32
    %dma_start3A_93 = arith.constant 1152 : i32
    %dma_start3A_94 = arith.constant 0 : i32
    %dma_start3A_95 = tpu.memref_slice %arg6[%dma_start3A_93, %dma_start3A_94] : memref<1664x16xf32, #tpu.memory_space<vmem>> -> memref<128x16xf32, #tpu.memory_space<vmem>>
    %dma_start3A_96 = arith.constant 0 : i32
    %dma_start3A_97 = tpu.memref_slice %arg5[%dma_start3A_92, %dma_start3A_96] : memref<52x128xi32, #tpu.memory_space<vmem>> -> memref<1x128xi32, #tpu.memory_space<vmem>>
    %dma_start3A_98 = tpu.memref_squeeze %dma_start3A_97 : memref<1x128xi32, #tpu.memory_space<vmem>> -> memref<128xi32, #tpu.memory_space<vmem>>
    %dma_start3A_99 = arith.constant 0 : i32
    %dma_start3A_100 = arith.constant 0 : i32
    %dma_start3A_101 = tpu.memref_slice %arg2[%dma_start3A_99, %dma_start3A_100] : memref<1040000x16xf32, #tpu.memory_space<hbm>> -> memref<1040000x16xf32, #tpu.memory_space<hbm>>
    tpu.enqueue_indirect_dma source(%dma_start3A_101 : memref<1040000x16xf32, #tpu.memory_space<hbm>>) target(%dma_start3A_95 : memref<128x16xf32, #tpu.memory_space<vmem>>) offsets(%dma_start3A_98 : memref<128xi32, #tpu.memory_space<vmem>>) semaphore(%arg7 : memref<!tpu.dma_semaphore, #tpu.memory_space<semaphore_mem>>)
    %dma_start3A_102 = arith.constant 10 : i32
    %dma_start3A_103 = arith.constant 1280 : i32
    %dma_start3A_104 = arith.constant 0 : i32
    %dma_start3A_105 = tpu.memref_slice %arg6[%dma_start3A_103, %dma_start3A_104] : memref<1664x16xf32, #tpu.memory_space<vmem>> -> memref<128x16xf32, #tpu.memory_space<vmem>>
    %dma_start3A_106 = arith.constant 0 : i32
    %dma_start3A_107 = tpu.memref_slice %arg5[%dma_start3A_102, %dma_start3A_106] : memref<52x128xi32, #tpu.memory_space<vmem>> -> memref<1x128xi32, #tpu.memory_space<vmem>>
    %dma_start3A_108 = tpu.memref_squeeze %dma_start3A_107 : memref<1x128xi32, #tpu.memory_space<vmem>> -> memref<128xi32, #tpu.memory_space<vmem>>
    %dma_start3A_109 = arith.constant 0 : i32
    %dma_start3A_110 = arith.constant 0 : i32
    %dma_start3A_111 = tpu.memref_slice %arg2[%dma_start3A_109, %dma_start3A_110] : memref<1040000x16xf32, #tpu.memory_space<hbm>> -> memref<1040000x16xf32, #tpu.memory_space<hbm>>
    tpu.enqueue_indirect_dma source(%dma_start3A_111 : memref<1040000x16xf32, #tpu.memory_space<hbm>>) target(%dma_start3A_105 : memref<128x16xf32, #tpu.memory_space<vmem>>) offsets(%dma_start3A_108 : memref<128xi32, #tpu.memory_space<vmem>>) semaphore(%arg7 : memref<!tpu.dma_semaphore, #tpu.memory_space<semaphore_mem>>)
    %dma_start3A_112 = arith.constant 11 : i32
    %dma_start3A_113 = arith.constant 1408 : i32
    %dma_start3A_114 = arith.constant 0 : i32
    %dma_start3A_115 = tpu.memref_slice %arg6[%dma_start3A_113, %dma_start3A_114] : memref<1664x16xf32, #tpu.memory_space<vmem>> -> memref<128x16xf32, #tpu.memory_space<vmem>>
    %dma_start3A_116 = arith.constant 0 : i32
    %dma_start3A_117 = tpu.memref_slice %arg5[%dma_start3A_112, %dma_start3A_116] : memref<52x128xi32, #tpu.memory_space<vmem>> -> memref<1x128xi32, #tpu.memory_space<vmem>>
    %dma_start3A_118 = tpu.memref_squeeze %dma_start3A_117 : memref<1x128xi32, #tpu.memory_space<vmem>> -> memref<128xi32, #tpu.memory_space<vmem>>
    %dma_start3A_119 = arith.constant 0 : i32
    %dma_start3A_120 = arith.constant 0 : i32
    %dma_start3A_121 = tpu.memref_slice %arg2[%dma_start3A_119, %dma_start3A_120] : memref<1040000x16xf32, #tpu.memory_space<hbm>> -> memref<1040000x16xf32, #tpu.memory_space<hbm>>
    tpu.enqueue_indirect_dma source(%dma_start3A_121 : memref<1040000x16xf32, #tpu.memory_space<hbm>>) target(%dma_start3A_115 : memref<128x16xf32, #tpu.memory_space<vmem>>) offsets(%dma_start3A_118 : memref<128xi32, #tpu.memory_space<vmem>>) semaphore(%arg7 : memref<!tpu.dma_semaphore, #tpu.memory_space<semaphore_mem>>)
    %dma_start3A_122 = arith.constant 12 : i32
    %dma_start3A_123 = arith.constant 1536 : i32
    %dma_start3A_124 = arith.constant 0 : i32
    %dma_start3A_125 = tpu.memref_slice %arg6[%dma_start3A_123, %dma_start3A_124] : memref<1664x16xf32, #tpu.memory_space<vmem>> -> memref<128x16xf32, #tpu.memory_space<vmem>>
    %dma_start3A_126 = arith.constant 0 : i32
    %dma_start3A_127 = tpu.memref_slice %arg5[%dma_start3A_122, %dma_start3A_126] : memref<52x128xi32, #tpu.memory_space<vmem>> -> memref<1x128xi32, #tpu.memory_space<vmem>>
    %dma_start3A_128 = tpu.memref_squeeze %dma_start3A_127 : memref<1x128xi32, #tpu.memory_space<vmem>> -> memref<128xi32, #tpu.memory_space<vmem>>
    %dma_start3A_129 = arith.constant 0 : i32
    %dma_start3A_130 = arith.constant 0 : i32
    %dma_start3A_131 = tpu.memref_slice %arg2[%dma_start3A_129, %dma_start3A_130] : memref<1040000x16xf32, #tpu.memory_space<hbm>> -> memref<1040000x16xf32, #tpu.memory_space<hbm>>
    tpu.enqueue_indirect_dma source(%dma_start3A_131 : memref<1040000x16xf32, #tpu.memory_space<hbm>>) target(%dma_start3A_125 : memref<128x16xf32, #tpu.memory_space<vmem>>) offsets(%dma_start3A_128 : memref<128xi32, #tpu.memory_space<vmem>>) semaphore(%arg7 : memref<!tpu.dma_semaphore, #tpu.memory_space<semaphore_mem>>)
    %dma_wait3A = arith.constant 0 : i32
    %dma_wait3A_132 = arith.constant 0 : i32
    %dma_wait3A_133 = arith.constant 0 : i32
    %dma_wait3A_134 = tpu.memref_slice %arg6[%dma_wait3A_132, %dma_wait3A_133] : memref<1664x16xf32, #tpu.memory_space<vmem>> -> memref<128x16xf32, #tpu.memory_space<vmem>>
    %dma_wait3A_135 = arith.constant 0 : i32
    %dma_wait3A_136 = tpu.memref_slice %arg5[%dma_wait3A, %dma_wait3A_135] : memref<52x128xi32, #tpu.memory_space<vmem>> -> memref<1x128xi32, #tpu.memory_space<vmem>>
    %dma_wait3A_137 = tpu.memref_squeeze %dma_wait3A_136 : memref<1x128xi32, #tpu.memory_space<vmem>> -> memref<128xi32, #tpu.memory_space<vmem>>
    %dma_wait3A_138 = arith.constant 0 : i32
    %dma_wait3A_139 = arith.constant 0 : i32
    %dma_wait3A_140 = tpu.memref_slice %arg2[%dma_wait3A_138, %dma_wait3A_139] : memref<1040000x16xf32, #tpu.memory_space<hbm>> -> memref<1040000x16xf32, #tpu.memory_space<hbm>>
    tpu.wait_indirect_dma semaphore(%arg7 : memref<!tpu.dma_semaphore, #tpu.memory_space<semaphore_mem>>) src(%dma_wait3A_140 : memref<1040000x16xf32, #tpu.memory_space<hbm>>) dst(%dma_wait3A_134 : memref<128x16xf32, #tpu.memory_space<vmem>>)
    %dma_wait3A_141 = arith.constant 1 : i32
    %dma_wait3A_142 = arith.constant 128 : i32
    %dma_wait3A_143 = arith.constant 0 : i32
    %dma_wait3A_144 = tpu.memref_slice %arg6[%dma_wait3A_142, %dma_wait3A_143] : memref<1664x16xf32, #tpu.memory_space<vmem>> -> memref<128x16xf32, #tpu.memory_space<vmem>>
    %dma_wait3A_145 = arith.constant 0 : i32
    %dma_wait3A_146 = tpu.memref_slice %arg5[%dma_wait3A_141, %dma_wait3A_145] : memref<52x128xi32, #tpu.memory_space<vmem>> -> memref<1x128xi32, #tpu.memory_space<vmem>>
    %dma_wait3A_147 = tpu.memref_squeeze %dma_wait3A_146 : memref<1x128xi32, #tpu.memory_space<vmem>> -> memref<128xi32, #tpu.memory_space<vmem>>
    %dma_wait3A_148 = arith.constant 0 : i32
    %dma_wait3A_149 = arith.constant 0 : i32
    %dma_wait3A_150 = tpu.memref_slice %arg2[%dma_wait3A_148, %dma_wait3A_149] : memref<1040000x16xf32, #tpu.memory_space<hbm>> -> memref<1040000x16xf32, #tpu.memory_space<hbm>>
    tpu.wait_indirect_dma semaphore(%arg7 : memref<!tpu.dma_semaphore, #tpu.memory_space<semaphore_mem>>) src(%dma_wait3A_150 : memref<1040000x16xf32, #tpu.memory_space<hbm>>) dst(%dma_wait3A_144 : memref<128x16xf32, #tpu.memory_space<vmem>>)
    %dma_wait3A_151 = arith.constant 2 : i32
    %dma_wait3A_152 = arith.constant 256 : i32
    %dma_wait3A_153 = arith.constant 0 : i32
    %dma_wait3A_154 = tpu.memref_slice %arg6[%dma_wait3A_152, %dma_wait3A_153] : memref<1664x16xf32, #tpu.memory_space<vmem>> -> memref<128x16xf32, #tpu.memory_space<vmem>>
    %dma_wait3A_155 = arith.constant 0 : i32
    %dma_wait3A_156 = tpu.memref_slice %arg5[%dma_wait3A_151, %dma_wait3A_155] : memref<52x128xi32, #tpu.memory_space<vmem>> -> memref<1x128xi32, #tpu.memory_space<vmem>>
    %dma_wait3A_157 = tpu.memref_squeeze %dma_wait3A_156 : memref<1x128xi32, #tpu.memory_space<vmem>> -> memref<128xi32, #tpu.memory_space<vmem>>
    %dma_wait3A_158 = arith.constant 0 : i32
    %dma_wait3A_159 = arith.constant 0 : i32
    %dma_wait3A_160 = tpu.memref_slice %arg2[%dma_wait3A_158, %dma_wait3A_159] : memref<1040000x16xf32, #tpu.memory_space<hbm>> -> memref<1040000x16xf32, #tpu.memory_space<hbm>>
    tpu.wait_indirect_dma semaphore(%arg7 : memref<!tpu.dma_semaphore, #tpu.memory_space<semaphore_mem>>) src(%dma_wait3A_160 : memref<1040000x16xf32, #tpu.memory_space<hbm>>) dst(%dma_wait3A_154 : memref<128x16xf32, #tpu.memory_space<vmem>>)
    %dma_wait3A_161 = arith.constant 3 : i32
    %dma_wait3A_162 = arith.constant 384 : i32
    %dma_wait3A_163 = arith.constant 0 : i32
    %dma_wait3A_164 = tpu.memref_slice %arg6[%dma_wait3A_162, %dma_wait3A_163] : memref<1664x16xf32, #tpu.memory_space<vmem>> -> memref<128x16xf32, #tpu.memory_space<vmem>>
    %dma_wait3A_165 = arith.constant 0 : i32
    %dma_wait3A_166 = tpu.memref_slice %arg5[%dma_wait3A_161, %dma_wait3A_165] : memref<52x128xi32, #tpu.memory_space<vmem>> -> memref<1x128xi32, #tpu.memory_space<vmem>>
    %dma_wait3A_167 = tpu.memref_squeeze %dma_wait3A_166 : memref<1x128xi32, #tpu.memory_space<vmem>> -> memref<128xi32, #tpu.memory_space<vmem>>
    %dma_wait3A_168 = arith.constant 0 : i32
    %dma_wait3A_169 = arith.constant 0 : i32
    %dma_wait3A_170 = tpu.memref_slice %arg2[%dma_wait3A_168, %dma_wait3A_169] : memref<1040000x16xf32, #tpu.memory_space<hbm>> -> memref<1040000x16xf32, #tpu.memory_space<hbm>>
    tpu.wait_indirect_dma semaphore(%arg7 : memref<!tpu.dma_semaphore, #tpu.memory_space<semaphore_mem>>) src(%dma_wait3A_170 : memref<1040000x16xf32, #tpu.memory_space<hbm>>) dst(%dma_wait3A_164 : memref<128x16xf32, #tpu.memory_space<vmem>>)
    %dma_wait3A_171 = arith.constant 4 : i32
    %dma_wait3A_172 = arith.constant 512 : i32
    %dma_wait3A_173 = arith.constant 0 : i32
    %dma_wait3A_174 = tpu.memref_slice %arg6[%dma_wait3A_172, %dma_wait3A_173] : memref<1664x16xf32, #tpu.memory_space<vmem>> -> memref<128x16xf32, #tpu.memory_space<vmem>>
    %dma_wait3A_175 = arith.constant 0 : i32
    %dma_wait3A_176 = tpu.memref_slice %arg5[%dma_wait3A_171, %dma_wait3A_175] : memref<52x128xi32, #tpu.memory_space<vmem>> -> memref<1x128xi32, #tpu.memory_space<vmem>>
    %dma_wait3A_177 = tpu.memref_squeeze %dma_wait3A_176 : memref<1x128xi32, #tpu.memory_space<vmem>> -> memref<128xi32, #tpu.memory_space<vmem>>
    %dma_wait3A_178 = arith.constant 0 : i32
    %dma_wait3A_179 = arith.constant 0 : i32
    %dma_wait3A_180 = tpu.memref_slice %arg2[%dma_wait3A_178, %dma_wait3A_179] : memref<1040000x16xf32, #tpu.memory_space<hbm>> -> memref<1040000x16xf32, #tpu.memory_space<hbm>>
    tpu.wait_indirect_dma semaphore(%arg7 : memref<!tpu.dma_semaphore, #tpu.memory_space<semaphore_mem>>) src(%dma_wait3A_180 : memref<1040000x16xf32, #tpu.memory_space<hbm>>) dst(%dma_wait3A_174 : memref<128x16xf32, #tpu.memory_space<vmem>>)
    %dma_wait3A_181 = arith.constant 5 : i32
    %dma_wait3A_182 = arith.constant 640 : i32
    %dma_wait3A_183 = arith.constant 0 : i32
    %dma_wait3A_184 = tpu.memref_slice %arg6[%dma_wait3A_182, %dma_wait3A_183] : memref<1664x16xf32, #tpu.memory_space<vmem>> -> memref<128x16xf32, #tpu.memory_space<vmem>>
    %dma_wait3A_185 = arith.constant 0 : i32
    %dma_wait3A_186 = tpu.memref_slice %arg5[%dma_wait3A_181, %dma_wait3A_185] : memref<52x128xi32, #tpu.memory_space<vmem>> -> memref<1x128xi32, #tpu.memory_space<vmem>>
    %dma_wait3A_187 = tpu.memref_squeeze %dma_wait3A_186 : memref<1x128xi32, #tpu.memory_space<vmem>> -> memref<128xi32, #tpu.memory_space<vmem>>
    %dma_wait3A_188 = arith.constant 0 : i32
    %dma_wait3A_189 = arith.constant 0 : i32
    %dma_wait3A_190 = tpu.memref_slice %arg2[%dma_wait3A_188, %dma_wait3A_189] : memref<1040000x16xf32, #tpu.memory_space<hbm>> -> memref<1040000x16xf32, #tpu.memory_space<hbm>>
    tpu.wait_indirect_dma semaphore(%arg7 : memref<!tpu.dma_semaphore, #tpu.memory_space<semaphore_mem>>) src(%dma_wait3A_190 : memref<1040000x16xf32, #tpu.memory_space<hbm>>) dst(%dma_wait3A_184 : memref<128x16xf32, #tpu.memory_space<vmem>>)
    %dma_wait3A_191 = arith.constant 6 : i32
    %dma_wait3A_192 = arith.constant 768 : i32
    %dma_wait3A_193 = arith.constant 0 : i32
    %dma_wait3A_194 = tpu.memref_slice %arg6[%dma_wait3A_192, %dma_wait3A_193] : memref<1664x16xf32, #tpu.memory_space<vmem>> -> memref<128x16xf32, #tpu.memory_space<vmem>>
    %dma_wait3A_195 = arith.constant 0 : i32
    %dma_wait3A_196 = tpu.memref_slice %arg5[%dma_wait3A_191, %dma_wait3A_195] : memref<52x128xi32, #tpu.memory_space<vmem>> -> memref<1x128xi32, #tpu.memory_space<vmem>>
    %dma_wait3A_197 = tpu.memref_squeeze %dma_wait3A_196 : memref<1x128xi32, #tpu.memory_space<vmem>> -> memref<128xi32, #tpu.memory_space<vmem>>
    %dma_wait3A_198 = arith.constant 0 : i32
    %dma_wait3A_199 = arith.constant 0 : i32
    %dma_wait3A_200 = tpu.memref_slice %arg2[%dma_wait3A_198, %dma_wait3A_199] : memref<1040000x16xf32, #tpu.memory_space<hbm>> -> memref<1040000x16xf32, #tpu.memory_space<hbm>>
    tpu.wait_indirect_dma semaphore(%arg7 : memref<!tpu.dma_semaphore, #tpu.memory_space<semaphore_mem>>) src(%dma_wait3A_200 : memref<1040000x16xf32, #tpu.memory_space<hbm>>) dst(%dma_wait3A_194 : memref<128x16xf32, #tpu.memory_space<vmem>>)
    %dma_wait3A_201 = arith.constant 7 : i32
    %dma_wait3A_202 = arith.constant 896 : i32
    %dma_wait3A_203 = arith.constant 0 : i32
    %dma_wait3A_204 = tpu.memref_slice %arg6[%dma_wait3A_202, %dma_wait3A_203] : memref<1664x16xf32, #tpu.memory_space<vmem>> -> memref<128x16xf32, #tpu.memory_space<vmem>>
    %dma_wait3A_205 = arith.constant 0 : i32
    %dma_wait3A_206 = tpu.memref_slice %arg5[%dma_wait3A_201, %dma_wait3A_205] : memref<52x128xi32, #tpu.memory_space<vmem>> -> memref<1x128xi32, #tpu.memory_space<vmem>>
    %dma_wait3A_207 = tpu.memref_squeeze %dma_wait3A_206 : memref<1x128xi32, #tpu.memory_space<vmem>> -> memref<128xi32, #tpu.memory_space<vmem>>
    %dma_wait3A_208 = arith.constant 0 : i32
    %dma_wait3A_209 = arith.constant 0 : i32
    %dma_wait3A_210 = tpu.memref_slice %arg2[%dma_wait3A_208, %dma_wait3A_209] : memref<1040000x16xf32, #tpu.memory_space<hbm>> -> memref<1040000x16xf32, #tpu.memory_space<hbm>>
    tpu.wait_indirect_dma semaphore(%arg7 : memref<!tpu.dma_semaphore, #tpu.memory_space<semaphore_mem>>) src(%dma_wait3A_210 : memref<1040000x16xf32, #tpu.memory_space<hbm>>) dst(%dma_wait3A_204 : memref<128x16xf32, #tpu.memory_space<vmem>>)
    %dma_wait3A_211 = arith.constant 8 : i32
    %dma_wait3A_212 = arith.constant 1024 : i32
    %dma_wait3A_213 = arith.constant 0 : i32
    %dma_wait3A_214 = tpu.memref_slice %arg6[%dma_wait3A_212, %dma_wait3A_213] : memref<1664x16xf32, #tpu.memory_space<vmem>> -> memref<128x16xf32, #tpu.memory_space<vmem>>
    %dma_wait3A_215 = arith.constant 0 : i32
    %dma_wait3A_216 = tpu.memref_slice %arg5[%dma_wait3A_211, %dma_wait3A_215] : memref<52x128xi32, #tpu.memory_space<vmem>> -> memref<1x128xi32, #tpu.memory_space<vmem>>
    %dma_wait3A_217 = tpu.memref_squeeze %dma_wait3A_216 : memref<1x128xi32, #tpu.memory_space<vmem>> -> memref<128xi32, #tpu.memory_space<vmem>>
    %dma_wait3A_218 = arith.constant 0 : i32
    %dma_wait3A_219 = arith.constant 0 : i32
    %dma_wait3A_220 = tpu.memref_slice %arg2[%dma_wait3A_218, %dma_wait3A_219] : memref<1040000x16xf32, #tpu.memory_space<hbm>> -> memref<1040000x16xf32, #tpu.memory_space<hbm>>
    tpu.wait_indirect_dma semaphore(%arg7 : memref<!tpu.dma_semaphore, #tpu.memory_space<semaphore_mem>>) src(%dma_wait3A_220 : memref<1040000x16xf32, #tpu.memory_space<hbm>>) dst(%dma_wait3A_214 : memref<128x16xf32, #tpu.memory_space<vmem>>)
    %dma_wait3A_221 = arith.constant 9 : i32
    %dma_wait3A_222 = arith.constant 1152 : i32
    %dma_wait3A_223 = arith.constant 0 : i32
    %dma_wait3A_224 = tpu.memref_slice %arg6[%dma_wait3A_222, %dma_wait3A_223] : memref<1664x16xf32, #tpu.memory_space<vmem>> -> memref<128x16xf32, #tpu.memory_space<vmem>>
    %dma_wait3A_225 = arith.constant 0 : i32
    %dma_wait3A_226 = tpu.memref_slice %arg5[%dma_wait3A_221, %dma_wait3A_225] : memref<52x128xi32, #tpu.memory_space<vmem>> -> memref<1x128xi32, #tpu.memory_space<vmem>>
    %dma_wait3A_227 = tpu.memref_squeeze %dma_wait3A_226 : memref<1x128xi32, #tpu.memory_space<vmem>> -> memref<128xi32, #tpu.memory_space<vmem>>
    %dma_wait3A_228 = arith.constant 0 : i32
    %dma_wait3A_229 = arith.constant 0 : i32
    %dma_wait3A_230 = tpu.memref_slice %arg2[%dma_wait3A_228, %dma_wait3A_229] : memref<1040000x16xf32, #tpu.memory_space<hbm>> -> memref<1040000x16xf32, #tpu.memory_space<hbm>>
    tpu.wait_indirect_dma semaphore(%arg7 : memref<!tpu.dma_semaphore, #tpu.memory_space<semaphore_mem>>) src(%dma_wait3A_230 : memref<1040000x16xf32, #tpu.memory_space<hbm>>) dst(%dma_wait3A_224 : memref<128x16xf32, #tpu.memory_space<vmem>>)
    %dma_wait3A_231 = arith.constant 10 : i32
    %dma_wait3A_232 = arith.constant 1280 : i32
    %dma_wait3A_233 = arith.constant 0 : i32
    %dma_wait3A_234 = tpu.memref_slice %arg6[%dma_wait3A_232, %dma_wait3A_233] : memref<1664x16xf32, #tpu.memory_space<vmem>> -> memref<128x16xf32, #tpu.memory_space<vmem>>
    %dma_wait3A_235 = arith.constant 0 : i32
    %dma_wait3A_236 = tpu.memref_slice %arg5[%dma_wait3A_231, %dma_wait3A_235] : memref<52x128xi32, #tpu.memory_space<vmem>> -> memref<1x128xi32, #tpu.memory_space<vmem>>
    %dma_wait3A_237 = tpu.memref_squeeze %dma_wait3A_236 : memref<1x128xi32, #tpu.memory_space<vmem>> -> memref<128xi32, #tpu.memory_space<vmem>>
    %dma_wait3A_238 = arith.constant 0 : i32
    %dma_wait3A_239 = arith.constant 0 : i32
    %dma_wait3A_240 = tpu.memref_slice %arg2[%dma_wait3A_238, %dma_wait3A_239] : memref<1040000x16xf32, #tpu.memory_space<hbm>> -> memref<1040000x16xf32, #tpu.memory_space<hbm>>
    tpu.wait_indirect_dma semaphore(%arg7 : memref<!tpu.dma_semaphore, #tpu.memory_space<semaphore_mem>>) src(%dma_wait3A_240 : memref<1040000x16xf32, #tpu.memory_space<hbm>>) dst(%dma_wait3A_234 : memref<128x16xf32, #tpu.memory_space<vmem>>)
    %dma_wait3A_241 = arith.constant 11 : i32
    %dma_wait3A_242 = arith.constant 1408 : i32
    %dma_wait3A_243 = arith.constant 0 : i32
    %dma_wait3A_244 = tpu.memref_slice %arg6[%dma_wait3A_242, %dma_wait3A_243] : memref<1664x16xf32, #tpu.memory_space<vmem>> -> memref<128x16xf32, #tpu.memory_space<vmem>>
    %dma_wait3A_245 = arith.constant 0 : i32
    %dma_wait3A_246 = tpu.memref_slice %arg5[%dma_wait3A_241, %dma_wait3A_245] : memref<52x128xi32, #tpu.memory_space<vmem>> -> memref<1x128xi32, #tpu.memory_space<vmem>>
    %dma_wait3A_247 = tpu.memref_squeeze %dma_wait3A_246 : memref<1x128xi32, #tpu.memory_space<vmem>> -> memref<128xi32, #tpu.memory_space<vmem>>
    %dma_wait3A_248 = arith.constant 0 : i32
    %dma_wait3A_249 = arith.constant 0 : i32
    %dma_wait3A_250 = tpu.memref_slice %arg2[%dma_wait3A_248, %dma_wait3A_249] : memref<1040000x16xf32, #tpu.memory_space<hbm>> -> memref<1040000x16xf32, #tpu.memory_space<hbm>>
    tpu.wait_indirect_dma semaphore(%arg7 : memref<!tpu.dma_semaphore, #tpu.memory_space<semaphore_mem>>) src(%dma_wait3A_250 : memref<1040000x16xf32, #tpu.memory_space<hbm>>) dst(%dma_wait3A_244 : memref<128x16xf32, #tpu.memory_space<vmem>>)
    %dma_wait3A_251 = arith.constant 12 : i32
    %dma_wait3A_252 = arith.constant 1536 : i32
    %dma_wait3A_253 = arith.constant 0 : i32
    %dma_wait3A_254 = tpu.memref_slice %arg6[%dma_wait3A_252, %dma_wait3A_253] : memref<1664x16xf32, #tpu.memory_space<vmem>> -> memref<128x16xf32, #tpu.memory_space<vmem>>
    %dma_wait3A_255 = arith.constant 0 : i32
    %dma_wait3A_256 = tpu.memref_slice %arg5[%dma_wait3A_251, %dma_wait3A_255] : memref<52x128xi32, #tpu.memory_space<vmem>> -> memref<1x128xi32, #tpu.memory_space<vmem>>
    %dma_wait3A_257 = tpu.memref_squeeze %dma_wait3A_256 : memref<1x128xi32, #tpu.memory_space<vmem>> -> memref<128xi32, #tpu.memory_space<vmem>>
    %dma_wait3A_258 = arith.constant 0 : i32
    %dma_wait3A_259 = arith.constant 0 : i32
    %dma_wait3A_260 = tpu.memref_slice %arg2[%dma_wait3A_258, %dma_wait3A_259] : memref<1040000x16xf32, #tpu.memory_space<hbm>> -> memref<1040000x16xf32, #tpu.memory_space<hbm>>
    tpu.wait_indirect_dma semaphore(%arg7 : memref<!tpu.dma_semaphore, #tpu.memory_space<semaphore_mem>>) src(%dma_wait3A_260 : memref<1040000x16xf32, #tpu.memory_space<hbm>>) dst(%dma_wait3A_254 : memref<128x16xf32, #tpu.memory_space<vmem>>)
    %mul3A_261 = arith.constant 6656 : i32
    %mul3A_262 = arith.muli %add3A, %mul3A_261 : i32
    %add3A_263 = arith.constant 0 : i32
    %add3A_264 = arith.addi %mul3A_262, %add3A_263 : i32
    "tpu.region"() ({
      %run_scoped3A = tpu.sem_alloc : memref<!tpu.dma_semaphore, #tpu.memory_space<semaphore_mem>>
      %dma_start3A_1057 = arith.constant 0 : i32
      %dma_start3A_1058 = tpu.memref_slice %arg4[%add3A_264, %dma_start3A_1057] : memref<212992x16xf32, #tpu.memory_space<hbm>> -> memref<1664x16xf32, #tpu.memory_space<hbm>>
      %dma_start3A_1059 = arith.constant 0 : i32
      %dma_start3A_1060 = tpu.memref_slice %arg4[%add3A_264, %dma_start3A_1059] : memref<212992x16xf32, #tpu.memory_space<hbm>> -> memref<1664x16xf32, #tpu.memory_space<hbm>>
      tpu.enqueue_dma source(%arg6 : memref<1664x16xf32, #tpu.memory_space<vmem>>) target(%dma_start3A_1060 : memref<1664x16xf32, #tpu.memory_space<hbm>>) target_semaphore(%run_scoped3A : memref<!tpu.dma_semaphore, #tpu.memory_space<semaphore_mem>>)
      %dma_wait3A_1061 = arith.constant 0 : i32
      %dma_wait3A_1062 = tpu.memref_slice %arg4[%add3A_264, %dma_wait3A_1061] : memref<212992x16xf32, #tpu.memory_space<hbm>> -> memref<1664x16xf32, #tpu.memory_space<hbm>>
      %dma_wait3A_1063 = arith.constant 0 : i32
      %dma_wait3A_1064 = tpu.memref_slice %arg4[%add3A_264, %dma_wait3A_1063] : memref<212992x16xf32, #tpu.memory_space<hbm>> -> memref<1664x16xf32, #tpu.memory_space<hbm>>
      tpu.wait_dma2 semaphore(%run_scoped3A : memref<!tpu.dma_semaphore, #tpu.memory_space<semaphore_mem>>) src(%arg6 : memref<1664x16xf32, #tpu.memory_space<vmem>>) dst(%dma_wait3A_1064 : memref<1664x16xf32, #tpu.memory_space<hbm>>)
      tpu.yield
    }) : () -> ()
    %dma_start3A_265 = arith.constant 13 : i32
    %dma_start3A_266 = arith.constant 0 : i32
    %dma_start3A_267 = arith.constant 0 : i32
    %dma_start3A_268 = tpu.memref_slice %arg6[%dma_start3A_266, %dma_start3A_267] : memref<1664x16xf32, #tpu.memory_space<vmem>> -> memref<128x16xf32, #tpu.memory_space<vmem>>
    %dma_start3A_269 = arith.constant 0 : i32
    %dma_start3A_270 = tpu.memref_slice %arg5[%dma_start3A_265, %dma_start3A_269] : memref<52x128xi32, #tpu.memory_space<vmem>> -> memref<1x128xi32, #tpu.memory_space<vmem>>
    %dma_start3A_271 = tpu.memref_squeeze %dma_start3A_270 : memref<1x128xi32, #tpu.memory_space<vmem>> -> memref<128xi32, #tpu.memory_space<vmem>>
    %dma_start3A_272 = arith.constant 0 : i32
    %dma_start3A_273 = arith.constant 0 : i32
    %dma_start3A_274 = tpu.memref_slice %arg2[%dma_start3A_272, %dma_start3A_273] : memref<1040000x16xf32, #tpu.memory_space<hbm>> -> memref<1040000x16xf32, #tpu.memory_space<hbm>>
    tpu.enqueue_indirect_dma source(%dma_start3A_274 : memref<1040000x16xf32, #tpu.memory_space<hbm>>) target(%dma_start3A_268 : memref<128x16xf32, #tpu.memory_space<vmem>>) offsets(%dma_start3A_271 : memref<128xi32, #tpu.memory_space<vmem>>) semaphore(%arg7 : memref<!tpu.dma_semaphore, #tpu.memory_space<semaphore_mem>>)
    %dma_start3A_275 = arith.constant 14 : i32
    %dma_start3A_276 = arith.constant 128 : i32
    %dma_start3A_277 = arith.constant 0 : i32
    %dma_start3A_278 = tpu.memref_slice %arg6[%dma_start3A_276, %dma_start3A_277] : memref<1664x16xf32, #tpu.memory_space<vmem>> -> memref<128x16xf32, #tpu.memory_space<vmem>>
    %dma_start3A_279 = arith.constant 0 : i32
    %dma_start3A_280 = tpu.memref_slice %arg5[%dma_start3A_275, %dma_start3A_279] : memref<52x128xi32, #tpu.memory_space<vmem>> -> memref<1x128xi32, #tpu.memory_space<vmem>>
    %dma_start3A_281 = tpu.memref_squeeze %dma_start3A_280 : memref<1x128xi32, #tpu.memory_space<vmem>> -> memref<128xi32, #tpu.memory_space<vmem>>
    %dma_start3A_282 = arith.constant 0 : i32
    %dma_start3A_283 = arith.constant 0 : i32
    %dma_start3A_284 = tpu.memref_slice %arg2[%dma_start3A_282, %dma_start3A_283] : memref<1040000x16xf32, #tpu.memory_space<hbm>> -> memref<1040000x16xf32, #tpu.memory_space<hbm>>
    tpu.enqueue_indirect_dma source(%dma_start3A_284 : memref<1040000x16xf32, #tpu.memory_space<hbm>>) target(%dma_start3A_278 : memref<128x16xf32, #tpu.memory_space<vmem>>) offsets(%dma_start3A_281 : memref<128xi32, #tpu.memory_space<vmem>>) semaphore(%arg7 : memref<!tpu.dma_semaphore, #tpu.memory_space<semaphore_mem>>)
    %dma_start3A_285 = arith.constant 15 : i32
    %dma_start3A_286 = arith.constant 256 : i32
    %dma_start3A_287 = arith.constant 0 : i32
    %dma_start3A_288 = tpu.memref_slice %arg6[%dma_start3A_286, %dma_start3A_287] : memref<1664x16xf32, #tpu.memory_space<vmem>> -> memref<128x16xf32, #tpu.memory_space<vmem>>
    %dma_start3A_289 = arith.constant 0 : i32
    %dma_start3A_290 = tpu.memref_slice %arg5[%dma_start3A_285, %dma_start3A_289] : memref<52x128xi32, #tpu.memory_space<vmem>> -> memref<1x128xi32, #tpu.memory_space<vmem>>
    %dma_start3A_291 = tpu.memref_squeeze %dma_start3A_290 : memref<1x128xi32, #tpu.memory_space<vmem>> -> memref<128xi32, #tpu.memory_space<vmem>>
    %dma_start3A_292 = arith.constant 0 : i32
    %dma_start3A_293 = arith.constant 0 : i32
    %dma_start3A_294 = tpu.memref_slice %arg2[%dma_start3A_292, %dma_start3A_293] : memref<1040000x16xf32, #tpu.memory_space<hbm>> -> memref<1040000x16xf32, #tpu.memory_space<hbm>>
    tpu.enqueue_indirect_dma source(%dma_start3A_294 : memref<1040000x16xf32, #tpu.memory_space<hbm>>) target(%dma_start3A_288 : memref<128x16xf32, #tpu.memory_space<vmem>>) offsets(%dma_start3A_291 : memref<128xi32, #tpu.memory_space<vmem>>) semaphore(%arg7 : memref<!tpu.dma_semaphore, #tpu.memory_space<semaphore_mem>>)
    %dma_start3A_295 = arith.constant 16 : i32
    %dma_start3A_296 = arith.constant 384 : i32
    %dma_start3A_297 = arith.constant 0 : i32
    %dma_start3A_298 = tpu.memref_slice %arg6[%dma_start3A_296, %dma_start3A_297] : memref<1664x16xf32, #tpu.memory_space<vmem>> -> memref<128x16xf32, #tpu.memory_space<vmem>>
    %dma_start3A_299 = arith.constant 0 : i32
    %dma_start3A_300 = tpu.memref_slice %arg5[%dma_start3A_295, %dma_start3A_299] : memref<52x128xi32, #tpu.memory_space<vmem>> -> memref<1x128xi32, #tpu.memory_space<vmem>>
    %dma_start3A_301 = tpu.memref_squeeze %dma_start3A_300 : memref<1x128xi32, #tpu.memory_space<vmem>> -> memref<128xi32, #tpu.memory_space<vmem>>
    %dma_start3A_302 = arith.constant 0 : i32
    %dma_start3A_303 = arith.constant 0 : i32
    %dma_start3A_304 = tpu.memref_slice %arg2[%dma_start3A_302, %dma_start3A_303] : memref<1040000x16xf32, #tpu.memory_space<hbm>> -> memref<1040000x16xf32, #tpu.memory_space<hbm>>
    tpu.enqueue_indirect_dma source(%dma_start3A_304 : memref<1040000x16xf32, #tpu.memory_space<hbm>>) target(%dma_start3A_298 : memref<128x16xf32, #tpu.memory_space<vmem>>) offsets(%dma_start3A_301 : memref<128xi32, #tpu.memory_space<vmem>>) semaphore(%arg7 : memref<!tpu.dma_semaphore, #tpu.memory_space<semaphore_mem>>)
    %dma_start3A_305 = arith.constant 17 : i32
    %dma_start3A_306 = arith.constant 512 : i32
    %dma_start3A_307 = arith.constant 0 : i32
    %dma_start3A_308 = tpu.memref_slice %arg6[%dma_start3A_306, %dma_start3A_307] : memref<1664x16xf32, #tpu.memory_space<vmem>> -> memref<128x16xf32, #tpu.memory_space<vmem>>
    %dma_start3A_309 = arith.constant 0 : i32
    %dma_start3A_310 = tpu.memref_slice %arg5[%dma_start3A_305, %dma_start3A_309] : memref<52x128xi32, #tpu.memory_space<vmem>> -> memref<1x128xi32, #tpu.memory_space<vmem>>
    %dma_start3A_311 = tpu.memref_squeeze %dma_start3A_310 : memref<1x128xi32, #tpu.memory_space<vmem>> -> memref<128xi32, #tpu.memory_space<vmem>>
    %dma_start3A_312 = arith.constant 0 : i32
    %dma_start3A_313 = arith.constant 0 : i32
    %dma_start3A_314 = tpu.memref_slice %arg2[%dma_start3A_312, %dma_start3A_313] : memref<1040000x16xf32, #tpu.memory_space<hbm>> -> memref<1040000x16xf32, #tpu.memory_space<hbm>>
    tpu.enqueue_indirect_dma source(%dma_start3A_314 : memref<1040000x16xf32, #tpu.memory_space<hbm>>) target(%dma_start3A_308 : memref<128x16xf32, #tpu.memory_space<vmem>>) offsets(%dma_start3A_311 : memref<128xi32, #tpu.memory_space<vmem>>) semaphore(%arg7 : memref<!tpu.dma_semaphore, #tpu.memory_space<semaphore_mem>>)
    %dma_start3A_315 = arith.constant 18 : i32
    %dma_start3A_316 = arith.constant 640 : i32
    %dma_start3A_317 = arith.constant 0 : i32
    %dma_start3A_318 = tpu.memref_slice %arg6[%dma_start3A_316, %dma_start3A_317] : memref<1664x16xf32, #tpu.memory_space<vmem>> -> memref<128x16xf32, #tpu.memory_space<vmem>>
    %dma_start3A_319 = arith.constant 0 : i32
    %dma_start3A_320 = tpu.memref_slice %arg5[%dma_start3A_315, %dma_start3A_319] : memref<52x128xi32, #tpu.memory_space<vmem>> -> memref<1x128xi32, #tpu.memory_space<vmem>>
    %dma_start3A_321 = tpu.memref_squeeze %dma_start3A_320 : memref<1x128xi32, #tpu.memory_space<vmem>> -> memref<128xi32, #tpu.memory_space<vmem>>
    %dma_start3A_322 = arith.constant 0 : i32
    %dma_start3A_323 = arith.constant 0 : i32
    %dma_start3A_324 = tpu.memref_slice %arg2[%dma_start3A_322, %dma_start3A_323] : memref<1040000x16xf32, #tpu.memory_space<hbm>> -> memref<1040000x16xf32, #tpu.memory_space<hbm>>
    tpu.enqueue_indirect_dma source(%dma_start3A_324 : memref<1040000x16xf32, #tpu.memory_space<hbm>>) target(%dma_start3A_318 : memref<128x16xf32, #tpu.memory_space<vmem>>) offsets(%dma_start3A_321 : memref<128xi32, #tpu.memory_space<vmem>>) semaphore(%arg7 : memref<!tpu.dma_semaphore, #tpu.memory_space<semaphore_mem>>)
    %dma_start3A_325 = arith.constant 19 : i32
    %dma_start3A_326 = arith.constant 768 : i32
    %dma_start3A_327 = arith.constant 0 : i32
    %dma_start3A_328 = tpu.memref_slice %arg6[%dma_start3A_326, %dma_start3A_327] : memref<1664x16xf32, #tpu.memory_space<vmem>> -> memref<128x16xf32, #tpu.memory_space<vmem>>
    %dma_start3A_329 = arith.constant 0 : i32
    %dma_start3A_330 = tpu.memref_slice %arg5[%dma_start3A_325, %dma_start3A_329] : memref<52x128xi32, #tpu.memory_space<vmem>> -> memref<1x128xi32, #tpu.memory_space<vmem>>
    %dma_start3A_331 = tpu.memref_squeeze %dma_start3A_330 : memref<1x128xi32, #tpu.memory_space<vmem>> -> memref<128xi32, #tpu.memory_space<vmem>>
    %dma_start3A_332 = arith.constant 0 : i32
    %dma_start3A_333 = arith.constant 0 : i32
    %dma_start3A_334 = tpu.memref_slice %arg2[%dma_start3A_332, %dma_start3A_333] : memref<1040000x16xf32, #tpu.memory_space<hbm>> -> memref<1040000x16xf32, #tpu.memory_space<hbm>>
    tpu.enqueue_indirect_dma source(%dma_start3A_334 : memref<1040000x16xf32, #tpu.memory_space<hbm>>) target(%dma_start3A_328 : memref<128x16xf32, #tpu.memory_space<vmem>>) offsets(%dma_start3A_331 : memref<128xi32, #tpu.memory_space<vmem>>) semaphore(%arg7 : memref<!tpu.dma_semaphore, #tpu.memory_space<semaphore_mem>>)
    %dma_start3A_335 = arith.constant 20 : i32
    %dma_start3A_336 = arith.constant 896 : i32
    %dma_start3A_337 = arith.constant 0 : i32
    %dma_start3A_338 = tpu.memref_slice %arg6[%dma_start3A_336, %dma_start3A_337] : memref<1664x16xf32, #tpu.memory_space<vmem>> -> memref<128x16xf32, #tpu.memory_space<vmem>>
    %dma_start3A_339 = arith.constant 0 : i32
    %dma_start3A_340 = tpu.memref_slice %arg5[%dma_start3A_335, %dma_start3A_339] : memref<52x128xi32, #tpu.memory_space<vmem>> -> memref<1x128xi32, #tpu.memory_space<vmem>>
    %dma_start3A_341 = tpu.memref_squeeze %dma_start3A_340 : memref<1x128xi32, #tpu.memory_space<vmem>> -> memref<128xi32, #tpu.memory_space<vmem>>
    %dma_start3A_342 = arith.constant 0 : i32
    %dma_start3A_343 = arith.constant 0 : i32
    %dma_start3A_344 = tpu.memref_slice %arg2[%dma_start3A_342, %dma_start3A_343] : memref<1040000x16xf32, #tpu.memory_space<hbm>> -> memref<1040000x16xf32, #tpu.memory_space<hbm>>
    tpu.enqueue_indirect_dma source(%dma_start3A_344 : memref<1040000x16xf32, #tpu.memory_space<hbm>>) target(%dma_start3A_338 : memref<128x16xf32, #tpu.memory_space<vmem>>) offsets(%dma_start3A_341 : memref<128xi32, #tpu.memory_space<vmem>>) semaphore(%arg7 : memref<!tpu.dma_semaphore, #tpu.memory_space<semaphore_mem>>)
    %dma_start3A_345 = arith.constant 21 : i32
    %dma_start3A_346 = arith.constant 1024 : i32
    %dma_start3A_347 = arith.constant 0 : i32
    %dma_start3A_348 = tpu.memref_slice %arg6[%dma_start3A_346, %dma_start3A_347] : memref<1664x16xf32, #tpu.memory_space<vmem>> -> memref<128x16xf32, #tpu.memory_space<vmem>>
    %dma_start3A_349 = arith.constant 0 : i32
    %dma_start3A_350 = tpu.memref_slice %arg5[%dma_start3A_345, %dma_start3A_349] : memref<52x128xi32, #tpu.memory_space<vmem>> -> memref<1x128xi32, #tpu.memory_space<vmem>>
    %dma_start3A_351 = tpu.memref_squeeze %dma_start3A_350 : memref<1x128xi32, #tpu.memory_space<vmem>> -> memref<128xi32, #tpu.memory_space<vmem>>
    %dma_start3A_352 = arith.constant 0 : i32
    %dma_start3A_353 = arith.constant 0 : i32
    %dma_start3A_354 = tpu.memref_slice %arg2[%dma_start3A_352, %dma_start3A_353] : memref<1040000x16xf32, #tpu.memory_space<hbm>> -> memref<1040000x16xf32, #tpu.memory_space<hbm>>
    tpu.enqueue_indirect_dma source(%dma_start3A_354 : memref<1040000x16xf32, #tpu.memory_space<hbm>>) target(%dma_start3A_348 : memref<128x16xf32, #tpu.memory_space<vmem>>) offsets(%dma_start3A_351 : memref<128xi32, #tpu.memory_space<vmem>>) semaphore(%arg7 : memref<!tpu.dma_semaphore, #tpu.memory_space<semaphore_mem>>)
    %dma_start3A_355 = arith.constant 22 : i32
    %dma_start3A_356 = arith.constant 1152 : i32
    %dma_start3A_357 = arith.constant 0 : i32
    %dma_start3A_358 = tpu.memref_slice %arg6[%dma_start3A_356, %dma_start3A_357] : memref<1664x16xf32, #tpu.memory_space<vmem>> -> memref<128x16xf32, #tpu.memory_space<vmem>>
    %dma_start3A_359 = arith.constant 0 : i32
    %dma_start3A_360 = tpu.memref_slice %arg5[%dma_start3A_355, %dma_start3A_359] : memref<52x128xi32, #tpu.memory_space<vmem>> -> memref<1x128xi32, #tpu.memory_space<vmem>>
    %dma_start3A_361 = tpu.memref_squeeze %dma_start3A_360 : memref<1x128xi32, #tpu.memory_space<vmem>> -> memref<128xi32, #tpu.memory_space<vmem>>
    %dma_start3A_362 = arith.constant 0 : i32
    %dma_start3A_363 = arith.constant 0 : i32
    %dma_start3A_364 = tpu.memref_slice %arg2[%dma_start3A_362, %dma_start3A_363] : memref<1040000x16xf32, #tpu.memory_space<hbm>> -> memref<1040000x16xf32, #tpu.memory_space<hbm>>
    tpu.enqueue_indirect_dma source(%dma_start3A_364 : memref<1040000x16xf32, #tpu.memory_space<hbm>>) target(%dma_start3A_358 : memref<128x16xf32, #tpu.memory_space<vmem>>) offsets(%dma_start3A_361 : memref<128xi32, #tpu.memory_space<vmem>>) semaphore(%arg7 : memref<!tpu.dma_semaphore, #tpu.memory_space<semaphore_mem>>)
    %dma_start3A_365 = arith.constant 23 : i32
    %dma_start3A_366 = arith.constant 1280 : i32
    %dma_start3A_367 = arith.constant 0 : i32
    %dma_start3A_368 = tpu.memref_slice %arg6[%dma_start3A_366, %dma_start3A_367] : memref<1664x16xf32, #tpu.memory_space<vmem>> -> memref<128x16xf32, #tpu.memory_space<vmem>>
    %dma_start3A_369 = arith.constant 0 : i32
    %dma_start3A_370 = tpu.memref_slice %arg5[%dma_start3A_365, %dma_start3A_369] : memref<52x128xi32, #tpu.memory_space<vmem>> -> memref<1x128xi32, #tpu.memory_space<vmem>>
    %dma_start3A_371 = tpu.memref_squeeze %dma_start3A_370 : memref<1x128xi32, #tpu.memory_space<vmem>> -> memref<128xi32, #tpu.memory_space<vmem>>
    %dma_start3A_372 = arith.constant 0 : i32
    %dma_start3A_373 = arith.constant 0 : i32
    %dma_start3A_374 = tpu.memref_slice %arg2[%dma_start3A_372, %dma_start3A_373] : memref<1040000x16xf32, #tpu.memory_space<hbm>> -> memref<1040000x16xf32, #tpu.memory_space<hbm>>
    tpu.enqueue_indirect_dma source(%dma_start3A_374 : memref<1040000x16xf32, #tpu.memory_space<hbm>>) target(%dma_start3A_368 : memref<128x16xf32, #tpu.memory_space<vmem>>) offsets(%dma_start3A_371 : memref<128xi32, #tpu.memory_space<vmem>>) semaphore(%arg7 : memref<!tpu.dma_semaphore, #tpu.memory_space<semaphore_mem>>)
    %dma_start3A_375 = arith.constant 24 : i32
    %dma_start3A_376 = arith.constant 1408 : i32
    %dma_start3A_377 = arith.constant 0 : i32
    %dma_start3A_378 = tpu.memref_slice %arg6[%dma_start3A_376, %dma_start3A_377] : memref<1664x16xf32, #tpu.memory_space<vmem>> -> memref<128x16xf32, #tpu.memory_space<vmem>>
    %dma_start3A_379 = arith.constant 0 : i32
    %dma_start3A_380 = tpu.memref_slice %arg5[%dma_start3A_375, %dma_start3A_379] : memref<52x128xi32, #tpu.memory_space<vmem>> -> memref<1x128xi32, #tpu.memory_space<vmem>>
    %dma_start3A_381 = tpu.memref_squeeze %dma_start3A_380 : memref<1x128xi32, #tpu.memory_space<vmem>> -> memref<128xi32, #tpu.memory_space<vmem>>
    %dma_start3A_382 = arith.constant 0 : i32
    %dma_start3A_383 = arith.constant 0 : i32
    %dma_start3A_384 = tpu.memref_slice %arg2[%dma_start3A_382, %dma_start3A_383] : memref<1040000x16xf32, #tpu.memory_space<hbm>> -> memref<1040000x16xf32, #tpu.memory_space<hbm>>
    tpu.enqueue_indirect_dma source(%dma_start3A_384 : memref<1040000x16xf32, #tpu.memory_space<hbm>>) target(%dma_start3A_378 : memref<128x16xf32, #tpu.memory_space<vmem>>) offsets(%dma_start3A_381 : memref<128xi32, #tpu.memory_space<vmem>>) semaphore(%arg7 : memref<!tpu.dma_semaphore, #tpu.memory_space<semaphore_mem>>)
    %dma_start3A_385 = arith.constant 25 : i32
    %dma_start3A_386 = arith.constant 1536 : i32
    %dma_start3A_387 = arith.constant 0 : i32
    %dma_start3A_388 = tpu.memref_slice %arg6[%dma_start3A_386, %dma_start3A_387] : memref<1664x16xf32, #tpu.memory_space<vmem>> -> memref<128x16xf32, #tpu.memory_space<vmem>>
    %dma_start3A_389 = arith.constant 0 : i32
    %dma_start3A_390 = tpu.memref_slice %arg5[%dma_start3A_385, %dma_start3A_389] : memref<52x128xi32, #tpu.memory_space<vmem>> -> memref<1x128xi32, #tpu.memory_space<vmem>>
    %dma_start3A_391 = tpu.memref_squeeze %dma_start3A_390 : memref<1x128xi32, #tpu.memory_space<vmem>> -> memref<128xi32, #tpu.memory_space<vmem>>
    %dma_start3A_392 = arith.constant 0 : i32
    %dma_start3A_393 = arith.constant 0 : i32
    %dma_start3A_394 = tpu.memref_slice %arg2[%dma_start3A_392, %dma_start3A_393] : memref<1040000x16xf32, #tpu.memory_space<hbm>> -> memref<1040000x16xf32, #tpu.memory_space<hbm>>
    tpu.enqueue_indirect_dma source(%dma_start3A_394 : memref<1040000x16xf32, #tpu.memory_space<hbm>>) target(%dma_start3A_388 : memref<128x16xf32, #tpu.memory_space<vmem>>) offsets(%dma_start3A_391 : memref<128xi32, #tpu.memory_space<vmem>>) semaphore(%arg7 : memref<!tpu.dma_semaphore, #tpu.memory_space<semaphore_mem>>)
    %dma_wait3A_395 = arith.constant 13 : i32
    %dma_wait3A_396 = arith.constant 0 : i32
    %dma_wait3A_397 = arith.constant 0 : i32
    %dma_wait3A_398 = tpu.memref_slice %arg6[%dma_wait3A_396, %dma_wait3A_397] : memref<1664x16xf32, #tpu.memory_space<vmem>> -> memref<128x16xf32, #tpu.memory_space<vmem>>
    %dma_wait3A_399 = arith.constant 0 : i32
    %dma_wait3A_400 = tpu.memref_slice %arg5[%dma_wait3A_395, %dma_wait3A_399] : memref<52x128xi32, #tpu.memory_space<vmem>> -> memref<1x128xi32, #tpu.memory_space<vmem>>
    %dma_wait3A_401 = tpu.memref_squeeze %dma_wait3A_400 : memref<1x128xi32, #tpu.memory_space<vmem>> -> memref<128xi32, #tpu.memory_space<vmem>>
    %dma_wait3A_402 = arith.constant 0 : i32
    %dma_wait3A_403 = arith.constant 0 : i32
    %dma_wait3A_404 = tpu.memref_slice %arg2[%dma_wait3A_402, %dma_wait3A_403] : memref<1040000x16xf32, #tpu.memory_space<hbm>> -> memref<1040000x16xf32, #tpu.memory_space<hbm>>
    tpu.wait_indirect_dma semaphore(%arg7 : memref<!tpu.dma_semaphore, #tpu.memory_space<semaphore_mem>>) src(%dma_wait3A_404 : memref<1040000x16xf32, #tpu.memory_space<hbm>>) dst(%dma_wait3A_398 : memref<128x16xf32, #tpu.memory_space<vmem>>)
    %dma_wait3A_405 = arith.constant 14 : i32
    %dma_wait3A_406 = arith.constant 128 : i32
    %dma_wait3A_407 = arith.constant 0 : i32
    %dma_wait3A_408 = tpu.memref_slice %arg6[%dma_wait3A_406, %dma_wait3A_407] : memref<1664x16xf32, #tpu.memory_space<vmem>> -> memref<128x16xf32, #tpu.memory_space<vmem>>
    %dma_wait3A_409 = arith.constant 0 : i32
    %dma_wait3A_410 = tpu.memref_slice %arg5[%dma_wait3A_405, %dma_wait3A_409] : memref<52x128xi32, #tpu.memory_space<vmem>> -> memref<1x128xi32, #tpu.memory_space<vmem>>
    %dma_wait3A_411 = tpu.memref_squeeze %dma_wait3A_410 : memref<1x128xi32, #tpu.memory_space<vmem>> -> memref<128xi32, #tpu.memory_space<vmem>>
    %dma_wait3A_412 = arith.constant 0 : i32
    %dma_wait3A_413 = arith.constant 0 : i32
    %dma_wait3A_414 = tpu.memref_slice %arg2[%dma_wait3A_412, %dma_wait3A_413] : memref<1040000x16xf32, #tpu.memory_space<hbm>> -> memref<1040000x16xf32, #tpu.memory_space<hbm>>
    tpu.wait_indirect_dma semaphore(%arg7 : memref<!tpu.dma_semaphore, #tpu.memory_space<semaphore_mem>>) src(%dma_wait3A_414 : memref<1040000x16xf32, #tpu.memory_space<hbm>>) dst(%dma_wait3A_408 : memref<128x16xf32, #tpu.memory_space<vmem>>)
    %dma_wait3A_415 = arith.constant 15 : i32
    %dma_wait3A_416 = arith.constant 256 : i32
    %dma_wait3A_417 = arith.constant 0 : i32
    %dma_wait3A_418 = tpu.memref_slice %arg6[%dma_wait3A_416, %dma_wait3A_417] : memref<1664x16xf32, #tpu.memory_space<vmem>> -> memref<128x16xf32, #tpu.memory_space<vmem>>
    %dma_wait3A_419 = arith.constant 0 : i32
    %dma_wait3A_420 = tpu.memref_slice %arg5[%dma_wait3A_415, %dma_wait3A_419] : memref<52x128xi32, #tpu.memory_space<vmem>> -> memref<1x128xi32, #tpu.memory_space<vmem>>
    %dma_wait3A_421 = tpu.memref_squeeze %dma_wait3A_420 : memref<1x128xi32, #tpu.memory_space<vmem>> -> memref<128xi32, #tpu.memory_space<vmem>>
    %dma_wait3A_422 = arith.constant 0 : i32
    %dma_wait3A_423 = arith.constant 0 : i32
    %dma_wait3A_424 = tpu.memref_slice %arg2[%dma_wait3A_422, %dma_wait3A_423] : memref<1040000x16xf32, #tpu.memory_space<hbm>> -> memref<1040000x16xf32, #tpu.memory_space<hbm>>
    tpu.wait_indirect_dma semaphore(%arg7 : memref<!tpu.dma_semaphore, #tpu.memory_space<semaphore_mem>>) src(%dma_wait3A_424 : memref<1040000x16xf32, #tpu.memory_space<hbm>>) dst(%dma_wait3A_418 : memref<128x16xf32, #tpu.memory_space<vmem>>)
    %dma_wait3A_425 = arith.constant 16 : i32
    %dma_wait3A_426 = arith.constant 384 : i32
    %dma_wait3A_427 = arith.constant 0 : i32
    %dma_wait3A_428 = tpu.memref_slice %arg6[%dma_wait3A_426, %dma_wait3A_427] : memref<1664x16xf32, #tpu.memory_space<vmem>> -> memref<128x16xf32, #tpu.memory_space<vmem>>
    %dma_wait3A_429 = arith.constant 0 : i32
    %dma_wait3A_430 = tpu.memref_slice %arg5[%dma_wait3A_425, %dma_wait3A_429] : memref<52x128xi32, #tpu.memory_space<vmem>> -> memref<1x128xi32, #tpu.memory_space<vmem>>
    %dma_wait3A_431 = tpu.memref_squeeze %dma_wait3A_430 : memref<1x128xi32, #tpu.memory_space<vmem>> -> memref<128xi32, #tpu.memory_space<vmem>>
    %dma_wait3A_432 = arith.constant 0 : i32
    %dma_wait3A_433 = arith.constant 0 : i32
    %dma_wait3A_434 = tpu.memref_slice %arg2[%dma_wait3A_432, %dma_wait3A_433] : memref<1040000x16xf32, #tpu.memory_space<hbm>> -> memref<1040000x16xf32, #tpu.memory_space<hbm>>
    tpu.wait_indirect_dma semaphore(%arg7 : memref<!tpu.dma_semaphore, #tpu.memory_space<semaphore_mem>>) src(%dma_wait3A_434 : memref<1040000x16xf32, #tpu.memory_space<hbm>>) dst(%dma_wait3A_428 : memref<128x16xf32, #tpu.memory_space<vmem>>)
    %dma_wait3A_435 = arith.constant 17 : i32
    %dma_wait3A_436 = arith.constant 512 : i32
    %dma_wait3A_437 = arith.constant 0 : i32
    %dma_wait3A_438 = tpu.memref_slice %arg6[%dma_wait3A_436, %dma_wait3A_437] : memref<1664x16xf32, #tpu.memory_space<vmem>> -> memref<128x16xf32, #tpu.memory_space<vmem>>
    %dma_wait3A_439 = arith.constant 0 : i32
    %dma_wait3A_440 = tpu.memref_slice %arg5[%dma_wait3A_435, %dma_wait3A_439] : memref<52x128xi32, #tpu.memory_space<vmem>> -> memref<1x128xi32, #tpu.memory_space<vmem>>
    %dma_wait3A_441 = tpu.memref_squeeze %dma_wait3A_440 : memref<1x128xi32, #tpu.memory_space<vmem>> -> memref<128xi32, #tpu.memory_space<vmem>>
    %dma_wait3A_442 = arith.constant 0 : i32
    %dma_wait3A_443 = arith.constant 0 : i32
    %dma_wait3A_444 = tpu.memref_slice %arg2[%dma_wait3A_442, %dma_wait3A_443] : memref<1040000x16xf32, #tpu.memory_space<hbm>> -> memref<1040000x16xf32, #tpu.memory_space<hbm>>
    tpu.wait_indirect_dma semaphore(%arg7 : memref<!tpu.dma_semaphore, #tpu.memory_space<semaphore_mem>>) src(%dma_wait3A_444 : memref<1040000x16xf32, #tpu.memory_space<hbm>>) dst(%dma_wait3A_438 : memref<128x16xf32, #tpu.memory_space<vmem>>)
    %dma_wait3A_445 = arith.constant 18 : i32
    %dma_wait3A_446 = arith.constant 640 : i32
    %dma_wait3A_447 = arith.constant 0 : i32
    %dma_wait3A_448 = tpu.memref_slice %arg6[%dma_wait3A_446, %dma_wait3A_447] : memref<1664x16xf32, #tpu.memory_space<vmem>> -> memref<128x16xf32, #tpu.memory_space<vmem>>
    %dma_wait3A_449 = arith.constant 0 : i32
    %dma_wait3A_450 = tpu.memref_slice %arg5[%dma_wait3A_445, %dma_wait3A_449] : memref<52x128xi32, #tpu.memory_space<vmem>> -> memref<1x128xi32, #tpu.memory_space<vmem>>
    %dma_wait3A_451 = tpu.memref_squeeze %dma_wait3A_450 : memref<1x128xi32, #tpu.memory_space<vmem>> -> memref<128xi32, #tpu.memory_space<vmem>>
    %dma_wait3A_452 = arith.constant 0 : i32
    %dma_wait3A_453 = arith.constant 0 : i32
    %dma_wait3A_454 = tpu.memref_slice %arg2[%dma_wait3A_452, %dma_wait3A_453] : memref<1040000x16xf32, #tpu.memory_space<hbm>> -> memref<1040000x16xf32, #tpu.memory_space<hbm>>
    tpu.wait_indirect_dma semaphore(%arg7 : memref<!tpu.dma_semaphore, #tpu.memory_space<semaphore_mem>>) src(%dma_wait3A_454 : memref<1040000x16xf32, #tpu.memory_space<hbm>>) dst(%dma_wait3A_448 : memref<128x16xf32, #tpu.memory_space<vmem>>)
    %dma_wait3A_455 = arith.constant 19 : i32
    %dma_wait3A_456 = arith.constant 768 : i32
    %dma_wait3A_457 = arith.constant 0 : i32
    %dma_wait3A_458 = tpu.memref_slice %arg6[%dma_wait3A_456, %dma_wait3A_457] : memref<1664x16xf32, #tpu.memory_space<vmem>> -> memref<128x16xf32, #tpu.memory_space<vmem>>
    %dma_wait3A_459 = arith.constant 0 : i32
    %dma_wait3A_460 = tpu.memref_slice %arg5[%dma_wait3A_455, %dma_wait3A_459] : memref<52x128xi32, #tpu.memory_space<vmem>> -> memref<1x128xi32, #tpu.memory_space<vmem>>
    %dma_wait3A_461 = tpu.memref_squeeze %dma_wait3A_460 : memref<1x128xi32, #tpu.memory_space<vmem>> -> memref<128xi32, #tpu.memory_space<vmem>>
    %dma_wait3A_462 = arith.constant 0 : i32
    %dma_wait3A_463 = arith.constant 0 : i32
    %dma_wait3A_464 = tpu.memref_slice %arg2[%dma_wait3A_462, %dma_wait3A_463] : memref<1040000x16xf32, #tpu.memory_space<hbm>> -> memref<1040000x16xf32, #tpu.memory_space<hbm>>
    tpu.wait_indirect_dma semaphore(%arg7 : memref<!tpu.dma_semaphore, #tpu.memory_space<semaphore_mem>>) src(%dma_wait3A_464 : memref<1040000x16xf32, #tpu.memory_space<hbm>>) dst(%dma_wait3A_458 : memref<128x16xf32, #tpu.memory_space<vmem>>)
    %dma_wait3A_465 = arith.constant 20 : i32
    %dma_wait3A_466 = arith.constant 896 : i32
    %dma_wait3A_467 = arith.constant 0 : i32
    %dma_wait3A_468 = tpu.memref_slice %arg6[%dma_wait3A_466, %dma_wait3A_467] : memref<1664x16xf32, #tpu.memory_space<vmem>> -> memref<128x16xf32, #tpu.memory_space<vmem>>
    %dma_wait3A_469 = arith.constant 0 : i32
    %dma_wait3A_470 = tpu.memref_slice %arg5[%dma_wait3A_465, %dma_wait3A_469] : memref<52x128xi32, #tpu.memory_space<vmem>> -> memref<1x128xi32, #tpu.memory_space<vmem>>
    %dma_wait3A_471 = tpu.memref_squeeze %dma_wait3A_470 : memref<1x128xi32, #tpu.memory_space<vmem>> -> memref<128xi32, #tpu.memory_space<vmem>>
    %dma_wait3A_472 = arith.constant 0 : i32
    %dma_wait3A_473 = arith.constant 0 : i32
    %dma_wait3A_474 = tpu.memref_slice %arg2[%dma_wait3A_472, %dma_wait3A_473] : memref<1040000x16xf32, #tpu.memory_space<hbm>> -> memref<1040000x16xf32, #tpu.memory_space<hbm>>
    tpu.wait_indirect_dma semaphore(%arg7 : memref<!tpu.dma_semaphore, #tpu.memory_space<semaphore_mem>>) src(%dma_wait3A_474 : memref<1040000x16xf32, #tpu.memory_space<hbm>>) dst(%dma_wait3A_468 : memref<128x16xf32, #tpu.memory_space<vmem>>)
    %dma_wait3A_475 = arith.constant 21 : i32
    %dma_wait3A_476 = arith.constant 1024 : i32
    %dma_wait3A_477 = arith.constant 0 : i32
    %dma_wait3A_478 = tpu.memref_slice %arg6[%dma_wait3A_476, %dma_wait3A_477] : memref<1664x16xf32, #tpu.memory_space<vmem>> -> memref<128x16xf32, #tpu.memory_space<vmem>>
    %dma_wait3A_479 = arith.constant 0 : i32
    %dma_wait3A_480 = tpu.memref_slice %arg5[%dma_wait3A_475, %dma_wait3A_479] : memref<52x128xi32, #tpu.memory_space<vmem>> -> memref<1x128xi32, #tpu.memory_space<vmem>>
    %dma_wait3A_481 = tpu.memref_squeeze %dma_wait3A_480 : memref<1x128xi32, #tpu.memory_space<vmem>> -> memref<128xi32, #tpu.memory_space<vmem>>
    %dma_wait3A_482 = arith.constant 0 : i32
    %dma_wait3A_483 = arith.constant 0 : i32
    %dma_wait3A_484 = tpu.memref_slice %arg2[%dma_wait3A_482, %dma_wait3A_483] : memref<1040000x16xf32, #tpu.memory_space<hbm>> -> memref<1040000x16xf32, #tpu.memory_space<hbm>>
    tpu.wait_indirect_dma semaphore(%arg7 : memref<!tpu.dma_semaphore, #tpu.memory_space<semaphore_mem>>) src(%dma_wait3A_484 : memref<1040000x16xf32, #tpu.memory_space<hbm>>) dst(%dma_wait3A_478 : memref<128x16xf32, #tpu.memory_space<vmem>>)
    %dma_wait3A_485 = arith.constant 22 : i32
    %dma_wait3A_486 = arith.constant 1152 : i32
    %dma_wait3A_487 = arith.constant 0 : i32
    %dma_wait3A_488 = tpu.memref_slice %arg6[%dma_wait3A_486, %dma_wait3A_487] : memref<1664x16xf32, #tpu.memory_space<vmem>> -> memref<128x16xf32, #tpu.memory_space<vmem>>
    %dma_wait3A_489 = arith.constant 0 : i32
    %dma_wait3A_490 = tpu.memref_slice %arg5[%dma_wait3A_485, %dma_wait3A_489] : memref<52x128xi32, #tpu.memory_space<vmem>> -> memref<1x128xi32, #tpu.memory_space<vmem>>
    %dma_wait3A_491 = tpu.memref_squeeze %dma_wait3A_490 : memref<1x128xi32, #tpu.memory_space<vmem>> -> memref<128xi32, #tpu.memory_space<vmem>>
    %dma_wait3A_492 = arith.constant 0 : i32
    %dma_wait3A_493 = arith.constant 0 : i32
    %dma_wait3A_494 = tpu.memref_slice %arg2[%dma_wait3A_492, %dma_wait3A_493] : memref<1040000x16xf32, #tpu.memory_space<hbm>> -> memref<1040000x16xf32, #tpu.memory_space<hbm>>
    tpu.wait_indirect_dma semaphore(%arg7 : memref<!tpu.dma_semaphore, #tpu.memory_space<semaphore_mem>>) src(%dma_wait3A_494 : memref<1040000x16xf32, #tpu.memory_space<hbm>>) dst(%dma_wait3A_488 : memref<128x16xf32, #tpu.memory_space<vmem>>)
    %dma_wait3A_495 = arith.constant 23 : i32
    %dma_wait3A_496 = arith.constant 1280 : i32
    %dma_wait3A_497 = arith.constant 0 : i32
    %dma_wait3A_498 = tpu.memref_slice %arg6[%dma_wait3A_496, %dma_wait3A_497] : memref<1664x16xf32, #tpu.memory_space<vmem>> -> memref<128x16xf32, #tpu.memory_space<vmem>>
    %dma_wait3A_499 = arith.constant 0 : i32
    %dma_wait3A_500 = tpu.memref_slice %arg5[%dma_wait3A_495, %dma_wait3A_499] : memref<52x128xi32, #tpu.memory_space<vmem>> -> memref<1x128xi32, #tpu.memory_space<vmem>>
    %dma_wait3A_501 = tpu.memref_squeeze %dma_wait3A_500 : memref<1x128xi32, #tpu.memory_space<vmem>> -> memref<128xi32, #tpu.memory_space<vmem>>
    %dma_wait3A_502 = arith.constant 0 : i32
    %dma_wait3A_503 = arith.constant 0 : i32
    %dma_wait3A_504 = tpu.memref_slice %arg2[%dma_wait3A_502, %dma_wait3A_503] : memref<1040000x16xf32, #tpu.memory_space<hbm>> -> memref<1040000x16xf32, #tpu.memory_space<hbm>>
    tpu.wait_indirect_dma semaphore(%arg7 : memref<!tpu.dma_semaphore, #tpu.memory_space<semaphore_mem>>) src(%dma_wait3A_504 : memref<1040000x16xf32, #tpu.memory_space<hbm>>) dst(%dma_wait3A_498 : memref<128x16xf32, #tpu.memory_space<vmem>>)
    %dma_wait3A_505 = arith.constant 24 : i32
    %dma_wait3A_506 = arith.constant 1408 : i32
    %dma_wait3A_507 = arith.constant 0 : i32
    %dma_wait3A_508 = tpu.memref_slice %arg6[%dma_wait3A_506, %dma_wait3A_507] : memref<1664x16xf32, #tpu.memory_space<vmem>> -> memref<128x16xf32, #tpu.memory_space<vmem>>
    %dma_wait3A_509 = arith.constant 0 : i32
    %dma_wait3A_510 = tpu.memref_slice %arg5[%dma_wait3A_505, %dma_wait3A_509] : memref<52x128xi32, #tpu.memory_space<vmem>> -> memref<1x128xi32, #tpu.memory_space<vmem>>
    %dma_wait3A_511 = tpu.memref_squeeze %dma_wait3A_510 : memref<1x128xi32, #tpu.memory_space<vmem>> -> memref<128xi32, #tpu.memory_space<vmem>>
    %dma_wait3A_512 = arith.constant 0 : i32
    %dma_wait3A_513 = arith.constant 0 : i32
    %dma_wait3A_514 = tpu.memref_slice %arg2[%dma_wait3A_512, %dma_wait3A_513] : memref<1040000x16xf32, #tpu.memory_space<hbm>> -> memref<1040000x16xf32, #tpu.memory_space<hbm>>
    tpu.wait_indirect_dma semaphore(%arg7 : memref<!tpu.dma_semaphore, #tpu.memory_space<semaphore_mem>>) src(%dma_wait3A_514 : memref<1040000x16xf32, #tpu.memory_space<hbm>>) dst(%dma_wait3A_508 : memref<128x16xf32, #tpu.memory_space<vmem>>)
    %dma_wait3A_515 = arith.constant 25 : i32
    %dma_wait3A_516 = arith.constant 1536 : i32
    %dma_wait3A_517 = arith.constant 0 : i32
    %dma_wait3A_518 = tpu.memref_slice %arg6[%dma_wait3A_516, %dma_wait3A_517] : memref<1664x16xf32, #tpu.memory_space<vmem>> -> memref<128x16xf32, #tpu.memory_space<vmem>>
    %dma_wait3A_519 = arith.constant 0 : i32
    %dma_wait3A_520 = tpu.memref_slice %arg5[%dma_wait3A_515, %dma_wait3A_519] : memref<52x128xi32, #tpu.memory_space<vmem>> -> memref<1x128xi32, #tpu.memory_space<vmem>>
    %dma_wait3A_521 = tpu.memref_squeeze %dma_wait3A_520 : memref<1x128xi32, #tpu.memory_space<vmem>> -> memref<128xi32, #tpu.memory_space<vmem>>
    %dma_wait3A_522 = arith.constant 0 : i32
    %dma_wait3A_523 = arith.constant 0 : i32
    %dma_wait3A_524 = tpu.memref_slice %arg2[%dma_wait3A_522, %dma_wait3A_523] : memref<1040000x16xf32, #tpu.memory_space<hbm>> -> memref<1040000x16xf32, #tpu.memory_space<hbm>>
    tpu.wait_indirect_dma semaphore(%arg7 : memref<!tpu.dma_semaphore, #tpu.memory_space<semaphore_mem>>) src(%dma_wait3A_524 : memref<1040000x16xf32, #tpu.memory_space<hbm>>) dst(%dma_wait3A_518 : memref<128x16xf32, #tpu.memory_space<vmem>>)
    %mul3A_525 = arith.constant 6656 : i32
    %mul3A_526 = arith.muli %add3A, %mul3A_525 : i32
    %add3A_527 = arith.constant 1664 : i32
    %add3A_528 = arith.addi %mul3A_526, %add3A_527 : i32
    "tpu.region"() ({
      %run_scoped3A = tpu.sem_alloc : memref<!tpu.dma_semaphore, #tpu.memory_space<semaphore_mem>>
      %dma_start3A_1057 = arith.constant 0 : i32
      %dma_start3A_1058 = tpu.memref_slice %arg4[%add3A_528, %dma_start3A_1057] : memref<212992x16xf32, #tpu.memory_space<hbm>> -> memref<1664x16xf32, #tpu.memory_space<hbm>>
      %dma_start3A_1059 = arith.constant 0 : i32
      %dma_start3A_1060 = tpu.memref_slice %arg4[%add3A_528, %dma_start3A_1059] : memref<212992x16xf32, #tpu.memory_space<hbm>> -> memref<1664x16xf32, #tpu.memory_space<hbm>>
      tpu.enqueue_dma source(%arg6 : memref<1664x16xf32, #tpu.memory_space<vmem>>) target(%dma_start3A_1060 : memref<1664x16xf32, #tpu.memory_space<hbm>>) target_semaphore(%run_scoped3A : memref<!tpu.dma_semaphore, #tpu.memory_space<semaphore_mem>>)
      %dma_wait3A_1061 = arith.constant 0 : i32
      %dma_wait3A_1062 = tpu.memref_slice %arg4[%add3A_528, %dma_wait3A_1061] : memref<212992x16xf32, #tpu.memory_space<hbm>> -> memref<1664x16xf32, #tpu.memory_space<hbm>>
      %dma_wait3A_1063 = arith.constant 0 : i32
      %dma_wait3A_1064 = tpu.memref_slice %arg4[%add3A_528, %dma_wait3A_1063] : memref<212992x16xf32, #tpu.memory_space<hbm>> -> memref<1664x16xf32, #tpu.memory_space<hbm>>
      tpu.wait_dma2 semaphore(%run_scoped3A : memref<!tpu.dma_semaphore, #tpu.memory_space<semaphore_mem>>) src(%arg6 : memref<1664x16xf32, #tpu.memory_space<vmem>>) dst(%dma_wait3A_1064 : memref<1664x16xf32, #tpu.memory_space<hbm>>)
      tpu.yield
    }) : () -> ()
    %dma_start3A_529 = arith.constant 26 : i32
    %dma_start3A_530 = arith.constant 0 : i32
    %dma_start3A_531 = arith.constant 0 : i32
    %dma_start3A_532 = tpu.memref_slice %arg6[%dma_start3A_530, %dma_start3A_531] : memref<1664x16xf32, #tpu.memory_space<vmem>> -> memref<128x16xf32, #tpu.memory_space<vmem>>
    %dma_start3A_533 = arith.constant 0 : i32
    %dma_start3A_534 = tpu.memref_slice %arg5[%dma_start3A_529, %dma_start3A_533] : memref<52x128xi32, #tpu.memory_space<vmem>> -> memref<1x128xi32, #tpu.memory_space<vmem>>
    %dma_start3A_535 = tpu.memref_squeeze %dma_start3A_534 : memref<1x128xi32, #tpu.memory_space<vmem>> -> memref<128xi32, #tpu.memory_space<vmem>>
    %dma_start3A_536 = arith.constant 0 : i32
    %dma_start3A_537 = arith.constant 0 : i32
    %dma_start3A_538 = tpu.memref_slice %arg2[%dma_start3A_536, %dma_start3A_537] : memref<1040000x16xf32, #tpu.memory_space<hbm>> -> memref<1040000x16xf32, #tpu.memory_space<hbm>>
    tpu.enqueue_indirect_dma source(%dma_start3A_538 : memref<1040000x16xf32, #tpu.memory_space<hbm>>) target(%dma_start3A_532 : memref<128x16xf32, #tpu.memory_space<vmem>>) offsets(%dma_start3A_535 : memref<128xi32, #tpu.memory_space<vmem>>) semaphore(%arg7 : memref<!tpu.dma_semaphore, #tpu.memory_space<semaphore_mem>>)
    %dma_start3A_539 = arith.constant 27 : i32
    %dma_start3A_540 = arith.constant 128 : i32
    %dma_start3A_541 = arith.constant 0 : i32
    %dma_start3A_542 = tpu.memref_slice %arg6[%dma_start3A_540, %dma_start3A_541] : memref<1664x16xf32, #tpu.memory_space<vmem>> -> memref<128x16xf32, #tpu.memory_space<vmem>>
    %dma_start3A_543 = arith.constant 0 : i32
    %dma_start3A_544 = tpu.memref_slice %arg5[%dma_start3A_539, %dma_start3A_543] : memref<52x128xi32, #tpu.memory_space<vmem>> -> memref<1x128xi32, #tpu.memory_space<vmem>>
    %dma_start3A_545 = tpu.memref_squeeze %dma_start3A_544 : memref<1x128xi32, #tpu.memory_space<vmem>> -> memref<128xi32, #tpu.memory_space<vmem>>
    %dma_start3A_546 = arith.constant 0 : i32
    %dma_start3A_547 = arith.constant 0 : i32
    %dma_start3A_548 = tpu.memref_slice %arg2[%dma_start3A_546, %dma_start3A_547] : memref<1040000x16xf32, #tpu.memory_space<hbm>> -> memref<1040000x16xf32, #tpu.memory_space<hbm>>
    tpu.enqueue_indirect_dma source(%dma_start3A_548 : memref<1040000x16xf32, #tpu.memory_space<hbm>>) target(%dma_start3A_542 : memref<128x16xf32, #tpu.memory_space<vmem>>) offsets(%dma_start3A_545 : memref<128xi32, #tpu.memory_space<vmem>>) semaphore(%arg7 : memref<!tpu.dma_semaphore, #tpu.memory_space<semaphore_mem>>)
    %dma_start3A_549 = arith.constant 28 : i32
    %dma_start3A_550 = arith.constant 256 : i32
    %dma_start3A_551 = arith.constant 0 : i32
    %dma_start3A_552 = tpu.memref_slice %arg6[%dma_start3A_550, %dma_start3A_551] : memref<1664x16xf32, #tpu.memory_space<vmem>> -> memref<128x16xf32, #tpu.memory_space<vmem>>
    %dma_start3A_553 = arith.constant 0 : i32
    %dma_start3A_554 = tpu.memref_slice %arg5[%dma_start3A_549, %dma_start3A_553] : memref<52x128xi32, #tpu.memory_space<vmem>> -> memref<1x128xi32, #tpu.memory_space<vmem>>
    %dma_start3A_555 = tpu.memref_squeeze %dma_start3A_554 : memref<1x128xi32, #tpu.memory_space<vmem>> -> memref<128xi32, #tpu.memory_space<vmem>>
    %dma_start3A_556 = arith.constant 0 : i32
    %dma_start3A_557 = arith.constant 0 : i32
    %dma_start3A_558 = tpu.memref_slice %arg2[%dma_start3A_556, %dma_start3A_557] : memref<1040000x16xf32, #tpu.memory_space<hbm>> -> memref<1040000x16xf32, #tpu.memory_space<hbm>>
    tpu.enqueue_indirect_dma source(%dma_start3A_558 : memref<1040000x16xf32, #tpu.memory_space<hbm>>) target(%dma_start3A_552 : memref<128x16xf32, #tpu.memory_space<vmem>>) offsets(%dma_start3A_555 : memref<128xi32, #tpu.memory_space<vmem>>) semaphore(%arg7 : memref<!tpu.dma_semaphore, #tpu.memory_space<semaphore_mem>>)
    %dma_start3A_559 = arith.constant 29 : i32
    %dma_start3A_560 = arith.constant 384 : i32
    %dma_start3A_561 = arith.constant 0 : i32
    %dma_start3A_562 = tpu.memref_slice %arg6[%dma_start3A_560, %dma_start3A_561] : memref<1664x16xf32, #tpu.memory_space<vmem>> -> memref<128x16xf32, #tpu.memory_space<vmem>>
    %dma_start3A_563 = arith.constant 0 : i32
    %dma_start3A_564 = tpu.memref_slice %arg5[%dma_start3A_559, %dma_start3A_563] : memref<52x128xi32, #tpu.memory_space<vmem>> -> memref<1x128xi32, #tpu.memory_space<vmem>>
    %dma_start3A_565 = tpu.memref_squeeze %dma_start3A_564 : memref<1x128xi32, #tpu.memory_space<vmem>> -> memref<128xi32, #tpu.memory_space<vmem>>
    %dma_start3A_566 = arith.constant 0 : i32
    %dma_start3A_567 = arith.constant 0 : i32
    %dma_start3A_568 = tpu.memref_slice %arg2[%dma_start3A_566, %dma_start3A_567] : memref<1040000x16xf32, #tpu.memory_space<hbm>> -> memref<1040000x16xf32, #tpu.memory_space<hbm>>
    tpu.enqueue_indirect_dma source(%dma_start3A_568 : memref<1040000x16xf32, #tpu.memory_space<hbm>>) target(%dma_start3A_562 : memref<128x16xf32, #tpu.memory_space<vmem>>) offsets(%dma_start3A_565 : memref<128xi32, #tpu.memory_space<vmem>>) semaphore(%arg7 : memref<!tpu.dma_semaphore, #tpu.memory_space<semaphore_mem>>)
    %dma_start3A_569 = arith.constant 30 : i32
    %dma_start3A_570 = arith.constant 512 : i32
    %dma_start3A_571 = arith.constant 0 : i32
    %dma_start3A_572 = tpu.memref_slice %arg6[%dma_start3A_570, %dma_start3A_571] : memref<1664x16xf32, #tpu.memory_space<vmem>> -> memref<128x16xf32, #tpu.memory_space<vmem>>
    %dma_start3A_573 = arith.constant 0 : i32
    %dma_start3A_574 = tpu.memref_slice %arg5[%dma_start3A_569, %dma_start3A_573] : memref<52x128xi32, #tpu.memory_space<vmem>> -> memref<1x128xi32, #tpu.memory_space<vmem>>
    %dma_start3A_575 = tpu.memref_squeeze %dma_start3A_574 : memref<1x128xi32, #tpu.memory_space<vmem>> -> memref<128xi32, #tpu.memory_space<vmem>>
    %dma_start3A_576 = arith.constant 0 : i32
    %dma_start3A_577 = arith.constant 0 : i32
    %dma_start3A_578 = tpu.memref_slice %arg2[%dma_start3A_576, %dma_start3A_577] : memref<1040000x16xf32, #tpu.memory_space<hbm>> -> memref<1040000x16xf32, #tpu.memory_space<hbm>>
    tpu.enqueue_indirect_dma source(%dma_start3A_578 : memref<1040000x16xf32, #tpu.memory_space<hbm>>) target(%dma_start3A_572 : memref<128x16xf32, #tpu.memory_space<vmem>>) offsets(%dma_start3A_575 : memref<128xi32, #tpu.memory_space<vmem>>) semaphore(%arg7 : memref<!tpu.dma_semaphore, #tpu.memory_space<semaphore_mem>>)
    %dma_start3A_579 = arith.constant 31 : i32
    %dma_start3A_580 = arith.constant 640 : i32
    %dma_start3A_581 = arith.constant 0 : i32
    %dma_start3A_582 = tpu.memref_slice %arg6[%dma_start3A_580, %dma_start3A_581] : memref<1664x16xf32, #tpu.memory_space<vmem>> -> memref<128x16xf32, #tpu.memory_space<vmem>>
    %dma_start3A_583 = arith.constant 0 : i32
    %dma_start3A_584 = tpu.memref_slice %arg5[%dma_start3A_579, %dma_start3A_583] : memref<52x128xi32, #tpu.memory_space<vmem>> -> memref<1x128xi32, #tpu.memory_space<vmem>>
    %dma_start3A_585 = tpu.memref_squeeze %dma_start3A_584 : memref<1x128xi32, #tpu.memory_space<vmem>> -> memref<128xi32, #tpu.memory_space<vmem>>
    %dma_start3A_586 = arith.constant 0 : i32
    %dma_start3A_587 = arith.constant 0 : i32
    %dma_start3A_588 = tpu.memref_slice %arg2[%dma_start3A_586, %dma_start3A_587] : memref<1040000x16xf32, #tpu.memory_space<hbm>> -> memref<1040000x16xf32, #tpu.memory_space<hbm>>
    tpu.enqueue_indirect_dma source(%dma_start3A_588 : memref<1040000x16xf32, #tpu.memory_space<hbm>>) target(%dma_start3A_582 : memref<128x16xf32, #tpu.memory_space<vmem>>) offsets(%dma_start3A_585 : memref<128xi32, #tpu.memory_space<vmem>>) semaphore(%arg7 : memref<!tpu.dma_semaphore, #tpu.memory_space<semaphore_mem>>)
    %dma_start3A_589 = arith.constant 32 : i32
    %dma_start3A_590 = arith.constant 768 : i32
    %dma_start3A_591 = arith.constant 0 : i32
    %dma_start3A_592 = tpu.memref_slice %arg6[%dma_start3A_590, %dma_start3A_591] : memref<1664x16xf32, #tpu.memory_space<vmem>> -> memref<128x16xf32, #tpu.memory_space<vmem>>
    %dma_start3A_593 = arith.constant 0 : i32
    %dma_start3A_594 = tpu.memref_slice %arg5[%dma_start3A_589, %dma_start3A_593] : memref<52x128xi32, #tpu.memory_space<vmem>> -> memref<1x128xi32, #tpu.memory_space<vmem>>
    %dma_start3A_595 = tpu.memref_squeeze %dma_start3A_594 : memref<1x128xi32, #tpu.memory_space<vmem>> -> memref<128xi32, #tpu.memory_space<vmem>>
    %dma_start3A_596 = arith.constant 0 : i32
    %dma_start3A_597 = arith.constant 0 : i32
    %dma_start3A_598 = tpu.memref_slice %arg2[%dma_start3A_596, %dma_start3A_597] : memref<1040000x16xf32, #tpu.memory_space<hbm>> -> memref<1040000x16xf32, #tpu.memory_space<hbm>>
    tpu.enqueue_indirect_dma source(%dma_start3A_598 : memref<1040000x16xf32, #tpu.memory_space<hbm>>) target(%dma_start3A_592 : memref<128x16xf32, #tpu.memory_space<vmem>>) offsets(%dma_start3A_595 : memref<128xi32, #tpu.memory_space<vmem>>) semaphore(%arg7 : memref<!tpu.dma_semaphore, #tpu.memory_space<semaphore_mem>>)
    %dma_start3A_599 = arith.constant 33 : i32
    %dma_start3A_600 = arith.constant 896 : i32
    %dma_start3A_601 = arith.constant 0 : i32
    %dma_start3A_602 = tpu.memref_slice %arg6[%dma_start3A_600, %dma_start3A_601] : memref<1664x16xf32, #tpu.memory_space<vmem>> -> memref<128x16xf32, #tpu.memory_space<vmem>>
    %dma_start3A_603 = arith.constant 0 : i32
    %dma_start3A_604 = tpu.memref_slice %arg5[%dma_start3A_599, %dma_start3A_603] : memref<52x128xi32, #tpu.memory_space<vmem>> -> memref<1x128xi32, #tpu.memory_space<vmem>>
    %dma_start3A_605 = tpu.memref_squeeze %dma_start3A_604 : memref<1x128xi32, #tpu.memory_space<vmem>> -> memref<128xi32, #tpu.memory_space<vmem>>
    %dma_start3A_606 = arith.constant 0 : i32
    %dma_start3A_607 = arith.constant 0 : i32
    %dma_start3A_608 = tpu.memref_slice %arg2[%dma_start3A_606, %dma_start3A_607] : memref<1040000x16xf32, #tpu.memory_space<hbm>> -> memref<1040000x16xf32, #tpu.memory_space<hbm>>
    tpu.enqueue_indirect_dma source(%dma_start3A_608 : memref<1040000x16xf32, #tpu.memory_space<hbm>>) target(%dma_start3A_602 : memref<128x16xf32, #tpu.memory_space<vmem>>) offsets(%dma_start3A_605 : memref<128xi32, #tpu.memory_space<vmem>>) semaphore(%arg7 : memref<!tpu.dma_semaphore, #tpu.memory_space<semaphore_mem>>)
    %dma_start3A_609 = arith.constant 34 : i32
    %dma_start3A_610 = arith.constant 1024 : i32
    %dma_start3A_611 = arith.constant 0 : i32
    %dma_start3A_612 = tpu.memref_slice %arg6[%dma_start3A_610, %dma_start3A_611] : memref<1664x16xf32, #tpu.memory_space<vmem>> -> memref<128x16xf32, #tpu.memory_space<vmem>>
    %dma_start3A_613 = arith.constant 0 : i32
    %dma_start3A_614 = tpu.memref_slice %arg5[%dma_start3A_609, %dma_start3A_613] : memref<52x128xi32, #tpu.memory_space<vmem>> -> memref<1x128xi32, #tpu.memory_space<vmem>>
    %dma_start3A_615 = tpu.memref_squeeze %dma_start3A_614 : memref<1x128xi32, #tpu.memory_space<vmem>> -> memref<128xi32, #tpu.memory_space<vmem>>
    %dma_start3A_616 = arith.constant 0 : i32
    %dma_start3A_617 = arith.constant 0 : i32
    %dma_start3A_618 = tpu.memref_slice %arg2[%dma_start3A_616, %dma_start3A_617] : memref<1040000x16xf32, #tpu.memory_space<hbm>> -> memref<1040000x16xf32, #tpu.memory_space<hbm>>
    tpu.enqueue_indirect_dma source(%dma_start3A_618 : memref<1040000x16xf32, #tpu.memory_space<hbm>>) target(%dma_start3A_612 : memref<128x16xf32, #tpu.memory_space<vmem>>) offsets(%dma_start3A_615 : memref<128xi32, #tpu.memory_space<vmem>>) semaphore(%arg7 : memref<!tpu.dma_semaphore, #tpu.memory_space<semaphore_mem>>)
    %dma_start3A_619 = arith.constant 35 : i32
    %dma_start3A_620 = arith.constant 1152 : i32
    %dma_start3A_621 = arith.constant 0 : i32
    %dma_start3A_622 = tpu.memref_slice %arg6[%dma_start3A_620, %dma_start3A_621] : memref<1664x16xf32, #tpu.memory_space<vmem>> -> memref<128x16xf32, #tpu.memory_space<vmem>>
    %dma_start3A_623 = arith.constant 0 : i32
    %dma_start3A_624 = tpu.memref_slice %arg5[%dma_start3A_619, %dma_start3A_623] : memref<52x128xi32, #tpu.memory_space<vmem>> -> memref<1x128xi32, #tpu.memory_space<vmem>>
    %dma_start3A_625 = tpu.memref_squeeze %dma_start3A_624 : memref<1x128xi32, #tpu.memory_space<vmem>> -> memref<128xi32, #tpu.memory_space<vmem>>
    %dma_start3A_626 = arith.constant 0 : i32
    %dma_start3A_627 = arith.constant 0 : i32
    %dma_start3A_628 = tpu.memref_slice %arg2[%dma_start3A_626, %dma_start3A_627] : memref<1040000x16xf32, #tpu.memory_space<hbm>> -> memref<1040000x16xf32, #tpu.memory_space<hbm>>
    tpu.enqueue_indirect_dma source(%dma_start3A_628 : memref<1040000x16xf32, #tpu.memory_space<hbm>>) target(%dma_start3A_622 : memref<128x16xf32, #tpu.memory_space<vmem>>) offsets(%dma_start3A_625 : memref<128xi32, #tpu.memory_space<vmem>>) semaphore(%arg7 : memref<!tpu.dma_semaphore, #tpu.memory_space<semaphore_mem>>)
    %dma_start3A_629 = arith.constant 36 : i32
    %dma_start3A_630 = arith.constant 1280 : i32
    %dma_start3A_631 = arith.constant 0 : i32
    %dma_start3A_632 = tpu.memref_slice %arg6[%dma_start3A_630, %dma_start3A_631] : memref<1664x16xf32, #tpu.memory_space<vmem>> -> memref<128x16xf32, #tpu.memory_space<vmem>>
    %dma_start3A_633 = arith.constant 0 : i32
    %dma_start3A_634 = tpu.memref_slice %arg5[%dma_start3A_629, %dma_start3A_633] : memref<52x128xi32, #tpu.memory_space<vmem>> -> memref<1x128xi32, #tpu.memory_space<vmem>>
    %dma_start3A_635 = tpu.memref_squeeze %dma_start3A_634 : memref<1x128xi32, #tpu.memory_space<vmem>> -> memref<128xi32, #tpu.memory_space<vmem>>
    %dma_start3A_636 = arith.constant 0 : i32
    %dma_start3A_637 = arith.constant 0 : i32
    %dma_start3A_638 = tpu.memref_slice %arg2[%dma_start3A_636, %dma_start3A_637] : memref<1040000x16xf32, #tpu.memory_space<hbm>> -> memref<1040000x16xf32, #tpu.memory_space<hbm>>
    tpu.enqueue_indirect_dma source(%dma_start3A_638 : memref<1040000x16xf32, #tpu.memory_space<hbm>>) target(%dma_start3A_632 : memref<128x16xf32, #tpu.memory_space<vmem>>) offsets(%dma_start3A_635 : memref<128xi32, #tpu.memory_space<vmem>>) semaphore(%arg7 : memref<!tpu.dma_semaphore, #tpu.memory_space<semaphore_mem>>)
    %dma_start3A_639 = arith.constant 37 : i32
    %dma_start3A_640 = arith.constant 1408 : i32
    %dma_start3A_641 = arith.constant 0 : i32
    %dma_start3A_642 = tpu.memref_slice %arg6[%dma_start3A_640, %dma_start3A_641] : memref<1664x16xf32, #tpu.memory_space<vmem>> -> memref<128x16xf32, #tpu.memory_space<vmem>>
    %dma_start3A_643 = arith.constant 0 : i32
    %dma_start3A_644 = tpu.memref_slice %arg5[%dma_start3A_639, %dma_start3A_643] : memref<52x128xi32, #tpu.memory_space<vmem>> -> memref<1x128xi32, #tpu.memory_space<vmem>>
    %dma_start3A_645 = tpu.memref_squeeze %dma_start3A_644 : memref<1x128xi32, #tpu.memory_space<vmem>> -> memref<128xi32, #tpu.memory_space<vmem>>
    %dma_start3A_646 = arith.constant 0 : i32
    %dma_start3A_647 = arith.constant 0 : i32
    %dma_start3A_648 = tpu.memref_slice %arg2[%dma_start3A_646, %dma_start3A_647] : memref<1040000x16xf32, #tpu.memory_space<hbm>> -> memref<1040000x16xf32, #tpu.memory_space<hbm>>
    tpu.enqueue_indirect_dma source(%dma_start3A_648 : memref<1040000x16xf32, #tpu.memory_space<hbm>>) target(%dma_start3A_642 : memref<128x16xf32, #tpu.memory_space<vmem>>) offsets(%dma_start3A_645 : memref<128xi32, #tpu.memory_space<vmem>>) semaphore(%arg7 : memref<!tpu.dma_semaphore, #tpu.memory_space<semaphore_mem>>)
    %dma_start3A_649 = arith.constant 38 : i32
    %dma_start3A_650 = arith.constant 1536 : i32
    %dma_start3A_651 = arith.constant 0 : i32
    %dma_start3A_652 = tpu.memref_slice %arg6[%dma_start3A_650, %dma_start3A_651] : memref<1664x16xf32, #tpu.memory_space<vmem>> -> memref<128x16xf32, #tpu.memory_space<vmem>>
    %dma_start3A_653 = arith.constant 0 : i32
    %dma_start3A_654 = tpu.memref_slice %arg5[%dma_start3A_649, %dma_start3A_653] : memref<52x128xi32, #tpu.memory_space<vmem>> -> memref<1x128xi32, #tpu.memory_space<vmem>>
    %dma_start3A_655 = tpu.memref_squeeze %dma_start3A_654 : memref<1x128xi32, #tpu.memory_space<vmem>> -> memref<128xi32, #tpu.memory_space<vmem>>
    %dma_start3A_656 = arith.constant 0 : i32
    %dma_start3A_657 = arith.constant 0 : i32
    %dma_start3A_658 = tpu.memref_slice %arg2[%dma_start3A_656, %dma_start3A_657] : memref<1040000x16xf32, #tpu.memory_space<hbm>> -> memref<1040000x16xf32, #tpu.memory_space<hbm>>
    tpu.enqueue_indirect_dma source(%dma_start3A_658 : memref<1040000x16xf32, #tpu.memory_space<hbm>>) target(%dma_start3A_652 : memref<128x16xf32, #tpu.memory_space<vmem>>) offsets(%dma_start3A_655 : memref<128xi32, #tpu.memory_space<vmem>>) semaphore(%arg7 : memref<!tpu.dma_semaphore, #tpu.memory_space<semaphore_mem>>)
    %dma_wait3A_659 = arith.constant 26 : i32
    %dma_wait3A_660 = arith.constant 0 : i32
    %dma_wait3A_661 = arith.constant 0 : i32
    %dma_wait3A_662 = tpu.memref_slice %arg6[%dma_wait3A_660, %dma_wait3A_661] : memref<1664x16xf32, #tpu.memory_space<vmem>> -> memref<128x16xf32, #tpu.memory_space<vmem>>
    %dma_wait3A_663 = arith.constant 0 : i32
    %dma_wait3A_664 = tpu.memref_slice %arg5[%dma_wait3A_659, %dma_wait3A_663] : memref<52x128xi32, #tpu.memory_space<vmem>> -> memref<1x128xi32, #tpu.memory_space<vmem>>
    %dma_wait3A_665 = tpu.memref_squeeze %dma_wait3A_664 : memref<1x128xi32, #tpu.memory_space<vmem>> -> memref<128xi32, #tpu.memory_space<vmem>>
    %dma_wait3A_666 = arith.constant 0 : i32
    %dma_wait3A_667 = arith.constant 0 : i32
    %dma_wait3A_668 = tpu.memref_slice %arg2[%dma_wait3A_666, %dma_wait3A_667] : memref<1040000x16xf32, #tpu.memory_space<hbm>> -> memref<1040000x16xf32, #tpu.memory_space<hbm>>
    tpu.wait_indirect_dma semaphore(%arg7 : memref<!tpu.dma_semaphore, #tpu.memory_space<semaphore_mem>>) src(%dma_wait3A_668 : memref<1040000x16xf32, #tpu.memory_space<hbm>>) dst(%dma_wait3A_662 : memref<128x16xf32, #tpu.memory_space<vmem>>)
    %dma_wait3A_669 = arith.constant 27 : i32
    %dma_wait3A_670 = arith.constant 128 : i32
    %dma_wait3A_671 = arith.constant 0 : i32
    %dma_wait3A_672 = tpu.memref_slice %arg6[%dma_wait3A_670, %dma_wait3A_671] : memref<1664x16xf32, #tpu.memory_space<vmem>> -> memref<128x16xf32, #tpu.memory_space<vmem>>
    %dma_wait3A_673 = arith.constant 0 : i32
    %dma_wait3A_674 = tpu.memref_slice %arg5[%dma_wait3A_669, %dma_wait3A_673] : memref<52x128xi32, #tpu.memory_space<vmem>> -> memref<1x128xi32, #tpu.memory_space<vmem>>
    %dma_wait3A_675 = tpu.memref_squeeze %dma_wait3A_674 : memref<1x128xi32, #tpu.memory_space<vmem>> -> memref<128xi32, #tpu.memory_space<vmem>>
    %dma_wait3A_676 = arith.constant 0 : i32
    %dma_wait3A_677 = arith.constant 0 : i32
    %dma_wait3A_678 = tpu.memref_slice %arg2[%dma_wait3A_676, %dma_wait3A_677] : memref<1040000x16xf32, #tpu.memory_space<hbm>> -> memref<1040000x16xf32, #tpu.memory_space<hbm>>
    tpu.wait_indirect_dma semaphore(%arg7 : memref<!tpu.dma_semaphore, #tpu.memory_space<semaphore_mem>>) src(%dma_wait3A_678 : memref<1040000x16xf32, #tpu.memory_space<hbm>>) dst(%dma_wait3A_672 : memref<128x16xf32, #tpu.memory_space<vmem>>)
    %dma_wait3A_679 = arith.constant 28 : i32
    %dma_wait3A_680 = arith.constant 256 : i32
    %dma_wait3A_681 = arith.constant 0 : i32
    %dma_wait3A_682 = tpu.memref_slice %arg6[%dma_wait3A_680, %dma_wait3A_681] : memref<1664x16xf32, #tpu.memory_space<vmem>> -> memref<128x16xf32, #tpu.memory_space<vmem>>
    %dma_wait3A_683 = arith.constant 0 : i32
    %dma_wait3A_684 = tpu.memref_slice %arg5[%dma_wait3A_679, %dma_wait3A_683] : memref<52x128xi32, #tpu.memory_space<vmem>> -> memref<1x128xi32, #tpu.memory_space<vmem>>
    %dma_wait3A_685 = tpu.memref_squeeze %dma_wait3A_684 : memref<1x128xi32, #tpu.memory_space<vmem>> -> memref<128xi32, #tpu.memory_space<vmem>>
    %dma_wait3A_686 = arith.constant 0 : i32
    %dma_wait3A_687 = arith.constant 0 : i32
    %dma_wait3A_688 = tpu.memref_slice %arg2[%dma_wait3A_686, %dma_wait3A_687] : memref<1040000x16xf32, #tpu.memory_space<hbm>> -> memref<1040000x16xf32, #tpu.memory_space<hbm>>
    tpu.wait_indirect_dma semaphore(%arg7 : memref<!tpu.dma_semaphore, #tpu.memory_space<semaphore_mem>>) src(%dma_wait3A_688 : memref<1040000x16xf32, #tpu.memory_space<hbm>>) dst(%dma_wait3A_682 : memref<128x16xf32, #tpu.memory_space<vmem>>)
    %dma_wait3A_689 = arith.constant 29 : i32
    %dma_wait3A_690 = arith.constant 384 : i32
    %dma_wait3A_691 = arith.constant 0 : i32
    %dma_wait3A_692 = tpu.memref_slice %arg6[%dma_wait3A_690, %dma_wait3A_691] : memref<1664x16xf32, #tpu.memory_space<vmem>> -> memref<128x16xf32, #tpu.memory_space<vmem>>
    %dma_wait3A_693 = arith.constant 0 : i32
    %dma_wait3A_694 = tpu.memref_slice %arg5[%dma_wait3A_689, %dma_wait3A_693] : memref<52x128xi32, #tpu.memory_space<vmem>> -> memref<1x128xi32, #tpu.memory_space<vmem>>
    %dma_wait3A_695 = tpu.memref_squeeze %dma_wait3A_694 : memref<1x128xi32, #tpu.memory_space<vmem>> -> memref<128xi32, #tpu.memory_space<vmem>>
    %dma_wait3A_696 = arith.constant 0 : i32
    %dma_wait3A_697 = arith.constant 0 : i32
    %dma_wait3A_698 = tpu.memref_slice %arg2[%dma_wait3A_696, %dma_wait3A_697] : memref<1040000x16xf32, #tpu.memory_space<hbm>> -> memref<1040000x16xf32, #tpu.memory_space<hbm>>
    tpu.wait_indirect_dma semaphore(%arg7 : memref<!tpu.dma_semaphore, #tpu.memory_space<semaphore_mem>>) src(%dma_wait3A_698 : memref<1040000x16xf32, #tpu.memory_space<hbm>>) dst(%dma_wait3A_692 : memref<128x16xf32, #tpu.memory_space<vmem>>)
    %dma_wait3A_699 = arith.constant 30 : i32
    %dma_wait3A_700 = arith.constant 512 : i32
    %dma_wait3A_701 = arith.constant 0 : i32
    %dma_wait3A_702 = tpu.memref_slice %arg6[%dma_wait3A_700, %dma_wait3A_701] : memref<1664x16xf32, #tpu.memory_space<vmem>> -> memref<128x16xf32, #tpu.memory_space<vmem>>
    %dma_wait3A_703 = arith.constant 0 : i32
    %dma_wait3A_704 = tpu.memref_slice %arg5[%dma_wait3A_699, %dma_wait3A_703] : memref<52x128xi32, #tpu.memory_space<vmem>> -> memref<1x128xi32, #tpu.memory_space<vmem>>
    %dma_wait3A_705 = tpu.memref_squeeze %dma_wait3A_704 : memref<1x128xi32, #tpu.memory_space<vmem>> -> memref<128xi32, #tpu.memory_space<vmem>>
    %dma_wait3A_706 = arith.constant 0 : i32
    %dma_wait3A_707 = arith.constant 0 : i32
    %dma_wait3A_708 = tpu.memref_slice %arg2[%dma_wait3A_706, %dma_wait3A_707] : memref<1040000x16xf32, #tpu.memory_space<hbm>> -> memref<1040000x16xf32, #tpu.memory_space<hbm>>
    tpu.wait_indirect_dma semaphore(%arg7 : memref<!tpu.dma_semaphore, #tpu.memory_space<semaphore_mem>>) src(%dma_wait3A_708 : memref<1040000x16xf32, #tpu.memory_space<hbm>>) dst(%dma_wait3A_702 : memref<128x16xf32, #tpu.memory_space<vmem>>)
    %dma_wait3A_709 = arith.constant 31 : i32
    %dma_wait3A_710 = arith.constant 640 : i32
    %dma_wait3A_711 = arith.constant 0 : i32
    %dma_wait3A_712 = tpu.memref_slice %arg6[%dma_wait3A_710, %dma_wait3A_711] : memref<1664x16xf32, #tpu.memory_space<vmem>> -> memref<128x16xf32, #tpu.memory_space<vmem>>
    %dma_wait3A_713 = arith.constant 0 : i32
    %dma_wait3A_714 = tpu.memref_slice %arg5[%dma_wait3A_709, %dma_wait3A_713] : memref<52x128xi32, #tpu.memory_space<vmem>> -> memref<1x128xi32, #tpu.memory_space<vmem>>
    %dma_wait3A_715 = tpu.memref_squeeze %dma_wait3A_714 : memref<1x128xi32, #tpu.memory_space<vmem>> -> memref<128xi32, #tpu.memory_space<vmem>>
    %dma_wait3A_716 = arith.constant 0 : i32
    %dma_wait3A_717 = arith.constant 0 : i32
    %dma_wait3A_718 = tpu.memref_slice %arg2[%dma_wait3A_716, %dma_wait3A_717] : memref<1040000x16xf32, #tpu.memory_space<hbm>> -> memref<1040000x16xf32, #tpu.memory_space<hbm>>
    tpu.wait_indirect_dma semaphore(%arg7 : memref<!tpu.dma_semaphore, #tpu.memory_space<semaphore_mem>>) src(%dma_wait3A_718 : memref<1040000x16xf32, #tpu.memory_space<hbm>>) dst(%dma_wait3A_712 : memref<128x16xf32, #tpu.memory_space<vmem>>)
    %dma_wait3A_719 = arith.constant 32 : i32
    %dma_wait3A_720 = arith.constant 768 : i32
    %dma_wait3A_721 = arith.constant 0 : i32
    %dma_wait3A_722 = tpu.memref_slice %arg6[%dma_wait3A_720, %dma_wait3A_721] : memref<1664x16xf32, #tpu.memory_space<vmem>> -> memref<128x16xf32, #tpu.memory_space<vmem>>
    %dma_wait3A_723 = arith.constant 0 : i32
    %dma_wait3A_724 = tpu.memref_slice %arg5[%dma_wait3A_719, %dma_wait3A_723] : memref<52x128xi32, #tpu.memory_space<vmem>> -> memref<1x128xi32, #tpu.memory_space<vmem>>
    %dma_wait3A_725 = tpu.memref_squeeze %dma_wait3A_724 : memref<1x128xi32, #tpu.memory_space<vmem>> -> memref<128xi32, #tpu.memory_space<vmem>>
    %dma_wait3A_726 = arith.constant 0 : i32
    %dma_wait3A_727 = arith.constant 0 : i32
    %dma_wait3A_728 = tpu.memref_slice %arg2[%dma_wait3A_726, %dma_wait3A_727] : memref<1040000x16xf32, #tpu.memory_space<hbm>> -> memref<1040000x16xf32, #tpu.memory_space<hbm>>
    tpu.wait_indirect_dma semaphore(%arg7 : memref<!tpu.dma_semaphore, #tpu.memory_space<semaphore_mem>>) src(%dma_wait3A_728 : memref<1040000x16xf32, #tpu.memory_space<hbm>>) dst(%dma_wait3A_722 : memref<128x16xf32, #tpu.memory_space<vmem>>)
    %dma_wait3A_729 = arith.constant 33 : i32
    %dma_wait3A_730 = arith.constant 896 : i32
    %dma_wait3A_731 = arith.constant 0 : i32
    %dma_wait3A_732 = tpu.memref_slice %arg6[%dma_wait3A_730, %dma_wait3A_731] : memref<1664x16xf32, #tpu.memory_space<vmem>> -> memref<128x16xf32, #tpu.memory_space<vmem>>
    %dma_wait3A_733 = arith.constant 0 : i32
    %dma_wait3A_734 = tpu.memref_slice %arg5[%dma_wait3A_729, %dma_wait3A_733] : memref<52x128xi32, #tpu.memory_space<vmem>> -> memref<1x128xi32, #tpu.memory_space<vmem>>
    %dma_wait3A_735 = tpu.memref_squeeze %dma_wait3A_734 : memref<1x128xi32, #tpu.memory_space<vmem>> -> memref<128xi32, #tpu.memory_space<vmem>>
    %dma_wait3A_736 = arith.constant 0 : i32
    %dma_wait3A_737 = arith.constant 0 : i32
    %dma_wait3A_738 = tpu.memref_slice %arg2[%dma_wait3A_736, %dma_wait3A_737] : memref<1040000x16xf32, #tpu.memory_space<hbm>> -> memref<1040000x16xf32, #tpu.memory_space<hbm>>
    tpu.wait_indirect_dma semaphore(%arg7 : memref<!tpu.dma_semaphore, #tpu.memory_space<semaphore_mem>>) src(%dma_wait3A_738 : memref<1040000x16xf32, #tpu.memory_space<hbm>>) dst(%dma_wait3A_732 : memref<128x16xf32, #tpu.memory_space<vmem>>)
    %dma_wait3A_739 = arith.constant 34 : i32
    %dma_wait3A_740 = arith.constant 1024 : i32
    %dma_wait3A_741 = arith.constant 0 : i32
    %dma_wait3A_742 = tpu.memref_slice %arg6[%dma_wait3A_740, %dma_wait3A_741] : memref<1664x16xf32, #tpu.memory_space<vmem>> -> memref<128x16xf32, #tpu.memory_space<vmem>>
    %dma_wait3A_743 = arith.constant 0 : i32
    %dma_wait3A_744 = tpu.memref_slice %arg5[%dma_wait3A_739, %dma_wait3A_743] : memref<52x128xi32, #tpu.memory_space<vmem>> -> memref<1x128xi32, #tpu.memory_space<vmem>>
    %dma_wait3A_745 = tpu.memref_squeeze %dma_wait3A_744 : memref<1x128xi32, #tpu.memory_space<vmem>> -> memref<128xi32, #tpu.memory_space<vmem>>
    %dma_wait3A_746 = arith.constant 0 : i32
    %dma_wait3A_747 = arith.constant 0 : i32
    %dma_wait3A_748 = tpu.memref_slice %arg2[%dma_wait3A_746, %dma_wait3A_747] : memref<1040000x16xf32, #tpu.memory_space<hbm>> -> memref<1040000x16xf32, #tpu.memory_space<hbm>>
    tpu.wait_indirect_dma semaphore(%arg7 : memref<!tpu.dma_semaphore, #tpu.memory_space<semaphore_mem>>) src(%dma_wait3A_748 : memref<1040000x16xf32, #tpu.memory_space<hbm>>) dst(%dma_wait3A_742 : memref<128x16xf32, #tpu.memory_space<vmem>>)
    %dma_wait3A_749 = arith.constant 35 : i32
    %dma_wait3A_750 = arith.constant 1152 : i32
    %dma_wait3A_751 = arith.constant 0 : i32
    %dma_wait3A_752 = tpu.memref_slice %arg6[%dma_wait3A_750, %dma_wait3A_751] : memref<1664x16xf32, #tpu.memory_space<vmem>> -> memref<128x16xf32, #tpu.memory_space<vmem>>
    %dma_wait3A_753 = arith.constant 0 : i32
    %dma_wait3A_754 = tpu.memref_slice %arg5[%dma_wait3A_749, %dma_wait3A_753] : memref<52x128xi32, #tpu.memory_space<vmem>> -> memref<1x128xi32, #tpu.memory_space<vmem>>
    %dma_wait3A_755 = tpu.memref_squeeze %dma_wait3A_754 : memref<1x128xi32, #tpu.memory_space<vmem>> -> memref<128xi32, #tpu.memory_space<vmem>>
    %dma_wait3A_756 = arith.constant 0 : i32
    %dma_wait3A_757 = arith.constant 0 : i32
    %dma_wait3A_758 = tpu.memref_slice %arg2[%dma_wait3A_756, %dma_wait3A_757] : memref<1040000x16xf32, #tpu.memory_space<hbm>> -> memref<1040000x16xf32, #tpu.memory_space<hbm>>
    tpu.wait_indirect_dma semaphore(%arg7 : memref<!tpu.dma_semaphore, #tpu.memory_space<semaphore_mem>>) src(%dma_wait3A_758 : memref<1040000x16xf32, #tpu.memory_space<hbm>>) dst(%dma_wait3A_752 : memref<128x16xf32, #tpu.memory_space<vmem>>)
    %dma_wait3A_759 = arith.constant 36 : i32
    %dma_wait3A_760 = arith.constant 1280 : i32
    %dma_wait3A_761 = arith.constant 0 : i32
    %dma_wait3A_762 = tpu.memref_slice %arg6[%dma_wait3A_760, %dma_wait3A_761] : memref<1664x16xf32, #tpu.memory_space<vmem>> -> memref<128x16xf32, #tpu.memory_space<vmem>>
    %dma_wait3A_763 = arith.constant 0 : i32
    %dma_wait3A_764 = tpu.memref_slice %arg5[%dma_wait3A_759, %dma_wait3A_763] : memref<52x128xi32, #tpu.memory_space<vmem>> -> memref<1x128xi32, #tpu.memory_space<vmem>>
    %dma_wait3A_765 = tpu.memref_squeeze %dma_wait3A_764 : memref<1x128xi32, #tpu.memory_space<vmem>> -> memref<128xi32, #tpu.memory_space<vmem>>
    %dma_wait3A_766 = arith.constant 0 : i32
    %dma_wait3A_767 = arith.constant 0 : i32
    %dma_wait3A_768 = tpu.memref_slice %arg2[%dma_wait3A_766, %dma_wait3A_767] : memref<1040000x16xf32, #tpu.memory_space<hbm>> -> memref<1040000x16xf32, #tpu.memory_space<hbm>>
    tpu.wait_indirect_dma semaphore(%arg7 : memref<!tpu.dma_semaphore, #tpu.memory_space<semaphore_mem>>) src(%dma_wait3A_768 : memref<1040000x16xf32, #tpu.memory_space<hbm>>) dst(%dma_wait3A_762 : memref<128x16xf32, #tpu.memory_space<vmem>>)
    %dma_wait3A_769 = arith.constant 37 : i32
    %dma_wait3A_770 = arith.constant 1408 : i32
    %dma_wait3A_771 = arith.constant 0 : i32
    %dma_wait3A_772 = tpu.memref_slice %arg6[%dma_wait3A_770, %dma_wait3A_771] : memref<1664x16xf32, #tpu.memory_space<vmem>> -> memref<128x16xf32, #tpu.memory_space<vmem>>
    %dma_wait3A_773 = arith.constant 0 : i32
    %dma_wait3A_774 = tpu.memref_slice %arg5[%dma_wait3A_769, %dma_wait3A_773] : memref<52x128xi32, #tpu.memory_space<vmem>> -> memref<1x128xi32, #tpu.memory_space<vmem>>
    %dma_wait3A_775 = tpu.memref_squeeze %dma_wait3A_774 : memref<1x128xi32, #tpu.memory_space<vmem>> -> memref<128xi32, #tpu.memory_space<vmem>>
    %dma_wait3A_776 = arith.constant 0 : i32
    %dma_wait3A_777 = arith.constant 0 : i32
    %dma_wait3A_778 = tpu.memref_slice %arg2[%dma_wait3A_776, %dma_wait3A_777] : memref<1040000x16xf32, #tpu.memory_space<hbm>> -> memref<1040000x16xf32, #tpu.memory_space<hbm>>
    tpu.wait_indirect_dma semaphore(%arg7 : memref<!tpu.dma_semaphore, #tpu.memory_space<semaphore_mem>>) src(%dma_wait3A_778 : memref<1040000x16xf32, #tpu.memory_space<hbm>>) dst(%dma_wait3A_772 : memref<128x16xf32, #tpu.memory_space<vmem>>)
    %dma_wait3A_779 = arith.constant 38 : i32
    %dma_wait3A_780 = arith.constant 1536 : i32
    %dma_wait3A_781 = arith.constant 0 : i32
    %dma_wait3A_782 = tpu.memref_slice %arg6[%dma_wait3A_780, %dma_wait3A_781] : memref<1664x16xf32, #tpu.memory_space<vmem>> -> memref<128x16xf32, #tpu.memory_space<vmem>>
    %dma_wait3A_783 = arith.constant 0 : i32
    %dma_wait3A_784 = tpu.memref_slice %arg5[%dma_wait3A_779, %dma_wait3A_783] : memref<52x128xi32, #tpu.memory_space<vmem>> -> memref<1x128xi32, #tpu.memory_space<vmem>>
    %dma_wait3A_785 = tpu.memref_squeeze %dma_wait3A_784 : memref<1x128xi32, #tpu.memory_space<vmem>> -> memref<128xi32, #tpu.memory_space<vmem>>
    %dma_wait3A_786 = arith.constant 0 : i32
    %dma_wait3A_787 = arith.constant 0 : i32
    %dma_wait3A_788 = tpu.memref_slice %arg2[%dma_wait3A_786, %dma_wait3A_787] : memref<1040000x16xf32, #tpu.memory_space<hbm>> -> memref<1040000x16xf32, #tpu.memory_space<hbm>>
    tpu.wait_indirect_dma semaphore(%arg7 : memref<!tpu.dma_semaphore, #tpu.memory_space<semaphore_mem>>) src(%dma_wait3A_788 : memref<1040000x16xf32, #tpu.memory_space<hbm>>) dst(%dma_wait3A_782 : memref<128x16xf32, #tpu.memory_space<vmem>>)
    %mul3A_789 = arith.constant 6656 : i32
    %mul3A_790 = arith.muli %add3A, %mul3A_789 : i32
    %add3A_791 = arith.constant 3328 : i32
    %add3A_792 = arith.addi %mul3A_790, %add3A_791 : i32
    "tpu.region"() ({
      %run_scoped3A = tpu.sem_alloc : memref<!tpu.dma_semaphore, #tpu.memory_space<semaphore_mem>>
      %dma_start3A_1057 = arith.constant 0 : i32
      %dma_start3A_1058 = tpu.memref_slice %arg4[%add3A_792, %dma_start3A_1057] : memref<212992x16xf32, #tpu.memory_space<hbm>> -> memref<1664x16xf32, #tpu.memory_space<hbm>>
      %dma_start3A_1059 = arith.constant 0 : i32
      %dma_start3A_1060 = tpu.memref_slice %arg4[%add3A_792, %dma_start3A_1059] : memref<212992x16xf32, #tpu.memory_space<hbm>> -> memref<1664x16xf32, #tpu.memory_space<hbm>>
      tpu.enqueue_dma source(%arg6 : memref<1664x16xf32, #tpu.memory_space<vmem>>) target(%dma_start3A_1060 : memref<1664x16xf32, #tpu.memory_space<hbm>>) target_semaphore(%run_scoped3A : memref<!tpu.dma_semaphore, #tpu.memory_space<semaphore_mem>>)
      %dma_wait3A_1061 = arith.constant 0 : i32
      %dma_wait3A_1062 = tpu.memref_slice %arg4[%add3A_792, %dma_wait3A_1061] : memref<212992x16xf32, #tpu.memory_space<hbm>> -> memref<1664x16xf32, #tpu.memory_space<hbm>>
      %dma_wait3A_1063 = arith.constant 0 : i32
      %dma_wait3A_1064 = tpu.memref_slice %arg4[%add3A_792, %dma_wait3A_1063] : memref<212992x16xf32, #tpu.memory_space<hbm>> -> memref<1664x16xf32, #tpu.memory_space<hbm>>
      tpu.wait_dma2 semaphore(%run_scoped3A : memref<!tpu.dma_semaphore, #tpu.memory_space<semaphore_mem>>) src(%arg6 : memref<1664x16xf32, #tpu.memory_space<vmem>>) dst(%dma_wait3A_1064 : memref<1664x16xf32, #tpu.memory_space<hbm>>)
      tpu.yield
    }) : () -> ()
    %dma_start3A_793 = arith.constant 39 : i32
    %dma_start3A_794 = arith.constant 0 : i32
    %dma_start3A_795 = arith.constant 0 : i32
    %dma_start3A_796 = tpu.memref_slice %arg6[%dma_start3A_794, %dma_start3A_795] : memref<1664x16xf32, #tpu.memory_space<vmem>> -> memref<128x16xf32, #tpu.memory_space<vmem>>
    %dma_start3A_797 = arith.constant 0 : i32
    %dma_start3A_798 = tpu.memref_slice %arg5[%dma_start3A_793, %dma_start3A_797] : memref<52x128xi32, #tpu.memory_space<vmem>> -> memref<1x128xi32, #tpu.memory_space<vmem>>
    %dma_start3A_799 = tpu.memref_squeeze %dma_start3A_798 : memref<1x128xi32, #tpu.memory_space<vmem>> -> memref<128xi32, #tpu.memory_space<vmem>>
    %dma_start3A_800 = arith.constant 0 : i32
    %dma_start3A_801 = arith.constant 0 : i32
    %dma_start3A_802 = tpu.memref_slice %arg2[%dma_start3A_800, %dma_start3A_801] : memref<1040000x16xf32, #tpu.memory_space<hbm>> -> memref<1040000x16xf32, #tpu.memory_space<hbm>>
    tpu.enqueue_indirect_dma source(%dma_start3A_802 : memref<1040000x16xf32, #tpu.memory_space<hbm>>) target(%dma_start3A_796 : memref<128x16xf32, #tpu.memory_space<vmem>>) offsets(%dma_start3A_799 : memref<128xi32, #tpu.memory_space<vmem>>) semaphore(%arg7 : memref<!tpu.dma_semaphore, #tpu.memory_space<semaphore_mem>>)
    %dma_start3A_803 = arith.constant 40 : i32
    %dma_start3A_804 = arith.constant 128 : i32
    %dma_start3A_805 = arith.constant 0 : i32
    %dma_start3A_806 = tpu.memref_slice %arg6[%dma_start3A_804, %dma_start3A_805] : memref<1664x16xf32, #tpu.memory_space<vmem>> -> memref<128x16xf32, #tpu.memory_space<vmem>>
    %dma_start3A_807 = arith.constant 0 : i32
    %dma_start3A_808 = tpu.memref_slice %arg5[%dma_start3A_803, %dma_start3A_807] : memref<52x128xi32, #tpu.memory_space<vmem>> -> memref<1x128xi32, #tpu.memory_space<vmem>>
    %dma_start3A_809 = tpu.memref_squeeze %dma_start3A_808 : memref<1x128xi32, #tpu.memory_space<vmem>> -> memref<128xi32, #tpu.memory_space<vmem>>
    %dma_start3A_810 = arith.constant 0 : i32
    %dma_start3A_811 = arith.constant 0 : i32
    %dma_start3A_812 = tpu.memref_slice %arg2[%dma_start3A_810, %dma_start3A_811] : memref<1040000x16xf32, #tpu.memory_space<hbm>> -> memref<1040000x16xf32, #tpu.memory_space<hbm>>
    tpu.enqueue_indirect_dma source(%dma_start3A_812 : memref<1040000x16xf32, #tpu.memory_space<hbm>>) target(%dma_start3A_806 : memref<128x16xf32, #tpu.memory_space<vmem>>) offsets(%dma_start3A_809 : memref<128xi32, #tpu.memory_space<vmem>>) semaphore(%arg7 : memref<!tpu.dma_semaphore, #tpu.memory_space<semaphore_mem>>)
    %dma_start3A_813 = arith.constant 41 : i32
    %dma_start3A_814 = arith.constant 256 : i32
    %dma_start3A_815 = arith.constant 0 : i32
    %dma_start3A_816 = tpu.memref_slice %arg6[%dma_start3A_814, %dma_start3A_815] : memref<1664x16xf32, #tpu.memory_space<vmem>> -> memref<128x16xf32, #tpu.memory_space<vmem>>
    %dma_start3A_817 = arith.constant 0 : i32
    %dma_start3A_818 = tpu.memref_slice %arg5[%dma_start3A_813, %dma_start3A_817] : memref<52x128xi32, #tpu.memory_space<vmem>> -> memref<1x128xi32, #tpu.memory_space<vmem>>
    %dma_start3A_819 = tpu.memref_squeeze %dma_start3A_818 : memref<1x128xi32, #tpu.memory_space<vmem>> -> memref<128xi32, #tpu.memory_space<vmem>>
    %dma_start3A_820 = arith.constant 0 : i32
    %dma_start3A_821 = arith.constant 0 : i32
    %dma_start3A_822 = tpu.memref_slice %arg2[%dma_start3A_820, %dma_start3A_821] : memref<1040000x16xf32, #tpu.memory_space<hbm>> -> memref<1040000x16xf32, #tpu.memory_space<hbm>>
    tpu.enqueue_indirect_dma source(%dma_start3A_822 : memref<1040000x16xf32, #tpu.memory_space<hbm>>) target(%dma_start3A_816 : memref<128x16xf32, #tpu.memory_space<vmem>>) offsets(%dma_start3A_819 : memref<128xi32, #tpu.memory_space<vmem>>) semaphore(%arg7 : memref<!tpu.dma_semaphore, #tpu.memory_space<semaphore_mem>>)
    %dma_start3A_823 = arith.constant 42 : i32
    %dma_start3A_824 = arith.constant 384 : i32
    %dma_start3A_825 = arith.constant 0 : i32
    %dma_start3A_826 = tpu.memref_slice %arg6[%dma_start3A_824, %dma_start3A_825] : memref<1664x16xf32, #tpu.memory_space<vmem>> -> memref<128x16xf32, #tpu.memory_space<vmem>>
    %dma_start3A_827 = arith.constant 0 : i32
    %dma_start3A_828 = tpu.memref_slice %arg5[%dma_start3A_823, %dma_start3A_827] : memref<52x128xi32, #tpu.memory_space<vmem>> -> memref<1x128xi32, #tpu.memory_space<vmem>>
    %dma_start3A_829 = tpu.memref_squeeze %dma_start3A_828 : memref<1x128xi32, #tpu.memory_space<vmem>> -> memref<128xi32, #tpu.memory_space<vmem>>
    %dma_start3A_830 = arith.constant 0 : i32
    %dma_start3A_831 = arith.constant 0 : i32
    %dma_start3A_832 = tpu.memref_slice %arg2[%dma_start3A_830, %dma_start3A_831] : memref<1040000x16xf32, #tpu.memory_space<hbm>> -> memref<1040000x16xf32, #tpu.memory_space<hbm>>
    tpu.enqueue_indirect_dma source(%dma_start3A_832 : memref<1040000x16xf32, #tpu.memory_space<hbm>>) target(%dma_start3A_826 : memref<128x16xf32, #tpu.memory_space<vmem>>) offsets(%dma_start3A_829 : memref<128xi32, #tpu.memory_space<vmem>>) semaphore(%arg7 : memref<!tpu.dma_semaphore, #tpu.memory_space<semaphore_mem>>)
    %dma_start3A_833 = arith.constant 43 : i32
    %dma_start3A_834 = arith.constant 512 : i32
    %dma_start3A_835 = arith.constant 0 : i32
    %dma_start3A_836 = tpu.memref_slice %arg6[%dma_start3A_834, %dma_start3A_835] : memref<1664x16xf32, #tpu.memory_space<vmem>> -> memref<128x16xf32, #tpu.memory_space<vmem>>
    %dma_start3A_837 = arith.constant 0 : i32
    %dma_start3A_838 = tpu.memref_slice %arg5[%dma_start3A_833, %dma_start3A_837] : memref<52x128xi32, #tpu.memory_space<vmem>> -> memref<1x128xi32, #tpu.memory_space<vmem>>
    %dma_start3A_839 = tpu.memref_squeeze %dma_start3A_838 : memref<1x128xi32, #tpu.memory_space<vmem>> -> memref<128xi32, #tpu.memory_space<vmem>>
    %dma_start3A_840 = arith.constant 0 : i32
    %dma_start3A_841 = arith.constant 0 : i32
    %dma_start3A_842 = tpu.memref_slice %arg2[%dma_start3A_840, %dma_start3A_841] : memref<1040000x16xf32, #tpu.memory_space<hbm>> -> memref<1040000x16xf32, #tpu.memory_space<hbm>>
    tpu.enqueue_indirect_dma source(%dma_start3A_842 : memref<1040000x16xf32, #tpu.memory_space<hbm>>) target(%dma_start3A_836 : memref<128x16xf32, #tpu.memory_space<vmem>>) offsets(%dma_start3A_839 : memref<128xi32, #tpu.memory_space<vmem>>) semaphore(%arg7 : memref<!tpu.dma_semaphore, #tpu.memory_space<semaphore_mem>>)
    %dma_start3A_843 = arith.constant 44 : i32
    %dma_start3A_844 = arith.constant 640 : i32
    %dma_start3A_845 = arith.constant 0 : i32
    %dma_start3A_846 = tpu.memref_slice %arg6[%dma_start3A_844, %dma_start3A_845] : memref<1664x16xf32, #tpu.memory_space<vmem>> -> memref<128x16xf32, #tpu.memory_space<vmem>>
    %dma_start3A_847 = arith.constant 0 : i32
    %dma_start3A_848 = tpu.memref_slice %arg5[%dma_start3A_843, %dma_start3A_847] : memref<52x128xi32, #tpu.memory_space<vmem>> -> memref<1x128xi32, #tpu.memory_space<vmem>>
    %dma_start3A_849 = tpu.memref_squeeze %dma_start3A_848 : memref<1x128xi32, #tpu.memory_space<vmem>> -> memref<128xi32, #tpu.memory_space<vmem>>
    %dma_start3A_850 = arith.constant 0 : i32
    %dma_start3A_851 = arith.constant 0 : i32
    %dma_start3A_852 = tpu.memref_slice %arg2[%dma_start3A_850, %dma_start3A_851] : memref<1040000x16xf32, #tpu.memory_space<hbm>> -> memref<1040000x16xf32, #tpu.memory_space<hbm>>
    tpu.enqueue_indirect_dma source(%dma_start3A_852 : memref<1040000x16xf32, #tpu.memory_space<hbm>>) target(%dma_start3A_846 : memref<128x16xf32, #tpu.memory_space<vmem>>) offsets(%dma_start3A_849 : memref<128xi32, #tpu.memory_space<vmem>>) semaphore(%arg7 : memref<!tpu.dma_semaphore, #tpu.memory_space<semaphore_mem>>)
    %dma_start3A_853 = arith.constant 45 : i32
    %dma_start3A_854 = arith.constant 768 : i32
    %dma_start3A_855 = arith.constant 0 : i32
    %dma_start3A_856 = tpu.memref_slice %arg6[%dma_start3A_854, %dma_start3A_855] : memref<1664x16xf32, #tpu.memory_space<vmem>> -> memref<128x16xf32, #tpu.memory_space<vmem>>
    %dma_start3A_857 = arith.constant 0 : i32
    %dma_start3A_858 = tpu.memref_slice %arg5[%dma_start3A_853, %dma_start3A_857] : memref<52x128xi32, #tpu.memory_space<vmem>> -> memref<1x128xi32, #tpu.memory_space<vmem>>
    %dma_start3A_859 = tpu.memref_squeeze %dma_start3A_858 : memref<1x128xi32, #tpu.memory_space<vmem>> -> memref<128xi32, #tpu.memory_space<vmem>>
    %dma_start3A_860 = arith.constant 0 : i32
    %dma_start3A_861 = arith.constant 0 : i32
    %dma_start3A_862 = tpu.memref_slice %arg2[%dma_start3A_860, %dma_start3A_861] : memref<1040000x16xf32, #tpu.memory_space<hbm>> -> memref<1040000x16xf32, #tpu.memory_space<hbm>>
    tpu.enqueue_indirect_dma source(%dma_start3A_862 : memref<1040000x16xf32, #tpu.memory_space<hbm>>) target(%dma_start3A_856 : memref<128x16xf32, #tpu.memory_space<vmem>>) offsets(%dma_start3A_859 : memref<128xi32, #tpu.memory_space<vmem>>) semaphore(%arg7 : memref<!tpu.dma_semaphore, #tpu.memory_space<semaphore_mem>>)
    %dma_start3A_863 = arith.constant 46 : i32
    %dma_start3A_864 = arith.constant 896 : i32
    %dma_start3A_865 = arith.constant 0 : i32
    %dma_start3A_866 = tpu.memref_slice %arg6[%dma_start3A_864, %dma_start3A_865] : memref<1664x16xf32, #tpu.memory_space<vmem>> -> memref<128x16xf32, #tpu.memory_space<vmem>>
    %dma_start3A_867 = arith.constant 0 : i32
    %dma_start3A_868 = tpu.memref_slice %arg5[%dma_start3A_863, %dma_start3A_867] : memref<52x128xi32, #tpu.memory_space<vmem>> -> memref<1x128xi32, #tpu.memory_space<vmem>>
    %dma_start3A_869 = tpu.memref_squeeze %dma_start3A_868 : memref<1x128xi32, #tpu.memory_space<vmem>> -> memref<128xi32, #tpu.memory_space<vmem>>
    %dma_start3A_870 = arith.constant 0 : i32
    %dma_start3A_871 = arith.constant 0 : i32
    %dma_start3A_872 = tpu.memref_slice %arg2[%dma_start3A_870, %dma_start3A_871] : memref<1040000x16xf32, #tpu.memory_space<hbm>> -> memref<1040000x16xf32, #tpu.memory_space<hbm>>
    tpu.enqueue_indirect_dma source(%dma_start3A_872 : memref<1040000x16xf32, #tpu.memory_space<hbm>>) target(%dma_start3A_866 : memref<128x16xf32, #tpu.memory_space<vmem>>) offsets(%dma_start3A_869 : memref<128xi32, #tpu.memory_space<vmem>>) semaphore(%arg7 : memref<!tpu.dma_semaphore, #tpu.memory_space<semaphore_mem>>)
    %dma_start3A_873 = arith.constant 47 : i32
    %dma_start3A_874 = arith.constant 1024 : i32
    %dma_start3A_875 = arith.constant 0 : i32
    %dma_start3A_876 = tpu.memref_slice %arg6[%dma_start3A_874, %dma_start3A_875] : memref<1664x16xf32, #tpu.memory_space<vmem>> -> memref<128x16xf32, #tpu.memory_space<vmem>>
    %dma_start3A_877 = arith.constant 0 : i32
    %dma_start3A_878 = tpu.memref_slice %arg5[%dma_start3A_873, %dma_start3A_877] : memref<52x128xi32, #tpu.memory_space<vmem>> -> memref<1x128xi32, #tpu.memory_space<vmem>>
    %dma_start3A_879 = tpu.memref_squeeze %dma_start3A_878 : memref<1x128xi32, #tpu.memory_space<vmem>> -> memref<128xi32, #tpu.memory_space<vmem>>
    %dma_start3A_880 = arith.constant 0 : i32
    %dma_start3A_881 = arith.constant 0 : i32
    %dma_start3A_882 = tpu.memref_slice %arg2[%dma_start3A_880, %dma_start3A_881] : memref<1040000x16xf32, #tpu.memory_space<hbm>> -> memref<1040000x16xf32, #tpu.memory_space<hbm>>
    tpu.enqueue_indirect_dma source(%dma_start3A_882 : memref<1040000x16xf32, #tpu.memory_space<hbm>>) target(%dma_start3A_876 : memref<128x16xf32, #tpu.memory_space<vmem>>) offsets(%dma_start3A_879 : memref<128xi32, #tpu.memory_space<vmem>>) semaphore(%arg7 : memref<!tpu.dma_semaphore, #tpu.memory_space<semaphore_mem>>)
    %dma_start3A_883 = arith.constant 48 : i32
    %dma_start3A_884 = arith.constant 1152 : i32
    %dma_start3A_885 = arith.constant 0 : i32
    %dma_start3A_886 = tpu.memref_slice %arg6[%dma_start3A_884, %dma_start3A_885] : memref<1664x16xf32, #tpu.memory_space<vmem>> -> memref<128x16xf32, #tpu.memory_space<vmem>>
    %dma_start3A_887 = arith.constant 0 : i32
    %dma_start3A_888 = tpu.memref_slice %arg5[%dma_start3A_883, %dma_start3A_887] : memref<52x128xi32, #tpu.memory_space<vmem>> -> memref<1x128xi32, #tpu.memory_space<vmem>>
    %dma_start3A_889 = tpu.memref_squeeze %dma_start3A_888 : memref<1x128xi32, #tpu.memory_space<vmem>> -> memref<128xi32, #tpu.memory_space<vmem>>
    %dma_start3A_890 = arith.constant 0 : i32
    %dma_start3A_891 = arith.constant 0 : i32
    %dma_start3A_892 = tpu.memref_slice %arg2[%dma_start3A_890, %dma_start3A_891] : memref<1040000x16xf32, #tpu.memory_space<hbm>> -> memref<1040000x16xf32, #tpu.memory_space<hbm>>
    tpu.enqueue_indirect_dma source(%dma_start3A_892 : memref<1040000x16xf32, #tpu.memory_space<hbm>>) target(%dma_start3A_886 : memref<128x16xf32, #tpu.memory_space<vmem>>) offsets(%dma_start3A_889 : memref<128xi32, #tpu.memory_space<vmem>>) semaphore(%arg7 : memref<!tpu.dma_semaphore, #tpu.memory_space<semaphore_mem>>)
    %dma_start3A_893 = arith.constant 49 : i32
    %dma_start3A_894 = arith.constant 1280 : i32
    %dma_start3A_895 = arith.constant 0 : i32
    %dma_start3A_896 = tpu.memref_slice %arg6[%dma_start3A_894, %dma_start3A_895] : memref<1664x16xf32, #tpu.memory_space<vmem>> -> memref<128x16xf32, #tpu.memory_space<vmem>>
    %dma_start3A_897 = arith.constant 0 : i32
    %dma_start3A_898 = tpu.memref_slice %arg5[%dma_start3A_893, %dma_start3A_897] : memref<52x128xi32, #tpu.memory_space<vmem>> -> memref<1x128xi32, #tpu.memory_space<vmem>>
    %dma_start3A_899 = tpu.memref_squeeze %dma_start3A_898 : memref<1x128xi32, #tpu.memory_space<vmem>> -> memref<128xi32, #tpu.memory_space<vmem>>
    %dma_start3A_900 = arith.constant 0 : i32
    %dma_start3A_901 = arith.constant 0 : i32
    %dma_start3A_902 = tpu.memref_slice %arg2[%dma_start3A_900, %dma_start3A_901] : memref<1040000x16xf32, #tpu.memory_space<hbm>> -> memref<1040000x16xf32, #tpu.memory_space<hbm>>
    tpu.enqueue_indirect_dma source(%dma_start3A_902 : memref<1040000x16xf32, #tpu.memory_space<hbm>>) target(%dma_start3A_896 : memref<128x16xf32, #tpu.memory_space<vmem>>) offsets(%dma_start3A_899 : memref<128xi32, #tpu.memory_space<vmem>>) semaphore(%arg7 : memref<!tpu.dma_semaphore, #tpu.memory_space<semaphore_mem>>)
    %dma_start3A_903 = arith.constant 50 : i32
    %dma_start3A_904 = arith.constant 1408 : i32
    %dma_start3A_905 = arith.constant 0 : i32
    %dma_start3A_906 = tpu.memref_slice %arg6[%dma_start3A_904, %dma_start3A_905] : memref<1664x16xf32, #tpu.memory_space<vmem>> -> memref<128x16xf32, #tpu.memory_space<vmem>>
    %dma_start3A_907 = arith.constant 0 : i32
    %dma_start3A_908 = tpu.memref_slice %arg5[%dma_start3A_903, %dma_start3A_907] : memref<52x128xi32, #tpu.memory_space<vmem>> -> memref<1x128xi32, #tpu.memory_space<vmem>>
    %dma_start3A_909 = tpu.memref_squeeze %dma_start3A_908 : memref<1x128xi32, #tpu.memory_space<vmem>> -> memref<128xi32, #tpu.memory_space<vmem>>
    %dma_start3A_910 = arith.constant 0 : i32
    %dma_start3A_911 = arith.constant 0 : i32
    %dma_start3A_912 = tpu.memref_slice %arg2[%dma_start3A_910, %dma_start3A_911] : memref<1040000x16xf32, #tpu.memory_space<hbm>> -> memref<1040000x16xf32, #tpu.memory_space<hbm>>
    tpu.enqueue_indirect_dma source(%dma_start3A_912 : memref<1040000x16xf32, #tpu.memory_space<hbm>>) target(%dma_start3A_906 : memref<128x16xf32, #tpu.memory_space<vmem>>) offsets(%dma_start3A_909 : memref<128xi32, #tpu.memory_space<vmem>>) semaphore(%arg7 : memref<!tpu.dma_semaphore, #tpu.memory_space<semaphore_mem>>)
    %dma_start3A_913 = arith.constant 51 : i32
    %dma_start3A_914 = arith.constant 1536 : i32
    %dma_start3A_915 = arith.constant 0 : i32
    %dma_start3A_916 = tpu.memref_slice %arg6[%dma_start3A_914, %dma_start3A_915] : memref<1664x16xf32, #tpu.memory_space<vmem>> -> memref<128x16xf32, #tpu.memory_space<vmem>>
    %dma_start3A_917 = arith.constant 0 : i32
    %dma_start3A_918 = tpu.memref_slice %arg5[%dma_start3A_913, %dma_start3A_917] : memref<52x128xi32, #tpu.memory_space<vmem>> -> memref<1x128xi32, #tpu.memory_space<vmem>>
    %dma_start3A_919 = tpu.memref_squeeze %dma_start3A_918 : memref<1x128xi32, #tpu.memory_space<vmem>> -> memref<128xi32, #tpu.memory_space<vmem>>
    %dma_start3A_920 = arith.constant 0 : i32
    %dma_start3A_921 = arith.constant 0 : i32
    %dma_start3A_922 = tpu.memref_slice %arg2[%dma_start3A_920, %dma_start3A_921] : memref<1040000x16xf32, #tpu.memory_space<hbm>> -> memref<1040000x16xf32, #tpu.memory_space<hbm>>
    tpu.enqueue_indirect_dma source(%dma_start3A_922 : memref<1040000x16xf32, #tpu.memory_space<hbm>>) target(%dma_start3A_916 : memref<128x16xf32, #tpu.memory_space<vmem>>) offsets(%dma_start3A_919 : memref<128xi32, #tpu.memory_space<vmem>>) semaphore(%arg7 : memref<!tpu.dma_semaphore, #tpu.memory_space<semaphore_mem>>)
    %dma_wait3A_923 = arith.constant 39 : i32
    %dma_wait3A_924 = arith.constant 0 : i32
    %dma_wait3A_925 = arith.constant 0 : i32
    %dma_wait3A_926 = tpu.memref_slice %arg6[%dma_wait3A_924, %dma_wait3A_925] : memref<1664x16xf32, #tpu.memory_space<vmem>> -> memref<128x16xf32, #tpu.memory_space<vmem>>
    %dma_wait3A_927 = arith.constant 0 : i32
    %dma_wait3A_928 = tpu.memref_slice %arg5[%dma_wait3A_923, %dma_wait3A_927] : memref<52x128xi32, #tpu.memory_space<vmem>> -> memref<1x128xi32, #tpu.memory_space<vmem>>
    %dma_wait3A_929 = tpu.memref_squeeze %dma_wait3A_928 : memref<1x128xi32, #tpu.memory_space<vmem>> -> memref<128xi32, #tpu.memory_space<vmem>>
    %dma_wait3A_930 = arith.constant 0 : i32
    %dma_wait3A_931 = arith.constant 0 : i32
    %dma_wait3A_932 = tpu.memref_slice %arg2[%dma_wait3A_930, %dma_wait3A_931] : memref<1040000x16xf32, #tpu.memory_space<hbm>> -> memref<1040000x16xf32, #tpu.memory_space<hbm>>
    tpu.wait_indirect_dma semaphore(%arg7 : memref<!tpu.dma_semaphore, #tpu.memory_space<semaphore_mem>>) src(%dma_wait3A_932 : memref<1040000x16xf32, #tpu.memory_space<hbm>>) dst(%dma_wait3A_926 : memref<128x16xf32, #tpu.memory_space<vmem>>)
    %dma_wait3A_933 = arith.constant 40 : i32
    %dma_wait3A_934 = arith.constant 128 : i32
    %dma_wait3A_935 = arith.constant 0 : i32
    %dma_wait3A_936 = tpu.memref_slice %arg6[%dma_wait3A_934, %dma_wait3A_935] : memref<1664x16xf32, #tpu.memory_space<vmem>> -> memref<128x16xf32, #tpu.memory_space<vmem>>
    %dma_wait3A_937 = arith.constant 0 : i32
    %dma_wait3A_938 = tpu.memref_slice %arg5[%dma_wait3A_933, %dma_wait3A_937] : memref<52x128xi32, #tpu.memory_space<vmem>> -> memref<1x128xi32, #tpu.memory_space<vmem>>
    %dma_wait3A_939 = tpu.memref_squeeze %dma_wait3A_938 : memref<1x128xi32, #tpu.memory_space<vmem>> -> memref<128xi32, #tpu.memory_space<vmem>>
    %dma_wait3A_940 = arith.constant 0 : i32
    %dma_wait3A_941 = arith.constant 0 : i32
    %dma_wait3A_942 = tpu.memref_slice %arg2[%dma_wait3A_940, %dma_wait3A_941] : memref<1040000x16xf32, #tpu.memory_space<hbm>> -> memref<1040000x16xf32, #tpu.memory_space<hbm>>
    tpu.wait_indirect_dma semaphore(%arg7 : memref<!tpu.dma_semaphore, #tpu.memory_space<semaphore_mem>>) src(%dma_wait3A_942 : memref<1040000x16xf32, #tpu.memory_space<hbm>>) dst(%dma_wait3A_936 : memref<128x16xf32, #tpu.memory_space<vmem>>)
    %dma_wait3A_943 = arith.constant 41 : i32
    %dma_wait3A_944 = arith.constant 256 : i32
    %dma_wait3A_945 = arith.constant 0 : i32
    %dma_wait3A_946 = tpu.memref_slice %arg6[%dma_wait3A_944, %dma_wait3A_945] : memref<1664x16xf32, #tpu.memory_space<vmem>> -> memref<128x16xf32, #tpu.memory_space<vmem>>
    %dma_wait3A_947 = arith.constant 0 : i32
    %dma_wait3A_948 = tpu.memref_slice %arg5[%dma_wait3A_943, %dma_wait3A_947] : memref<52x128xi32, #tpu.memory_space<vmem>> -> memref<1x128xi32, #tpu.memory_space<vmem>>
    %dma_wait3A_949 = tpu.memref_squeeze %dma_wait3A_948 : memref<1x128xi32, #tpu.memory_space<vmem>> -> memref<128xi32, #tpu.memory_space<vmem>>
    %dma_wait3A_950 = arith.constant 0 : i32
    %dma_wait3A_951 = arith.constant 0 : i32
    %dma_wait3A_952 = tpu.memref_slice %arg2[%dma_wait3A_950, %dma_wait3A_951] : memref<1040000x16xf32, #tpu.memory_space<hbm>> -> memref<1040000x16xf32, #tpu.memory_space<hbm>>
    tpu.wait_indirect_dma semaphore(%arg7 : memref<!tpu.dma_semaphore, #tpu.memory_space<semaphore_mem>>) src(%dma_wait3A_952 : memref<1040000x16xf32, #tpu.memory_space<hbm>>) dst(%dma_wait3A_946 : memref<128x16xf32, #tpu.memory_space<vmem>>)
    %dma_wait3A_953 = arith.constant 42 : i32
    %dma_wait3A_954 = arith.constant 384 : i32
    %dma_wait3A_955 = arith.constant 0 : i32
    %dma_wait3A_956 = tpu.memref_slice %arg6[%dma_wait3A_954, %dma_wait3A_955] : memref<1664x16xf32, #tpu.memory_space<vmem>> -> memref<128x16xf32, #tpu.memory_space<vmem>>
    %dma_wait3A_957 = arith.constant 0 : i32
    %dma_wait3A_958 = tpu.memref_slice %arg5[%dma_wait3A_953, %dma_wait3A_957] : memref<52x128xi32, #tpu.memory_space<vmem>> -> memref<1x128xi32, #tpu.memory_space<vmem>>
    %dma_wait3A_959 = tpu.memref_squeeze %dma_wait3A_958 : memref<1x128xi32, #tpu.memory_space<vmem>> -> memref<128xi32, #tpu.memory_space<vmem>>
    %dma_wait3A_960 = arith.constant 0 : i32
    %dma_wait3A_961 = arith.constant 0 : i32
    %dma_wait3A_962 = tpu.memref_slice %arg2[%dma_wait3A_960, %dma_wait3A_961] : memref<1040000x16xf32, #tpu.memory_space<hbm>> -> memref<1040000x16xf32, #tpu.memory_space<hbm>>
    tpu.wait_indirect_dma semaphore(%arg7 : memref<!tpu.dma_semaphore, #tpu.memory_space<semaphore_mem>>) src(%dma_wait3A_962 : memref<1040000x16xf32, #tpu.memory_space<hbm>>) dst(%dma_wait3A_956 : memref<128x16xf32, #tpu.memory_space<vmem>>)
    %dma_wait3A_963 = arith.constant 43 : i32
    %dma_wait3A_964 = arith.constant 512 : i32
    %dma_wait3A_965 = arith.constant 0 : i32
    %dma_wait3A_966 = tpu.memref_slice %arg6[%dma_wait3A_964, %dma_wait3A_965] : memref<1664x16xf32, #tpu.memory_space<vmem>> -> memref<128x16xf32, #tpu.memory_space<vmem>>
    %dma_wait3A_967 = arith.constant 0 : i32
    %dma_wait3A_968 = tpu.memref_slice %arg5[%dma_wait3A_963, %dma_wait3A_967] : memref<52x128xi32, #tpu.memory_space<vmem>> -> memref<1x128xi32, #tpu.memory_space<vmem>>
    %dma_wait3A_969 = tpu.memref_squeeze %dma_wait3A_968 : memref<1x128xi32, #tpu.memory_space<vmem>> -> memref<128xi32, #tpu.memory_space<vmem>>
    %dma_wait3A_970 = arith.constant 0 : i32
    %dma_wait3A_971 = arith.constant 0 : i32
    %dma_wait3A_972 = tpu.memref_slice %arg2[%dma_wait3A_970, %dma_wait3A_971] : memref<1040000x16xf32, #tpu.memory_space<hbm>> -> memref<1040000x16xf32, #tpu.memory_space<hbm>>
    tpu.wait_indirect_dma semaphore(%arg7 : memref<!tpu.dma_semaphore, #tpu.memory_space<semaphore_mem>>) src(%dma_wait3A_972 : memref<1040000x16xf32, #tpu.memory_space<hbm>>) dst(%dma_wait3A_966 : memref<128x16xf32, #tpu.memory_space<vmem>>)
    %dma_wait3A_973 = arith.constant 44 : i32
    %dma_wait3A_974 = arith.constant 640 : i32
    %dma_wait3A_975 = arith.constant 0 : i32
    %dma_wait3A_976 = tpu.memref_slice %arg6[%dma_wait3A_974, %dma_wait3A_975] : memref<1664x16xf32, #tpu.memory_space<vmem>> -> memref<128x16xf32, #tpu.memory_space<vmem>>
    %dma_wait3A_977 = arith.constant 0 : i32
    %dma_wait3A_978 = tpu.memref_slice %arg5[%dma_wait3A_973, %dma_wait3A_977] : memref<52x128xi32, #tpu.memory_space<vmem>> -> memref<1x128xi32, #tpu.memory_space<vmem>>
    %dma_wait3A_979 = tpu.memref_squeeze %dma_wait3A_978 : memref<1x128xi32, #tpu.memory_space<vmem>> -> memref<128xi32, #tpu.memory_space<vmem>>
    %dma_wait3A_980 = arith.constant 0 : i32
    %dma_wait3A_981 = arith.constant 0 : i32
    %dma_wait3A_982 = tpu.memref_slice %arg2[%dma_wait3A_980, %dma_wait3A_981] : memref<1040000x16xf32, #tpu.memory_space<hbm>> -> memref<1040000x16xf32, #tpu.memory_space<hbm>>
    tpu.wait_indirect_dma semaphore(%arg7 : memref<!tpu.dma_semaphore, #tpu.memory_space<semaphore_mem>>) src(%dma_wait3A_982 : memref<1040000x16xf32, #tpu.memory_space<hbm>>) dst(%dma_wait3A_976 : memref<128x16xf32, #tpu.memory_space<vmem>>)
    %dma_wait3A_983 = arith.constant 45 : i32
    %dma_wait3A_984 = arith.constant 768 : i32
    %dma_wait3A_985 = arith.constant 0 : i32
    %dma_wait3A_986 = tpu.memref_slice %arg6[%dma_wait3A_984, %dma_wait3A_985] : memref<1664x16xf32, #tpu.memory_space<vmem>> -> memref<128x16xf32, #tpu.memory_space<vmem>>
    %dma_wait3A_987 = arith.constant 0 : i32
    %dma_wait3A_988 = tpu.memref_slice %arg5[%dma_wait3A_983, %dma_wait3A_987] : memref<52x128xi32, #tpu.memory_space<vmem>> -> memref<1x128xi32, #tpu.memory_space<vmem>>
    %dma_wait3A_989 = tpu.memref_squeeze %dma_wait3A_988 : memref<1x128xi32, #tpu.memory_space<vmem>> -> memref<128xi32, #tpu.memory_space<vmem>>
    %dma_wait3A_990 = arith.constant 0 : i32
    %dma_wait3A_991 = arith.constant 0 : i32
    %dma_wait3A_992 = tpu.memref_slice %arg2[%dma_wait3A_990, %dma_wait3A_991] : memref<1040000x16xf32, #tpu.memory_space<hbm>> -> memref<1040000x16xf32, #tpu.memory_space<hbm>>
    tpu.wait_indirect_dma semaphore(%arg7 : memref<!tpu.dma_semaphore, #tpu.memory_space<semaphore_mem>>) src(%dma_wait3A_992 : memref<1040000x16xf32, #tpu.memory_space<hbm>>) dst(%dma_wait3A_986 : memref<128x16xf32, #tpu.memory_space<vmem>>)
    %dma_wait3A_993 = arith.constant 46 : i32
    %dma_wait3A_994 = arith.constant 896 : i32
    %dma_wait3A_995 = arith.constant 0 : i32
    %dma_wait3A_996 = tpu.memref_slice %arg6[%dma_wait3A_994, %dma_wait3A_995] : memref<1664x16xf32, #tpu.memory_space<vmem>> -> memref<128x16xf32, #tpu.memory_space<vmem>>
    %dma_wait3A_997 = arith.constant 0 : i32
    %dma_wait3A_998 = tpu.memref_slice %arg5[%dma_wait3A_993, %dma_wait3A_997] : memref<52x128xi32, #tpu.memory_space<vmem>> -> memref<1x128xi32, #tpu.memory_space<vmem>>
    %dma_wait3A_999 = tpu.memref_squeeze %dma_wait3A_998 : memref<1x128xi32, #tpu.memory_space<vmem>> -> memref<128xi32, #tpu.memory_space<vmem>>
    %dma_wait3A_1000 = arith.constant 0 : i32
    %dma_wait3A_1001 = arith.constant 0 : i32
    %dma_wait3A_1002 = tpu.memref_slice %arg2[%dma_wait3A_1000, %dma_wait3A_1001] : memref<1040000x16xf32, #tpu.memory_space<hbm>> -> memref<1040000x16xf32, #tpu.memory_space<hbm>>
    tpu.wait_indirect_dma semaphore(%arg7 : memref<!tpu.dma_semaphore, #tpu.memory_space<semaphore_mem>>) src(%dma_wait3A_1002 : memref<1040000x16xf32, #tpu.memory_space<hbm>>) dst(%dma_wait3A_996 : memref<128x16xf32, #tpu.memory_space<vmem>>)
    %dma_wait3A_1003 = arith.constant 47 : i32
    %dma_wait3A_1004 = arith.constant 1024 : i32
    %dma_wait3A_1005 = arith.constant 0 : i32
    %dma_wait3A_1006 = tpu.memref_slice %arg6[%dma_wait3A_1004, %dma_wait3A_1005] : memref<1664x16xf32, #tpu.memory_space<vmem>> -> memref<128x16xf32, #tpu.memory_space<vmem>>
    %dma_wait3A_1007 = arith.constant 0 : i32
    %dma_wait3A_1008 = tpu.memref_slice %arg5[%dma_wait3A_1003, %dma_wait3A_1007] : memref<52x128xi32, #tpu.memory_space<vmem>> -> memref<1x128xi32, #tpu.memory_space<vmem>>
    %dma_wait3A_1009 = tpu.memref_squeeze %dma_wait3A_1008 : memref<1x128xi32, #tpu.memory_space<vmem>> -> memref<128xi32, #tpu.memory_space<vmem>>
    %dma_wait3A_1010 = arith.constant 0 : i32
    %dma_wait3A_1011 = arith.constant 0 : i32
    %dma_wait3A_1012 = tpu.memref_slice %arg2[%dma_wait3A_1010, %dma_wait3A_1011] : memref<1040000x16xf32, #tpu.memory_space<hbm>> -> memref<1040000x16xf32, #tpu.memory_space<hbm>>
    tpu.wait_indirect_dma semaphore(%arg7 : memref<!tpu.dma_semaphore, #tpu.memory_space<semaphore_mem>>) src(%dma_wait3A_1012 : memref<1040000x16xf32, #tpu.memory_space<hbm>>) dst(%dma_wait3A_1006 : memref<128x16xf32, #tpu.memory_space<vmem>>)
    %dma_wait3A_1013 = arith.constant 48 : i32
    %dma_wait3A_1014 = arith.constant 1152 : i32
    %dma_wait3A_1015 = arith.constant 0 : i32
    %dma_wait3A_1016 = tpu.memref_slice %arg6[%dma_wait3A_1014, %dma_wait3A_1015] : memref<1664x16xf32, #tpu.memory_space<vmem>> -> memref<128x16xf32, #tpu.memory_space<vmem>>
    %dma_wait3A_1017 = arith.constant 0 : i32
    %dma_wait3A_1018 = tpu.memref_slice %arg5[%dma_wait3A_1013, %dma_wait3A_1017] : memref<52x128xi32, #tpu.memory_space<vmem>> -> memref<1x128xi32, #tpu.memory_space<vmem>>
    %dma_wait3A_1019 = tpu.memref_squeeze %dma_wait3A_1018 : memref<1x128xi32, #tpu.memory_space<vmem>> -> memref<128xi32, #tpu.memory_space<vmem>>
    %dma_wait3A_1020 = arith.constant 0 : i32
    %dma_wait3A_1021 = arith.constant 0 : i32
    %dma_wait3A_1022 = tpu.memref_slice %arg2[%dma_wait3A_1020, %dma_wait3A_1021] : memref<1040000x16xf32, #tpu.memory_space<hbm>> -> memref<1040000x16xf32, #tpu.memory_space<hbm>>
    tpu.wait_indirect_dma semaphore(%arg7 : memref<!tpu.dma_semaphore, #tpu.memory_space<semaphore_mem>>) src(%dma_wait3A_1022 : memref<1040000x16xf32, #tpu.memory_space<hbm>>) dst(%dma_wait3A_1016 : memref<128x16xf32, #tpu.memory_space<vmem>>)
    %dma_wait3A_1023 = arith.constant 49 : i32
    %dma_wait3A_1024 = arith.constant 1280 : i32
    %dma_wait3A_1025 = arith.constant 0 : i32
    %dma_wait3A_1026 = tpu.memref_slice %arg6[%dma_wait3A_1024, %dma_wait3A_1025] : memref<1664x16xf32, #tpu.memory_space<vmem>> -> memref<128x16xf32, #tpu.memory_space<vmem>>
    %dma_wait3A_1027 = arith.constant 0 : i32
    %dma_wait3A_1028 = tpu.memref_slice %arg5[%dma_wait3A_1023, %dma_wait3A_1027] : memref<52x128xi32, #tpu.memory_space<vmem>> -> memref<1x128xi32, #tpu.memory_space<vmem>>
    %dma_wait3A_1029 = tpu.memref_squeeze %dma_wait3A_1028 : memref<1x128xi32, #tpu.memory_space<vmem>> -> memref<128xi32, #tpu.memory_space<vmem>>
    %dma_wait3A_1030 = arith.constant 0 : i32
    %dma_wait3A_1031 = arith.constant 0 : i32
    %dma_wait3A_1032 = tpu.memref_slice %arg2[%dma_wait3A_1030, %dma_wait3A_1031] : memref<1040000x16xf32, #tpu.memory_space<hbm>> -> memref<1040000x16xf32, #tpu.memory_space<hbm>>
    tpu.wait_indirect_dma semaphore(%arg7 : memref<!tpu.dma_semaphore, #tpu.memory_space<semaphore_mem>>) src(%dma_wait3A_1032 : memref<1040000x16xf32, #tpu.memory_space<hbm>>) dst(%dma_wait3A_1026 : memref<128x16xf32, #tpu.memory_space<vmem>>)
    %dma_wait3A_1033 = arith.constant 50 : i32
    %dma_wait3A_1034 = arith.constant 1408 : i32
    %dma_wait3A_1035 = arith.constant 0 : i32
    %dma_wait3A_1036 = tpu.memref_slice %arg6[%dma_wait3A_1034, %dma_wait3A_1035] : memref<1664x16xf32, #tpu.memory_space<vmem>> -> memref<128x16xf32, #tpu.memory_space<vmem>>
    %dma_wait3A_1037 = arith.constant 0 : i32
    %dma_wait3A_1038 = tpu.memref_slice %arg5[%dma_wait3A_1033, %dma_wait3A_1037] : memref<52x128xi32, #tpu.memory_space<vmem>> -> memref<1x128xi32, #tpu.memory_space<vmem>>
    %dma_wait3A_1039 = tpu.memref_squeeze %dma_wait3A_1038 : memref<1x128xi32, #tpu.memory_space<vmem>> -> memref<128xi32, #tpu.memory_space<vmem>>
    %dma_wait3A_1040 = arith.constant 0 : i32
    %dma_wait3A_1041 = arith.constant 0 : i32
    %dma_wait3A_1042 = tpu.memref_slice %arg2[%dma_wait3A_1040, %dma_wait3A_1041] : memref<1040000x16xf32, #tpu.memory_space<hbm>> -> memref<1040000x16xf32, #tpu.memory_space<hbm>>
    tpu.wait_indirect_dma semaphore(%arg7 : memref<!tpu.dma_semaphore, #tpu.memory_space<semaphore_mem>>) src(%dma_wait3A_1042 : memref<1040000x16xf32, #tpu.memory_space<hbm>>) dst(%dma_wait3A_1036 : memref<128x16xf32, #tpu.memory_space<vmem>>)
    %dma_wait3A_1043 = arith.constant 51 : i32
    %dma_wait3A_1044 = arith.constant 1536 : i32
    %dma_wait3A_1045 = arith.constant 0 : i32
    %dma_wait3A_1046 = tpu.memref_slice %arg6[%dma_wait3A_1044, %dma_wait3A_1045] : memref<1664x16xf32, #tpu.memory_space<vmem>> -> memref<128x16xf32, #tpu.memory_space<vmem>>
    %dma_wait3A_1047 = arith.constant 0 : i32
    %dma_wait3A_1048 = tpu.memref_slice %arg5[%dma_wait3A_1043, %dma_wait3A_1047] : memref<52x128xi32, #tpu.memory_space<vmem>> -> memref<1x128xi32, #tpu.memory_space<vmem>>
    %dma_wait3A_1049 = tpu.memref_squeeze %dma_wait3A_1048 : memref<1x128xi32, #tpu.memory_space<vmem>> -> memref<128xi32, #tpu.memory_space<vmem>>
    %dma_wait3A_1050 = arith.constant 0 : i32
    %dma_wait3A_1051 = arith.constant 0 : i32
    %dma_wait3A_1052 = tpu.memref_slice %arg2[%dma_wait3A_1050, %dma_wait3A_1051] : memref<1040000x16xf32, #tpu.memory_space<hbm>> -> memref<1040000x16xf32, #tpu.memory_space<hbm>>
    tpu.wait_indirect_dma semaphore(%arg7 : memref<!tpu.dma_semaphore, #tpu.memory_space<semaphore_mem>>) src(%dma_wait3A_1052 : memref<1040000x16xf32, #tpu.memory_space<hbm>>) dst(%dma_wait3A_1046 : memref<128x16xf32, #tpu.memory_space<vmem>>)
    %mul3A_1053 = arith.constant 6656 : i32
    %mul3A_1054 = arith.muli %add3A, %mul3A_1053 : i32
    %add3A_1055 = arith.constant 4992 : i32
    %add3A_1056 = arith.addi %mul3A_1054, %add3A_1055 : i32
    "tpu.region"() ({
      %run_scoped3A = tpu.sem_alloc : memref<!tpu.dma_semaphore, #tpu.memory_space<semaphore_mem>>
      %dma_start3A_1057 = arith.constant 0 : i32
      %dma_start3A_1058 = tpu.memref_slice %arg4[%add3A_1056, %dma_start3A_1057] : memref<212992x16xf32, #tpu.memory_space<hbm>> -> memref<1664x16xf32, #tpu.memory_space<hbm>>
      %dma_start3A_1059 = arith.constant 0 : i32
      %dma_start3A_1060 = tpu.memref_slice %arg4[%add3A_1056, %dma_start3A_1059] : memref<212992x16xf32, #tpu.memory_space<hbm>> -> memref<1664x16xf32, #tpu.memory_space<hbm>>
      tpu.enqueue_dma source(%arg6 : memref<1664x16xf32, #tpu.memory_space<vmem>>) target(%dma_start3A_1060 : memref<1664x16xf32, #tpu.memory_space<hbm>>) target_semaphore(%run_scoped3A : memref<!tpu.dma_semaphore, #tpu.memory_space<semaphore_mem>>)
      %dma_wait3A_1061 = arith.constant 0 : i32
      %dma_wait3A_1062 = tpu.memref_slice %arg4[%add3A_1056, %dma_wait3A_1061] : memref<212992x16xf32, #tpu.memory_space<hbm>> -> memref<1664x16xf32, #tpu.memory_space<hbm>>
      %dma_wait3A_1063 = arith.constant 0 : i32
      %dma_wait3A_1064 = tpu.memref_slice %arg4[%add3A_1056, %dma_wait3A_1063] : memref<212992x16xf32, #tpu.memory_space<hbm>> -> memref<1664x16xf32, #tpu.memory_space<hbm>>
      tpu.wait_dma2 semaphore(%run_scoped3A : memref<!tpu.dma_semaphore, #tpu.memory_space<semaphore_mem>>) src(%arg6 : memref<1664x16xf32, #tpu.memory_space<vmem>>) dst(%dma_wait3A_1064 : memref<1664x16xf32, #tpu.memory_space<hbm>>)
      tpu.yield
    }) : () -> ()
    return
  }
}

#map = affine_map<(d0, d1) -> (0, 0)>
module attributes {stable_mosaic.version = 14 : i64} {
  func.func @_sc_gather_body(%arg0: i32, %arg1: i32, %arg2: memref<1040000x16xf32, #tpu.memory_space<hbm>>, %arg3: memref<1664x128xi32, #tpu.memory_space<hbm>>, %arg4: memref<212992x16xf32, #tpu.memory_space<hbm>>, %arg5: memref<52x128xi32, #tpu.memory_space<vmem>>, %arg6: memref<1664x16xf32, #tpu.memory_space<vmem>>, %arg7: memref<!tpu.dma_semaphore, #tpu.memory_space<semaphore_mem>>) attributes {dimension_semantics = [#tpu.dimension_semantics<core_parallel>, #tpu.dimension_semantics<subcore_parallel>], iteration_bounds = array<i64: 2, 16>, scalar_prefetch = 0 : i64, scratch_operands = 3 : i64, tpu.core_type = #tpu.core_type<sc_vector_subcore>, window_params = [{transform_indices = #map}, {transform_indices = #map}, {transform_indices = #map}]} {
    %mul3A = arith.constant 2 : i32
    %mul3A_0 = arith.muli %arg1, %mul3A : i32
    %add3A = arith.addi %mul3A_0, %arg0 : i32
    %mul3A_1 = arith.constant 52 : i32
    %mul3A_2 = arith.muli %add3A, %mul3A_1 : i32
    "tpu.region"() ({
      %run_scoped3A = tpu.sem_alloc : memref<!tpu.dma_semaphore, #tpu.memory_space<semaphore_mem>>
      %dma_start3A_1057 = arith.constant 0 : i32
      %dma_start3A_1058 = tpu.memref_slice %arg3[%mul3A_2, %dma_start3A_1057] : memref<1664x128xi32, #tpu.memory_space<hbm>> -> memref<52x128xi32, #tpu.memory_space<hbm>>
      %dma_start3A_1059 = arith.constant 0 : i32
      %dma_start3A_1060 = tpu.memref_slice %arg3[%mul3A_2, %dma_start3A_1059] : memref<1664x128xi32, #tpu.memory_space<hbm>> -> memref<52x128xi32, #tpu.memory_space<hbm>>
      tpu.enqueue_dma source(%dma_start3A_1060 : memref<52x128xi32, #tpu.memory_space<hbm>>) target(%arg5 : memref<52x128xi32, #tpu.memory_space<vmem>>) target_semaphore(%run_scoped3A : memref<!tpu.dma_semaphore, #tpu.memory_space<semaphore_mem>>)
      %dma_wait3A_1061 = arith.constant 0 : i32
      %dma_wait3A_1062 = tpu.memref_slice %arg3[%mul3A_2, %dma_wait3A_1061] : memref<1664x128xi32, #tpu.memory_space<hbm>> -> memref<52x128xi32, #tpu.memory_space<hbm>>
      %dma_wait3A_1063 = arith.constant 0 : i32
      %dma_wait3A_1064 = tpu.memref_slice %arg3[%mul3A_2, %dma_wait3A_1063] : memref<1664x128xi32, #tpu.memory_space<hbm>> -> memref<52x128xi32, #tpu.memory_space<hbm>>
      tpu.wait_dma2 semaphore(%run_scoped3A : memref<!tpu.dma_semaphore, #tpu.memory_space<semaphore_mem>>) src(%dma_wait3A_1064 : memref<52x128xi32, #tpu.memory_space<hbm>>) dst(%arg5 : memref<52x128xi32, #tpu.memory_space<vmem>>)
      tpu.yield
    }) : () -> ()
    %dma_start3A = arith.constant 0 : i32
    %dma_start3A_3 = arith.constant 0 : i32
    %dma_start3A_4 = arith.constant 0 : i32
    %dma_start3A_5 = tpu.memref_slice %arg6[%dma_start3A_3, %dma_start3A_4] : memref<1664x16xf32, #tpu.memory_space<vmem>> -> memref<128x16xf32, #tpu.memory_space<vmem>>
    %dma_start3A_6 = arith.constant 0 : i32
    %dma_start3A_7 = tpu.memref_slice %arg5[%dma_start3A, %dma_start3A_6] : memref<52x128xi32, #tpu.memory_space<vmem>> -> memref<1x128xi32, #tpu.memory_space<vmem>>
    %dma_start3A_8 = tpu.memref_squeeze %dma_start3A_7 : memref<1x128xi32, #tpu.memory_space<vmem>> -> memref<128xi32, #tpu.memory_space<vmem>>
    %dma_start3A_9 = arith.constant 0 : i32
    %dma_start3A_10 = arith.constant 0 : i32
    %dma_start3A_11 = tpu.memref_slice %arg2[%dma_start3A_9, %dma_start3A_10] : memref<1040000x16xf32, #tpu.memory_space<hbm>> -> memref<1040000x16xf32, #tpu.memory_space<hbm>>
    tpu.enqueue_indirect_dma source(%dma_start3A_11 : memref<1040000x16xf32, #tpu.memory_space<hbm>>) target(%dma_start3A_5 : memref<128x16xf32, #tpu.memory_space<vmem>>) offsets(%dma_start3A_8 : memref<128xi32, #tpu.memory_space<vmem>>) semaphore(%arg7 : memref<!tpu.dma_semaphore, #tpu.memory_space<semaphore_mem>>)
    %dma_start3A_12 = arith.constant 1 : i32
    %dma_start3A_13 = arith.constant 128 : i32
    %dma_start3A_14 = arith.constant 0 : i32
    %dma_start3A_15 = tpu.memref_slice %arg6[%dma_start3A_13, %dma_start3A_14] : memref<1664x16xf32, #tpu.memory_space<vmem>> -> memref<128x16xf32, #tpu.memory_space<vmem>>
    %dma_start3A_16 = arith.constant 0 : i32
    %dma_start3A_17 = tpu.memref_slice %arg5[%dma_start3A_12, %dma_start3A_16] : memref<52x128xi32, #tpu.memory_space<vmem>> -> memref<1x128xi32, #tpu.memory_space<vmem>>
    %dma_start3A_18 = tpu.memref_squeeze %dma_start3A_17 : memref<1x128xi32, #tpu.memory_space<vmem>> -> memref<128xi32, #tpu.memory_space<vmem>>
    %dma_start3A_19 = arith.constant 0 : i32
    %dma_start3A_20 = arith.constant 0 : i32
    %dma_start3A_21 = tpu.memref_slice %arg2[%dma_start3A_19, %dma_start3A_20] : memref<1040000x16xf32, #tpu.memory_space<hbm>> -> memref<1040000x16xf32, #tpu.memory_space<hbm>>
    tpu.enqueue_indirect_dma source(%dma_start3A_21 : memref<1040000x16xf32, #tpu.memory_space<hbm>>) target(%dma_start3A_15 : memref<128x16xf32, #tpu.memory_space<vmem>>) offsets(%dma_start3A_18 : memref<128xi32, #tpu.memory_space<vmem>>) semaphore(%arg7 : memref<!tpu.dma_semaphore, #tpu.memory_space<semaphore_mem>>)
    %dma_start3A_22 = arith.constant 2 : i32
    %dma_start3A_23 = arith.constant 256 : i32
    %dma_start3A_24 = arith.constant 0 : i32
    %dma_start3A_25 = tpu.memref_slice %arg6[%dma_start3A_23, %dma_start3A_24] : memref<1664x16xf32, #tpu.memory_space<vmem>> -> memref<128x16xf32, #tpu.memory_space<vmem>>
    %dma_start3A_26 = arith.constant 0 : i32
    %dma_start3A_27 = tpu.memref_slice %arg5[%dma_start3A_22, %dma_start3A_26] : memref<52x128xi32, #tpu.memory_space<vmem>> -> memref<1x128xi32, #tpu.memory_space<vmem>>
    %dma_start3A_28 = tpu.memref_squeeze %dma_start3A_27 : memref<1x128xi32, #tpu.memory_space<vmem>> -> memref<128xi32, #tpu.memory_space<vmem>>
    %dma_start3A_29 = arith.constant 0 : i32
    %dma_start3A_30 = arith.constant 0 : i32
    %dma_start3A_31 = tpu.memref_slice %arg2[%dma_start3A_29, %dma_start3A_30] : memref<1040000x16xf32, #tpu.memory_space<hbm>> -> memref<1040000x16xf32, #tpu.memory_space<hbm>>
    tpu.enqueue_indirect_dma source(%dma_start3A_31 : memref<1040000x16xf32, #tpu.memory_space<hbm>>) target(%dma_start3A_25 : memref<128x16xf32, #tpu.memory_space<vmem>>) offsets(%dma_start3A_28 : memref<128xi32, #tpu.memory_space<vmem>>) semaphore(%arg7 : memref<!tpu.dma_semaphore, #tpu.memory_space<semaphore_mem>>)
    %dma_start3A_32 = arith.constant 3 : i32
    %dma_start3A_33 = arith.constant 384 : i32
    %dma_start3A_34 = arith.constant 0 : i32
    %dma_start3A_35 = tpu.memref_slice %arg6[%dma_start3A_33, %dma_start3A_34] : memref<1664x16xf32, #tpu.memory_space<vmem>> -> memref<128x16xf32, #tpu.memory_space<vmem>>
    %dma_start3A_36 = arith.constant 0 : i32
    %dma_start3A_37 = tpu.memref_slice %arg5[%dma_start3A_32, %dma_start3A_36] : memref<52x128xi32, #tpu.memory_space<vmem>> -> memref<1x128xi32, #tpu.memory_space<vmem>>
    %dma_start3A_38 = tpu.memref_squeeze %dma_start3A_37 : memref<1x128xi32, #tpu.memory_space<vmem>> -> memref<128xi32, #tpu.memory_space<vmem>>
    %dma_start3A_39 = arith.constant 0 : i32
    %dma_start3A_40 = arith.constant 0 : i32
    %dma_start3A_41 = tpu.memref_slice %arg2[%dma_start3A_39, %dma_start3A_40] : memref<1040000x16xf32, #tpu.memory_space<hbm>> -> memref<1040000x16xf32, #tpu.memory_space<hbm>>
    tpu.enqueue_indirect_dma source(%dma_start3A_41 : memref<1040000x16xf32, #tpu.memory_space<hbm>>) target(%dma_start3A_35 : memref<128x16xf32, #tpu.memory_space<vmem>>) offsets(%dma_start3A_38 : memref<128xi32, #tpu.memory_space<vmem>>) semaphore(%arg7 : memref<!tpu.dma_semaphore, #tpu.memory_space<semaphore_mem>>)
    %dma_start3A_42 = arith.constant 4 : i32
    %dma_start3A_43 = arith.constant 512 : i32
    %dma_start3A_44 = arith.constant 0 : i32
    %dma_start3A_45 = tpu.memref_slice %arg6[%dma_start3A_43, %dma_start3A_44] : memref<1664x16xf32, #tpu.memory_space<vmem>> -> memref<128x16xf32, #tpu.memory_space<vmem>>
    %dma_start3A_46 = arith.constant 0 : i32
    %dma_start3A_47 = tpu.memref_slice %arg5[%dma_start3A_42, %dma_start3A_46] : memref<52x128xi32, #tpu.memory_space<vmem>> -> memref<1x128xi32, #tpu.memory_space<vmem>>
    %dma_start3A_48 = tpu.memref_squeeze %dma_start3A_47 : memref<1x128xi32, #tpu.memory_space<vmem>> -> memref<128xi32, #tpu.memory_space<vmem>>
    %dma_start3A_49 = arith.constant 0 : i32
    %dma_start3A_50 = arith.constant 0 : i32
    %dma_start3A_51 = tpu.memref_slice %arg2[%dma_start3A_49, %dma_start3A_50] : memref<1040000x16xf32, #tpu.memory_space<hbm>> -> memref<1040000x16xf32, #tpu.memory_space<hbm>>
    tpu.enqueue_indirect_dma source(%dma_start3A_51 : memref<1040000x16xf32, #tpu.memory_space<hbm>>) target(%dma_start3A_45 : memref<128x16xf32, #tpu.memory_space<vmem>>) offsets(%dma_start3A_48 : memref<128xi32, #tpu.memory_space<vmem>>) semaphore(%arg7 : memref<!tpu.dma_semaphore, #tpu.memory_space<semaphore_mem>>)
    %dma_start3A_52 = arith.constant 5 : i32
    %dma_start3A_53 = arith.constant 640 : i32
    %dma_start3A_54 = arith.constant 0 : i32
    %dma_start3A_55 = tpu.memref_slice %arg6[%dma_start3A_53, %dma_start3A_54] : memref<1664x16xf32, #tpu.memory_space<vmem>> -> memref<128x16xf32, #tpu.memory_space<vmem>>
    %dma_start3A_56 = arith.constant 0 : i32
    %dma_start3A_57 = tpu.memref_slice %arg5[%dma_start3A_52, %dma_start3A_56] : memref<52x128xi32, #tpu.memory_space<vmem>> -> memref<1x128xi32, #tpu.memory_space<vmem>>
    %dma_start3A_58 = tpu.memref_squeeze %dma_start3A_57 : memref<1x128xi32, #tpu.memory_space<vmem>> -> memref<128xi32, #tpu.memory_space<vmem>>
    %dma_start3A_59 = arith.constant 0 : i32
    %dma_start3A_60 = arith.constant 0 : i32
    %dma_start3A_61 = tpu.memref_slice %arg2[%dma_start3A_59, %dma_start3A_60] : memref<1040000x16xf32, #tpu.memory_space<hbm>> -> memref<1040000x16xf32, #tpu.memory_space<hbm>>
    tpu.enqueue_indirect_dma source(%dma_start3A_61 : memref<1040000x16xf32, #tpu.memory_space<hbm>>) target(%dma_start3A_55 : memref<128x16xf32, #tpu.memory_space<vmem>>) offsets(%dma_start3A_58 : memref<128xi32, #tpu.memory_space<vmem>>) semaphore(%arg7 : memref<!tpu.dma_semaphore, #tpu.memory_space<semaphore_mem>>)
    %dma_start3A_62 = arith.constant 6 : i32
    %dma_start3A_63 = arith.constant 768 : i32
    %dma_start3A_64 = arith.constant 0 : i32
    %dma_start3A_65 = tpu.memref_slice %arg6[%dma_start3A_63, %dma_start3A_64] : memref<1664x16xf32, #tpu.memory_space<vmem>> -> memref<128x16xf32, #tpu.memory_space<vmem>>
    %dma_start3A_66 = arith.constant 0 : i32
    %dma_start3A_67 = tpu.memref_slice %arg5[%dma_start3A_62, %dma_start3A_66] : memref<52x128xi32, #tpu.memory_space<vmem>> -> memref<1x128xi32, #tpu.memory_space<vmem>>
    %dma_start3A_68 = tpu.memref_squeeze %dma_start3A_67 : memref<1x128xi32, #tpu.memory_space<vmem>> -> memref<128xi32, #tpu.memory_space<vmem>>
    %dma_start3A_69 = arith.constant 0 : i32
    %dma_start3A_70 = arith.constant 0 : i32
    %dma_start3A_71 = tpu.memref_slice %arg2[%dma_start3A_69, %dma_start3A_70] : memref<1040000x16xf32, #tpu.memory_space<hbm>> -> memref<1040000x16xf32, #tpu.memory_space<hbm>>
    tpu.enqueue_indirect_dma source(%dma_start3A_71 : memref<1040000x16xf32, #tpu.memory_space<hbm>>) target(%dma_start3A_65 : memref<128x16xf32, #tpu.memory_space<vmem>>) offsets(%dma_start3A_68 : memref<128xi32, #tpu.memory_space<vmem>>) semaphore(%arg7 : memref<!tpu.dma_semaphore, #tpu.memory_space<semaphore_mem>>)
    %dma_start3A_72 = arith.constant 7 : i32
    %dma_start3A_73 = arith.constant 896 : i32
    %dma_start3A_74 = arith.constant 0 : i32
    %dma_start3A_75 = tpu.memref_slice %arg6[%dma_start3A_73, %dma_start3A_74] : memref<1664x16xf32, #tpu.memory_space<vmem>> -> memref<128x16xf32, #tpu.memory_space<vmem>>
    %dma_start3A_76 = arith.constant 0 : i32
    %dma_start3A_77 = tpu.memref_slice %arg5[%dma_start3A_72, %dma_start3A_76] : memref<52x128xi32, #tpu.memory_space<vmem>> -> memref<1x128xi32, #tpu.memory_space<vmem>>
    %dma_start3A_78 = tpu.memref_squeeze %dma_start3A_77 : memref<1x128xi32, #tpu.memory_space<vmem>> -> memref<128xi32, #tpu.memory_space<vmem>>
    %dma_start3A_79 = arith.constant 0 : i32
    %dma_start3A_80 = arith.constant 0 : i32
    %dma_start3A_81 = tpu.memref_slice %arg2[%dma_start3A_79, %dma_start3A_80] : memref<1040000x16xf32, #tpu.memory_space<hbm>> -> memref<1040000x16xf32, #tpu.memory_space<hbm>>
    tpu.enqueue_indirect_dma source(%dma_start3A_81 : memref<1040000x16xf32, #tpu.memory_space<hbm>>) target(%dma_start3A_75 : memref<128x16xf32, #tpu.memory_space<vmem>>) offsets(%dma_start3A_78 : memref<128xi32, #tpu.memory_space<vmem>>) semaphore(%arg7 : memref<!tpu.dma_semaphore, #tpu.memory_space<semaphore_mem>>)
    %dma_start3A_82 = arith.constant 8 : i32
    %dma_start3A_83 = arith.constant 1024 : i32
    %dma_start3A_84 = arith.constant 0 : i32
    %dma_start3A_85 = tpu.memref_slice %arg6[%dma_start3A_83, %dma_start3A_84] : memref<1664x16xf32, #tpu.memory_space<vmem>> -> memref<128x16xf32, #tpu.memory_space<vmem>>
    %dma_start3A_86 = arith.constant 0 : i32
    %dma_start3A_87 = tpu.memref_slice %arg5[%dma_start3A_82, %dma_start3A_86] : memref<52x128xi32, #tpu.memory_space<vmem>> -> memref<1x128xi32, #tpu.memory_space<vmem>>
    %dma_start3A_88 = tpu.memref_squeeze %dma_start3A_87 : memref<1x128xi32, #tpu.memory_space<vmem>> -> memref<128xi32, #tpu.memory_space<vmem>>
    %dma_start3A_89 = arith.constant 0 : i32
    %dma_start3A_90 = arith.constant 0 : i32
    %dma_start3A_91 = tpu.memref_slice %arg2[%dma_start3A_89, %dma_start3A_90] : memref<1040000x16xf32, #tpu.memory_space<hbm>> -> memref<1040000x16xf32, #tpu.memory_space<hbm>>
    tpu.enqueue_indirect_dma source(%dma_start3A_91 : memref<1040000x16xf32, #tpu.memory_space<hbm>>) target(%dma_start3A_85 : memref<128x16xf32, #tpu.memory_space<vmem>>) offsets(%dma_start3A_88 : memref<128xi32, #tpu.memory_space<vmem>>) semaphore(%arg7 : memref<!tpu.dma_semaphore, #tpu.memory_space<semaphore_mem>>)
    %dma_start3A_92 = arith.constant 9 : i32
    %dma_start3A_93 = arith.constant 1152 : i32
    %dma_start3A_94 = arith.constant 0 : i32
    %dma_start3A_95 = tpu.memref_slice %arg6[%dma_start3A_93, %dma_start3A_94] : memref<1664x16xf32, #tpu.memory_space<vmem>> -> memref<128x16xf32, #tpu.memory_space<vmem>>
    %dma_start3A_96 = arith.constant 0 : i32
    %dma_start3A_97 = tpu.memref_slice %arg5[%dma_start3A_92, %dma_start3A_96] : memref<52x128xi32, #tpu.memory_space<vmem>> -> memref<1x128xi32, #tpu.memory_space<vmem>>
    %dma_start3A_98 = tpu.memref_squeeze %dma_start3A_97 : memref<1x128xi32, #tpu.memory_space<vmem>> -> memref<128xi32, #tpu.memory_space<vmem>>
    %dma_start3A_99 = arith.constant 0 : i32
    %dma_start3A_100 = arith.constant 0 : i32
    %dma_start3A_101 = tpu.memref_slice %arg2[%dma_start3A_99, %dma_start3A_100] : memref<1040000x16xf32, #tpu.memory_space<hbm>> -> memref<1040000x16xf32, #tpu.memory_space<hbm>>
    tpu.enqueue_indirect_dma source(%dma_start3A_101 : memref<1040000x16xf32, #tpu.memory_space<hbm>>) target(%dma_start3A_95 : memref<128x16xf32, #tpu.memory_space<vmem>>) offsets(%dma_start3A_98 : memref<128xi32, #tpu.memory_space<vmem>>) semaphore(%arg7 : memref<!tpu.dma_semaphore, #tpu.memory_space<semaphore_mem>>)
    %dma_start3A_102 = arith.constant 10 : i32
    %dma_start3A_103 = arith.constant 1280 : i32
    %dma_start3A_104 = arith.constant 0 : i32
    %dma_start3A_105 = tpu.memref_slice %arg6[%dma_start3A_103, %dma_start3A_104] : memref<1664x16xf32, #tpu.memory_space<vmem>> -> memref<128x16xf32, #tpu.memory_space<vmem>>
    %dma_start3A_106 = arith.constant 0 : i32
    %dma_start3A_107 = tpu.memref_slice %arg5[%dma_start3A_102, %dma_start3A_106] : memref<52x128xi32, #tpu.memory_space<vmem>> -> memref<1x128xi32, #tpu.memory_space<vmem>>
    %dma_start3A_108 = tpu.memref_squeeze %dma_start3A_107 : memref<1x128xi32, #tpu.memory_space<vmem>> -> memref<128xi32, #tpu.memory_space<vmem>>
    %dma_start3A_109 = arith.constant 0 : i32
    %dma_start3A_110 = arith.constant 0 : i32
    %dma_start3A_111 = tpu.memref_slice %arg2[%dma_start3A_109, %dma_start3A_110] : memref<1040000x16xf32, #tpu.memory_space<hbm>> -> memref<1040000x16xf32, #tpu.memory_space<hbm>>
    tpu.enqueue_indirect_dma source(%dma_start3A_111 : memref<1040000x16xf32, #tpu.memory_space<hbm>>) target(%dma_start3A_105 : memref<128x16xf32, #tpu.memory_space<vmem>>) offsets(%dma_start3A_108 : memref<128xi32, #tpu.memory_space<vmem>>) semaphore(%arg7 : memref<!tpu.dma_semaphore, #tpu.memory_space<semaphore_mem>>)
    %dma_start3A_112 = arith.constant 11 : i32
    %dma_start3A_113 = arith.constant 1408 : i32
    %dma_start3A_114 = arith.constant 0 : i32
    %dma_start3A_115 = tpu.memref_slice %arg6[%dma_start3A_113, %dma_start3A_114] : memref<1664x16xf32, #tpu.memory_space<vmem>> -> memref<128x16xf32, #tpu.memory_space<vmem>>
    %dma_start3A_116 = arith.constant 0 : i32
    %dma_start3A_117 = tpu.memref_slice %arg5[%dma_start3A_112, %dma_start3A_116] : memref<52x128xi32, #tpu.memory_space<vmem>> -> memref<1x128xi32, #tpu.memory_space<vmem>>
    %dma_start3A_118 = tpu.memref_squeeze %dma_start3A_117 : memref<1x128xi32, #tpu.memory_space<vmem>> -> memref<128xi32, #tpu.memory_space<vmem>>
    %dma_start3A_119 = arith.constant 0 : i32
    %dma_start3A_120 = arith.constant 0 : i32
    %dma_start3A_121 = tpu.memref_slice %arg2[%dma_start3A_119, %dma_start3A_120] : memref<1040000x16xf32, #tpu.memory_space<hbm>> -> memref<1040000x16xf32, #tpu.memory_space<hbm>>
    tpu.enqueue_indirect_dma source(%dma_start3A_121 : memref<1040000x16xf32, #tpu.memory_space<hbm>>) target(%dma_start3A_115 : memref<128x16xf32, #tpu.memory_space<vmem>>) offsets(%dma_start3A_118 : memref<128xi32, #tpu.memory_space<vmem>>) semaphore(%arg7 : memref<!tpu.dma_semaphore, #tpu.memory_space<semaphore_mem>>)
    %dma_start3A_122 = arith.constant 12 : i32
    %dma_start3A_123 = arith.constant 1536 : i32
    %dma_start3A_124 = arith.constant 0 : i32
    %dma_start3A_125 = tpu.memref_slice %arg6[%dma_start3A_123, %dma_start3A_124] : memref<1664x16xf32, #tpu.memory_space<vmem>> -> memref<128x16xf32, #tpu.memory_space<vmem>>
    %dma_start3A_126 = arith.constant 0 : i32
    %dma_start3A_127 = tpu.memref_slice %arg5[%dma_start3A_122, %dma_start3A_126] : memref<52x128xi32, #tpu.memory_space<vmem>> -> memref<1x128xi32, #tpu.memory_space<vmem>>
    %dma_start3A_128 = tpu.memref_squeeze %dma_start3A_127 : memref<1x128xi32, #tpu.memory_space<vmem>> -> memref<128xi32, #tpu.memory_space<vmem>>
    %dma_start3A_129 = arith.constant 0 : i32
    %dma_start3A_130 = arith.constant 0 : i32
    %dma_start3A_131 = tpu.memref_slice %arg2[%dma_start3A_129, %dma_start3A_130] : memref<1040000x16xf32, #tpu.memory_space<hbm>> -> memref<1040000x16xf32, #tpu.memory_space<hbm>>
    tpu.enqueue_indirect_dma source(%dma_start3A_131 : memref<1040000x16xf32, #tpu.memory_space<hbm>>) target(%dma_start3A_125 : memref<128x16xf32, #tpu.memory_space<vmem>>) offsets(%dma_start3A_128 : memref<128xi32, #tpu.memory_space<vmem>>) semaphore(%arg7 : memref<!tpu.dma_semaphore, #tpu.memory_space<semaphore_mem>>)
    %dma_wait3A = arith.constant 0 : i32
    %dma_wait3A_132 = arith.constant 0 : i32
    %dma_wait3A_133 = arith.constant 0 : i32
    %dma_wait3A_134 = tpu.memref_slice %arg6[%dma_wait3A_132, %dma_wait3A_133] : memref<1664x16xf32, #tpu.memory_space<vmem>> -> memref<128x16xf32, #tpu.memory_space<vmem>>
    %dma_wait3A_135 = arith.constant 0 : i32
    %dma_wait3A_136 = tpu.memref_slice %arg5[%dma_wait3A, %dma_wait3A_135] : memref<52x128xi32, #tpu.memory_space<vmem>> -> memref<1x128xi32, #tpu.memory_space<vmem>>
    %dma_wait3A_137 = tpu.memref_squeeze %dma_wait3A_136 : memref<1x128xi32, #tpu.memory_space<vmem>> -> memref<128xi32, #tpu.memory_space<vmem>>
    %dma_wait3A_138 = arith.constant 0 : i32
    %dma_wait3A_139 = arith.constant 0 : i32
    %dma_wait3A_140 = tpu.memref_slice %arg2[%dma_wait3A_138, %dma_wait3A_139] : memref<1040000x16xf32, #tpu.memory_space<hbm>> -> memref<1040000x16xf32, #tpu.memory_space<hbm>>
    tpu.wait_indirect_dma semaphore(%arg7 : memref<!tpu.dma_semaphore, #tpu.memory_space<semaphore_mem>>) src(%dma_wait3A_140 : memref<1040000x16xf32, #tpu.memory_space<hbm>>) dst(%dma_wait3A_134 : memref<128x16xf32, #tpu.memory_space<vmem>>)
    %dma_wait3A_141 = arith.constant 1 : i32
    %dma_wait3A_142 = arith.constant 128 : i32
    %dma_wait3A_143 = arith.constant 0 : i32
    %dma_wait3A_144 = tpu.memref_slice %arg6[%dma_wait3A_142, %dma_wait3A_143] : memref<1664x16xf32, #tpu.memory_space<vmem>> -> memref<128x16xf32, #tpu.memory_space<vmem>>
    %dma_wait3A_145 = arith.constant 0 : i32
    %dma_wait3A_146 = tpu.memref_slice %arg5[%dma_wait3A_141, %dma_wait3A_145] : memref<52x128xi32, #tpu.memory_space<vmem>> -> memref<1x128xi32, #tpu.memory_space<vmem>>
    %dma_wait3A_147 = tpu.memref_squeeze %dma_wait3A_146 : memref<1x128xi32, #tpu.memory_space<vmem>> -> memref<128xi32, #tpu.memory_space<vmem>>
    %dma_wait3A_148 = arith.constant 0 : i32
    %dma_wait3A_149 = arith.constant 0 : i32
    %dma_wait3A_150 = tpu.memref_slice %arg2[%dma_wait3A_148, %dma_wait3A_149] : memref<1040000x16xf32, #tpu.memory_space<hbm>> -> memref<1040000x16xf32, #tpu.memory_space<hbm>>
    tpu.wait_indirect_dma semaphore(%arg7 : memref<!tpu.dma_semaphore, #tpu.memory_space<semaphore_mem>>) src(%dma_wait3A_150 : memref<1040000x16xf32, #tpu.memory_space<hbm>>) dst(%dma_wait3A_144 : memref<128x16xf32, #tpu.memory_space<vmem>>)
    %dma_wait3A_151 = arith.constant 2 : i32
    %dma_wait3A_152 = arith.constant 256 : i32
    %dma_wait3A_153 = arith.constant 0 : i32
    %dma_wait3A_154 = tpu.memref_slice %arg6[%dma_wait3A_152, %dma_wait3A_153] : memref<1664x16xf32, #tpu.memory_space<vmem>> -> memref<128x16xf32, #tpu.memory_space<vmem>>
    %dma_wait3A_155 = arith.constant 0 : i32
    %dma_wait3A_156 = tpu.memref_slice %arg5[%dma_wait3A_151, %dma_wait3A_155] : memref<52x128xi32, #tpu.memory_space<vmem>> -> memref<1x128xi32, #tpu.memory_space<vmem>>
    %dma_wait3A_157 = tpu.memref_squeeze %dma_wait3A_156 : memref<1x128xi32, #tpu.memory_space<vmem>> -> memref<128xi32, #tpu.memory_space<vmem>>
    %dma_wait3A_158 = arith.constant 0 : i32
    %dma_wait3A_159 = arith.constant 0 : i32
    %dma_wait3A_160 = tpu.memref_slice %arg2[%dma_wait3A_158, %dma_wait3A_159] : memref<1040000x16xf32, #tpu.memory_space<hbm>> -> memref<1040000x16xf32, #tpu.memory_space<hbm>>
    tpu.wait_indirect_dma semaphore(%arg7 : memref<!tpu.dma_semaphore, #tpu.memory_space<semaphore_mem>>) src(%dma_wait3A_160 : memref<1040000x16xf32, #tpu.memory_space<hbm>>) dst(%dma_wait3A_154 : memref<128x16xf32, #tpu.memory_space<vmem>>)
    %dma_wait3A_161 = arith.constant 3 : i32
    %dma_wait3A_162 = arith.constant 384 : i32
    %dma_wait3A_163 = arith.constant 0 : i32
    %dma_wait3A_164 = tpu.memref_slice %arg6[%dma_wait3A_162, %dma_wait3A_163] : memref<1664x16xf32, #tpu.memory_space<vmem>> -> memref<128x16xf32, #tpu.memory_space<vmem>>
    %dma_wait3A_165 = arith.constant 0 : i32
    %dma_wait3A_166 = tpu.memref_slice %arg5[%dma_wait3A_161, %dma_wait3A_165] : memref<52x128xi32, #tpu.memory_space<vmem>> -> memref<1x128xi32, #tpu.memory_space<vmem>>
    %dma_wait3A_167 = tpu.memref_squeeze %dma_wait3A_166 : memref<1x128xi32, #tpu.memory_space<vmem>> -> memref<128xi32, #tpu.memory_space<vmem>>
    %dma_wait3A_168 = arith.constant 0 : i32
    %dma_wait3A_169 = arith.constant 0 : i32
    %dma_wait3A_170 = tpu.memref_slice %arg2[%dma_wait3A_168, %dma_wait3A_169] : memref<1040000x16xf32, #tpu.memory_space<hbm>> -> memref<1040000x16xf32, #tpu.memory_space<hbm>>
    tpu.wait_indirect_dma semaphore(%arg7 : memref<!tpu.dma_semaphore, #tpu.memory_space<semaphore_mem>>) src(%dma_wait3A_170 : memref<1040000x16xf32, #tpu.memory_space<hbm>>) dst(%dma_wait3A_164 : memref<128x16xf32, #tpu.memory_space<vmem>>)
    %dma_wait3A_171 = arith.constant 4 : i32
    %dma_wait3A_172 = arith.constant 512 : i32
    %dma_wait3A_173 = arith.constant 0 : i32
    %dma_wait3A_174 = tpu.memref_slice %arg6[%dma_wait3A_172, %dma_wait3A_173] : memref<1664x16xf32, #tpu.memory_space<vmem>> -> memref<128x16xf32, #tpu.memory_space<vmem>>
    %dma_wait3A_175 = arith.constant 0 : i32
    %dma_wait3A_176 = tpu.memref_slice %arg5[%dma_wait3A_171, %dma_wait3A_175] : memref<52x128xi32, #tpu.memory_space<vmem>> -> memref<1x128xi32, #tpu.memory_space<vmem>>
    %dma_wait3A_177 = tpu.memref_squeeze %dma_wait3A_176 : memref<1x128xi32, #tpu.memory_space<vmem>> -> memref<128xi32, #tpu.memory_space<vmem>>
    %dma_wait3A_178 = arith.constant 0 : i32
    %dma_wait3A_179 = arith.constant 0 : i32
    %dma_wait3A_180 = tpu.memref_slice %arg2[%dma_wait3A_178, %dma_wait3A_179] : memref<1040000x16xf32, #tpu.memory_space<hbm>> -> memref<1040000x16xf32, #tpu.memory_space<hbm>>
    tpu.wait_indirect_dma semaphore(%arg7 : memref<!tpu.dma_semaphore, #tpu.memory_space<semaphore_mem>>) src(%dma_wait3A_180 : memref<1040000x16xf32, #tpu.memory_space<hbm>>) dst(%dma_wait3A_174 : memref<128x16xf32, #tpu.memory_space<vmem>>)
    %dma_wait3A_181 = arith.constant 5 : i32
    %dma_wait3A_182 = arith.constant 640 : i32
    %dma_wait3A_183 = arith.constant 0 : i32
    %dma_wait3A_184 = tpu.memref_slice %arg6[%dma_wait3A_182, %dma_wait3A_183] : memref<1664x16xf32, #tpu.memory_space<vmem>> -> memref<128x16xf32, #tpu.memory_space<vmem>>
    %dma_wait3A_185 = arith.constant 0 : i32
    %dma_wait3A_186 = tpu.memref_slice %arg5[%dma_wait3A_181, %dma_wait3A_185] : memref<52x128xi32, #tpu.memory_space<vmem>> -> memref<1x128xi32, #tpu.memory_space<vmem>>
    %dma_wait3A_187 = tpu.memref_squeeze %dma_wait3A_186 : memref<1x128xi32, #tpu.memory_space<vmem>> -> memref<128xi32, #tpu.memory_space<vmem>>
    %dma_wait3A_188 = arith.constant 0 : i32
    %dma_wait3A_189 = arith.constant 0 : i32
    %dma_wait3A_190 = tpu.memref_slice %arg2[%dma_wait3A_188, %dma_wait3A_189] : memref<1040000x16xf32, #tpu.memory_space<hbm>> -> memref<1040000x16xf32, #tpu.memory_space<hbm>>
    tpu.wait_indirect_dma semaphore(%arg7 : memref<!tpu.dma_semaphore, #tpu.memory_space<semaphore_mem>>) src(%dma_wait3A_190 : memref<1040000x16xf32, #tpu.memory_space<hbm>>) dst(%dma_wait3A_184 : memref<128x16xf32, #tpu.memory_space<vmem>>)
    %dma_wait3A_191 = arith.constant 6 : i32
    %dma_wait3A_192 = arith.constant 768 : i32
    %dma_wait3A_193 = arith.constant 0 : i32
    %dma_wait3A_194 = tpu.memref_slice %arg6[%dma_wait3A_192, %dma_wait3A_193] : memref<1664x16xf32, #tpu.memory_space<vmem>> -> memref<128x16xf32, #tpu.memory_space<vmem>>
    %dma_wait3A_195 = arith.constant 0 : i32
    %dma_wait3A_196 = tpu.memref_slice %arg5[%dma_wait3A_191, %dma_wait3A_195] : memref<52x128xi32, #tpu.memory_space<vmem>> -> memref<1x128xi32, #tpu.memory_space<vmem>>
    %dma_wait3A_197 = tpu.memref_squeeze %dma_wait3A_196 : memref<1x128xi32, #tpu.memory_space<vmem>> -> memref<128xi32, #tpu.memory_space<vmem>>
    %dma_wait3A_198 = arith.constant 0 : i32
    %dma_wait3A_199 = arith.constant 0 : i32
    %dma_wait3A_200 = tpu.memref_slice %arg2[%dma_wait3A_198, %dma_wait3A_199] : memref<1040000x16xf32, #tpu.memory_space<hbm>> -> memref<1040000x16xf32, #tpu.memory_space<hbm>>
    tpu.wait_indirect_dma semaphore(%arg7 : memref<!tpu.dma_semaphore, #tpu.memory_space<semaphore_mem>>) src(%dma_wait3A_200 : memref<1040000x16xf32, #tpu.memory_space<hbm>>) dst(%dma_wait3A_194 : memref<128x16xf32, #tpu.memory_space<vmem>>)
    %dma_wait3A_201 = arith.constant 7 : i32
    %dma_wait3A_202 = arith.constant 896 : i32
    %dma_wait3A_203 = arith.constant 0 : i32
    %dma_wait3A_204 = tpu.memref_slice %arg6[%dma_wait3A_202, %dma_wait3A_203] : memref<1664x16xf32, #tpu.memory_space<vmem>> -> memref<128x16xf32, #tpu.memory_space<vmem>>
    %dma_wait3A_205 = arith.constant 0 : i32
    %dma_wait3A_206 = tpu.memref_slice %arg5[%dma_wait3A_201, %dma_wait3A_205] : memref<52x128xi32, #tpu.memory_space<vmem>> -> memref<1x128xi32, #tpu.memory_space<vmem>>
    %dma_wait3A_207 = tpu.memref_squeeze %dma_wait3A_206 : memref<1x128xi32, #tpu.memory_space<vmem>> -> memref<128xi32, #tpu.memory_space<vmem>>
    %dma_wait3A_208 = arith.constant 0 : i32
    %dma_wait3A_209 = arith.constant 0 : i32
    %dma_wait3A_210 = tpu.memref_slice %arg2[%dma_wait3A_208, %dma_wait3A_209] : memref<1040000x16xf32, #tpu.memory_space<hbm>> -> memref<1040000x16xf32, #tpu.memory_space<hbm>>
    tpu.wait_indirect_dma semaphore(%arg7 : memref<!tpu.dma_semaphore, #tpu.memory_space<semaphore_mem>>) src(%dma_wait3A_210 : memref<1040000x16xf32, #tpu.memory_space<hbm>>) dst(%dma_wait3A_204 : memref<128x16xf32, #tpu.memory_space<vmem>>)
    %dma_wait3A_211 = arith.constant 8 : i32
    %dma_wait3A_212 = arith.constant 1024 : i32
    %dma_wait3A_213 = arith.constant 0 : i32
    %dma_wait3A_214 = tpu.memref_slice %arg6[%dma_wait3A_212, %dma_wait3A_213] : memref<1664x16xf32, #tpu.memory_space<vmem>> -> memref<128x16xf32, #tpu.memory_space<vmem>>
    %dma_wait3A_215 = arith.constant 0 : i32
    %dma_wait3A_216 = tpu.memref_slice %arg5[%dma_wait3A_211, %dma_wait3A_215] : memref<52x128xi32, #tpu.memory_space<vmem>> -> memref<1x128xi32, #tpu.memory_space<vmem>>
    %dma_wait3A_217 = tpu.memref_squeeze %dma_wait3A_216 : memref<1x128xi32, #tpu.memory_space<vmem>> -> memref<128xi32, #tpu.memory_space<vmem>>
    %dma_wait3A_218 = arith.constant 0 : i32
    %dma_wait3A_219 = arith.constant 0 : i32
    %dma_wait3A_220 = tpu.memref_slice %arg2[%dma_wait3A_218, %dma_wait3A_219] : memref<1040000x16xf32, #tpu.memory_space<hbm>> -> memref<1040000x16xf32, #tpu.memory_space<hbm>>
    tpu.wait_indirect_dma semaphore(%arg7 : memref<!tpu.dma_semaphore, #tpu.memory_space<semaphore_mem>>) src(%dma_wait3A_220 : memref<1040000x16xf32, #tpu.memory_space<hbm>>) dst(%dma_wait3A_214 : memref<128x16xf32, #tpu.memory_space<vmem>>)
    %dma_wait3A_221 = arith.constant 9 : i32
    %dma_wait3A_222 = arith.constant 1152 : i32
    %dma_wait3A_223 = arith.constant 0 : i32
    %dma_wait3A_224 = tpu.memref_slice %arg6[%dma_wait3A_222, %dma_wait3A_223] : memref<1664x16xf32, #tpu.memory_space<vmem>> -> memref<128x16xf32, #tpu.memory_space<vmem>>
    %dma_wait3A_225 = arith.constant 0 : i32
    %dma_wait3A_226 = tpu.memref_slice %arg5[%dma_wait3A_221, %dma_wait3A_225] : memref<52x128xi32, #tpu.memory_space<vmem>> -> memref<1x128xi32, #tpu.memory_space<vmem>>
    %dma_wait3A_227 = tpu.memref_squeeze %dma_wait3A_226 : memref<1x128xi32, #tpu.memory_space<vmem>> -> memref<128xi32, #tpu.memory_space<vmem>>
    %dma_wait3A_228 = arith.constant 0 : i32
    %dma_wait3A_229 = arith.constant 0 : i32
    %dma_wait3A_230 = tpu.memref_slice %arg2[%dma_wait3A_228, %dma_wait3A_229] : memref<1040000x16xf32, #tpu.memory_space<hbm>> -> memref<1040000x16xf32, #tpu.memory_space<hbm>>
    tpu.wait_indirect_dma semaphore(%arg7 : memref<!tpu.dma_semaphore, #tpu.memory_space<semaphore_mem>>) src(%dma_wait3A_230 : memref<1040000x16xf32, #tpu.memory_space<hbm>>) dst(%dma_wait3A_224 : memref<128x16xf32, #tpu.memory_space<vmem>>)
    %dma_wait3A_231 = arith.constant 10 : i32
    %dma_wait3A_232 = arith.constant 1280 : i32
    %dma_wait3A_233 = arith.constant 0 : i32
    %dma_wait3A_234 = tpu.memref_slice %arg6[%dma_wait3A_232, %dma_wait3A_233] : memref<1664x16xf32, #tpu.memory_space<vmem>> -> memref<128x16xf32, #tpu.memory_space<vmem>>
    %dma_wait3A_235 = arith.constant 0 : i32
    %dma_wait3A_236 = tpu.memref_slice %arg5[%dma_wait3A_231, %dma_wait3A_235] : memref<52x128xi32, #tpu.memory_space<vmem>> -> memref<1x128xi32, #tpu.memory_space<vmem>>
    %dma_wait3A_237 = tpu.memref_squeeze %dma_wait3A_236 : memref<1x128xi32, #tpu.memory_space<vmem>> -> memref<128xi32, #tpu.memory_space<vmem>>
    %dma_wait3A_238 = arith.constant 0 : i32
    %dma_wait3A_239 = arith.constant 0 : i32
    %dma_wait3A_240 = tpu.memref_slice %arg2[%dma_wait3A_238, %dma_wait3A_239] : memref<1040000x16xf32, #tpu.memory_space<hbm>> -> memref<1040000x16xf32, #tpu.memory_space<hbm>>
    tpu.wait_indirect_dma semaphore(%arg7 : memref<!tpu.dma_semaphore, #tpu.memory_space<semaphore_mem>>) src(%dma_wait3A_240 : memref<1040000x16xf32, #tpu.memory_space<hbm>>) dst(%dma_wait3A_234 : memref<128x16xf32, #tpu.memory_space<vmem>>)
    %dma_wait3A_241 = arith.constant 11 : i32
    %dma_wait3A_242 = arith.constant 1408 : i32
    %dma_wait3A_243 = arith.constant 0 : i32
    %dma_wait3A_244 = tpu.memref_slice %arg6[%dma_wait3A_242, %dma_wait3A_243] : memref<1664x16xf32, #tpu.memory_space<vmem>> -> memref<128x16xf32, #tpu.memory_space<vmem>>
    %dma_wait3A_245 = arith.constant 0 : i32
    %dma_wait3A_246 = tpu.memref_slice %arg5[%dma_wait3A_241, %dma_wait3A_245] : memref<52x128xi32, #tpu.memory_space<vmem>> -> memref<1x128xi32, #tpu.memory_space<vmem>>
    %dma_wait3A_247 = tpu.memref_squeeze %dma_wait3A_246 : memref<1x128xi32, #tpu.memory_space<vmem>> -> memref<128xi32, #tpu.memory_space<vmem>>
    %dma_wait3A_248 = arith.constant 0 : i32
    %dma_wait3A_249 = arith.constant 0 : i32
    %dma_wait3A_250 = tpu.memref_slice %arg2[%dma_wait3A_248, %dma_wait3A_249] : memref<1040000x16xf32, #tpu.memory_space<hbm>> -> memref<1040000x16xf32, #tpu.memory_space<hbm>>
    tpu.wait_indirect_dma semaphore(%arg7 : memref<!tpu.dma_semaphore, #tpu.memory_space<semaphore_mem>>) src(%dma_wait3A_250 : memref<1040000x16xf32, #tpu.memory_space<hbm>>) dst(%dma_wait3A_244 : memref<128x16xf32, #tpu.memory_space<vmem>>)
    %dma_wait3A_251 = arith.constant 12 : i32
    %dma_wait3A_252 = arith.constant 1536 : i32
    %dma_wait3A_253 = arith.constant 0 : i32
    %dma_wait3A_254 = tpu.memref_slice %arg6[%dma_wait3A_252, %dma_wait3A_253] : memref<1664x16xf32, #tpu.memory_space<vmem>> -> memref<128x16xf32, #tpu.memory_space<vmem>>
    %dma_wait3A_255 = arith.constant 0 : i32
    %dma_wait3A_256 = tpu.memref_slice %arg5[%dma_wait3A_251, %dma_wait3A_255] : memref<52x128xi32, #tpu.memory_space<vmem>> -> memref<1x128xi32, #tpu.memory_space<vmem>>
    %dma_wait3A_257 = tpu.memref_squeeze %dma_wait3A_256 : memref<1x128xi32, #tpu.memory_space<vmem>> -> memref<128xi32, #tpu.memory_space<vmem>>
    %dma_wait3A_258 = arith.constant 0 : i32
    %dma_wait3A_259 = arith.constant 0 : i32
    %dma_wait3A_260 = tpu.memref_slice %arg2[%dma_wait3A_258, %dma_wait3A_259] : memref<1040000x16xf32, #tpu.memory_space<hbm>> -> memref<1040000x16xf32, #tpu.memory_space<hbm>>
    tpu.wait_indirect_dma semaphore(%arg7 : memref<!tpu.dma_semaphore, #tpu.memory_space<semaphore_mem>>) src(%dma_wait3A_260 : memref<1040000x16xf32, #tpu.memory_space<hbm>>) dst(%dma_wait3A_254 : memref<128x16xf32, #tpu.memory_space<vmem>>)
    %mul3A_261 = arith.constant 6656 : i32
    %mul3A_262 = arith.muli %add3A, %mul3A_261 : i32
    %add3A_263 = arith.constant 0 : i32
    %add3A_264 = arith.addi %mul3A_262, %add3A_263 : i32
    "tpu.region"() ({
      %run_scoped3A = tpu.sem_alloc : memref<!tpu.dma_semaphore, #tpu.memory_space<semaphore_mem>>
      %dma_start3A_1057 = arith.constant 0 : i32
      %dma_start3A_1058 = tpu.memref_slice %arg4[%add3A_264, %dma_start3A_1057] : memref<212992x16xf32, #tpu.memory_space<hbm>> -> memref<1664x16xf32, #tpu.memory_space<hbm>>
      %dma_start3A_1059 = arith.constant 0 : i32
      %dma_start3A_1060 = tpu.memref_slice %arg4[%add3A_264, %dma_start3A_1059] : memref<212992x16xf32, #tpu.memory_space<hbm>> -> memref<1664x16xf32, #tpu.memory_space<hbm>>
      tpu.enqueue_dma source(%arg6 : memref<1664x16xf32, #tpu.memory_space<vmem>>) target(%dma_start3A_1060 : memref<1664x16xf32, #tpu.memory_space<hbm>>) target_semaphore(%run_scoped3A : memref<!tpu.dma_semaphore, #tpu.memory_space<semaphore_mem>>)
      %dma_wait3A_1061 = arith.constant 0 : i32
      %dma_wait3A_1062 = tpu.memref_slice %arg4[%add3A_264, %dma_wait3A_1061] : memref<212992x16xf32, #tpu.memory_space<hbm>> -> memref<1664x16xf32, #tpu.memory_space<hbm>>
      %dma_wait3A_1063 = arith.constant 0 : i32
      %dma_wait3A_1064 = tpu.memref_slice %arg4[%add3A_264, %dma_wait3A_1063] : memref<212992x16xf32, #tpu.memory_space<hbm>> -> memref<1664x16xf32, #tpu.memory_space<hbm>>
      tpu.wait_dma2 semaphore(%run_scoped3A : memref<!tpu.dma_semaphore, #tpu.memory_space<semaphore_mem>>) src(%arg6 : memref<1664x16xf32, #tpu.memory_space<vmem>>) dst(%dma_wait3A_1064 : memref<1664x16xf32, #tpu.memory_space<hbm>>)
      tpu.yield
    }) : () -> ()
    %dma_start3A_265 = arith.constant 13 : i32
    %dma_start3A_266 = arith.constant 0 : i32
    %dma_start3A_267 = arith.constant 0 : i32
    %dma_start3A_268 = tpu.memref_slice %arg6[%dma_start3A_266, %dma_start3A_267] : memref<1664x16xf32, #tpu.memory_space<vmem>> -> memref<128x16xf32, #tpu.memory_space<vmem>>
    %dma_start3A_269 = arith.constant 0 : i32
    %dma_start3A_270 = tpu.memref_slice %arg5[%dma_start3A_265, %dma_start3A_269] : memref<52x128xi32, #tpu.memory_space<vmem>> -> memref<1x128xi32, #tpu.memory_space<vmem>>
    %dma_start3A_271 = tpu.memref_squeeze %dma_start3A_270 : memref<1x128xi32, #tpu.memory_space<vmem>> -> memref<128xi32, #tpu.memory_space<vmem>>
    %dma_start3A_272 = arith.constant 0 : i32
    %dma_start3A_273 = arith.constant 0 : i32
    %dma_start3A_274 = tpu.memref_slice %arg2[%dma_start3A_272, %dma_start3A_273] : memref<1040000x16xf32, #tpu.memory_space<hbm>> -> memref<1040000x16xf32, #tpu.memory_space<hbm>>
    tpu.enqueue_indirect_dma source(%dma_start3A_274 : memref<1040000x16xf32, #tpu.memory_space<hbm>>) target(%dma_start3A_268 : memref<128x16xf32, #tpu.memory_space<vmem>>) offsets(%dma_start3A_271 : memref<128xi32, #tpu.memory_space<vmem>>) semaphore(%arg7 : memref<!tpu.dma_semaphore, #tpu.memory_space<semaphore_mem>>)
    %dma_start3A_275 = arith.constant 14 : i32
    %dma_start3A_276 = arith.constant 128 : i32
    %dma_start3A_277 = arith.constant 0 : i32
    %dma_start3A_278 = tpu.memref_slice %arg6[%dma_start3A_276, %dma_start3A_277] : memref<1664x16xf32, #tpu.memory_space<vmem>> -> memref<128x16xf32, #tpu.memory_space<vmem>>
    %dma_start3A_279 = arith.constant 0 : i32
    %dma_start3A_280 = tpu.memref_slice %arg5[%dma_start3A_275, %dma_start3A_279] : memref<52x128xi32, #tpu.memory_space<vmem>> -> memref<1x128xi32, #tpu.memory_space<vmem>>
    %dma_start3A_281 = tpu.memref_squeeze %dma_start3A_280 : memref<1x128xi32, #tpu.memory_space<vmem>> -> memref<128xi32, #tpu.memory_space<vmem>>
    %dma_start3A_282 = arith.constant 0 : i32
    %dma_start3A_283 = arith.constant 0 : i32
    %dma_start3A_284 = tpu.memref_slice %arg2[%dma_start3A_282, %dma_start3A_283] : memref<1040000x16xf32, #tpu.memory_space<hbm>> -> memref<1040000x16xf32, #tpu.memory_space<hbm>>
    tpu.enqueue_indirect_dma source(%dma_start3A_284 : memref<1040000x16xf32, #tpu.memory_space<hbm>>) target(%dma_start3A_278 : memref<128x16xf32, #tpu.memory_space<vmem>>) offsets(%dma_start3A_281 : memref<128xi32, #tpu.memory_space<vmem>>) semaphore(%arg7 : memref<!tpu.dma_semaphore, #tpu.memory_space<semaphore_mem>>)
    %dma_start3A_285 = arith.constant 15 : i32
    %dma_start3A_286 = arith.constant 256 : i32
    %dma_start3A_287 = arith.constant 0 : i32
    %dma_start3A_288 = tpu.memref_slice %arg6[%dma_start3A_286, %dma_start3A_287] : memref<1664x16xf32, #tpu.memory_space<vmem>> -> memref<128x16xf32, #tpu.memory_space<vmem>>
    %dma_start3A_289 = arith.constant 0 : i32
    %dma_start3A_290 = tpu.memref_slice %arg5[%dma_start3A_285, %dma_start3A_289] : memref<52x128xi32, #tpu.memory_space<vmem>> -> memref<1x128xi32, #tpu.memory_space<vmem>>
    %dma_start3A_291 = tpu.memref_squeeze %dma_start3A_290 : memref<1x128xi32, #tpu.memory_space<vmem>> -> memref<128xi32, #tpu.memory_space<vmem>>
    %dma_start3A_292 = arith.constant 0 : i32
    %dma_start3A_293 = arith.constant 0 : i32
    %dma_start3A_294 = tpu.memref_slice %arg2[%dma_start3A_292, %dma_start3A_293] : memref<1040000x16xf32, #tpu.memory_space<hbm>> -> memref<1040000x16xf32, #tpu.memory_space<hbm>>
    tpu.enqueue_indirect_dma source(%dma_start3A_294 : memref<1040000x16xf32, #tpu.memory_space<hbm>>) target(%dma_start3A_288 : memref<128x16xf32, #tpu.memory_space<vmem>>) offsets(%dma_start3A_291 : memref<128xi32, #tpu.memory_space<vmem>>) semaphore(%arg7 : memref<!tpu.dma_semaphore, #tpu.memory_space<semaphore_mem>>)
    %dma_start3A_295 = arith.constant 16 : i32
    %dma_start3A_296 = arith.constant 384 : i32
    %dma_start3A_297 = arith.constant 0 : i32
    %dma_start3A_298 = tpu.memref_slice %arg6[%dma_start3A_296, %dma_start3A_297] : memref<1664x16xf32, #tpu.memory_space<vmem>> -> memref<128x16xf32, #tpu.memory_space<vmem>>
    %dma_start3A_299 = arith.constant 0 : i32
    %dma_start3A_300 = tpu.memref_slice %arg5[%dma_start3A_295, %dma_start3A_299] : memref<52x128xi32, #tpu.memory_space<vmem>> -> memref<1x128xi32, #tpu.memory_space<vmem>>
    %dma_start3A_301 = tpu.memref_squeeze %dma_start3A_300 : memref<1x128xi32, #tpu.memory_space<vmem>> -> memref<128xi32, #tpu.memory_space<vmem>>
    %dma_start3A_302 = arith.constant 0 : i32
    %dma_start3A_303 = arith.constant 0 : i32
    %dma_start3A_304 = tpu.memref_slice %arg2[%dma_start3A_302, %dma_start3A_303] : memref<1040000x16xf32, #tpu.memory_space<hbm>> -> memref<1040000x16xf32, #tpu.memory_space<hbm>>
    tpu.enqueue_indirect_dma source(%dma_start3A_304 : memref<1040000x16xf32, #tpu.memory_space<hbm>>) target(%dma_start3A_298 : memref<128x16xf32, #tpu.memory_space<vmem>>) offsets(%dma_start3A_301 : memref<128xi32, #tpu.memory_space<vmem>>) semaphore(%arg7 : memref<!tpu.dma_semaphore, #tpu.memory_space<semaphore_mem>>)
    %dma_start3A_305 = arith.constant 17 : i32
    %dma_start3A_306 = arith.constant 512 : i32
    %dma_start3A_307 = arith.constant 0 : i32
    %dma_start3A_308 = tpu.memref_slice %arg6[%dma_start3A_306, %dma_start3A_307] : memref<1664x16xf32, #tpu.memory_space<vmem>> -> memref<128x16xf32, #tpu.memory_space<vmem>>
    %dma_start3A_309 = arith.constant 0 : i32
    %dma_start3A_310 = tpu.memref_slice %arg5[%dma_start3A_305, %dma_start3A_309] : memref<52x128xi32, #tpu.memory_space<vmem>> -> memref<1x128xi32, #tpu.memory_space<vmem>>
    %dma_start3A_311 = tpu.memref_squeeze %dma_start3A_310 : memref<1x128xi32, #tpu.memory_space<vmem>> -> memref<128xi32, #tpu.memory_space<vmem>>
    %dma_start3A_312 = arith.constant 0 : i32
    %dma_start3A_313 = arith.constant 0 : i32
    %dma_start3A_314 = tpu.memref_slice %arg2[%dma_start3A_312, %dma_start3A_313] : memref<1040000x16xf32, #tpu.memory_space<hbm>> -> memref<1040000x16xf32, #tpu.memory_space<hbm>>
    tpu.enqueue_indirect_dma source(%dma_start3A_314 : memref<1040000x16xf32, #tpu.memory_space<hbm>>) target(%dma_start3A_308 : memref<128x16xf32, #tpu.memory_space<vmem>>) offsets(%dma_start3A_311 : memref<128xi32, #tpu.memory_space<vmem>>) semaphore(%arg7 : memref<!tpu.dma_semaphore, #tpu.memory_space<semaphore_mem>>)
    %dma_start3A_315 = arith.constant 18 : i32
    %dma_start3A_316 = arith.constant 640 : i32
    %dma_start3A_317 = arith.constant 0 : i32
    %dma_start3A_318 = tpu.memref_slice %arg6[%dma_start3A_316, %dma_start3A_317] : memref<1664x16xf32, #tpu.memory_space<vmem>> -> memref<128x16xf32, #tpu.memory_space<vmem>>
    %dma_start3A_319 = arith.constant 0 : i32
    %dma_start3A_320 = tpu.memref_slice %arg5[%dma_start3A_315, %dma_start3A_319] : memref<52x128xi32, #tpu.memory_space<vmem>> -> memref<1x128xi32, #tpu.memory_space<vmem>>
    %dma_start3A_321 = tpu.memref_squeeze %dma_start3A_320 : memref<1x128xi32, #tpu.memory_space<vmem>> -> memref<128xi32, #tpu.memory_space<vmem>>
    %dma_start3A_322 = arith.constant 0 : i32
    %dma_start3A_323 = arith.constant 0 : i32
    %dma_start3A_324 = tpu.memref_slice %arg2[%dma_start3A_322, %dma_start3A_323] : memref<1040000x16xf32, #tpu.memory_space<hbm>> -> memref<1040000x16xf32, #tpu.memory_space<hbm>>
    tpu.enqueue_indirect_dma source(%dma_start3A_324 : memref<1040000x16xf32, #tpu.memory_space<hbm>>) target(%dma_start3A_318 : memref<128x16xf32, #tpu.memory_space<vmem>>) offsets(%dma_start3A_321 : memref<128xi32, #tpu.memory_space<vmem>>) semaphore(%arg7 : memref<!tpu.dma_semaphore, #tpu.memory_space<semaphore_mem>>)
    %dma_start3A_325 = arith.constant 19 : i32
    %dma_start3A_326 = arith.constant 768 : i32
    %dma_start3A_327 = arith.constant 0 : i32
    %dma_start3A_328 = tpu.memref_slice %arg6[%dma_start3A_326, %dma_start3A_327] : memref<1664x16xf32, #tpu.memory_space<vmem>> -> memref<128x16xf32, #tpu.memory_space<vmem>>
    %dma_start3A_329 = arith.constant 0 : i32
    %dma_start3A_330 = tpu.memref_slice %arg5[%dma_start3A_325, %dma_start3A_329] : memref<52x128xi32, #tpu.memory_space<vmem>> -> memref<1x128xi32, #tpu.memory_space<vmem>>
    %dma_start3A_331 = tpu.memref_squeeze %dma_start3A_330 : memref<1x128xi32, #tpu.memory_space<vmem>> -> memref<128xi32, #tpu.memory_space<vmem>>
    %dma_start3A_332 = arith.constant 0 : i32
    %dma_start3A_333 = arith.constant 0 : i32
    %dma_start3A_334 = tpu.memref_slice %arg2[%dma_start3A_332, %dma_start3A_333] : memref<1040000x16xf32, #tpu.memory_space<hbm>> -> memref<1040000x16xf32, #tpu.memory_space<hbm>>
    tpu.enqueue_indirect_dma source(%dma_start3A_334 : memref<1040000x16xf32, #tpu.memory_space<hbm>>) target(%dma_start3A_328 : memref<128x16xf32, #tpu.memory_space<vmem>>) offsets(%dma_start3A_331 : memref<128xi32, #tpu.memory_space<vmem>>) semaphore(%arg7 : memref<!tpu.dma_semaphore, #tpu.memory_space<semaphore_mem>>)
    %dma_start3A_335 = arith.constant 20 : i32
    %dma_start3A_336 = arith.constant 896 : i32
    %dma_start3A_337 = arith.constant 0 : i32
    %dma_start3A_338 = tpu.memref_slice %arg6[%dma_start3A_336, %dma_start3A_337] : memref<1664x16xf32, #tpu.memory_space<vmem>> -> memref<128x16xf32, #tpu.memory_space<vmem>>
    %dma_start3A_339 = arith.constant 0 : i32
    %dma_start3A_340 = tpu.memref_slice %arg5[%dma_start3A_335, %dma_start3A_339] : memref<52x128xi32, #tpu.memory_space<vmem>> -> memref<1x128xi32, #tpu.memory_space<vmem>>
    %dma_start3A_341 = tpu.memref_squeeze %dma_start3A_340 : memref<1x128xi32, #tpu.memory_space<vmem>> -> memref<128xi32, #tpu.memory_space<vmem>>
    %dma_start3A_342 = arith.constant 0 : i32
    %dma_start3A_343 = arith.constant 0 : i32
    %dma_start3A_344 = tpu.memref_slice %arg2[%dma_start3A_342, %dma_start3A_343] : memref<1040000x16xf32, #tpu.memory_space<hbm>> -> memref<1040000x16xf32, #tpu.memory_space<hbm>>
    tpu.enqueue_indirect_dma source(%dma_start3A_344 : memref<1040000x16xf32, #tpu.memory_space<hbm>>) target(%dma_start3A_338 : memref<128x16xf32, #tpu.memory_space<vmem>>) offsets(%dma_start3A_341 : memref<128xi32, #tpu.memory_space<vmem>>) semaphore(%arg7 : memref<!tpu.dma_semaphore, #tpu.memory_space<semaphore_mem>>)
    %dma_start3A_345 = arith.constant 21 : i32
    %dma_start3A_346 = arith.constant 1024 : i32
    %dma_start3A_347 = arith.constant 0 : i32
    %dma_start3A_348 = tpu.memref_slice %arg6[%dma_start3A_346, %dma_start3A_347] : memref<1664x16xf32, #tpu.memory_space<vmem>> -> memref<128x16xf32, #tpu.memory_space<vmem>>
    %dma_start3A_349 = arith.constant 0 : i32
    %dma_start3A_350 = tpu.memref_slice %arg5[%dma_start3A_345, %dma_start3A_349] : memref<52x128xi32, #tpu.memory_space<vmem>> -> memref<1x128xi32, #tpu.memory_space<vmem>>
    %dma_start3A_351 = tpu.memref_squeeze %dma_start3A_350 : memref<1x128xi32, #tpu.memory_space<vmem>> -> memref<128xi32, #tpu.memory_space<vmem>>
    %dma_start3A_352 = arith.constant 0 : i32
    %dma_start3A_353 = arith.constant 0 : i32
    %dma_start3A_354 = tpu.memref_slice %arg2[%dma_start3A_352, %dma_start3A_353] : memref<1040000x16xf32, #tpu.memory_space<hbm>> -> memref<1040000x16xf32, #tpu.memory_space<hbm>>
    tpu.enqueue_indirect_dma source(%dma_start3A_354 : memref<1040000x16xf32, #tpu.memory_space<hbm>>) target(%dma_start3A_348 : memref<128x16xf32, #tpu.memory_space<vmem>>) offsets(%dma_start3A_351 : memref<128xi32, #tpu.memory_space<vmem>>) semaphore(%arg7 : memref<!tpu.dma_semaphore, #tpu.memory_space<semaphore_mem>>)
    %dma_start3A_355 = arith.constant 22 : i32
    %dma_start3A_356 = arith.constant 1152 : i32
    %dma_start3A_357 = arith.constant 0 : i32
    %dma_start3A_358 = tpu.memref_slice %arg6[%dma_start3A_356, %dma_start3A_357] : memref<1664x16xf32, #tpu.memory_space<vmem>> -> memref<128x16xf32, #tpu.memory_space<vmem>>
    %dma_start3A_359 = arith.constant 0 : i32
    %dma_start3A_360 = tpu.memref_slice %arg5[%dma_start3A_355, %dma_start3A_359] : memref<52x128xi32, #tpu.memory_space<vmem>> -> memref<1x128xi32, #tpu.memory_space<vmem>>
    %dma_start3A_361 = tpu.memref_squeeze %dma_start3A_360 : memref<1x128xi32, #tpu.memory_space<vmem>> -> memref<128xi32, #tpu.memory_space<vmem>>
    %dma_start3A_362 = arith.constant 0 : i32
    %dma_start3A_363 = arith.constant 0 : i32
    %dma_start3A_364 = tpu.memref_slice %arg2[%dma_start3A_362, %dma_start3A_363] : memref<1040000x16xf32, #tpu.memory_space<hbm>> -> memref<1040000x16xf32, #tpu.memory_space<hbm>>
    tpu.enqueue_indirect_dma source(%dma_start3A_364 : memref<1040000x16xf32, #tpu.memory_space<hbm>>) target(%dma_start3A_358 : memref<128x16xf32, #tpu.memory_space<vmem>>) offsets(%dma_start3A_361 : memref<128xi32, #tpu.memory_space<vmem>>) semaphore(%arg7 : memref<!tpu.dma_semaphore, #tpu.memory_space<semaphore_mem>>)
    %dma_start3A_365 = arith.constant 23 : i32
    %dma_start3A_366 = arith.constant 1280 : i32
    %dma_start3A_367 = arith.constant 0 : i32
    %dma_start3A_368 = tpu.memref_slice %arg6[%dma_start3A_366, %dma_start3A_367] : memref<1664x16xf32, #tpu.memory_space<vmem>> -> memref<128x16xf32, #tpu.memory_space<vmem>>
    %dma_start3A_369 = arith.constant 0 : i32
    %dma_start3A_370 = tpu.memref_slice %arg5[%dma_start3A_365, %dma_start3A_369] : memref<52x128xi32, #tpu.memory_space<vmem>> -> memref<1x128xi32, #tpu.memory_space<vmem>>
    %dma_start3A_371 = tpu.memref_squeeze %dma_start3A_370 : memref<1x128xi32, #tpu.memory_space<vmem>> -> memref<128xi32, #tpu.memory_space<vmem>>
    %dma_start3A_372 = arith.constant 0 : i32
    %dma_start3A_373 = arith.constant 0 : i32
    %dma_start3A_374 = tpu.memref_slice %arg2[%dma_start3A_372, %dma_start3A_373] : memref<1040000x16xf32, #tpu.memory_space<hbm>> -> memref<1040000x16xf32, #tpu.memory_space<hbm>>
    tpu.enqueue_indirect_dma source(%dma_start3A_374 : memref<1040000x16xf32, #tpu.memory_space<hbm>>) target(%dma_start3A_368 : memref<128x16xf32, #tpu.memory_space<vmem>>) offsets(%dma_start3A_371 : memref<128xi32, #tpu.memory_space<vmem>>) semaphore(%arg7 : memref<!tpu.dma_semaphore, #tpu.memory_space<semaphore_mem>>)
    %dma_start3A_375 = arith.constant 24 : i32
    %dma_start3A_376 = arith.constant 1408 : i32
    %dma_start3A_377 = arith.constant 0 : i32
    %dma_start3A_378 = tpu.memref_slice %arg6[%dma_start3A_376, %dma_start3A_377] : memref<1664x16xf32, #tpu.memory_space<vmem>> -> memref<128x16xf32, #tpu.memory_space<vmem>>
    %dma_start3A_379 = arith.constant 0 : i32
    %dma_start3A_380 = tpu.memref_slice %arg5[%dma_start3A_375, %dma_start3A_379] : memref<52x128xi32, #tpu.memory_space<vmem>> -> memref<1x128xi32, #tpu.memory_space<vmem>>
    %dma_start3A_381 = tpu.memref_squeeze %dma_start3A_380 : memref<1x128xi32, #tpu.memory_space<vmem>> -> memref<128xi32, #tpu.memory_space<vmem>>
    %dma_start3A_382 = arith.constant 0 : i32
    %dma_start3A_383 = arith.constant 0 : i32
    %dma_start3A_384 = tpu.memref_slice %arg2[%dma_start3A_382, %dma_start3A_383] : memref<1040000x16xf32, #tpu.memory_space<hbm>> -> memref<1040000x16xf32, #tpu.memory_space<hbm>>
    tpu.enqueue_indirect_dma source(%dma_start3A_384 : memref<1040000x16xf32, #tpu.memory_space<hbm>>) target(%dma_start3A_378 : memref<128x16xf32, #tpu.memory_space<vmem>>) offsets(%dma_start3A_381 : memref<128xi32, #tpu.memory_space<vmem>>) semaphore(%arg7 : memref<!tpu.dma_semaphore, #tpu.memory_space<semaphore_mem>>)
    %dma_start3A_385 = arith.constant 25 : i32
    %dma_start3A_386 = arith.constant 1536 : i32
    %dma_start3A_387 = arith.constant 0 : i32
    %dma_start3A_388 = tpu.memref_slice %arg6[%dma_start3A_386, %dma_start3A_387] : memref<1664x16xf32, #tpu.memory_space<vmem>> -> memref<128x16xf32, #tpu.memory_space<vmem>>
    %dma_start3A_389 = arith.constant 0 : i32
    %dma_start3A_390 = tpu.memref_slice %arg5[%dma_start3A_385, %dma_start3A_389] : memref<52x128xi32, #tpu.memory_space<vmem>> -> memref<1x128xi32, #tpu.memory_space<vmem>>
    %dma_start3A_391 = tpu.memref_squeeze %dma_start3A_390 : memref<1x128xi32, #tpu.memory_space<vmem>> -> memref<128xi32, #tpu.memory_space<vmem>>
    %dma_start3A_392 = arith.constant 0 : i32
    %dma_start3A_393 = arith.constant 0 : i32
    %dma_start3A_394 = tpu.memref_slice %arg2[%dma_start3A_392, %dma_start3A_393] : memref<1040000x16xf32, #tpu.memory_space<hbm>> -> memref<1040000x16xf32, #tpu.memory_space<hbm>>
    tpu.enqueue_indirect_dma source(%dma_start3A_394 : memref<1040000x16xf32, #tpu.memory_space<hbm>>) target(%dma_start3A_388 : memref<128x16xf32, #tpu.memory_space<vmem>>) offsets(%dma_start3A_391 : memref<128xi32, #tpu.memory_space<vmem>>) semaphore(%arg7 : memref<!tpu.dma_semaphore, #tpu.memory_space<semaphore_mem>>)
    %dma_wait3A_395 = arith.constant 13 : i32
    %dma_wait3A_396 = arith.constant 0 : i32
    %dma_wait3A_397 = arith.constant 0 : i32
    %dma_wait3A_398 = tpu.memref_slice %arg6[%dma_wait3A_396, %dma_wait3A_397] : memref<1664x16xf32, #tpu.memory_space<vmem>> -> memref<128x16xf32, #tpu.memory_space<vmem>>
    %dma_wait3A_399 = arith.constant 0 : i32
    %dma_wait3A_400 = tpu.memref_slice %arg5[%dma_wait3A_395, %dma_wait3A_399] : memref<52x128xi32, #tpu.memory_space<vmem>> -> memref<1x128xi32, #tpu.memory_space<vmem>>
    %dma_wait3A_401 = tpu.memref_squeeze %dma_wait3A_400 : memref<1x128xi32, #tpu.memory_space<vmem>> -> memref<128xi32, #tpu.memory_space<vmem>>
    %dma_wait3A_402 = arith.constant 0 : i32
    %dma_wait3A_403 = arith.constant 0 : i32
    %dma_wait3A_404 = tpu.memref_slice %arg2[%dma_wait3A_402, %dma_wait3A_403] : memref<1040000x16xf32, #tpu.memory_space<hbm>> -> memref<1040000x16xf32, #tpu.memory_space<hbm>>
    tpu.wait_indirect_dma semaphore(%arg7 : memref<!tpu.dma_semaphore, #tpu.memory_space<semaphore_mem>>) src(%dma_wait3A_404 : memref<1040000x16xf32, #tpu.memory_space<hbm>>) dst(%dma_wait3A_398 : memref<128x16xf32, #tpu.memory_space<vmem>>)
    %dma_wait3A_405 = arith.constant 14 : i32
    %dma_wait3A_406 = arith.constant 128 : i32
    %dma_wait3A_407 = arith.constant 0 : i32
    %dma_wait3A_408 = tpu.memref_slice %arg6[%dma_wait3A_406, %dma_wait3A_407] : memref<1664x16xf32, #tpu.memory_space<vmem>> -> memref<128x16xf32, #tpu.memory_space<vmem>>
    %dma_wait3A_409 = arith.constant 0 : i32
    %dma_wait3A_410 = tpu.memref_slice %arg5[%dma_wait3A_405, %dma_wait3A_409] : memref<52x128xi32, #tpu.memory_space<vmem>> -> memref<1x128xi32, #tpu.memory_space<vmem>>
    %dma_wait3A_411 = tpu.memref_squeeze %dma_wait3A_410 : memref<1x128xi32, #tpu.memory_space<vmem>> -> memref<128xi32, #tpu.memory_space<vmem>>
    %dma_wait3A_412 = arith.constant 0 : i32
    %dma_wait3A_413 = arith.constant 0 : i32
    %dma_wait3A_414 = tpu.memref_slice %arg2[%dma_wait3A_412, %dma_wait3A_413] : memref<1040000x16xf32, #tpu.memory_space<hbm>> -> memref<1040000x16xf32, #tpu.memory_space<hbm>>
    tpu.wait_indirect_dma semaphore(%arg7 : memref<!tpu.dma_semaphore, #tpu.memory_space<semaphore_mem>>) src(%dma_wait3A_414 : memref<1040000x16xf32, #tpu.memory_space<hbm>>) dst(%dma_wait3A_408 : memref<128x16xf32, #tpu.memory_space<vmem>>)
    %dma_wait3A_415 = arith.constant 15 : i32
    %dma_wait3A_416 = arith.constant 256 : i32
    %dma_wait3A_417 = arith.constant 0 : i32
    %dma_wait3A_418 = tpu.memref_slice %arg6[%dma_wait3A_416, %dma_wait3A_417] : memref<1664x16xf32, #tpu.memory_space<vmem>> -> memref<128x16xf32, #tpu.memory_space<vmem>>
    %dma_wait3A_419 = arith.constant 0 : i32
    %dma_wait3A_420 = tpu.memref_slice %arg5[%dma_wait3A_415, %dma_wait3A_419] : memref<52x128xi32, #tpu.memory_space<vmem>> -> memref<1x128xi32, #tpu.memory_space<vmem>>
    %dma_wait3A_421 = tpu.memref_squeeze %dma_wait3A_420 : memref<1x128xi32, #tpu.memory_space<vmem>> -> memref<128xi32, #tpu.memory_space<vmem>>
    %dma_wait3A_422 = arith.constant 0 : i32
    %dma_wait3A_423 = arith.constant 0 : i32
    %dma_wait3A_424 = tpu.memref_slice %arg2[%dma_wait3A_422, %dma_wait3A_423] : memref<1040000x16xf32, #tpu.memory_space<hbm>> -> memref<1040000x16xf32, #tpu.memory_space<hbm>>
    tpu.wait_indirect_dma semaphore(%arg7 : memref<!tpu.dma_semaphore, #tpu.memory_space<semaphore_mem>>) src(%dma_wait3A_424 : memref<1040000x16xf32, #tpu.memory_space<hbm>>) dst(%dma_wait3A_418 : memref<128x16xf32, #tpu.memory_space<vmem>>)
    %dma_wait3A_425 = arith.constant 16 : i32
    %dma_wait3A_426 = arith.constant 384 : i32
    %dma_wait3A_427 = arith.constant 0 : i32
    %dma_wait3A_428 = tpu.memref_slice %arg6[%dma_wait3A_426, %dma_wait3A_427] : memref<1664x16xf32, #tpu.memory_space<vmem>> -> memref<128x16xf32, #tpu.memory_space<vmem>>
    %dma_wait3A_429 = arith.constant 0 : i32
    %dma_wait3A_430 = tpu.memref_slice %arg5[%dma_wait3A_425, %dma_wait3A_429] : memref<52x128xi32, #tpu.memory_space<vmem>> -> memref<1x128xi32, #tpu.memory_space<vmem>>
    %dma_wait3A_431 = tpu.memref_squeeze %dma_wait3A_430 : memref<1x128xi32, #tpu.memory_space<vmem>> -> memref<128xi32, #tpu.memory_space<vmem>>
    %dma_wait3A_432 = arith.constant 0 : i32
    %dma_wait3A_433 = arith.constant 0 : i32
    %dma_wait3A_434 = tpu.memref_slice %arg2[%dma_wait3A_432, %dma_wait3A_433] : memref<1040000x16xf32, #tpu.memory_space<hbm>> -> memref<1040000x16xf32, #tpu.memory_space<hbm>>
    tpu.wait_indirect_dma semaphore(%arg7 : memref<!tpu.dma_semaphore, #tpu.memory_space<semaphore_mem>>) src(%dma_wait3A_434 : memref<1040000x16xf32, #tpu.memory_space<hbm>>) dst(%dma_wait3A_428 : memref<128x16xf32, #tpu.memory_space<vmem>>)
    %dma_wait3A_435 = arith.constant 17 : i32
    %dma_wait3A_436 = arith.constant 512 : i32
    %dma_wait3A_437 = arith.constant 0 : i32
    %dma_wait3A_438 = tpu.memref_slice %arg6[%dma_wait3A_436, %dma_wait3A_437] : memref<1664x16xf32, #tpu.memory_space<vmem>> -> memref<128x16xf32, #tpu.memory_space<vmem>>
    %dma_wait3A_439 = arith.constant 0 : i32
    %dma_wait3A_440 = tpu.memref_slice %arg5[%dma_wait3A_435, %dma_wait3A_439] : memref<52x128xi32, #tpu.memory_space<vmem>> -> memref<1x128xi32, #tpu.memory_space<vmem>>
    %dma_wait3A_441 = tpu.memref_squeeze %dma_wait3A_440 : memref<1x128xi32, #tpu.memory_space<vmem>> -> memref<128xi32, #tpu.memory_space<vmem>>
    %dma_wait3A_442 = arith.constant 0 : i32
    %dma_wait3A_443 = arith.constant 0 : i32
    %dma_wait3A_444 = tpu.memref_slice %arg2[%dma_wait3A_442, %dma_wait3A_443] : memref<1040000x16xf32, #tpu.memory_space<hbm>> -> memref<1040000x16xf32, #tpu.memory_space<hbm>>
    tpu.wait_indirect_dma semaphore(%arg7 : memref<!tpu.dma_semaphore, #tpu.memory_space<semaphore_mem>>) src(%dma_wait3A_444 : memref<1040000x16xf32, #tpu.memory_space<hbm>>) dst(%dma_wait3A_438 : memref<128x16xf32, #tpu.memory_space<vmem>>)
    %dma_wait3A_445 = arith.constant 18 : i32
    %dma_wait3A_446 = arith.constant 640 : i32
    %dma_wait3A_447 = arith.constant 0 : i32
    %dma_wait3A_448 = tpu.memref_slice %arg6[%dma_wait3A_446, %dma_wait3A_447] : memref<1664x16xf32, #tpu.memory_space<vmem>> -> memref<128x16xf32, #tpu.memory_space<vmem>>
    %dma_wait3A_449 = arith.constant 0 : i32
    %dma_wait3A_450 = tpu.memref_slice %arg5[%dma_wait3A_445, %dma_wait3A_449] : memref<52x128xi32, #tpu.memory_space<vmem>> -> memref<1x128xi32, #tpu.memory_space<vmem>>
    %dma_wait3A_451 = tpu.memref_squeeze %dma_wait3A_450 : memref<1x128xi32, #tpu.memory_space<vmem>> -> memref<128xi32, #tpu.memory_space<vmem>>
    %dma_wait3A_452 = arith.constant 0 : i32
    %dma_wait3A_453 = arith.constant 0 : i32
    %dma_wait3A_454 = tpu.memref_slice %arg2[%dma_wait3A_452, %dma_wait3A_453] : memref<1040000x16xf32, #tpu.memory_space<hbm>> -> memref<1040000x16xf32, #tpu.memory_space<hbm>>
    tpu.wait_indirect_dma semaphore(%arg7 : memref<!tpu.dma_semaphore, #tpu.memory_space<semaphore_mem>>) src(%dma_wait3A_454 : memref<1040000x16xf32, #tpu.memory_space<hbm>>) dst(%dma_wait3A_448 : memref<128x16xf32, #tpu.memory_space<vmem>>)
    %dma_wait3A_455 = arith.constant 19 : i32
    %dma_wait3A_456 = arith.constant 768 : i32
    %dma_wait3A_457 = arith.constant 0 : i32
    %dma_wait3A_458 = tpu.memref_slice %arg6[%dma_wait3A_456, %dma_wait3A_457] : memref<1664x16xf32, #tpu.memory_space<vmem>> -> memref<128x16xf32, #tpu.memory_space<vmem>>
    %dma_wait3A_459 = arith.constant 0 : i32
    %dma_wait3A_460 = tpu.memref_slice %arg5[%dma_wait3A_455, %dma_wait3A_459] : memref<52x128xi32, #tpu.memory_space<vmem>> -> memref<1x128xi32, #tpu.memory_space<vmem>>
    %dma_wait3A_461 = tpu.memref_squeeze %dma_wait3A_460 : memref<1x128xi32, #tpu.memory_space<vmem>> -> memref<128xi32, #tpu.memory_space<vmem>>
    %dma_wait3A_462 = arith.constant 0 : i32
    %dma_wait3A_463 = arith.constant 0 : i32
    %dma_wait3A_464 = tpu.memref_slice %arg2[%dma_wait3A_462, %dma_wait3A_463] : memref<1040000x16xf32, #tpu.memory_space<hbm>> -> memref<1040000x16xf32, #tpu.memory_space<hbm>>
    tpu.wait_indirect_dma semaphore(%arg7 : memref<!tpu.dma_semaphore, #tpu.memory_space<semaphore_mem>>) src(%dma_wait3A_464 : memref<1040000x16xf32, #tpu.memory_space<hbm>>) dst(%dma_wait3A_458 : memref<128x16xf32, #tpu.memory_space<vmem>>)
    %dma_wait3A_465 = arith.constant 20 : i32
    %dma_wait3A_466 = arith.constant 896 : i32
    %dma_wait3A_467 = arith.constant 0 : i32
    %dma_wait3A_468 = tpu.memref_slice %arg6[%dma_wait3A_466, %dma_wait3A_467] : memref<1664x16xf32, #tpu.memory_space<vmem>> -> memref<128x16xf32, #tpu.memory_space<vmem>>
    %dma_wait3A_469 = arith.constant 0 : i32
    %dma_wait3A_470 = tpu.memref_slice %arg5[%dma_wait3A_465, %dma_wait3A_469] : memref<52x128xi32, #tpu.memory_space<vmem>> -> memref<1x128xi32, #tpu.memory_space<vmem>>
    %dma_wait3A_471 = tpu.memref_squeeze %dma_wait3A_470 : memref<1x128xi32, #tpu.memory_space<vmem>> -> memref<128xi32, #tpu.memory_space<vmem>>
    %dma_wait3A_472 = arith.constant 0 : i32
    %dma_wait3A_473 = arith.constant 0 : i32
    %dma_wait3A_474 = tpu.memref_slice %arg2[%dma_wait3A_472, %dma_wait3A_473] : memref<1040000x16xf32, #tpu.memory_space<hbm>> -> memref<1040000x16xf32, #tpu.memory_space<hbm>>
    tpu.wait_indirect_dma semaphore(%arg7 : memref<!tpu.dma_semaphore, #tpu.memory_space<semaphore_mem>>) src(%dma_wait3A_474 : memref<1040000x16xf32, #tpu.memory_space<hbm>>) dst(%dma_wait3A_468 : memref<128x16xf32, #tpu.memory_space<vmem>>)
    %dma_wait3A_475 = arith.constant 21 : i32
    %dma_wait3A_476 = arith.constant 1024 : i32
    %dma_wait3A_477 = arith.constant 0 : i32
    %dma_wait3A_478 = tpu.memref_slice %arg6[%dma_wait3A_476, %dma_wait3A_477] : memref<1664x16xf32, #tpu.memory_space<vmem>> -> memref<128x16xf32, #tpu.memory_space<vmem>>
    %dma_wait3A_479 = arith.constant 0 : i32
    %dma_wait3A_480 = tpu.memref_slice %arg5[%dma_wait3A_475, %dma_wait3A_479] : memref<52x128xi32, #tpu.memory_space<vmem>> -> memref<1x128xi32, #tpu.memory_space<vmem>>
    %dma_wait3A_481 = tpu.memref_squeeze %dma_wait3A_480 : memref<1x128xi32, #tpu.memory_space<vmem>> -> memref<128xi32, #tpu.memory_space<vmem>>
    %dma_wait3A_482 = arith.constant 0 : i32
    %dma_wait3A_483 = arith.constant 0 : i32
    %dma_wait3A_484 = tpu.memref_slice %arg2[%dma_wait3A_482, %dma_wait3A_483] : memref<1040000x16xf32, #tpu.memory_space<hbm>> -> memref<1040000x16xf32, #tpu.memory_space<hbm>>
    tpu.wait_indirect_dma semaphore(%arg7 : memref<!tpu.dma_semaphore, #tpu.memory_space<semaphore_mem>>) src(%dma_wait3A_484 : memref<1040000x16xf32, #tpu.memory_space<hbm>>) dst(%dma_wait3A_478 : memref<128x16xf32, #tpu.memory_space<vmem>>)
    %dma_wait3A_485 = arith.constant 22 : i32
    %dma_wait3A_486 = arith.constant 1152 : i32
    %dma_wait3A_487 = arith.constant 0 : i32
    %dma_wait3A_488 = tpu.memref_slice %arg6[%dma_wait3A_486, %dma_wait3A_487] : memref<1664x16xf32, #tpu.memory_space<vmem>> -> memref<128x16xf32, #tpu.memory_space<vmem>>
    %dma_wait3A_489 = arith.constant 0 : i32
    %dma_wait3A_490 = tpu.memref_slice %arg5[%dma_wait3A_485, %dma_wait3A_489] : memref<52x128xi32, #tpu.memory_space<vmem>> -> memref<1x128xi32, #tpu.memory_space<vmem>>
    %dma_wait3A_491 = tpu.memref_squeeze %dma_wait3A_490 : memref<1x128xi32, #tpu.memory_space<vmem>> -> memref<128xi32, #tpu.memory_space<vmem>>
    %dma_wait3A_492 = arith.constant 0 : i32
    %dma_wait3A_493 = arith.constant 0 : i32
    %dma_wait3A_494 = tpu.memref_slice %arg2[%dma_wait3A_492, %dma_wait3A_493] : memref<1040000x16xf32, #tpu.memory_space<hbm>> -> memref<1040000x16xf32, #tpu.memory_space<hbm>>
    tpu.wait_indirect_dma semaphore(%arg7 : memref<!tpu.dma_semaphore, #tpu.memory_space<semaphore_mem>>) src(%dma_wait3A_494 : memref<1040000x16xf32, #tpu.memory_space<hbm>>) dst(%dma_wait3A_488 : memref<128x16xf32, #tpu.memory_space<vmem>>)
    %dma_wait3A_495 = arith.constant 23 : i32
    %dma_wait3A_496 = arith.constant 1280 : i32
    %dma_wait3A_497 = arith.constant 0 : i32
    %dma_wait3A_498 = tpu.memref_slice %arg6[%dma_wait3A_496, %dma_wait3A_497] : memref<1664x16xf32, #tpu.memory_space<vmem>> -> memref<128x16xf32, #tpu.memory_space<vmem>>
    %dma_wait3A_499 = arith.constant 0 : i32
    %dma_wait3A_500 = tpu.memref_slice %arg5[%dma_wait3A_495, %dma_wait3A_499] : memref<52x128xi32, #tpu.memory_space<vmem>> -> memref<1x128xi32, #tpu.memory_space<vmem>>
    %dma_wait3A_501 = tpu.memref_squeeze %dma_wait3A_500 : memref<1x128xi32, #tpu.memory_space<vmem>> -> memref<128xi32, #tpu.memory_space<vmem>>
    %dma_wait3A_502 = arith.constant 0 : i32
    %dma_wait3A_503 = arith.constant 0 : i32
    %dma_wait3A_504 = tpu.memref_slice %arg2[%dma_wait3A_502, %dma_wait3A_503] : memref<1040000x16xf32, #tpu.memory_space<hbm>> -> memref<1040000x16xf32, #tpu.memory_space<hbm>>
    tpu.wait_indirect_dma semaphore(%arg7 : memref<!tpu.dma_semaphore, #tpu.memory_space<semaphore_mem>>) src(%dma_wait3A_504 : memref<1040000x16xf32, #tpu.memory_space<hbm>>) dst(%dma_wait3A_498 : memref<128x16xf32, #tpu.memory_space<vmem>>)
    %dma_wait3A_505 = arith.constant 24 : i32
    %dma_wait3A_506 = arith.constant 1408 : i32
    %dma_wait3A_507 = arith.constant 0 : i32
    %dma_wait3A_508 = tpu.memref_slice %arg6[%dma_wait3A_506, %dma_wait3A_507] : memref<1664x16xf32, #tpu.memory_space<vmem>> -> memref<128x16xf32, #tpu.memory_space<vmem>>
    %dma_wait3A_509 = arith.constant 0 : i32
    %dma_wait3A_510 = tpu.memref_slice %arg5[%dma_wait3A_505, %dma_wait3A_509] : memref<52x128xi32, #tpu.memory_space<vmem>> -> memref<1x128xi32, #tpu.memory_space<vmem>>
    %dma_wait3A_511 = tpu.memref_squeeze %dma_wait3A_510 : memref<1x128xi32, #tpu.memory_space<vmem>> -> memref<128xi32, #tpu.memory_space<vmem>>
    %dma_wait3A_512 = arith.constant 0 : i32
    %dma_wait3A_513 = arith.constant 0 : i32
    %dma_wait3A_514 = tpu.memref_slice %arg2[%dma_wait3A_512, %dma_wait3A_513] : memref<1040000x16xf32, #tpu.memory_space<hbm>> -> memref<1040000x16xf32, #tpu.memory_space<hbm>>
    tpu.wait_indirect_dma semaphore(%arg7 : memref<!tpu.dma_semaphore, #tpu.memory_space<semaphore_mem>>) src(%dma_wait3A_514 : memref<1040000x16xf32, #tpu.memory_space<hbm>>) dst(%dma_wait3A_508 : memref<128x16xf32, #tpu.memory_space<vmem>>)
    %dma_wait3A_515 = arith.constant 25 : i32
    %dma_wait3A_516 = arith.constant 1536 : i32
    %dma_wait3A_517 = arith.constant 0 : i32
    %dma_wait3A_518 = tpu.memref_slice %arg6[%dma_wait3A_516, %dma_wait3A_517] : memref<1664x16xf32, #tpu.memory_space<vmem>> -> memref<128x16xf32, #tpu.memory_space<vmem>>
    %dma_wait3A_519 = arith.constant 0 : i32
    %dma_wait3A_520 = tpu.memref_slice %arg5[%dma_wait3A_515, %dma_wait3A_519] : memref<52x128xi32, #tpu.memory_space<vmem>> -> memref<1x128xi32, #tpu.memory_space<vmem>>
    %dma_wait3A_521 = tpu.memref_squeeze %dma_wait3A_520 : memref<1x128xi32, #tpu.memory_space<vmem>> -> memref<128xi32, #tpu.memory_space<vmem>>
    %dma_wait3A_522 = arith.constant 0 : i32
    %dma_wait3A_523 = arith.constant 0 : i32
    %dma_wait3A_524 = tpu.memref_slice %arg2[%dma_wait3A_522, %dma_wait3A_523] : memref<1040000x16xf32, #tpu.memory_space<hbm>> -> memref<1040000x16xf32, #tpu.memory_space<hbm>>
    tpu.wait_indirect_dma semaphore(%arg7 : memref<!tpu.dma_semaphore, #tpu.memory_space<semaphore_mem>>) src(%dma_wait3A_524 : memref<1040000x16xf32, #tpu.memory_space<hbm>>) dst(%dma_wait3A_518 : memref<128x16xf32, #tpu.memory_space<vmem>>)
    %mul3A_525 = arith.constant 6656 : i32
    %mul3A_526 = arith.muli %add3A, %mul3A_525 : i32
    %add3A_527 = arith.constant 1664 : i32
    %add3A_528 = arith.addi %mul3A_526, %add3A_527 : i32
    "tpu.region"() ({
      %run_scoped3A = tpu.sem_alloc : memref<!tpu.dma_semaphore, #tpu.memory_space<semaphore_mem>>
      %dma_start3A_1057 = arith.constant 0 : i32
      %dma_start3A_1058 = tpu.memref_slice %arg4[%add3A_528, %dma_start3A_1057] : memref<212992x16xf32, #tpu.memory_space<hbm>> -> memref<1664x16xf32, #tpu.memory_space<hbm>>
      %dma_start3A_1059 = arith.constant 0 : i32
      %dma_start3A_1060 = tpu.memref_slice %arg4[%add3A_528, %dma_start3A_1059] : memref<212992x16xf32, #tpu.memory_space<hbm>> -> memref<1664x16xf32, #tpu.memory_space<hbm>>
      tpu.enqueue_dma source(%arg6 : memref<1664x16xf32, #tpu.memory_space<vmem>>) target(%dma_start3A_1060 : memref<1664x16xf32, #tpu.memory_space<hbm>>) target_semaphore(%run_scoped3A : memref<!tpu.dma_semaphore, #tpu.memory_space<semaphore_mem>>)
      %dma_wait3A_1061 = arith.constant 0 : i32
      %dma_wait3A_1062 = tpu.memref_slice %arg4[%add3A_528, %dma_wait3A_1061] : memref<212992x16xf32, #tpu.memory_space<hbm>> -> memref<1664x16xf32, #tpu.memory_space<hbm>>
      %dma_wait3A_1063 = arith.constant 0 : i32
      %dma_wait3A_1064 = tpu.memref_slice %arg4[%add3A_528, %dma_wait3A_1063] : memref<212992x16xf32, #tpu.memory_space<hbm>> -> memref<1664x16xf32, #tpu.memory_space<hbm>>
      tpu.wait_dma2 semaphore(%run_scoped3A : memref<!tpu.dma_semaphore, #tpu.memory_space<semaphore_mem>>) src(%arg6 : memref<1664x16xf32, #tpu.memory_space<vmem>>) dst(%dma_wait3A_1064 : memref<1664x16xf32, #tpu.memory_space<hbm>>)
      tpu.yield
    }) : () -> ()
    %dma_start3A_529 = arith.constant 26 : i32
    %dma_start3A_530 = arith.constant 0 : i32
    %dma_start3A_531 = arith.constant 0 : i32
    %dma_start3A_532 = tpu.memref_slice %arg6[%dma_start3A_530, %dma_start3A_531] : memref<1664x16xf32, #tpu.memory_space<vmem>> -> memref<128x16xf32, #tpu.memory_space<vmem>>
    %dma_start3A_533 = arith.constant 0 : i32
    %dma_start3A_534 = tpu.memref_slice %arg5[%dma_start3A_529, %dma_start3A_533] : memref<52x128xi32, #tpu.memory_space<vmem>> -> memref<1x128xi32, #tpu.memory_space<vmem>>
    %dma_start3A_535 = tpu.memref_squeeze %dma_start3A_534 : memref<1x128xi32, #tpu.memory_space<vmem>> -> memref<128xi32, #tpu.memory_space<vmem>>
    %dma_start3A_536 = arith.constant 0 : i32
    %dma_start3A_537 = arith.constant 0 : i32
    %dma_start3A_538 = tpu.memref_slice %arg2[%dma_start3A_536, %dma_start3A_537] : memref<1040000x16xf32, #tpu.memory_space<hbm>> -> memref<1040000x16xf32, #tpu.memory_space<hbm>>
    tpu.enqueue_indirect_dma source(%dma_start3A_538 : memref<1040000x16xf32, #tpu.memory_space<hbm>>) target(%dma_start3A_532 : memref<128x16xf32, #tpu.memory_space<vmem>>) offsets(%dma_start3A_535 : memref<128xi32, #tpu.memory_space<vmem>>) semaphore(%arg7 : memref<!tpu.dma_semaphore, #tpu.memory_space<semaphore_mem>>)
    %dma_start3A_539 = arith.constant 27 : i32
    %dma_start3A_540 = arith.constant 128 : i32
    %dma_start3A_541 = arith.constant 0 : i32
    %dma_start3A_542 = tpu.memref_slice %arg6[%dma_start3A_540, %dma_start3A_541] : memref<1664x16xf32, #tpu.memory_space<vmem>> -> memref<128x16xf32, #tpu.memory_space<vmem>>
    %dma_start3A_543 = arith.constant 0 : i32
    %dma_start3A_544 = tpu.memref_slice %arg5[%dma_start3A_539, %dma_start3A_543] : memref<52x128xi32, #tpu.memory_space<vmem>> -> memref<1x128xi32, #tpu.memory_space<vmem>>
    %dma_start3A_545 = tpu.memref_squeeze %dma_start3A_544 : memref<1x128xi32, #tpu.memory_space<vmem>> -> memref<128xi32, #tpu.memory_space<vmem>>
    %dma_start3A_546 = arith.constant 0 : i32
    %dma_start3A_547 = arith.constant 0 : i32
    %dma_start3A_548 = tpu.memref_slice %arg2[%dma_start3A_546, %dma_start3A_547] : memref<1040000x16xf32, #tpu.memory_space<hbm>> -> memref<1040000x16xf32, #tpu.memory_space<hbm>>
    tpu.enqueue_indirect_dma source(%dma_start3A_548 : memref<1040000x16xf32, #tpu.memory_space<hbm>>) target(%dma_start3A_542 : memref<128x16xf32, #tpu.memory_space<vmem>>) offsets(%dma_start3A_545 : memref<128xi32, #tpu.memory_space<vmem>>) semaphore(%arg7 : memref<!tpu.dma_semaphore, #tpu.memory_space<semaphore_mem>>)
    %dma_start3A_549 = arith.constant 28 : i32
    %dma_start3A_550 = arith.constant 256 : i32
    %dma_start3A_551 = arith.constant 0 : i32
    %dma_start3A_552 = tpu.memref_slice %arg6[%dma_start3A_550, %dma_start3A_551] : memref<1664x16xf32, #tpu.memory_space<vmem>> -> memref<128x16xf32, #tpu.memory_space<vmem>>
    %dma_start3A_553 = arith.constant 0 : i32
    %dma_start3A_554 = tpu.memref_slice %arg5[%dma_start3A_549, %dma_start3A_553] : memref<52x128xi32, #tpu.memory_space<vmem>> -> memref<1x128xi32, #tpu.memory_space<vmem>>
    %dma_start3A_555 = tpu.memref_squeeze %dma_start3A_554 : memref<1x128xi32, #tpu.memory_space<vmem>> -> memref<128xi32, #tpu.memory_space<vmem>>
    %dma_start3A_556 = arith.constant 0 : i32
    %dma_start3A_557 = arith.constant 0 : i32
    %dma_start3A_558 = tpu.memref_slice %arg2[%dma_start3A_556, %dma_start3A_557] : memref<1040000x16xf32, #tpu.memory_space<hbm>> -> memref<1040000x16xf32, #tpu.memory_space<hbm>>
    tpu.enqueue_indirect_dma source(%dma_start3A_558 : memref<1040000x16xf32, #tpu.memory_space<hbm>>) target(%dma_start3A_552 : memref<128x16xf32, #tpu.memory_space<vmem>>) offsets(%dma_start3A_555 : memref<128xi32, #tpu.memory_space<vmem>>) semaphore(%arg7 : memref<!tpu.dma_semaphore, #tpu.memory_space<semaphore_mem>>)
    %dma_start3A_559 = arith.constant 29 : i32
    %dma_start3A_560 = arith.constant 384 : i32
    %dma_start3A_561 = arith.constant 0 : i32
    %dma_start3A_562 = tpu.memref_slice %arg6[%dma_start3A_560, %dma_start3A_561] : memref<1664x16xf32, #tpu.memory_space<vmem>> -> memref<128x16xf32, #tpu.memory_space<vmem>>
    %dma_start3A_563 = arith.constant 0 : i32
    %dma_start3A_564 = tpu.memref_slice %arg5[%dma_start3A_559, %dma_start3A_563] : memref<52x128xi32, #tpu.memory_space<vmem>> -> memref<1x128xi32, #tpu.memory_space<vmem>>
    %dma_start3A_565 = tpu.memref_squeeze %dma_start3A_564 : memref<1x128xi32, #tpu.memory_space<vmem>> -> memref<128xi32, #tpu.memory_space<vmem>>
    %dma_start3A_566 = arith.constant 0 : i32
    %dma_start3A_567 = arith.constant 0 : i32
    %dma_start3A_568 = tpu.memref_slice %arg2[%dma_start3A_566, %dma_start3A_567] : memref<1040000x16xf32, #tpu.memory_space<hbm>> -> memref<1040000x16xf32, #tpu.memory_space<hbm>>
    tpu.enqueue_indirect_dma source(%dma_start3A_568 : memref<1040000x16xf32, #tpu.memory_space<hbm>>) target(%dma_start3A_562 : memref<128x16xf32, #tpu.memory_space<vmem>>) offsets(%dma_start3A_565 : memref<128xi32, #tpu.memory_space<vmem>>) semaphore(%arg7 : memref<!tpu.dma_semaphore, #tpu.memory_space<semaphore_mem>>)
    %dma_start3A_569 = arith.constant 30 : i32
    %dma_start3A_570 = arith.constant 512 : i32
    %dma_start3A_571 = arith.constant 0 : i32
    %dma_start3A_572 = tpu.memref_slice %arg6[%dma_start3A_570, %dma_start3A_571] : memref<1664x16xf32, #tpu.memory_space<vmem>> -> memref<128x16xf32, #tpu.memory_space<vmem>>
    %dma_start3A_573 = arith.constant 0 : i32
    %dma_start3A_574 = tpu.memref_slice %arg5[%dma_start3A_569, %dma_start3A_573] : memref<52x128xi32, #tpu.memory_space<vmem>> -> memref<1x128xi32, #tpu.memory_space<vmem>>
    %dma_start3A_575 = tpu.memref_squeeze %dma_start3A_574 : memref<1x128xi32, #tpu.memory_space<vmem>> -> memref<128xi32, #tpu.memory_space<vmem>>
    %dma_start3A_576 = arith.constant 0 : i32
    %dma_start3A_577 = arith.constant 0 : i32
    %dma_start3A_578 = tpu.memref_slice %arg2[%dma_start3A_576, %dma_start3A_577] : memref<1040000x16xf32, #tpu.memory_space<hbm>> -> memref<1040000x16xf32, #tpu.memory_space<hbm>>
    tpu.enqueue_indirect_dma source(%dma_start3A_578 : memref<1040000x16xf32, #tpu.memory_space<hbm>>) target(%dma_start3A_572 : memref<128x16xf32, #tpu.memory_space<vmem>>) offsets(%dma_start3A_575 : memref<128xi32, #tpu.memory_space<vmem>>) semaphore(%arg7 : memref<!tpu.dma_semaphore, #tpu.memory_space<semaphore_mem>>)
    %dma_start3A_579 = arith.constant 31 : i32
    %dma_start3A_580 = arith.constant 640 : i32
    %dma_start3A_581 = arith.constant 0 : i32
    %dma_start3A_582 = tpu.memref_slice %arg6[%dma_start3A_580, %dma_start3A_581] : memref<1664x16xf32, #tpu.memory_space<vmem>> -> memref<128x16xf32, #tpu.memory_space<vmem>>
    %dma_start3A_583 = arith.constant 0 : i32
    %dma_start3A_584 = tpu.memref_slice %arg5[%dma_start3A_579, %dma_start3A_583] : memref<52x128xi32, #tpu.memory_space<vmem>> -> memref<1x128xi32, #tpu.memory_space<vmem>>
    %dma_start3A_585 = tpu.memref_squeeze %dma_start3A_584 : memref<1x128xi32, #tpu.memory_space<vmem>> -> memref<128xi32, #tpu.memory_space<vmem>>
    %dma_start3A_586 = arith.constant 0 : i32
    %dma_start3A_587 = arith.constant 0 : i32
    %dma_start3A_588 = tpu.memref_slice %arg2[%dma_start3A_586, %dma_start3A_587] : memref<1040000x16xf32, #tpu.memory_space<hbm>> -> memref<1040000x16xf32, #tpu.memory_space<hbm>>
    tpu.enqueue_indirect_dma source(%dma_start3A_588 : memref<1040000x16xf32, #tpu.memory_space<hbm>>) target(%dma_start3A_582 : memref<128x16xf32, #tpu.memory_space<vmem>>) offsets(%dma_start3A_585 : memref<128xi32, #tpu.memory_space<vmem>>) semaphore(%arg7 : memref<!tpu.dma_semaphore, #tpu.memory_space<semaphore_mem>>)
    %dma_start3A_589 = arith.constant 32 : i32
    %dma_start3A_590 = arith.constant 768 : i32
    %dma_start3A_591 = arith.constant 0 : i32
    %dma_start3A_592 = tpu.memref_slice %arg6[%dma_start3A_590, %dma_start3A_591] : memref<1664x16xf32, #tpu.memory_space<vmem>> -> memref<128x16xf32, #tpu.memory_space<vmem>>
    %dma_start3A_593 = arith.constant 0 : i32
    %dma_start3A_594 = tpu.memref_slice %arg5[%dma_start3A_589, %dma_start3A_593] : memref<52x128xi32, #tpu.memory_space<vmem>> -> memref<1x128xi32, #tpu.memory_space<vmem>>
    %dma_start3A_595 = tpu.memref_squeeze %dma_start3A_594 : memref<1x128xi32, #tpu.memory_space<vmem>> -> memref<128xi32, #tpu.memory_space<vmem>>
    %dma_start3A_596 = arith.constant 0 : i32
    %dma_start3A_597 = arith.constant 0 : i32
    %dma_start3A_598 = tpu.memref_slice %arg2[%dma_start3A_596, %dma_start3A_597] : memref<1040000x16xf32, #tpu.memory_space<hbm>> -> memref<1040000x16xf32, #tpu.memory_space<hbm>>
    tpu.enqueue_indirect_dma source(%dma_start3A_598 : memref<1040000x16xf32, #tpu.memory_space<hbm>>) target(%dma_start3A_592 : memref<128x16xf32, #tpu.memory_space<vmem>>) offsets(%dma_start3A_595 : memref<128xi32, #tpu.memory_space<vmem>>) semaphore(%arg7 : memref<!tpu.dma_semaphore, #tpu.memory_space<semaphore_mem>>)
    %dma_start3A_599 = arith.constant 33 : i32
    %dma_start3A_600 = arith.constant 896 : i32
    %dma_start3A_601 = arith.constant 0 : i32
    %dma_start3A_602 = tpu.memref_slice %arg6[%dma_start3A_600, %dma_start3A_601] : memref<1664x16xf32, #tpu.memory_space<vmem>> -> memref<128x16xf32, #tpu.memory_space<vmem>>
    %dma_start3A_603 = arith.constant 0 : i32
    %dma_start3A_604 = tpu.memref_slice %arg5[%dma_start3A_599, %dma_start3A_603] : memref<52x128xi32, #tpu.memory_space<vmem>> -> memref<1x128xi32, #tpu.memory_space<vmem>>
    %dma_start3A_605 = tpu.memref_squeeze %dma_start3A_604 : memref<1x128xi32, #tpu.memory_space<vmem>> -> memref<128xi32, #tpu.memory_space<vmem>>
    %dma_start3A_606 = arith.constant 0 : i32
    %dma_start3A_607 = arith.constant 0 : i32
    %dma_start3A_608 = tpu.memref_slice %arg2[%dma_start3A_606, %dma_start3A_607] : memref<1040000x16xf32, #tpu.memory_space<hbm>> -> memref<1040000x16xf32, #tpu.memory_space<hbm>>
    tpu.enqueue_indirect_dma source(%dma_start3A_608 : memref<1040000x16xf32, #tpu.memory_space<hbm>>) target(%dma_start3A_602 : memref<128x16xf32, #tpu.memory_space<vmem>>) offsets(%dma_start3A_605 : memref<128xi32, #tpu.memory_space<vmem>>) semaphore(%arg7 : memref<!tpu.dma_semaphore, #tpu.memory_space<semaphore_mem>>)
    %dma_start3A_609 = arith.constant 34 : i32
    %dma_start3A_610 = arith.constant 1024 : i32
    %dma_start3A_611 = arith.constant 0 : i32
    %dma_start3A_612 = tpu.memref_slice %arg6[%dma_start3A_610, %dma_start3A_611] : memref<1664x16xf32, #tpu.memory_space<vmem>> -> memref<128x16xf32, #tpu.memory_space<vmem>>
    %dma_start3A_613 = arith.constant 0 : i32
    %dma_start3A_614 = tpu.memref_slice %arg5[%dma_start3A_609, %dma_start3A_613] : memref<52x128xi32, #tpu.memory_space<vmem>> -> memref<1x128xi32, #tpu.memory_space<vmem>>
    %dma_start3A_615 = tpu.memref_squeeze %dma_start3A_614 : memref<1x128xi32, #tpu.memory_space<vmem>> -> memref<128xi32, #tpu.memory_space<vmem>>
    %dma_start3A_616 = arith.constant 0 : i32
    %dma_start3A_617 = arith.constant 0 : i32
    %dma_start3A_618 = tpu.memref_slice %arg2[%dma_start3A_616, %dma_start3A_617] : memref<1040000x16xf32, #tpu.memory_space<hbm>> -> memref<1040000x16xf32, #tpu.memory_space<hbm>>
    tpu.enqueue_indirect_dma source(%dma_start3A_618 : memref<1040000x16xf32, #tpu.memory_space<hbm>>) target(%dma_start3A_612 : memref<128x16xf32, #tpu.memory_space<vmem>>) offsets(%dma_start3A_615 : memref<128xi32, #tpu.memory_space<vmem>>) semaphore(%arg7 : memref<!tpu.dma_semaphore, #tpu.memory_space<semaphore_mem>>)
    %dma_start3A_619 = arith.constant 35 : i32
    %dma_start3A_620 = arith.constant 1152 : i32
    %dma_start3A_621 = arith.constant 0 : i32
    %dma_start3A_622 = tpu.memref_slice %arg6[%dma_start3A_620, %dma_start3A_621] : memref<1664x16xf32, #tpu.memory_space<vmem>> -> memref<128x16xf32, #tpu.memory_space<vmem>>
    %dma_start3A_623 = arith.constant 0 : i32
    %dma_start3A_624 = tpu.memref_slice %arg5[%dma_start3A_619, %dma_start3A_623] : memref<52x128xi32, #tpu.memory_space<vmem>> -> memref<1x128xi32, #tpu.memory_space<vmem>>
    %dma_start3A_625 = tpu.memref_squeeze %dma_start3A_624 : memref<1x128xi32, #tpu.memory_space<vmem>> -> memref<128xi32, #tpu.memory_space<vmem>>
    %dma_start3A_626 = arith.constant 0 : i32
    %dma_start3A_627 = arith.constant 0 : i32
    %dma_start3A_628 = tpu.memref_slice %arg2[%dma_start3A_626, %dma_start3A_627] : memref<1040000x16xf32, #tpu.memory_space<hbm>> -> memref<1040000x16xf32, #tpu.memory_space<hbm>>
    tpu.enqueue_indirect_dma source(%dma_start3A_628 : memref<1040000x16xf32, #tpu.memory_space<hbm>>) target(%dma_start3A_622 : memref<128x16xf32, #tpu.memory_space<vmem>>) offsets(%dma_start3A_625 : memref<128xi32, #tpu.memory_space<vmem>>) semaphore(%arg7 : memref<!tpu.dma_semaphore, #tpu.memory_space<semaphore_mem>>)
    %dma_start3A_629 = arith.constant 36 : i32
    %dma_start3A_630 = arith.constant 1280 : i32
    %dma_start3A_631 = arith.constant 0 : i32
    %dma_start3A_632 = tpu.memref_slice %arg6[%dma_start3A_630, %dma_start3A_631] : memref<1664x16xf32, #tpu.memory_space<vmem>> -> memref<128x16xf32, #tpu.memory_space<vmem>>
    %dma_start3A_633 = arith.constant 0 : i32
    %dma_start3A_634 = tpu.memref_slice %arg5[%dma_start3A_629, %dma_start3A_633] : memref<52x128xi32, #tpu.memory_space<vmem>> -> memref<1x128xi32, #tpu.memory_space<vmem>>
    %dma_start3A_635 = tpu.memref_squeeze %dma_start3A_634 : memref<1x128xi32, #tpu.memory_space<vmem>> -> memref<128xi32, #tpu.memory_space<vmem>>
    %dma_start3A_636 = arith.constant 0 : i32
    %dma_start3A_637 = arith.constant 0 : i32
    %dma_start3A_638 = tpu.memref_slice %arg2[%dma_start3A_636, %dma_start3A_637] : memref<1040000x16xf32, #tpu.memory_space<hbm>> -> memref<1040000x16xf32, #tpu.memory_space<hbm>>
    tpu.enqueue_indirect_dma source(%dma_start3A_638 : memref<1040000x16xf32, #tpu.memory_space<hbm>>) target(%dma_start3A_632 : memref<128x16xf32, #tpu.memory_space<vmem>>) offsets(%dma_start3A_635 : memref<128xi32, #tpu.memory_space<vmem>>) semaphore(%arg7 : memref<!tpu.dma_semaphore, #tpu.memory_space<semaphore_mem>>)
    %dma_start3A_639 = arith.constant 37 : i32
    %dma_start3A_640 = arith.constant 1408 : i32
    %dma_start3A_641 = arith.constant 0 : i32
    %dma_start3A_642 = tpu.memref_slice %arg6[%dma_start3A_640, %dma_start3A_641] : memref<1664x16xf32, #tpu.memory_space<vmem>> -> memref<128x16xf32, #tpu.memory_space<vmem>>
    %dma_start3A_643 = arith.constant 0 : i32
    %dma_start3A_644 = tpu.memref_slice %arg5[%dma_start3A_639, %dma_start3A_643] : memref<52x128xi32, #tpu.memory_space<vmem>> -> memref<1x128xi32, #tpu.memory_space<vmem>>
    %dma_start3A_645 = tpu.memref_squeeze %dma_start3A_644 : memref<1x128xi32, #tpu.memory_space<vmem>> -> memref<128xi32, #tpu.memory_space<vmem>>
    %dma_start3A_646 = arith.constant 0 : i32
    %dma_start3A_647 = arith.constant 0 : i32
    %dma_start3A_648 = tpu.memref_slice %arg2[%dma_start3A_646, %dma_start3A_647] : memref<1040000x16xf32, #tpu.memory_space<hbm>> -> memref<1040000x16xf32, #tpu.memory_space<hbm>>
    tpu.enqueue_indirect_dma source(%dma_start3A_648 : memref<1040000x16xf32, #tpu.memory_space<hbm>>) target(%dma_start3A_642 : memref<128x16xf32, #tpu.memory_space<vmem>>) offsets(%dma_start3A_645 : memref<128xi32, #tpu.memory_space<vmem>>) semaphore(%arg7 : memref<!tpu.dma_semaphore, #tpu.memory_space<semaphore_mem>>)
    %dma_start3A_649 = arith.constant 38 : i32
    %dma_start3A_650 = arith.constant 1536 : i32
    %dma_start3A_651 = arith.constant 0 : i32
    %dma_start3A_652 = tpu.memref_slice %arg6[%dma_start3A_650, %dma_start3A_651] : memref<1664x16xf32, #tpu.memory_space<vmem>> -> memref<128x16xf32, #tpu.memory_space<vmem>>
    %dma_start3A_653 = arith.constant 0 : i32
    %dma_start3A_654 = tpu.memref_slice %arg5[%dma_start3A_649, %dma_start3A_653] : memref<52x128xi32, #tpu.memory_space<vmem>> -> memref<1x128xi32, #tpu.memory_space<vmem>>
    %dma_start3A_655 = tpu.memref_squeeze %dma_start3A_654 : memref<1x128xi32, #tpu.memory_space<vmem>> -> memref<128xi32, #tpu.memory_space<vmem>>
    %dma_start3A_656 = arith.constant 0 : i32
    %dma_start3A_657 = arith.constant 0 : i32
    %dma_start3A_658 = tpu.memref_slice %arg2[%dma_start3A_656, %dma_start3A_657] : memref<1040000x16xf32, #tpu.memory_space<hbm>> -> memref<1040000x16xf32, #tpu.memory_space<hbm>>
    tpu.enqueue_indirect_dma source(%dma_start3A_658 : memref<1040000x16xf32, #tpu.memory_space<hbm>>) target(%dma_start3A_652 : memref<128x16xf32, #tpu.memory_space<vmem>>) offsets(%dma_start3A_655 : memref<128xi32, #tpu.memory_space<vmem>>) semaphore(%arg7 : memref<!tpu.dma_semaphore, #tpu.memory_space<semaphore_mem>>)
    %dma_wait3A_659 = arith.constant 26 : i32
    %dma_wait3A_660 = arith.constant 0 : i32
    %dma_wait3A_661 = arith.constant 0 : i32
    %dma_wait3A_662 = tpu.memref_slice %arg6[%dma_wait3A_660, %dma_wait3A_661] : memref<1664x16xf32, #tpu.memory_space<vmem>> -> memref<128x16xf32, #tpu.memory_space<vmem>>
    %dma_wait3A_663 = arith.constant 0 : i32
    %dma_wait3A_664 = tpu.memref_slice %arg5[%dma_wait3A_659, %dma_wait3A_663] : memref<52x128xi32, #tpu.memory_space<vmem>> -> memref<1x128xi32, #tpu.memory_space<vmem>>
    %dma_wait3A_665 = tpu.memref_squeeze %dma_wait3A_664 : memref<1x128xi32, #tpu.memory_space<vmem>> -> memref<128xi32, #tpu.memory_space<vmem>>
    %dma_wait3A_666 = arith.constant 0 : i32
    %dma_wait3A_667 = arith.constant 0 : i32
    %dma_wait3A_668 = tpu.memref_slice %arg2[%dma_wait3A_666, %dma_wait3A_667] : memref<1040000x16xf32, #tpu.memory_space<hbm>> -> memref<1040000x16xf32, #tpu.memory_space<hbm>>
    tpu.wait_indirect_dma semaphore(%arg7 : memref<!tpu.dma_semaphore, #tpu.memory_space<semaphore_mem>>) src(%dma_wait3A_668 : memref<1040000x16xf32, #tpu.memory_space<hbm>>) dst(%dma_wait3A_662 : memref<128x16xf32, #tpu.memory_space<vmem>>)
    %dma_wait3A_669 = arith.constant 27 : i32
    %dma_wait3A_670 = arith.constant 128 : i32
    %dma_wait3A_671 = arith.constant 0 : i32
    %dma_wait3A_672 = tpu.memref_slice %arg6[%dma_wait3A_670, %dma_wait3A_671] : memref<1664x16xf32, #tpu.memory_space<vmem>> -> memref<128x16xf32, #tpu.memory_space<vmem>>
    %dma_wait3A_673 = arith.constant 0 : i32
    %dma_wait3A_674 = tpu.memref_slice %arg5[%dma_wait3A_669, %dma_wait3A_673] : memref<52x128xi32, #tpu.memory_space<vmem>> -> memref<1x128xi32, #tpu.memory_space<vmem>>
    %dma_wait3A_675 = tpu.memref_squeeze %dma_wait3A_674 : memref<1x128xi32, #tpu.memory_space<vmem>> -> memref<128xi32, #tpu.memory_space<vmem>>
    %dma_wait3A_676 = arith.constant 0 : i32
    %dma_wait3A_677 = arith.constant 0 : i32
    %dma_wait3A_678 = tpu.memref_slice %arg2[%dma_wait3A_676, %dma_wait3A_677] : memref<1040000x16xf32, #tpu.memory_space<hbm>> -> memref<1040000x16xf32, #tpu.memory_space<hbm>>
    tpu.wait_indirect_dma semaphore(%arg7 : memref<!tpu.dma_semaphore, #tpu.memory_space<semaphore_mem>>) src(%dma_wait3A_678 : memref<1040000x16xf32, #tpu.memory_space<hbm>>) dst(%dma_wait3A_672 : memref<128x16xf32, #tpu.memory_space<vmem>>)
    %dma_wait3A_679 = arith.constant 28 : i32
    %dma_wait3A_680 = arith.constant 256 : i32
    %dma_wait3A_681 = arith.constant 0 : i32
    %dma_wait3A_682 = tpu.memref_slice %arg6[%dma_wait3A_680, %dma_wait3A_681] : memref<1664x16xf32, #tpu.memory_space<vmem>> -> memref<128x16xf32, #tpu.memory_space<vmem>>
    %dma_wait3A_683 = arith.constant 0 : i32
    %dma_wait3A_684 = tpu.memref_slice %arg5[%dma_wait3A_679, %dma_wait3A_683] : memref<52x128xi32, #tpu.memory_space<vmem>> -> memref<1x128xi32, #tpu.memory_space<vmem>>
    %dma_wait3A_685 = tpu.memref_squeeze %dma_wait3A_684 : memref<1x128xi32, #tpu.memory_space<vmem>> -> memref<128xi32, #tpu.memory_space<vmem>>
    %dma_wait3A_686 = arith.constant 0 : i32
    %dma_wait3A_687 = arith.constant 0 : i32
    %dma_wait3A_688 = tpu.memref_slice %arg2[%dma_wait3A_686, %dma_wait3A_687] : memref<1040000x16xf32, #tpu.memory_space<hbm>> -> memref<1040000x16xf32, #tpu.memory_space<hbm>>
    tpu.wait_indirect_dma semaphore(%arg7 : memref<!tpu.dma_semaphore, #tpu.memory_space<semaphore_mem>>) src(%dma_wait3A_688 : memref<1040000x16xf32, #tpu.memory_space<hbm>>) dst(%dma_wait3A_682 : memref<128x16xf32, #tpu.memory_space<vmem>>)
    %dma_wait3A_689 = arith.constant 29 : i32
    %dma_wait3A_690 = arith.constant 384 : i32
    %dma_wait3A_691 = arith.constant 0 : i32
    %dma_wait3A_692 = tpu.memref_slice %arg6[%dma_wait3A_690, %dma_wait3A_691] : memref<1664x16xf32, #tpu.memory_space<vmem>> -> memref<128x16xf32, #tpu.memory_space<vmem>>
    %dma_wait3A_693 = arith.constant 0 : i32
    %dma_wait3A_694 = tpu.memref_slice %arg5[%dma_wait3A_689, %dma_wait3A_693] : memref<52x128xi32, #tpu.memory_space<vmem>> -> memref<1x128xi32, #tpu.memory_space<vmem>>
    %dma_wait3A_695 = tpu.memref_squeeze %dma_wait3A_694 : memref<1x128xi32, #tpu.memory_space<vmem>> -> memref<128xi32, #tpu.memory_space<vmem>>
    %dma_wait3A_696 = arith.constant 0 : i32
    %dma_wait3A_697 = arith.constant 0 : i32
    %dma_wait3A_698 = tpu.memref_slice %arg2[%dma_wait3A_696, %dma_wait3A_697] : memref<1040000x16xf32, #tpu.memory_space<hbm>> -> memref<1040000x16xf32, #tpu.memory_space<hbm>>
    tpu.wait_indirect_dma semaphore(%arg7 : memref<!tpu.dma_semaphore, #tpu.memory_space<semaphore_mem>>) src(%dma_wait3A_698 : memref<1040000x16xf32, #tpu.memory_space<hbm>>) dst(%dma_wait3A_692 : memref<128x16xf32, #tpu.memory_space<vmem>>)
    %dma_wait3A_699 = arith.constant 30 : i32
    %dma_wait3A_700 = arith.constant 512 : i32
    %dma_wait3A_701 = arith.constant 0 : i32
    %dma_wait3A_702 = tpu.memref_slice %arg6[%dma_wait3A_700, %dma_wait3A_701] : memref<1664x16xf32, #tpu.memory_space<vmem>> -> memref<128x16xf32, #tpu.memory_space<vmem>>
    %dma_wait3A_703 = arith.constant 0 : i32
    %dma_wait3A_704 = tpu.memref_slice %arg5[%dma_wait3A_699, %dma_wait3A_703] : memref<52x128xi32, #tpu.memory_space<vmem>> -> memref<1x128xi32, #tpu.memory_space<vmem>>
    %dma_wait3A_705 = tpu.memref_squeeze %dma_wait3A_704 : memref<1x128xi32, #tpu.memory_space<vmem>> -> memref<128xi32, #tpu.memory_space<vmem>>
    %dma_wait3A_706 = arith.constant 0 : i32
    %dma_wait3A_707 = arith.constant 0 : i32
    %dma_wait3A_708 = tpu.memref_slice %arg2[%dma_wait3A_706, %dma_wait3A_707] : memref<1040000x16xf32, #tpu.memory_space<hbm>> -> memref<1040000x16xf32, #tpu.memory_space<hbm>>
    tpu.wait_indirect_dma semaphore(%arg7 : memref<!tpu.dma_semaphore, #tpu.memory_space<semaphore_mem>>) src(%dma_wait3A_708 : memref<1040000x16xf32, #tpu.memory_space<hbm>>) dst(%dma_wait3A_702 : memref<128x16xf32, #tpu.memory_space<vmem>>)
    %dma_wait3A_709 = arith.constant 31 : i32
    %dma_wait3A_710 = arith.constant 640 : i32
    %dma_wait3A_711 = arith.constant 0 : i32
    %dma_wait3A_712 = tpu.memref_slice %arg6[%dma_wait3A_710, %dma_wait3A_711] : memref<1664x16xf32, #tpu.memory_space<vmem>> -> memref<128x16xf32, #tpu.memory_space<vmem>>
    %dma_wait3A_713 = arith.constant 0 : i32
    %dma_wait3A_714 = tpu.memref_slice %arg5[%dma_wait3A_709, %dma_wait3A_713] : memref<52x128xi32, #tpu.memory_space<vmem>> -> memref<1x128xi32, #tpu.memory_space<vmem>>
    %dma_wait3A_715 = tpu.memref_squeeze %dma_wait3A_714 : memref<1x128xi32, #tpu.memory_space<vmem>> -> memref<128xi32, #tpu.memory_space<vmem>>
    %dma_wait3A_716 = arith.constant 0 : i32
    %dma_wait3A_717 = arith.constant 0 : i32
    %dma_wait3A_718 = tpu.memref_slice %arg2[%dma_wait3A_716, %dma_wait3A_717] : memref<1040000x16xf32, #tpu.memory_space<hbm>> -> memref<1040000x16xf32, #tpu.memory_space<hbm>>
    tpu.wait_indirect_dma semaphore(%arg7 : memref<!tpu.dma_semaphore, #tpu.memory_space<semaphore_mem>>) src(%dma_wait3A_718 : memref<1040000x16xf32, #tpu.memory_space<hbm>>) dst(%dma_wait3A_712 : memref<128x16xf32, #tpu.memory_space<vmem>>)
    %dma_wait3A_719 = arith.constant 32 : i32
    %dma_wait3A_720 = arith.constant 768 : i32
    %dma_wait3A_721 = arith.constant 0 : i32
    %dma_wait3A_722 = tpu.memref_slice %arg6[%dma_wait3A_720, %dma_wait3A_721] : memref<1664x16xf32, #tpu.memory_space<vmem>> -> memref<128x16xf32, #tpu.memory_space<vmem>>
    %dma_wait3A_723 = arith.constant 0 : i32
    %dma_wait3A_724 = tpu.memref_slice %arg5[%dma_wait3A_719, %dma_wait3A_723] : memref<52x128xi32, #tpu.memory_space<vmem>> -> memref<1x128xi32, #tpu.memory_space<vmem>>
    %dma_wait3A_725 = tpu.memref_squeeze %dma_wait3A_724 : memref<1x128xi32, #tpu.memory_space<vmem>> -> memref<128xi32, #tpu.memory_space<vmem>>
    %dma_wait3A_726 = arith.constant 0 : i32
    %dma_wait3A_727 = arith.constant 0 : i32
    %dma_wait3A_728 = tpu.memref_slice %arg2[%dma_wait3A_726, %dma_wait3A_727] : memref<1040000x16xf32, #tpu.memory_space<hbm>> -> memref<1040000x16xf32, #tpu.memory_space<hbm>>
    tpu.wait_indirect_dma semaphore(%arg7 : memref<!tpu.dma_semaphore, #tpu.memory_space<semaphore_mem>>) src(%dma_wait3A_728 : memref<1040000x16xf32, #tpu.memory_space<hbm>>) dst(%dma_wait3A_722 : memref<128x16xf32, #tpu.memory_space<vmem>>)
    %dma_wait3A_729 = arith.constant 33 : i32
    %dma_wait3A_730 = arith.constant 896 : i32
    %dma_wait3A_731 = arith.constant 0 : i32
    %dma_wait3A_732 = tpu.memref_slice %arg6[%dma_wait3A_730, %dma_wait3A_731] : memref<1664x16xf32, #tpu.memory_space<vmem>> -> memref<128x16xf32, #tpu.memory_space<vmem>>
    %dma_wait3A_733 = arith.constant 0 : i32
    %dma_wait3A_734 = tpu.memref_slice %arg5[%dma_wait3A_729, %dma_wait3A_733] : memref<52x128xi32, #tpu.memory_space<vmem>> -> memref<1x128xi32, #tpu.memory_space<vmem>>
    %dma_wait3A_735 = tpu.memref_squeeze %dma_wait3A_734 : memref<1x128xi32, #tpu.memory_space<vmem>> -> memref<128xi32, #tpu.memory_space<vmem>>
    %dma_wait3A_736 = arith.constant 0 : i32
    %dma_wait3A_737 = arith.constant 0 : i32
    %dma_wait3A_738 = tpu.memref_slice %arg2[%dma_wait3A_736, %dma_wait3A_737] : memref<1040000x16xf32, #tpu.memory_space<hbm>> -> memref<1040000x16xf32, #tpu.memory_space<hbm>>
    tpu.wait_indirect_dma semaphore(%arg7 : memref<!tpu.dma_semaphore, #tpu.memory_space<semaphore_mem>>) src(%dma_wait3A_738 : memref<1040000x16xf32, #tpu.memory_space<hbm>>) dst(%dma_wait3A_732 : memref<128x16xf32, #tpu.memory_space<vmem>>)
    %dma_wait3A_739 = arith.constant 34 : i32
    %dma_wait3A_740 = arith.constant 1024 : i32
    %dma_wait3A_741 = arith.constant 0 : i32
    %dma_wait3A_742 = tpu.memref_slice %arg6[%dma_wait3A_740, %dma_wait3A_741] : memref<1664x16xf32, #tpu.memory_space<vmem>> -> memref<128x16xf32, #tpu.memory_space<vmem>>
    %dma_wait3A_743 = arith.constant 0 : i32
    %dma_wait3A_744 = tpu.memref_slice %arg5[%dma_wait3A_739, %dma_wait3A_743] : memref<52x128xi32, #tpu.memory_space<vmem>> -> memref<1x128xi32, #tpu.memory_space<vmem>>
    %dma_wait3A_745 = tpu.memref_squeeze %dma_wait3A_744 : memref<1x128xi32, #tpu.memory_space<vmem>> -> memref<128xi32, #tpu.memory_space<vmem>>
    %dma_wait3A_746 = arith.constant 0 : i32
    %dma_wait3A_747 = arith.constant 0 : i32
    %dma_wait3A_748 = tpu.memref_slice %arg2[%dma_wait3A_746, %dma_wait3A_747] : memref<1040000x16xf32, #tpu.memory_space<hbm>> -> memref<1040000x16xf32, #tpu.memory_space<hbm>>
    tpu.wait_indirect_dma semaphore(%arg7 : memref<!tpu.dma_semaphore, #tpu.memory_space<semaphore_mem>>) src(%dma_wait3A_748 : memref<1040000x16xf32, #tpu.memory_space<hbm>>) dst(%dma_wait3A_742 : memref<128x16xf32, #tpu.memory_space<vmem>>)
    %dma_wait3A_749 = arith.constant 35 : i32
    %dma_wait3A_750 = arith.constant 1152 : i32
    %dma_wait3A_751 = arith.constant 0 : i32
    %dma_wait3A_752 = tpu.memref_slice %arg6[%dma_wait3A_750, %dma_wait3A_751] : memref<1664x16xf32, #tpu.memory_space<vmem>> -> memref<128x16xf32, #tpu.memory_space<vmem>>
    %dma_wait3A_753 = arith.constant 0 : i32
    %dma_wait3A_754 = tpu.memref_slice %arg5[%dma_wait3A_749, %dma_wait3A_753] : memref<52x128xi32, #tpu.memory_space<vmem>> -> memref<1x128xi32, #tpu.memory_space<vmem>>
    %dma_wait3A_755 = tpu.memref_squeeze %dma_wait3A_754 : memref<1x128xi32, #tpu.memory_space<vmem>> -> memref<128xi32, #tpu.memory_space<vmem>>
    %dma_wait3A_756 = arith.constant 0 : i32
    %dma_wait3A_757 = arith.constant 0 : i32
    %dma_wait3A_758 = tpu.memref_slice %arg2[%dma_wait3A_756, %dma_wait3A_757] : memref<1040000x16xf32, #tpu.memory_space<hbm>> -> memref<1040000x16xf32, #tpu.memory_space<hbm>>
    tpu.wait_indirect_dma semaphore(%arg7 : memref<!tpu.dma_semaphore, #tpu.memory_space<semaphore_mem>>) src(%dma_wait3A_758 : memref<1040000x16xf32, #tpu.memory_space<hbm>>) dst(%dma_wait3A_752 : memref<128x16xf32, #tpu.memory_space<vmem>>)
    %dma_wait3A_759 = arith.constant 36 : i32
    %dma_wait3A_760 = arith.constant 1280 : i32
    %dma_wait3A_761 = arith.constant 0 : i32
    %dma_wait3A_762 = tpu.memref_slice %arg6[%dma_wait3A_760, %dma_wait3A_761] : memref<1664x16xf32, #tpu.memory_space<vmem>> -> memref<128x16xf32, #tpu.memory_space<vmem>>
    %dma_wait3A_763 = arith.constant 0 : i32
    %dma_wait3A_764 = tpu.memref_slice %arg5[%dma_wait3A_759, %dma_wait3A_763] : memref<52x128xi32, #tpu.memory_space<vmem>> -> memref<1x128xi32, #tpu.memory_space<vmem>>
    %dma_wait3A_765 = tpu.memref_squeeze %dma_wait3A_764 : memref<1x128xi32, #tpu.memory_space<vmem>> -> memref<128xi32, #tpu.memory_space<vmem>>
    %dma_wait3A_766 = arith.constant 0 : i32
    %dma_wait3A_767 = arith.constant 0 : i32
    %dma_wait3A_768 = tpu.memref_slice %arg2[%dma_wait3A_766, %dma_wait3A_767] : memref<1040000x16xf32, #tpu.memory_space<hbm>> -> memref<1040000x16xf32, #tpu.memory_space<hbm>>
    tpu.wait_indirect_dma semaphore(%arg7 : memref<!tpu.dma_semaphore, #tpu.memory_space<semaphore_mem>>) src(%dma_wait3A_768 : memref<1040000x16xf32, #tpu.memory_space<hbm>>) dst(%dma_wait3A_762 : memref<128x16xf32, #tpu.memory_space<vmem>>)
    %dma_wait3A_769 = arith.constant 37 : i32
    %dma_wait3A_770 = arith.constant 1408 : i32
    %dma_wait3A_771 = arith.constant 0 : i32
    %dma_wait3A_772 = tpu.memref_slice %arg6[%dma_wait3A_770, %dma_wait3A_771] : memref<1664x16xf32, #tpu.memory_space<vmem>> -> memref<128x16xf32, #tpu.memory_space<vmem>>
    %dma_wait3A_773 = arith.constant 0 : i32
    %dma_wait3A_774 = tpu.memref_slice %arg5[%dma_wait3A_769, %dma_wait3A_773] : memref<52x128xi32, #tpu.memory_space<vmem>> -> memref<1x128xi32, #tpu.memory_space<vmem>>
    %dma_wait3A_775 = tpu.memref_squeeze %dma_wait3A_774 : memref<1x128xi32, #tpu.memory_space<vmem>> -> memref<128xi32, #tpu.memory_space<vmem>>
    %dma_wait3A_776 = arith.constant 0 : i32
    %dma_wait3A_777 = arith.constant 0 : i32
    %dma_wait3A_778 = tpu.memref_slice %arg2[%dma_wait3A_776, %dma_wait3A_777] : memref<1040000x16xf32, #tpu.memory_space<hbm>> -> memref<1040000x16xf32, #tpu.memory_space<hbm>>
    tpu.wait_indirect_dma semaphore(%arg7 : memref<!tpu.dma_semaphore, #tpu.memory_space<semaphore_mem>>) src(%dma_wait3A_778 : memref<1040000x16xf32, #tpu.memory_space<hbm>>) dst(%dma_wait3A_772 : memref<128x16xf32, #tpu.memory_space<vmem>>)
    %dma_wait3A_779 = arith.constant 38 : i32
    %dma_wait3A_780 = arith.constant 1536 : i32
    %dma_wait3A_781 = arith.constant 0 : i32
    %dma_wait3A_782 = tpu.memref_slice %arg6[%dma_wait3A_780, %dma_wait3A_781] : memref<1664x16xf32, #tpu.memory_space<vmem>> -> memref<128x16xf32, #tpu.memory_space<vmem>>
    %dma_wait3A_783 = arith.constant 0 : i32
    %dma_wait3A_784 = tpu.memref_slice %arg5[%dma_wait3A_779, %dma_wait3A_783] : memref<52x128xi32, #tpu.memory_space<vmem>> -> memref<1x128xi32, #tpu.memory_space<vmem>>
    %dma_wait3A_785 = tpu.memref_squeeze %dma_wait3A_784 : memref<1x128xi32, #tpu.memory_space<vmem>> -> memref<128xi32, #tpu.memory_space<vmem>>
    %dma_wait3A_786 = arith.constant 0 : i32
    %dma_wait3A_787 = arith.constant 0 : i32
    %dma_wait3A_788 = tpu.memref_slice %arg2[%dma_wait3A_786, %dma_wait3A_787] : memref<1040000x16xf32, #tpu.memory_space<hbm>> -> memref<1040000x16xf32, #tpu.memory_space<hbm>>
    tpu.wait_indirect_dma semaphore(%arg7 : memref<!tpu.dma_semaphore, #tpu.memory_space<semaphore_mem>>) src(%dma_wait3A_788 : memref<1040000x16xf32, #tpu.memory_space<hbm>>) dst(%dma_wait3A_782 : memref<128x16xf32, #tpu.memory_space<vmem>>)
    %mul3A_789 = arith.constant 6656 : i32
    %mul3A_790 = arith.muli %add3A, %mul3A_789 : i32
    %add3A_791 = arith.constant 3328 : i32
    %add3A_792 = arith.addi %mul3A_790, %add3A_791 : i32
    "tpu.region"() ({
      %run_scoped3A = tpu.sem_alloc : memref<!tpu.dma_semaphore, #tpu.memory_space<semaphore_mem>>
      %dma_start3A_1057 = arith.constant 0 : i32
      %dma_start3A_1058 = tpu.memref_slice %arg4[%add3A_792, %dma_start3A_1057] : memref<212992x16xf32, #tpu.memory_space<hbm>> -> memref<1664x16xf32, #tpu.memory_space<hbm>>
      %dma_start3A_1059 = arith.constant 0 : i32
      %dma_start3A_1060 = tpu.memref_slice %arg4[%add3A_792, %dma_start3A_1059] : memref<212992x16xf32, #tpu.memory_space<hbm>> -> memref<1664x16xf32, #tpu.memory_space<hbm>>
      tpu.enqueue_dma source(%arg6 : memref<1664x16xf32, #tpu.memory_space<vmem>>) target(%dma_start3A_1060 : memref<1664x16xf32, #tpu.memory_space<hbm>>) target_semaphore(%run_scoped3A : memref<!tpu.dma_semaphore, #tpu.memory_space<semaphore_mem>>)
      %dma_wait3A_1061 = arith.constant 0 : i32
      %dma_wait3A_1062 = tpu.memref_slice %arg4[%add3A_792, %dma_wait3A_1061] : memref<212992x16xf32, #tpu.memory_space<hbm>> -> memref<1664x16xf32, #tpu.memory_space<hbm>>
      %dma_wait3A_1063 = arith.constant 0 : i32
      %dma_wait3A_1064 = tpu.memref_slice %arg4[%add3A_792, %dma_wait3A_1063] : memref<212992x16xf32, #tpu.memory_space<hbm>> -> memref<1664x16xf32, #tpu.memory_space<hbm>>
      tpu.wait_dma2 semaphore(%run_scoped3A : memref<!tpu.dma_semaphore, #tpu.memory_space<semaphore_mem>>) src(%arg6 : memref<1664x16xf32, #tpu.memory_space<vmem>>) dst(%dma_wait3A_1064 : memref<1664x16xf32, #tpu.memory_space<hbm>>)
      tpu.yield
    }) : () -> ()
    %dma_start3A_793 = arith.constant 39 : i32
    %dma_start3A_794 = arith.constant 0 : i32
    %dma_start3A_795 = arith.constant 0 : i32
    %dma_start3A_796 = tpu.memref_slice %arg6[%dma_start3A_794, %dma_start3A_795] : memref<1664x16xf32, #tpu.memory_space<vmem>> -> memref<128x16xf32, #tpu.memory_space<vmem>>
    %dma_start3A_797 = arith.constant 0 : i32
    %dma_start3A_798 = tpu.memref_slice %arg5[%dma_start3A_793, %dma_start3A_797] : memref<52x128xi32, #tpu.memory_space<vmem>> -> memref<1x128xi32, #tpu.memory_space<vmem>>
    %dma_start3A_799 = tpu.memref_squeeze %dma_start3A_798 : memref<1x128xi32, #tpu.memory_space<vmem>> -> memref<128xi32, #tpu.memory_space<vmem>>
    %dma_start3A_800 = arith.constant 0 : i32
    %dma_start3A_801 = arith.constant 0 : i32
    %dma_start3A_802 = tpu.memref_slice %arg2[%dma_start3A_800, %dma_start3A_801] : memref<1040000x16xf32, #tpu.memory_space<hbm>> -> memref<1040000x16xf32, #tpu.memory_space<hbm>>
    tpu.enqueue_indirect_dma source(%dma_start3A_802 : memref<1040000x16xf32, #tpu.memory_space<hbm>>) target(%dma_start3A_796 : memref<128x16xf32, #tpu.memory_space<vmem>>) offsets(%dma_start3A_799 : memref<128xi32, #tpu.memory_space<vmem>>) semaphore(%arg7 : memref<!tpu.dma_semaphore, #tpu.memory_space<semaphore_mem>>)
    %dma_start3A_803 = arith.constant 40 : i32
    %dma_start3A_804 = arith.constant 128 : i32
    %dma_start3A_805 = arith.constant 0 : i32
    %dma_start3A_806 = tpu.memref_slice %arg6[%dma_start3A_804, %dma_start3A_805] : memref<1664x16xf32, #tpu.memory_space<vmem>> -> memref<128x16xf32, #tpu.memory_space<vmem>>
    %dma_start3A_807 = arith.constant 0 : i32
    %dma_start3A_808 = tpu.memref_slice %arg5[%dma_start3A_803, %dma_start3A_807] : memref<52x128xi32, #tpu.memory_space<vmem>> -> memref<1x128xi32, #tpu.memory_space<vmem>>
    %dma_start3A_809 = tpu.memref_squeeze %dma_start3A_808 : memref<1x128xi32, #tpu.memory_space<vmem>> -> memref<128xi32, #tpu.memory_space<vmem>>
    %dma_start3A_810 = arith.constant 0 : i32
    %dma_start3A_811 = arith.constant 0 : i32
    %dma_start3A_812 = tpu.memref_slice %arg2[%dma_start3A_810, %dma_start3A_811] : memref<1040000x16xf32, #tpu.memory_space<hbm>> -> memref<1040000x16xf32, #tpu.memory_space<hbm>>
    tpu.enqueue_indirect_dma source(%dma_start3A_812 : memref<1040000x16xf32, #tpu.memory_space<hbm>>) target(%dma_start3A_806 : memref<128x16xf32, #tpu.memory_space<vmem>>) offsets(%dma_start3A_809 : memref<128xi32, #tpu.memory_space<vmem>>) semaphore(%arg7 : memref<!tpu.dma_semaphore, #tpu.memory_space<semaphore_mem>>)
    %dma_start3A_813 = arith.constant 41 : i32
    %dma_start3A_814 = arith.constant 256 : i32
    %dma_start3A_815 = arith.constant 0 : i32
    %dma_start3A_816 = tpu.memref_slice %arg6[%dma_start3A_814, %dma_start3A_815] : memref<1664x16xf32, #tpu.memory_space<vmem>> -> memref<128x16xf32, #tpu.memory_space<vmem>>
    %dma_start3A_817 = arith.constant 0 : i32
    %dma_start3A_818 = tpu.memref_slice %arg5[%dma_start3A_813, %dma_start3A_817] : memref<52x128xi32, #tpu.memory_space<vmem>> -> memref<1x128xi32, #tpu.memory_space<vmem>>
    %dma_start3A_819 = tpu.memref_squeeze %dma_start3A_818 : memref<1x128xi32, #tpu.memory_space<vmem>> -> memref<128xi32, #tpu.memory_space<vmem>>
    %dma_start3A_820 = arith.constant 0 : i32
    %dma_start3A_821 = arith.constant 0 : i32
    %dma_start3A_822 = tpu.memref_slice %arg2[%dma_start3A_820, %dma_start3A_821] : memref<1040000x16xf32, #tpu.memory_space<hbm>> -> memref<1040000x16xf32, #tpu.memory_space<hbm>>
    tpu.enqueue_indirect_dma source(%dma_start3A_822 : memref<1040000x16xf32, #tpu.memory_space<hbm>>) target(%dma_start3A_816 : memref<128x16xf32, #tpu.memory_space<vmem>>) offsets(%dma_start3A_819 : memref<128xi32, #tpu.memory_space<vmem>>) semaphore(%arg7 : memref<!tpu.dma_semaphore, #tpu.memory_space<semaphore_mem>>)
    %dma_start3A_823 = arith.constant 42 : i32
    %dma_start3A_824 = arith.constant 384 : i32
    %dma_start3A_825 = arith.constant 0 : i32
    %dma_start3A_826 = tpu.memref_slice %arg6[%dma_start3A_824, %dma_start3A_825] : memref<1664x16xf32, #tpu.memory_space<vmem>> -> memref<128x16xf32, #tpu.memory_space<vmem>>
    %dma_start3A_827 = arith.constant 0 : i32
    %dma_start3A_828 = tpu.memref_slice %arg5[%dma_start3A_823, %dma_start3A_827] : memref<52x128xi32, #tpu.memory_space<vmem>> -> memref<1x128xi32, #tpu.memory_space<vmem>>
    %dma_start3A_829 = tpu.memref_squeeze %dma_start3A_828 : memref<1x128xi32, #tpu.memory_space<vmem>> -> memref<128xi32, #tpu.memory_space<vmem>>
    %dma_start3A_830 = arith.constant 0 : i32
    %dma_start3A_831 = arith.constant 0 : i32
    %dma_start3A_832 = tpu.memref_slice %arg2[%dma_start3A_830, %dma_start3A_831] : memref<1040000x16xf32, #tpu.memory_space<hbm>> -> memref<1040000x16xf32, #tpu.memory_space<hbm>>
    tpu.enqueue_indirect_dma source(%dma_start3A_832 : memref<1040000x16xf32, #tpu.memory_space<hbm>>) target(%dma_start3A_826 : memref<128x16xf32, #tpu.memory_space<vmem>>) offsets(%dma_start3A_829 : memref<128xi32, #tpu.memory_space<vmem>>) semaphore(%arg7 : memref<!tpu.dma_semaphore, #tpu.memory_space<semaphore_mem>>)
    %dma_start3A_833 = arith.constant 43 : i32
    %dma_start3A_834 = arith.constant 512 : i32
    %dma_start3A_835 = arith.constant 0 : i32
    %dma_start3A_836 = tpu.memref_slice %arg6[%dma_start3A_834, %dma_start3A_835] : memref<1664x16xf32, #tpu.memory_space<vmem>> -> memref<128x16xf32, #tpu.memory_space<vmem>>
    %dma_start3A_837 = arith.constant 0 : i32
    %dma_start3A_838 = tpu.memref_slice %arg5[%dma_start3A_833, %dma_start3A_837] : memref<52x128xi32, #tpu.memory_space<vmem>> -> memref<1x128xi32, #tpu.memory_space<vmem>>
    %dma_start3A_839 = tpu.memref_squeeze %dma_start3A_838 : memref<1x128xi32, #tpu.memory_space<vmem>> -> memref<128xi32, #tpu.memory_space<vmem>>
    %dma_start3A_840 = arith.constant 0 : i32
    %dma_start3A_841 = arith.constant 0 : i32
    %dma_start3A_842 = tpu.memref_slice %arg2[%dma_start3A_840, %dma_start3A_841] : memref<1040000x16xf32, #tpu.memory_space<hbm>> -> memref<1040000x16xf32, #tpu.memory_space<hbm>>
    tpu.enqueue_indirect_dma source(%dma_start3A_842 : memref<1040000x16xf32, #tpu.memory_space<hbm>>) target(%dma_start3A_836 : memref<128x16xf32, #tpu.memory_space<vmem>>) offsets(%dma_start3A_839 : memref<128xi32, #tpu.memory_space<vmem>>) semaphore(%arg7 : memref<!tpu.dma_semaphore, #tpu.memory_space<semaphore_mem>>)
    %dma_start3A_843 = arith.constant 44 : i32
    %dma_start3A_844 = arith.constant 640 : i32
    %dma_start3A_845 = arith.constant 0 : i32
    %dma_start3A_846 = tpu.memref_slice %arg6[%dma_start3A_844, %dma_start3A_845] : memref<1664x16xf32, #tpu.memory_space<vmem>> -> memref<128x16xf32, #tpu.memory_space<vmem>>
    %dma_start3A_847 = arith.constant 0 : i32
    %dma_start3A_848 = tpu.memref_slice %arg5[%dma_start3A_843, %dma_start3A_847] : memref<52x128xi32, #tpu.memory_space<vmem>> -> memref<1x128xi32, #tpu.memory_space<vmem>>
    %dma_start3A_849 = tpu.memref_squeeze %dma_start3A_848 : memref<1x128xi32, #tpu.memory_space<vmem>> -> memref<128xi32, #tpu.memory_space<vmem>>
    %dma_start3A_850 = arith.constant 0 : i32
    %dma_start3A_851 = arith.constant 0 : i32
    %dma_start3A_852 = tpu.memref_slice %arg2[%dma_start3A_850, %dma_start3A_851] : memref<1040000x16xf32, #tpu.memory_space<hbm>> -> memref<1040000x16xf32, #tpu.memory_space<hbm>>
    tpu.enqueue_indirect_dma source(%dma_start3A_852 : memref<1040000x16xf32, #tpu.memory_space<hbm>>) target(%dma_start3A_846 : memref<128x16xf32, #tpu.memory_space<vmem>>) offsets(%dma_start3A_849 : memref<128xi32, #tpu.memory_space<vmem>>) semaphore(%arg7 : memref<!tpu.dma_semaphore, #tpu.memory_space<semaphore_mem>>)
    %dma_start3A_853 = arith.constant 45 : i32
    %dma_start3A_854 = arith.constant 768 : i32
    %dma_start3A_855 = arith.constant 0 : i32
    %dma_start3A_856 = tpu.memref_slice %arg6[%dma_start3A_854, %dma_start3A_855] : memref<1664x16xf32, #tpu.memory_space<vmem>> -> memref<128x16xf32, #tpu.memory_space<vmem>>
    %dma_start3A_857 = arith.constant 0 : i32
    %dma_start3A_858 = tpu.memref_slice %arg5[%dma_start3A_853, %dma_start3A_857] : memref<52x128xi32, #tpu.memory_space<vmem>> -> memref<1x128xi32, #tpu.memory_space<vmem>>
    %dma_start3A_859 = tpu.memref_squeeze %dma_start3A_858 : memref<1x128xi32, #tpu.memory_space<vmem>> -> memref<128xi32, #tpu.memory_space<vmem>>
    %dma_start3A_860 = arith.constant 0 : i32
    %dma_start3A_861 = arith.constant 0 : i32
    %dma_start3A_862 = tpu.memref_slice %arg2[%dma_start3A_860, %dma_start3A_861] : memref<1040000x16xf32, #tpu.memory_space<hbm>> -> memref<1040000x16xf32, #tpu.memory_space<hbm>>
    tpu.enqueue_indirect_dma source(%dma_start3A_862 : memref<1040000x16xf32, #tpu.memory_space<hbm>>) target(%dma_start3A_856 : memref<128x16xf32, #tpu.memory_space<vmem>>) offsets(%dma_start3A_859 : memref<128xi32, #tpu.memory_space<vmem>>) semaphore(%arg7 : memref<!tpu.dma_semaphore, #tpu.memory_space<semaphore_mem>>)
    %dma_start3A_863 = arith.constant 46 : i32
    %dma_start3A_864 = arith.constant 896 : i32
    %dma_start3A_865 = arith.constant 0 : i32
    %dma_start3A_866 = tpu.memref_slice %arg6[%dma_start3A_864, %dma_start3A_865] : memref<1664x16xf32, #tpu.memory_space<vmem>> -> memref<128x16xf32, #tpu.memory_space<vmem>>
    %dma_start3A_867 = arith.constant 0 : i32
    %dma_start3A_868 = tpu.memref_slice %arg5[%dma_start3A_863, %dma_start3A_867] : memref<52x128xi32, #tpu.memory_space<vmem>> -> memref<1x128xi32, #tpu.memory_space<vmem>>
    %dma_start3A_869 = tpu.memref_squeeze %dma_start3A_868 : memref<1x128xi32, #tpu.memory_space<vmem>> -> memref<128xi32, #tpu.memory_space<vmem>>
    %dma_start3A_870 = arith.constant 0 : i32
    %dma_start3A_871 = arith.constant 0 : i32
    %dma_start3A_872 = tpu.memref_slice %arg2[%dma_start3A_870, %dma_start3A_871] : memref<1040000x16xf32, #tpu.memory_space<hbm>> -> memref<1040000x16xf32, #tpu.memory_space<hbm>>
    tpu.enqueue_indirect_dma source(%dma_start3A_872 : memref<1040000x16xf32, #tpu.memory_space<hbm>>) target(%dma_start3A_866 : memref<128x16xf32, #tpu.memory_space<vmem>>) offsets(%dma_start3A_869 : memref<128xi32, #tpu.memory_space<vmem>>) semaphore(%arg7 : memref<!tpu.dma_semaphore, #tpu.memory_space<semaphore_mem>>)
    %dma_start3A_873 = arith.constant 47 : i32
    %dma_start3A_874 = arith.constant 1024 : i32
    %dma_start3A_875 = arith.constant 0 : i32
    %dma_start3A_876 = tpu.memref_slice %arg6[%dma_start3A_874, %dma_start3A_875] : memref<1664x16xf32, #tpu.memory_space<vmem>> -> memref<128x16xf32, #tpu.memory_space<vmem>>
    %dma_start3A_877 = arith.constant 0 : i32
    %dma_start3A_878 = tpu.memref_slice %arg5[%dma_start3A_873, %dma_start3A_877] : memref<52x128xi32, #tpu.memory_space<vmem>> -> memref<1x128xi32, #tpu.memory_space<vmem>>
    %dma_start3A_879 = tpu.memref_squeeze %dma_start3A_878 : memref<1x128xi32, #tpu.memory_space<vmem>> -> memref<128xi32, #tpu.memory_space<vmem>>
    %dma_start3A_880 = arith.constant 0 : i32
    %dma_start3A_881 = arith.constant 0 : i32
    %dma_start3A_882 = tpu.memref_slice %arg2[%dma_start3A_880, %dma_start3A_881] : memref<1040000x16xf32, #tpu.memory_space<hbm>> -> memref<1040000x16xf32, #tpu.memory_space<hbm>>
    tpu.enqueue_indirect_dma source(%dma_start3A_882 : memref<1040000x16xf32, #tpu.memory_space<hbm>>) target(%dma_start3A_876 : memref<128x16xf32, #tpu.memory_space<vmem>>) offsets(%dma_start3A_879 : memref<128xi32, #tpu.memory_space<vmem>>) semaphore(%arg7 : memref<!tpu.dma_semaphore, #tpu.memory_space<semaphore_mem>>)
    %dma_start3A_883 = arith.constant 48 : i32
    %dma_start3A_884 = arith.constant 1152 : i32
    %dma_start3A_885 = arith.constant 0 : i32
    %dma_start3A_886 = tpu.memref_slice %arg6[%dma_start3A_884, %dma_start3A_885] : memref<1664x16xf32, #tpu.memory_space<vmem>> -> memref<128x16xf32, #tpu.memory_space<vmem>>
    %dma_start3A_887 = arith.constant 0 : i32
    %dma_start3A_888 = tpu.memref_slice %arg5[%dma_start3A_883, %dma_start3A_887] : memref<52x128xi32, #tpu.memory_space<vmem>> -> memref<1x128xi32, #tpu.memory_space<vmem>>
    %dma_start3A_889 = tpu.memref_squeeze %dma_start3A_888 : memref<1x128xi32, #tpu.memory_space<vmem>> -> memref<128xi32, #tpu.memory_space<vmem>>
    %dma_start3A_890 = arith.constant 0 : i32
    %dma_start3A_891 = arith.constant 0 : i32
    %dma_start3A_892 = tpu.memref_slice %arg2[%dma_start3A_890, %dma_start3A_891] : memref<1040000x16xf32, #tpu.memory_space<hbm>> -> memref<1040000x16xf32, #tpu.memory_space<hbm>>
    tpu.enqueue_indirect_dma source(%dma_start3A_892 : memref<1040000x16xf32, #tpu.memory_space<hbm>>) target(%dma_start3A_886 : memref<128x16xf32, #tpu.memory_space<vmem>>) offsets(%dma_start3A_889 : memref<128xi32, #tpu.memory_space<vmem>>) semaphore(%arg7 : memref<!tpu.dma_semaphore, #tpu.memory_space<semaphore_mem>>)
    %dma_start3A_893 = arith.constant 49 : i32
    %dma_start3A_894 = arith.constant 1280 : i32
    %dma_start3A_895 = arith.constant 0 : i32
    %dma_start3A_896 = tpu.memref_slice %arg6[%dma_start3A_894, %dma_start3A_895] : memref<1664x16xf32, #tpu.memory_space<vmem>> -> memref<128x16xf32, #tpu.memory_space<vmem>>
    %dma_start3A_897 = arith.constant 0 : i32
    %dma_start3A_898 = tpu.memref_slice %arg5[%dma_start3A_893, %dma_start3A_897] : memref<52x128xi32, #tpu.memory_space<vmem>> -> memref<1x128xi32, #tpu.memory_space<vmem>>
    %dma_start3A_899 = tpu.memref_squeeze %dma_start3A_898 : memref<1x128xi32, #tpu.memory_space<vmem>> -> memref<128xi32, #tpu.memory_space<vmem>>
    %dma_start3A_900 = arith.constant 0 : i32
    %dma_start3A_901 = arith.constant 0 : i32
    %dma_start3A_902 = tpu.memref_slice %arg2[%dma_start3A_900, %dma_start3A_901] : memref<1040000x16xf32, #tpu.memory_space<hbm>> -> memref<1040000x16xf32, #tpu.memory_space<hbm>>
    tpu.enqueue_indirect_dma source(%dma_start3A_902 : memref<1040000x16xf32, #tpu.memory_space<hbm>>) target(%dma_start3A_896 : memref<128x16xf32, #tpu.memory_space<vmem>>) offsets(%dma_start3A_899 : memref<128xi32, #tpu.memory_space<vmem>>) semaphore(%arg7 : memref<!tpu.dma_semaphore, #tpu.memory_space<semaphore_mem>>)
    %dma_start3A_903 = arith.constant 50 : i32
    %dma_start3A_904 = arith.constant 1408 : i32
    %dma_start3A_905 = arith.constant 0 : i32
    %dma_start3A_906 = tpu.memref_slice %arg6[%dma_start3A_904, %dma_start3A_905] : memref<1664x16xf32, #tpu.memory_space<vmem>> -> memref<128x16xf32, #tpu.memory_space<vmem>>
    %dma_start3A_907 = arith.constant 0 : i32
    %dma_start3A_908 = tpu.memref_slice %arg5[%dma_start3A_903, %dma_start3A_907] : memref<52x128xi32, #tpu.memory_space<vmem>> -> memref<1x128xi32, #tpu.memory_space<vmem>>
    %dma_start3A_909 = tpu.memref_squeeze %dma_start3A_908 : memref<1x128xi32, #tpu.memory_space<vmem>> -> memref<128xi32, #tpu.memory_space<vmem>>
    %dma_start3A_910 = arith.constant 0 : i32
    %dma_start3A_911 = arith.constant 0 : i32
    %dma_start3A_912 = tpu.memref_slice %arg2[%dma_start3A_910, %dma_start3A_911] : memref<1040000x16xf32, #tpu.memory_space<hbm>> -> memref<1040000x16xf32, #tpu.memory_space<hbm>>
    tpu.enqueue_indirect_dma source(%dma_start3A_912 : memref<1040000x16xf32, #tpu.memory_space<hbm>>) target(%dma_start3A_906 : memref<128x16xf32, #tpu.memory_space<vmem>>) offsets(%dma_start3A_909 : memref<128xi32, #tpu.memory_space<vmem>>) semaphore(%arg7 : memref<!tpu.dma_semaphore, #tpu.memory_space<semaphore_mem>>)
    %dma_start3A_913 = arith.constant 51 : i32
    %dma_start3A_914 = arith.constant 1536 : i32
    %dma_start3A_915 = arith.constant 0 : i32
    %dma_start3A_916 = tpu.memref_slice %arg6[%dma_start3A_914, %dma_start3A_915] : memref<1664x16xf32, #tpu.memory_space<vmem>> -> memref<128x16xf32, #tpu.memory_space<vmem>>
    %dma_start3A_917 = arith.constant 0 : i32
    %dma_start3A_918 = tpu.memref_slice %arg5[%dma_start3A_913, %dma_start3A_917] : memref<52x128xi32, #tpu.memory_space<vmem>> -> memref<1x128xi32, #tpu.memory_space<vmem>>
    %dma_start3A_919 = tpu.memref_squeeze %dma_start3A_918 : memref<1x128xi32, #tpu.memory_space<vmem>> -> memref<128xi32, #tpu.memory_space<vmem>>
    %dma_start3A_920 = arith.constant 0 : i32
    %dma_start3A_921 = arith.constant 0 : i32
    %dma_start3A_922 = tpu.memref_slice %arg2[%dma_start3A_920, %dma_start3A_921] : memref<1040000x16xf32, #tpu.memory_space<hbm>> -> memref<1040000x16xf32, #tpu.memory_space<hbm>>
    tpu.enqueue_indirect_dma source(%dma_start3A_922 : memref<1040000x16xf32, #tpu.memory_space<hbm>>) target(%dma_start3A_916 : memref<128x16xf32, #tpu.memory_space<vmem>>) offsets(%dma_start3A_919 : memref<128xi32, #tpu.memory_space<vmem>>) semaphore(%arg7 : memref<!tpu.dma_semaphore, #tpu.memory_space<semaphore_mem>>)
    %dma_wait3A_923 = arith.constant 39 : i32
    %dma_wait3A_924 = arith.constant 0 : i32
    %dma_wait3A_925 = arith.constant 0 : i32
    %dma_wait3A_926 = tpu.memref_slice %arg6[%dma_wait3A_924, %dma_wait3A_925] : memref<1664x16xf32, #tpu.memory_space<vmem>> -> memref<128x16xf32, #tpu.memory_space<vmem>>
    %dma_wait3A_927 = arith.constant 0 : i32
    %dma_wait3A_928 = tpu.memref_slice %arg5[%dma_wait3A_923, %dma_wait3A_927] : memref<52x128xi32, #tpu.memory_space<vmem>> -> memref<1x128xi32, #tpu.memory_space<vmem>>
    %dma_wait3A_929 = tpu.memref_squeeze %dma_wait3A_928 : memref<1x128xi32, #tpu.memory_space<vmem>> -> memref<128xi32, #tpu.memory_space<vmem>>
    %dma_wait3A_930 = arith.constant 0 : i32
    %dma_wait3A_931 = arith.constant 0 : i32
    %dma_wait3A_932 = tpu.memref_slice %arg2[%dma_wait3A_930, %dma_wait3A_931] : memref<1040000x16xf32, #tpu.memory_space<hbm>> -> memref<1040000x16xf32, #tpu.memory_space<hbm>>
    tpu.wait_indirect_dma semaphore(%arg7 : memref<!tpu.dma_semaphore, #tpu.memory_space<semaphore_mem>>) src(%dma_wait3A_932 : memref<1040000x16xf32, #tpu.memory_space<hbm>>) dst(%dma_wait3A_926 : memref<128x16xf32, #tpu.memory_space<vmem>>)
    %dma_wait3A_933 = arith.constant 40 : i32
    %dma_wait3A_934 = arith.constant 128 : i32
    %dma_wait3A_935 = arith.constant 0 : i32
    %dma_wait3A_936 = tpu.memref_slice %arg6[%dma_wait3A_934, %dma_wait3A_935] : memref<1664x16xf32, #tpu.memory_space<vmem>> -> memref<128x16xf32, #tpu.memory_space<vmem>>
    %dma_wait3A_937 = arith.constant 0 : i32
    %dma_wait3A_938 = tpu.memref_slice %arg5[%dma_wait3A_933, %dma_wait3A_937] : memref<52x128xi32, #tpu.memory_space<vmem>> -> memref<1x128xi32, #tpu.memory_space<vmem>>
    %dma_wait3A_939 = tpu.memref_squeeze %dma_wait3A_938 : memref<1x128xi32, #tpu.memory_space<vmem>> -> memref<128xi32, #tpu.memory_space<vmem>>
    %dma_wait3A_940 = arith.constant 0 : i32
    %dma_wait3A_941 = arith.constant 0 : i32
    %dma_wait3A_942 = tpu.memref_slice %arg2[%dma_wait3A_940, %dma_wait3A_941] : memref<1040000x16xf32, #tpu.memory_space<hbm>> -> memref<1040000x16xf32, #tpu.memory_space<hbm>>
    tpu.wait_indirect_dma semaphore(%arg7 : memref<!tpu.dma_semaphore, #tpu.memory_space<semaphore_mem>>) src(%dma_wait3A_942 : memref<1040000x16xf32, #tpu.memory_space<hbm>>) dst(%dma_wait3A_936 : memref<128x16xf32, #tpu.memory_space<vmem>>)
    %dma_wait3A_943 = arith.constant 41 : i32
    %dma_wait3A_944 = arith.constant 256 : i32
    %dma_wait3A_945 = arith.constant 0 : i32
    %dma_wait3A_946 = tpu.memref_slice %arg6[%dma_wait3A_944, %dma_wait3A_945] : memref<1664x16xf32, #tpu.memory_space<vmem>> -> memref<128x16xf32, #tpu.memory_space<vmem>>
    %dma_wait3A_947 = arith.constant 0 : i32
    %dma_wait3A_948 = tpu.memref_slice %arg5[%dma_wait3A_943, %dma_wait3A_947] : memref<52x128xi32, #tpu.memory_space<vmem>> -> memref<1x128xi32, #tpu.memory_space<vmem>>
    %dma_wait3A_949 = tpu.memref_squeeze %dma_wait3A_948 : memref<1x128xi32, #tpu.memory_space<vmem>> -> memref<128xi32, #tpu.memory_space<vmem>>
    %dma_wait3A_950 = arith.constant 0 : i32
    %dma_wait3A_951 = arith.constant 0 : i32
    %dma_wait3A_952 = tpu.memref_slice %arg2[%dma_wait3A_950, %dma_wait3A_951] : memref<1040000x16xf32, #tpu.memory_space<hbm>> -> memref<1040000x16xf32, #tpu.memory_space<hbm>>
    tpu.wait_indirect_dma semaphore(%arg7 : memref<!tpu.dma_semaphore, #tpu.memory_space<semaphore_mem>>) src(%dma_wait3A_952 : memref<1040000x16xf32, #tpu.memory_space<hbm>>) dst(%dma_wait3A_946 : memref<128x16xf32, #tpu.memory_space<vmem>>)
    %dma_wait3A_953 = arith.constant 42 : i32
    %dma_wait3A_954 = arith.constant 384 : i32
    %dma_wait3A_955 = arith.constant 0 : i32
    %dma_wait3A_956 = tpu.memref_slice %arg6[%dma_wait3A_954, %dma_wait3A_955] : memref<1664x16xf32, #tpu.memory_space<vmem>> -> memref<128x16xf32, #tpu.memory_space<vmem>>
    %dma_wait3A_957 = arith.constant 0 : i32
    %dma_wait3A_958 = tpu.memref_slice %arg5[%dma_wait3A_953, %dma_wait3A_957] : memref<52x128xi32, #tpu.memory_space<vmem>> -> memref<1x128xi32, #tpu.memory_space<vmem>>
    %dma_wait3A_959 = tpu.memref_squeeze %dma_wait3A_958 : memref<1x128xi32, #tpu.memory_space<vmem>> -> memref<128xi32, #tpu.memory_space<vmem>>
    %dma_wait3A_960 = arith.constant 0 : i32
    %dma_wait3A_961 = arith.constant 0 : i32
    %dma_wait3A_962 = tpu.memref_slice %arg2[%dma_wait3A_960, %dma_wait3A_961] : memref<1040000x16xf32, #tpu.memory_space<hbm>> -> memref<1040000x16xf32, #tpu.memory_space<hbm>>
    tpu.wait_indirect_dma semaphore(%arg7 : memref<!tpu.dma_semaphore, #tpu.memory_space<semaphore_mem>>) src(%dma_wait3A_962 : memref<1040000x16xf32, #tpu.memory_space<hbm>>) dst(%dma_wait3A_956 : memref<128x16xf32, #tpu.memory_space<vmem>>)
    %dma_wait3A_963 = arith.constant 43 : i32
    %dma_wait3A_964 = arith.constant 512 : i32
    %dma_wait3A_965 = arith.constant 0 : i32
    %dma_wait3A_966 = tpu.memref_slice %arg6[%dma_wait3A_964, %dma_wait3A_965] : memref<1664x16xf32, #tpu.memory_space<vmem>> -> memref<128x16xf32, #tpu.memory_space<vmem>>
    %dma_wait3A_967 = arith.constant 0 : i32
    %dma_wait3A_968 = tpu.memref_slice %arg5[%dma_wait3A_963, %dma_wait3A_967] : memref<52x128xi32, #tpu.memory_space<vmem>> -> memref<1x128xi32, #tpu.memory_space<vmem>>
    %dma_wait3A_969 = tpu.memref_squeeze %dma_wait3A_968 : memref<1x128xi32, #tpu.memory_space<vmem>> -> memref<128xi32, #tpu.memory_space<vmem>>
    %dma_wait3A_970 = arith.constant 0 : i32
    %dma_wait3A_971 = arith.constant 0 : i32
    %dma_wait3A_972 = tpu.memref_slice %arg2[%dma_wait3A_970, %dma_wait3A_971] : memref<1040000x16xf32, #tpu.memory_space<hbm>> -> memref<1040000x16xf32, #tpu.memory_space<hbm>>
    tpu.wait_indirect_dma semaphore(%arg7 : memref<!tpu.dma_semaphore, #tpu.memory_space<semaphore_mem>>) src(%dma_wait3A_972 : memref<1040000x16xf32, #tpu.memory_space<hbm>>) dst(%dma_wait3A_966 : memref<128x16xf32, #tpu.memory_space<vmem>>)
    %dma_wait3A_973 = arith.constant 44 : i32
    %dma_wait3A_974 = arith.constant 640 : i32
    %dma_wait3A_975 = arith.constant 0 : i32
    %dma_wait3A_976 = tpu.memref_slice %arg6[%dma_wait3A_974, %dma_wait3A_975] : memref<1664x16xf32, #tpu.memory_space<vmem>> -> memref<128x16xf32, #tpu.memory_space<vmem>>
    %dma_wait3A_977 = arith.constant 0 : i32
    %dma_wait3A_978 = tpu.memref_slice %arg5[%dma_wait3A_973, %dma_wait3A_977] : memref<52x128xi32, #tpu.memory_space<vmem>> -> memref<1x128xi32, #tpu.memory_space<vmem>>
    %dma_wait3A_979 = tpu.memref_squeeze %dma_wait3A_978 : memref<1x128xi32, #tpu.memory_space<vmem>> -> memref<128xi32, #tpu.memory_space<vmem>>
    %dma_wait3A_980 = arith.constant 0 : i32
    %dma_wait3A_981 = arith.constant 0 : i32
    %dma_wait3A_982 = tpu.memref_slice %arg2[%dma_wait3A_980, %dma_wait3A_981] : memref<1040000x16xf32, #tpu.memory_space<hbm>> -> memref<1040000x16xf32, #tpu.memory_space<hbm>>
    tpu.wait_indirect_dma semaphore(%arg7 : memref<!tpu.dma_semaphore, #tpu.memory_space<semaphore_mem>>) src(%dma_wait3A_982 : memref<1040000x16xf32, #tpu.memory_space<hbm>>) dst(%dma_wait3A_976 : memref<128x16xf32, #tpu.memory_space<vmem>>)
    %dma_wait3A_983 = arith.constant 45 : i32
    %dma_wait3A_984 = arith.constant 768 : i32
    %dma_wait3A_985 = arith.constant 0 : i32
    %dma_wait3A_986 = tpu.memref_slice %arg6[%dma_wait3A_984, %dma_wait3A_985] : memref<1664x16xf32, #tpu.memory_space<vmem>> -> memref<128x16xf32, #tpu.memory_space<vmem>>
    %dma_wait3A_987 = arith.constant 0 : i32
    %dma_wait3A_988 = tpu.memref_slice %arg5[%dma_wait3A_983, %dma_wait3A_987] : memref<52x128xi32, #tpu.memory_space<vmem>> -> memref<1x128xi32, #tpu.memory_space<vmem>>
    %dma_wait3A_989 = tpu.memref_squeeze %dma_wait3A_988 : memref<1x128xi32, #tpu.memory_space<vmem>> -> memref<128xi32, #tpu.memory_space<vmem>>
    %dma_wait3A_990 = arith.constant 0 : i32
    %dma_wait3A_991 = arith.constant 0 : i32
    %dma_wait3A_992 = tpu.memref_slice %arg2[%dma_wait3A_990, %dma_wait3A_991] : memref<1040000x16xf32, #tpu.memory_space<hbm>> -> memref<1040000x16xf32, #tpu.memory_space<hbm>>
    tpu.wait_indirect_dma semaphore(%arg7 : memref<!tpu.dma_semaphore, #tpu.memory_space<semaphore_mem>>) src(%dma_wait3A_992 : memref<1040000x16xf32, #tpu.memory_space<hbm>>) dst(%dma_wait3A_986 : memref<128x16xf32, #tpu.memory_space<vmem>>)
    %dma_wait3A_993 = arith.constant 46 : i32
    %dma_wait3A_994 = arith.constant 896 : i32
    %dma_wait3A_995 = arith.constant 0 : i32
    %dma_wait3A_996 = tpu.memref_slice %arg6[%dma_wait3A_994, %dma_wait3A_995] : memref<1664x16xf32, #tpu.memory_space<vmem>> -> memref<128x16xf32, #tpu.memory_space<vmem>>
    %dma_wait3A_997 = arith.constant 0 : i32
    %dma_wait3A_998 = tpu.memref_slice %arg5[%dma_wait3A_993, %dma_wait3A_997] : memref<52x128xi32, #tpu.memory_space<vmem>> -> memref<1x128xi32, #tpu.memory_space<vmem>>
    %dma_wait3A_999 = tpu.memref_squeeze %dma_wait3A_998 : memref<1x128xi32, #tpu.memory_space<vmem>> -> memref<128xi32, #tpu.memory_space<vmem>>
    %dma_wait3A_1000 = arith.constant 0 : i32
    %dma_wait3A_1001 = arith.constant 0 : i32
    %dma_wait3A_1002 = tpu.memref_slice %arg2[%dma_wait3A_1000, %dma_wait3A_1001] : memref<1040000x16xf32, #tpu.memory_space<hbm>> -> memref<1040000x16xf32, #tpu.memory_space<hbm>>
    tpu.wait_indirect_dma semaphore(%arg7 : memref<!tpu.dma_semaphore, #tpu.memory_space<semaphore_mem>>) src(%dma_wait3A_1002 : memref<1040000x16xf32, #tpu.memory_space<hbm>>) dst(%dma_wait3A_996 : memref<128x16xf32, #tpu.memory_space<vmem>>)
    %dma_wait3A_1003 = arith.constant 47 : i32
    %dma_wait3A_1004 = arith.constant 1024 : i32
    %dma_wait3A_1005 = arith.constant 0 : i32
    %dma_wait3A_1006 = tpu.memref_slice %arg6[%dma_wait3A_1004, %dma_wait3A_1005] : memref<1664x16xf32, #tpu.memory_space<vmem>> -> memref<128x16xf32, #tpu.memory_space<vmem>>
    %dma_wait3A_1007 = arith.constant 0 : i32
    %dma_wait3A_1008 = tpu.memref_slice %arg5[%dma_wait3A_1003, %dma_wait3A_1007] : memref<52x128xi32, #tpu.memory_space<vmem>> -> memref<1x128xi32, #tpu.memory_space<vmem>>
    %dma_wait3A_1009 = tpu.memref_squeeze %dma_wait3A_1008 : memref<1x128xi32, #tpu.memory_space<vmem>> -> memref<128xi32, #tpu.memory_space<vmem>>
    %dma_wait3A_1010 = arith.constant 0 : i32
    %dma_wait3A_1011 = arith.constant 0 : i32
    %dma_wait3A_1012 = tpu.memref_slice %arg2[%dma_wait3A_1010, %dma_wait3A_1011] : memref<1040000x16xf32, #tpu.memory_space<hbm>> -> memref<1040000x16xf32, #tpu.memory_space<hbm>>
    tpu.wait_indirect_dma semaphore(%arg7 : memref<!tpu.dma_semaphore, #tpu.memory_space<semaphore_mem>>) src(%dma_wait3A_1012 : memref<1040000x16xf32, #tpu.memory_space<hbm>>) dst(%dma_wait3A_1006 : memref<128x16xf32, #tpu.memory_space<vmem>>)
    %dma_wait3A_1013 = arith.constant 48 : i32
    %dma_wait3A_1014 = arith.constant 1152 : i32
    %dma_wait3A_1015 = arith.constant 0 : i32
    %dma_wait3A_1016 = tpu.memref_slice %arg6[%dma_wait3A_1014, %dma_wait3A_1015] : memref<1664x16xf32, #tpu.memory_space<vmem>> -> memref<128x16xf32, #tpu.memory_space<vmem>>
    %dma_wait3A_1017 = arith.constant 0 : i32
    %dma_wait3A_1018 = tpu.memref_slice %arg5[%dma_wait3A_1013, %dma_wait3A_1017] : memref<52x128xi32, #tpu.memory_space<vmem>> -> memref<1x128xi32, #tpu.memory_space<vmem>>
    %dma_wait3A_1019 = tpu.memref_squeeze %dma_wait3A_1018 : memref<1x128xi32, #tpu.memory_space<vmem>> -> memref<128xi32, #tpu.memory_space<vmem>>
    %dma_wait3A_1020 = arith.constant 0 : i32
    %dma_wait3A_1021 = arith.constant 0 : i32
    %dma_wait3A_1022 = tpu.memref_slice %arg2[%dma_wait3A_1020, %dma_wait3A_1021] : memref<1040000x16xf32, #tpu.memory_space<hbm>> -> memref<1040000x16xf32, #tpu.memory_space<hbm>>
    tpu.wait_indirect_dma semaphore(%arg7 : memref<!tpu.dma_semaphore, #tpu.memory_space<semaphore_mem>>) src(%dma_wait3A_1022 : memref<1040000x16xf32, #tpu.memory_space<hbm>>) dst(%dma_wait3A_1016 : memref<128x16xf32, #tpu.memory_space<vmem>>)
    %dma_wait3A_1023 = arith.constant 49 : i32
    %dma_wait3A_1024 = arith.constant 1280 : i32
    %dma_wait3A_1025 = arith.constant 0 : i32
    %dma_wait3A_1026 = tpu.memref_slice %arg6[%dma_wait3A_1024, %dma_wait3A_1025] : memref<1664x16xf32, #tpu.memory_space<vmem>> -> memref<128x16xf32, #tpu.memory_space<vmem>>
    %dma_wait3A_1027 = arith.constant 0 : i32
    %dma_wait3A_1028 = tpu.memref_slice %arg5[%dma_wait3A_1023, %dma_wait3A_1027] : memref<52x128xi32, #tpu.memory_space<vmem>> -> memref<1x128xi32, #tpu.memory_space<vmem>>
    %dma_wait3A_1029 = tpu.memref_squeeze %dma_wait3A_1028 : memref<1x128xi32, #tpu.memory_space<vmem>> -> memref<128xi32, #tpu.memory_space<vmem>>
    %dma_wait3A_1030 = arith.constant 0 : i32
    %dma_wait3A_1031 = arith.constant 0 : i32
    %dma_wait3A_1032 = tpu.memref_slice %arg2[%dma_wait3A_1030, %dma_wait3A_1031] : memref<1040000x16xf32, #tpu.memory_space<hbm>> -> memref<1040000x16xf32, #tpu.memory_space<hbm>>
    tpu.wait_indirect_dma semaphore(%arg7 : memref<!tpu.dma_semaphore, #tpu.memory_space<semaphore_mem>>) src(%dma_wait3A_1032 : memref<1040000x16xf32, #tpu.memory_space<hbm>>) dst(%dma_wait3A_1026 : memref<128x16xf32, #tpu.memory_space<vmem>>)
    %dma_wait3A_1033 = arith.constant 50 : i32
    %dma_wait3A_1034 = arith.constant 1408 : i32
    %dma_wait3A_1035 = arith.constant 0 : i32
    %dma_wait3A_1036 = tpu.memref_slice %arg6[%dma_wait3A_1034, %dma_wait3A_1035] : memref<1664x16xf32, #tpu.memory_space<vmem>> -> memref<128x16xf32, #tpu.memory_space<vmem>>
    %dma_wait3A_1037 = arith.constant 0 : i32
    %dma_wait3A_1038 = tpu.memref_slice %arg5[%dma_wait3A_1033, %dma_wait3A_1037] : memref<52x128xi32, #tpu.memory_space<vmem>> -> memref<1x128xi32, #tpu.memory_space<vmem>>
    %dma_wait3A_1039 = tpu.memref_squeeze %dma_wait3A_1038 : memref<1x128xi32, #tpu.memory_space<vmem>> -> memref<128xi32, #tpu.memory_space<vmem>>
    %dma_wait3A_1040 = arith.constant 0 : i32
    %dma_wait3A_1041 = arith.constant 0 : i32
    %dma_wait3A_1042 = tpu.memref_slice %arg2[%dma_wait3A_1040, %dma_wait3A_1041] : memref<1040000x16xf32, #tpu.memory_space<hbm>> -> memref<1040000x16xf32, #tpu.memory_space<hbm>>
    tpu.wait_indirect_dma semaphore(%arg7 : memref<!tpu.dma_semaphore, #tpu.memory_space<semaphore_mem>>) src(%dma_wait3A_1042 : memref<1040000x16xf32, #tpu.memory_space<hbm>>) dst(%dma_wait3A_1036 : memref<128x16xf32, #tpu.memory_space<vmem>>)
    %dma_wait3A_1043 = arith.constant 51 : i32
    %dma_wait3A_1044 = arith.constant 1536 : i32
    %dma_wait3A_1045 = arith.constant 0 : i32
    %dma_wait3A_1046 = tpu.memref_slice %arg6[%dma_wait3A_1044, %dma_wait3A_1045] : memref<1664x16xf32, #tpu.memory_space<vmem>> -> memref<128x16xf32, #tpu.memory_space<vmem>>
    %dma_wait3A_1047 = arith.constant 0 : i32
    %dma_wait3A_1048 = tpu.memref_slice %arg5[%dma_wait3A_1043, %dma_wait3A_1047] : memref<52x128xi32, #tpu.memory_space<vmem>> -> memref<1x128xi32, #tpu.memory_space<vmem>>
    %dma_wait3A_1049 = tpu.memref_squeeze %dma_wait3A_1048 : memref<1x128xi32, #tpu.memory_space<vmem>> -> memref<128xi32, #tpu.memory_space<vmem>>
    %dma_wait3A_1050 = arith.constant 0 : i32
    %dma_wait3A_1051 = arith.constant 0 : i32
    %dma_wait3A_1052 = tpu.memref_slice %arg2[%dma_wait3A_1050, %dma_wait3A_1051] : memref<1040000x16xf32, #tpu.memory_space<hbm>> -> memref<1040000x16xf32, #tpu.memory_space<hbm>>
    tpu.wait_indirect_dma semaphore(%arg7 : memref<!tpu.dma_semaphore, #tpu.memory_space<semaphore_mem>>) src(%dma_wait3A_1052 : memref<1040000x16xf32, #tpu.memory_space<hbm>>) dst(%dma_wait3A_1046 : memref<128x16xf32, #tpu.memory_space<vmem>>)
    %mul3A_1053 = arith.constant 6656 : i32
    %mul3A_1054 = arith.muli %add3A, %mul3A_1053 : i32
    %add3A_1055 = arith.constant 4992 : i32
    %add3A_1056 = arith.addi %mul3A_1054, %add3A_1055 : i32
    "tpu.region"() ({
      %run_scoped3A = tpu.sem_alloc : memref<!tpu.dma_semaphore, #tpu.memory_space<semaphore_mem>>
      %dma_start3A_1057 = arith.constant 0 : i32
      %dma_start3A_1058 = tpu.memref_slice %arg4[%add3A_1056, %dma_start3A_1057] : memref<212992x16xf32, #tpu.memory_space<hbm>> -> memref<1664x16xf32, #tpu.memory_space<hbm>>
      %dma_start3A_1059 = arith.constant 0 : i32
      %dma_start3A_1060 = tpu.memref_slice %arg4[%add3A_1056, %dma_start3A_1059] : memref<212992x16xf32, #tpu.memory_space<hbm>> -> memref<1664x16xf32, #tpu.memory_space<hbm>>
      tpu.enqueue_dma source(%arg6 : memref<1664x16xf32, #tpu.memory_space<vmem>>) target(%dma_start3A_1060 : memref<1664x16xf32, #tpu.memory_space<hbm>>) target_semaphore(%run_scoped3A : memref<!tpu.dma_semaphore, #tpu.memory_space<semaphore_mem>>)
      %dma_wait3A_1061 = arith.constant 0 : i32
      %dma_wait3A_1062 = tpu.memref_slice %arg4[%add3A_1056, %dma_wait3A_1061] : memref<212992x16xf32, #tpu.memory_space<hbm>> -> memref<1664x16xf32, #tpu.memory_space<hbm>>
      %dma_wait3A_1063 = arith.constant 0 : i32
      %dma_wait3A_1064 = tpu.memref_slice %arg4[%add3A_1056, %dma_wait3A_1063] : memref<212992x16xf32, #tpu.memory_space<hbm>> -> memref<1664x16xf32, #tpu.memory_space<hbm>>
      tpu.wait_dma2 semaphore(%run_scoped3A : memref<!tpu.dma_semaphore, #tpu.memory_space<semaphore_mem>>) src(%arg6 : memref<1664x16xf32, #tpu.memory_space<vmem>>) dst(%dma_wait3A_1064 : memref<1664x16xf32, #tpu.memory_space<hbm>>)
      tpu.yield
    }) : () -> ()
    return
  }
}

module attributes {stable_mosaic.version = 14 : i64} {
  func.func @_pairs_body(%arg0: i32, %arg1: memref<256x1664xf32, #tpu.memory_space<vmem>>, %arg2: memref<256x5200xf32, #tpu.memory_space<vmem>>) attributes {dimension_semantics = [#tpu.dimension_semantics<arbitrary>], iteration_bounds = array<i64: 8>, scalar_prefetch = 0 : i64, scratch_operands = 0 : i64, tpu.core_type = #tpu.core_type<tc>, window_params = [{transform_indices = @transform_0, window_bounds = array<i64: 256, 1664>}, {transform_indices = @transform_1, window_bounds = array<i64: 256, 5200>}]} {
    %get3A = arith.constant 0 : index
    %get3A_0 = arith.constant 0 : index
    %get3A_1 = vector.load %arg1[%get3A, %get3A_0] : memref<256x1664xf32, #tpu.memory_space<vmem>>, vector<256x1664xf32>
    %slice3A = vector.extract_strided_slice %get3A_1 {offsets = [0, 16], sizes = [256, 400], strides = [1, 1]} : vector<256x1664xf32> to vector<256x400xf32>
    %slice3A_2 = vector.extract_strided_slice %get3A_1 {offsets = [0, 0], sizes = [256, 16], strides = [1, 1]} : vector<256x1664xf32> to vector<256x16xf32>
    %tile3A = tpu.concatenate %slice3A_2, %slice3A_2, %slice3A_2, %slice3A_2, %slice3A_2, %slice3A_2 in 1 : vector<256x16xf32>, vector<256x16xf32>, vector<256x16xf32>, vector<256x16xf32>, vector<256x16xf32>, vector<256x16xf32> -> vector<256x96xf32>
    %slice3A_3 = vector.extract_strided_slice %get3A_1 {offsets = [0, 416], sizes = [256, 16], strides = [1, 1]} : vector<256x1664xf32> to vector<256x16xf32>
    %tile3A_4 = tpu.concatenate %slice3A_3, %slice3A_3, %slice3A_3, %slice3A_3, %slice3A_3, %slice3A_3, %slice3A_3 in 1 : vector<256x16xf32>, vector<256x16xf32>, vector<256x16xf32>, vector<256x16xf32>, vector<256x16xf32>, vector<256x16xf32>, vector<256x16xf32> -> vector<256x112xf32>
    %slice3A_5 = vector.extract_strided_slice %get3A_1 {offsets = [0, 832], sizes = [256, 16], strides = [1, 1]} : vector<256x1664xf32> to vector<256x16xf32>
    %tile3A_6 = tpu.concatenate %slice3A_5, %slice3A_5, %slice3A_5, %slice3A_5, %slice3A_5, %slice3A_5 in 1 : vector<256x16xf32>, vector<256x16xf32>, vector<256x16xf32>, vector<256x16xf32>, vector<256x16xf32>, vector<256x16xf32> -> vector<256x96xf32>
    %slice3A_7 = vector.extract_strided_slice %get3A_1 {offsets = [0, 1248], sizes = [256, 16], strides = [1, 1]} : vector<256x1664xf32> to vector<256x16xf32>
    %tile3A_8 = tpu.concatenate %slice3A_7, %slice3A_7, %slice3A_7, %slice3A_7, %slice3A_7, %slice3A_7 in 1 : vector<256x16xf32>, vector<256x16xf32>, vector<256x16xf32>, vector<256x16xf32>, vector<256x16xf32>, vector<256x16xf32> -> vector<256x96xf32>
    %concatenate3A = tpu.concatenate %tile3A, %tile3A_4, %tile3A_6, %tile3A_8 in 1 : vector<256x96xf32>, vector<256x112xf32>, vector<256x96xf32>, vector<256x96xf32> -> vector<256x400xf32>
    %mul3A = arith.mulf %concatenate3A, %slice3A : vector<256x400xf32>
    %slice3A_9 = vector.extract_strided_slice %get3A_1 {offsets = [0, 32], sizes = [256, 384], strides = [1, 1]} : vector<256x1664xf32> to vector<256x384xf32>
    %slice3A_10 = vector.extract_strided_slice %get3A_1 {offsets = [0, 16], sizes = [256, 16], strides = [1, 1]} : vector<256x1664xf32> to vector<256x16xf32>
    %tile3A_11 = tpu.concatenate %slice3A_10, %slice3A_10, %slice3A_10, %slice3A_10, %slice3A_10 in 1 : vector<256x16xf32>, vector<256x16xf32>, vector<256x16xf32>, vector<256x16xf32>, vector<256x16xf32> -> vector<256x80xf32>
    %slice3A_12 = vector.extract_strided_slice %get3A_1 {offsets = [0, 432], sizes = [256, 16], strides = [1, 1]} : vector<256x1664xf32> to vector<256x16xf32>
    %tile3A_13 = tpu.concatenate %slice3A_12, %slice3A_12, %slice3A_12, %slice3A_12, %slice3A_12, %slice3A_12, %slice3A_12 in 1 : vector<256x16xf32>, vector<256x16xf32>, vector<256x16xf32>, vector<256x16xf32>, vector<256x16xf32>, vector<256x16xf32>, vector<256x16xf32> -> vector<256x112xf32>
    %slice3A_14 = vector.extract_strided_slice %get3A_1 {offsets = [0, 848], sizes = [256, 16], strides = [1, 1]} : vector<256x1664xf32> to vector<256x16xf32>
    %tile3A_15 = tpu.concatenate %slice3A_14, %slice3A_14, %slice3A_14, %slice3A_14, %slice3A_14, %slice3A_14 in 1 : vector<256x16xf32>, vector<256x16xf32>, vector<256x16xf32>, vector<256x16xf32>, vector<256x16xf32>, vector<256x16xf32> -> vector<256x96xf32>
    %slice3A_16 = vector.extract_strided_slice %get3A_1 {offsets = [0, 1264], sizes = [256, 16], strides = [1, 1]} : vector<256x1664xf32> to vector<256x16xf32>
    %tile3A_17 = tpu.concatenate %slice3A_16, %slice3A_16, %slice3A_16, %slice3A_16, %slice3A_16, %slice3A_16 in 1 : vector<256x16xf32>, vector<256x16xf32>, vector<256x16xf32>, vector<256x16xf32>, vector<256x16xf32>, vector<256x16xf32> -> vector<256x96xf32>
    %concatenate3A_18 = tpu.concatenate %tile3A_11, %tile3A_13, %tile3A_15, %tile3A_17 in 1 : vector<256x80xf32>, vector<256x112xf32>, vector<256x96xf32>, vector<256x96xf32> -> vector<256x384xf32>
    %mul3A_19 = arith.mulf %concatenate3A_18, %slice3A_9 : vector<256x384xf32>
    %slice3A_20 = vector.extract_strided_slice %get3A_1 {offsets = [0, 48], sizes = [256, 368], strides = [1, 1]} : vector<256x1664xf32> to vector<256x368xf32>
    %slice3A_21 = vector.extract_strided_slice %get3A_1 {offsets = [0, 32], sizes = [256, 16], strides = [1, 1]} : vector<256x1664xf32> to vector<256x16xf32>
    %tile3A_22 = tpu.concatenate %slice3A_21, %slice3A_21, %slice3A_21, %slice3A_21 in 1 : vector<256x16xf32>, vector<256x16xf32>, vector<256x16xf32>, vector<256x16xf32> -> vector<256x64xf32>
    %slice3A_23 = vector.extract_strided_slice %get3A_1 {offsets = [0, 448], sizes = [256, 16], strides = [1, 1]} : vector<256x1664xf32> to vector<256x16xf32>
    %tile3A_24 = tpu.concatenate %slice3A_23, %slice3A_23, %slice3A_23, %slice3A_23, %slice3A_23, %slice3A_23, %slice3A_23 in 1 : vector<256x16xf32>, vector<256x16xf32>, vector<256x16xf32>, vector<256x16xf32>, vector<256x16xf32>, vector<256x16xf32>, vector<256x16xf32> -> vector<256x112xf32>
    %slice3A_25 = vector.extract_strided_slice %get3A_1 {offsets = [0, 864], sizes = [256, 16], strides = [1, 1]} : vector<256x1664xf32> to vector<256x16xf32>
    %tile3A_26 = tpu.concatenate %slice3A_25, %slice3A_25, %slice3A_25, %slice3A_25, %slice3A_25, %slice3A_25 in 1 : vector<256x16xf32>, vector<256x16xf32>, vector<256x16xf32>, vector<256x16xf32>, vector<256x16xf32>, vector<256x16xf32> -> vector<256x96xf32>
    %slice3A_27 = vector.extract_strided_slice %get3A_1 {offsets = [0, 1280], sizes = [256, 16], strides = [1, 1]} : vector<256x1664xf32> to vector<256x16xf32>
    %tile3A_28 = tpu.concatenate %slice3A_27, %slice3A_27, %slice3A_27, %slice3A_27, %slice3A_27, %slice3A_27 in 1 : vector<256x16xf32>, vector<256x16xf32>, vector<256x16xf32>, vector<256x16xf32>, vector<256x16xf32>, vector<256x16xf32> -> vector<256x96xf32>
    %concatenate3A_29 = tpu.concatenate %tile3A_22, %tile3A_24, %tile3A_26, %tile3A_28 in 1 : vector<256x64xf32>, vector<256x112xf32>, vector<256x96xf32>, vector<256x96xf32> -> vector<256x368xf32>
    %mul3A_30 = arith.mulf %concatenate3A_29, %slice3A_20 : vector<256x368xf32>
    %slice3A_31 = vector.extract_strided_slice %get3A_1 {offsets = [0, 64], sizes = [256, 352], strides = [1, 1]} : vector<256x1664xf32> to vector<256x352xf32>
    %slice3A_32 = vector.extract_strided_slice %get3A_1 {offsets = [0, 48], sizes = [256, 16], strides = [1, 1]} : vector<256x1664xf32> to vector<256x16xf32>
    %tile3A_33 = tpu.concatenate %slice3A_32, %slice3A_32, %slice3A_32 in 1 : vector<256x16xf32>, vector<256x16xf32>, vector<256x16xf32> -> vector<256x48xf32>
    %slice3A_34 = vector.extract_strided_slice %get3A_1 {offsets = [0, 464], sizes = [256, 16], strides = [1, 1]} : vector<256x1664xf32> to vector<256x16xf32>
    %tile3A_35 = tpu.concatenate %slice3A_34, %slice3A_34, %slice3A_34, %slice3A_34, %slice3A_34, %slice3A_34, %slice3A_34 in 1 : vector<256x16xf32>, vector<256x16xf32>, vector<256x16xf32>, vector<256x16xf32>, vector<256x16xf32>, vector<256x16xf32>, vector<256x16xf32> -> vector<256x112xf32>
    %slice3A_36 = vector.extract_strided_slice %get3A_1 {offsets = [0, 880], sizes = [256, 16], strides = [1, 1]} : vector<256x1664xf32> to vector<256x16xf32>
    %tile3A_37 = tpu.concatenate %slice3A_36, %slice3A_36, %slice3A_36, %slice3A_36, %slice3A_36, %slice3A_36 in 1 : vector<256x16xf32>, vector<256x16xf32>, vector<256x16xf32>, vector<256x16xf32>, vector<256x16xf32>, vector<256x16xf32> -> vector<256x96xf32>
    %slice3A_38 = vector.extract_strided_slice %get3A_1 {offsets = [0, 1296], sizes = [256, 16], strides = [1, 1]} : vector<256x1664xf32> to vector<256x16xf32>
    %tile3A_39 = tpu.concatenate %slice3A_38, %slice3A_38, %slice3A_38, %slice3A_38, %slice3A_38, %slice3A_38 in 1 : vector<256x16xf32>, vector<256x16xf32>, vector<256x16xf32>, vector<256x16xf32>, vector<256x16xf32>, vector<256x16xf32> -> vector<256x96xf32>
    %concatenate3A_40 = tpu.concatenate %tile3A_33, %tile3A_35, %tile3A_37, %tile3A_39 in 1 : vector<256x48xf32>, vector<256x112xf32>, vector<256x96xf32>, vector<256x96xf32> -> vector<256x352xf32>
    %mul3A_41 = arith.mulf %concatenate3A_40, %slice3A_31 : vector<256x352xf32>
    %slice3A_42 = vector.extract_strided_slice %get3A_1 {offsets = [0, 80], sizes = [256, 336], strides = [1, 1]} : vector<256x1664xf32> to vector<256x336xf32>
    %slice3A_43 = vector.extract_strided_slice %get3A_1 {offsets = [0, 64], sizes = [256, 16], strides = [1, 1]} : vector<256x1664xf32> to vector<256x16xf32>
    %tile3A_44 = tpu.concatenate %slice3A_43, %slice3A_43 in 1 : vector<256x16xf32>, vector<256x16xf32> -> vector<256x32xf32>
    %slice3A_45 = vector.extract_strided_slice %get3A_1 {offsets = [0, 480], sizes = [256, 16], strides = [1, 1]} : vector<256x1664xf32> to vector<256x16xf32>
    %tile3A_46 = tpu.concatenate %slice3A_45, %slice3A_45, %slice3A_45, %slice3A_45, %slice3A_45, %slice3A_45, %slice3A_45 in 1 : vector<256x16xf32>, vector<256x16xf32>, vector<256x16xf32>, vector<256x16xf32>, vector<256x16xf32>, vector<256x16xf32>, vector<256x16xf32> -> vector<256x112xf32>
    %slice3A_47 = vector.extract_strided_slice %get3A_1 {offsets = [0, 896], sizes = [256, 16], strides = [1, 1]} : vector<256x1664xf32> to vector<256x16xf32>
    %tile3A_48 = tpu.concatenate %slice3A_47, %slice3A_47, %slice3A_47, %slice3A_47, %slice3A_47, %slice3A_47 in 1 : vector<256x16xf32>, vector<256x16xf32>, vector<256x16xf32>, vector<256x16xf32>, vector<256x16xf32>, vector<256x16xf32> -> vector<256x96xf32>
    %slice3A_49 = vector.extract_strided_slice %get3A_1 {offsets = [0, 1312], sizes = [256, 16], strides = [1, 1]} : vector<256x1664xf32> to vector<256x16xf32>
    %tile3A_50 = tpu.concatenate %slice3A_49, %slice3A_49, %slice3A_49, %slice3A_49, %slice3A_49, %slice3A_49 in 1 : vector<256x16xf32>, vector<256x16xf32>, vector<256x16xf32>, vector<256x16xf32>, vector<256x16xf32>, vector<256x16xf32> -> vector<256x96xf32>
    %concatenate3A_51 = tpu.concatenate %tile3A_44, %tile3A_46, %tile3A_48, %tile3A_50 in 1 : vector<256x32xf32>, vector<256x112xf32>, vector<256x96xf32>, vector<256x96xf32> -> vector<256x336xf32>
    %mul3A_52 = arith.mulf %concatenate3A_51, %slice3A_42 : vector<256x336xf32>
    %slice3A_53 = vector.extract_strided_slice %get3A_1 {offsets = [0, 96], sizes = [256, 320], strides = [1, 1]} : vector<256x1664xf32> to vector<256x320xf32>
    %slice3A_54 = vector.extract_strided_slice %get3A_1 {offsets = [0, 80], sizes = [256, 16], strides = [1, 1]} : vector<256x1664xf32> to vector<256x16xf32>
    %slice3A_55 = vector.extract_strided_slice %get3A_1 {offsets = [0, 496], sizes = [256, 16], strides = [1, 1]} : vector<256x1664xf32> to vector<256x16xf32>
    %tile3A_56 = tpu.concatenate %slice3A_55, %slice3A_55, %slice3A_55, %slice3A_55, %slice3A_55, %slice3A_55, %slice3A_55 in 1 : vector<256x16xf32>, vector<256x16xf32>, vector<256x16xf32>, vector<256x16xf32>, vector<256x16xf32>, vector<256x16xf32>, vector<256x16xf32> -> vector<256x112xf32>
    %slice3A_57 = vector.extract_strided_slice %get3A_1 {offsets = [0, 912], sizes = [256, 16], strides = [1, 1]} : vector<256x1664xf32> to vector<256x16xf32>
    %tile3A_58 = tpu.concatenate %slice3A_57, %slice3A_57, %slice3A_57, %slice3A_57, %slice3A_57, %slice3A_57 in 1 : vector<256x16xf32>, vector<256x16xf32>, vector<256x16xf32>, vector<256x16xf32>, vector<256x16xf32>, vector<256x16xf32> -> vector<256x96xf32>
    %slice3A_59 = vector.extract_strided_slice %get3A_1 {offsets = [0, 1328], sizes = [256, 16], strides = [1, 1]} : vector<256x1664xf32> to vector<256x16xf32>
    %tile3A_60 = tpu.concatenate %slice3A_59, %slice3A_59, %slice3A_59, %slice3A_59, %slice3A_59, %slice3A_59 in 1 : vector<256x16xf32>, vector<256x16xf32>, vector<256x16xf32>, vector<256x16xf32>, vector<256x16xf32>, vector<256x16xf32> -> vector<256x96xf32>
    %concatenate3A_61 = tpu.concatenate %slice3A_54, %tile3A_56, %tile3A_58, %tile3A_60 in 1 : vector<256x16xf32>, vector<256x112xf32>, vector<256x96xf32>, vector<256x96xf32> -> vector<256x320xf32>
    %mul3A_62 = arith.mulf %concatenate3A_61, %slice3A_53 : vector<256x320xf32>
    %slice3A_63 = vector.extract_strided_slice %get3A_1 {offsets = [0, 112], sizes = [256, 304], strides = [1, 1]} : vector<256x1664xf32> to vector<256x304xf32>
    %slice3A_64 = vector.extract_strided_slice %get3A_1 {offsets = [0, 512], sizes = [256, 16], strides = [1, 1]} : vector<256x1664xf32> to vector<256x16xf32>
    %tile3A_65 = tpu.concatenate %slice3A_64, %slice3A_64, %slice3A_64, %slice3A_64, %slice3A_64, %slice3A_64, %slice3A_64 in 1 : vector<256x16xf32>, vector<256x16xf32>, vector<256x16xf32>, vector<256x16xf32>, vector<256x16xf32>, vector<256x16xf32>, vector<256x16xf32> -> vector<256x112xf32>
    %slice3A_66 = vector.extract_strided_slice %get3A_1 {offsets = [0, 928], sizes = [256, 16], strides = [1, 1]} : vector<256x1664xf32> to vector<256x16xf32>
    %tile3A_67 = tpu.concatenate %slice3A_66, %slice3A_66, %slice3A_66, %slice3A_66, %slice3A_66, %slice3A_66 in 1 : vector<256x16xf32>, vector<256x16xf32>, vector<256x16xf32>, vector<256x16xf32>, vector<256x16xf32>, vector<256x16xf32> -> vector<256x96xf32>
    %slice3A_68 = vector.extract_strided_slice %get3A_1 {offsets = [0, 1344], sizes = [256, 16], strides = [1, 1]} : vector<256x1664xf32> to vector<256x16xf32>
    %tile3A_69 = tpu.concatenate %slice3A_68, %slice3A_68, %slice3A_68, %slice3A_68, %slice3A_68, %slice3A_68 in 1 : vector<256x16xf32>, vector<256x16xf32>, vector<256x16xf32>, vector<256x16xf32>, vector<256x16xf32>, vector<256x16xf32> -> vector<256x96xf32>
    %concatenate3A_70 = tpu.concatenate %tile3A_65, %tile3A_67, %tile3A_69 in 1 : vector<256x112xf32>, vector<256x96xf32>, vector<256x96xf32> -> vector<256x304xf32>
    %mul3A_71 = arith.mulf %concatenate3A_70, %slice3A_63 : vector<256x304xf32>
    %slice3A_72 = vector.extract_strided_slice %get3A_1 {offsets = [0, 544], sizes = [256, 288], strides = [1, 1]} : vector<256x1664xf32> to vector<256x288xf32>
    %slice3A_73 = vector.extract_strided_slice %get3A_1 {offsets = [0, 528], sizes = [256, 16], strides = [1, 1]} : vector<256x1664xf32> to vector<256x16xf32>
    %tile3A_74 = tpu.concatenate %slice3A_73, %slice3A_73, %slice3A_73, %slice3A_73, %slice3A_73, %slice3A_73 in 1 : vector<256x16xf32>, vector<256x16xf32>, vector<256x16xf32>, vector<256x16xf32>, vector<256x16xf32>, vector<256x16xf32> -> vector<256x96xf32>
    %slice3A_75 = vector.extract_strided_slice %get3A_1 {offsets = [0, 944], sizes = [256, 16], strides = [1, 1]} : vector<256x1664xf32> to vector<256x16xf32>
    %tile3A_76 = tpu.concatenate %slice3A_75, %slice3A_75, %slice3A_75, %slice3A_75, %slice3A_75, %slice3A_75 in 1 : vector<256x16xf32>, vector<256x16xf32>, vector<256x16xf32>, vector<256x16xf32>, vector<256x16xf32>, vector<256x16xf32> -> vector<256x96xf32>
    %slice3A_77 = vector.extract_strided_slice %get3A_1 {offsets = [0, 1360], sizes = [256, 16], strides = [1, 1]} : vector<256x1664xf32> to vector<256x16xf32>
    %tile3A_78 = tpu.concatenate %slice3A_77, %slice3A_77, %slice3A_77, %slice3A_77, %slice3A_77, %slice3A_77 in 1 : vector<256x16xf32>, vector<256x16xf32>, vector<256x16xf32>, vector<256x16xf32>, vector<256x16xf32>, vector<256x16xf32> -> vector<256x96xf32>
    %concatenate3A_79 = tpu.concatenate %tile3A_74, %tile3A_76, %tile3A_78 in 1 : vector<256x96xf32>, vector<256x96xf32>, vector<256x96xf32> -> vector<256x288xf32>
    %mul3A_80 = arith.mulf %concatenate3A_79, %slice3A_72 : vector<256x288xf32>
    %slice3A_81 = vector.extract_strided_slice %get3A_1 {offsets = [0, 560], sizes = [256, 272], strides = [1, 1]} : vector<256x1664xf32> to vector<256x272xf32>
    %slice3A_82 = vector.extract_strided_slice %get3A_1 {offsets = [0, 544], sizes = [256, 16], strides = [1, 1]} : vector<256x1664xf32> to vector<256x16xf32>
    %tile3A_83 = tpu.concatenate %slice3A_82, %slice3A_82, %slice3A_82, %slice3A_82, %slice3A_82 in 1 : vector<256x16xf32>, vector<256x16xf32>, vector<256x16xf32>, vector<256x16xf32>, vector<256x16xf32> -> vector<256x80xf32>
    %slice3A_84 = vector.extract_strided_slice %get3A_1 {offsets = [0, 960], sizes = [256, 16], strides = [1, 1]} : vector<256x1664xf32> to vector<256x16xf32>
    %tile3A_85 = tpu.concatenate %slice3A_84, %slice3A_84, %slice3A_84, %slice3A_84, %slice3A_84, %slice3A_84 in 1 : vector<256x16xf32>, vector<256x16xf32>, vector<256x16xf32>, vector<256x16xf32>, vector<256x16xf32>, vector<256x16xf32> -> vector<256x96xf32>
    %slice3A_86 = vector.extract_strided_slice %get3A_1 {offsets = [0, 1376], sizes = [256, 16], strides = [1, 1]} : vector<256x1664xf32> to vector<256x16xf32>
    %tile3A_87 = tpu.concatenate %slice3A_86, %slice3A_86, %slice3A_86, %slice3A_86, %slice3A_86, %slice3A_86 in 1 : vector<256x16xf32>, vector<256x16xf32>, vector<256x16xf32>, vector<256x16xf32>, vector<256x16xf32>, vector<256x16xf32> -> vector<256x96xf32>
    %concatenate3A_88 = tpu.concatenate %tile3A_83, %tile3A_85, %tile3A_87 in 1 : vector<256x80xf32>, vector<256x96xf32>, vector<256x96xf32> -> vector<256x272xf32>
    %mul3A_89 = arith.mulf %concatenate3A_88, %slice3A_81 : vector<256x272xf32>
    %slice3A_90 = vector.extract_strided_slice %get3A_1 {offsets = [0, 576], sizes = [256, 256], strides = [1, 1]} : vector<256x1664xf32> to vector<256x256xf32>
    %slice3A_91 = vector.extract_strided_slice %get3A_1 {offsets = [0, 560], sizes = [256, 16], strides = [1, 1]} : vector<256x1664xf32> to vector<256x16xf32>
    %tile3A_92 = tpu.concatenate %slice3A_91, %slice3A_91, %slice3A_91, %slice3A_91 in 1 : vector<256x16xf32>, vector<256x16xf32>, vector<256x16xf32>, vector<256x16xf32> -> vector<256x64xf32>
    %slice3A_93 = vector.extract_strided_slice %get3A_1 {offsets = [0, 976], sizes = [256, 16], strides = [1, 1]} : vector<256x1664xf32> to vector<256x16xf32>
    %tile3A_94 = tpu.concatenate %slice3A_93, %slice3A_93, %slice3A_93, %slice3A_93, %slice3A_93, %slice3A_93 in 1 : vector<256x16xf32>, vector<256x16xf32>, vector<256x16xf32>, vector<256x16xf32>, vector<256x16xf32>, vector<256x16xf32> -> vector<256x96xf32>
    %slice3A_95 = vector.extract_strided_slice %get3A_1 {offsets = [0, 1392], sizes = [256, 16], strides = [1, 1]} : vector<256x1664xf32> to vector<256x16xf32>
    %tile3A_96 = tpu.concatenate %slice3A_95, %slice3A_95, %slice3A_95, %slice3A_95, %slice3A_95, %slice3A_95 in 1 : vector<256x16xf32>, vector<256x16xf32>, vector<256x16xf32>, vector<256x16xf32>, vector<256x16xf32>, vector<256x16xf32> -> vector<256x96xf32>
    %concatenate3A_97 = tpu.concatenate %tile3A_92, %tile3A_94, %tile3A_96 in 1 : vector<256x64xf32>, vector<256x96xf32>, vector<256x96xf32> -> vector<256x256xf32>
    %mul3A_98 = arith.mulf %concatenate3A_97, %slice3A_90 : vector<256x256xf32>
    %slice3A_99 = vector.extract_strided_slice %get3A_1 {offsets = [0, 592], sizes = [256, 240], strides = [1, 1]} : vector<256x1664xf32> to vector<256x240xf32>
    %slice3A_100 = vector.extract_strided_slice %get3A_1 {offsets = [0, 576], sizes = [256, 16], strides = [1, 1]} : vector<256x1664xf32> to vector<256x16xf32>
    %tile3A_101 = tpu.concatenate %slice3A_100, %slice3A_100, %slice3A_100 in 1 : vector<256x16xf32>, vector<256x16xf32>, vector<256x16xf32> -> vector<256x48xf32>
    %slice3A_102 = vector.extract_strided_slice %get3A_1 {offsets = [0, 992], sizes = [256, 16], strides = [1, 1]} : vector<256x1664xf32> to vector<256x16xf32>
    %tile3A_103 = tpu.concatenate %slice3A_102, %slice3A_102, %slice3A_102, %slice3A_102, %slice3A_102, %slice3A_102 in 1 : vector<256x16xf32>, vector<256x16xf32>, vector<256x16xf32>, vector<256x16xf32>, vector<256x16xf32>, vector<256x16xf32> -> vector<256x96xf32>
    %slice3A_104 = vector.extract_strided_slice %get3A_1 {offsets = [0, 1408], sizes = [256, 16], strides = [1, 1]} : vector<256x1664xf32> to vector<256x16xf32>
    %tile3A_105 = tpu.concatenate %slice3A_104, %slice3A_104, %slice3A_104, %slice3A_104, %slice3A_104, %slice3A_104 in 1 : vector<256x16xf32>, vector<256x16xf32>, vector<256x16xf32>, vector<256x16xf32>, vector<256x16xf32>, vector<256x16xf32> -> vector<256x96xf32>
    %concatenate3A_106 = tpu.concatenate %tile3A_101, %tile3A_103, %tile3A_105 in 1 : vector<256x48xf32>, vector<256x96xf32>, vector<256x96xf32> -> vector<256x240xf32>
    %mul3A_107 = arith.mulf %concatenate3A_106, %slice3A_99 : vector<256x240xf32>
    %slice3A_108 = vector.extract_strided_slice %get3A_1 {offsets = [0, 608], sizes = [256, 224], strides = [1, 1]} : vector<256x1664xf32> to vector<256x224xf32>
    %slice3A_109 = vector.extract_strided_slice %get3A_1 {offsets = [0, 592], sizes = [256, 16], strides = [1, 1]} : vector<256x1664xf32> to vector<256x16xf32>
    %tile3A_110 = tpu.concatenate %slice3A_109, %slice3A_109 in 1 : vector<256x16xf32>, vector<256x16xf32> -> vector<256x32xf32>
    %slice3A_111 = vector.extract_strided_slice %get3A_1 {offsets = [0, 1008], sizes = [256, 16], strides = [1, 1]} : vector<256x1664xf32> to vector<256x16xf32>
    %tile3A_112 = tpu.concatenate %slice3A_111, %slice3A_111, %slice3A_111, %slice3A_111, %slice3A_111, %slice3A_111 in 1 : vector<256x16xf32>, vector<256x16xf32>, vector<256x16xf32>, vector<256x16xf32>, vector<256x16xf32>, vector<256x16xf32> -> vector<256x96xf32>
    %slice3A_113 = vector.extract_strided_slice %get3A_1 {offsets = [0, 1424], sizes = [256, 16], strides = [1, 1]} : vector<256x1664xf32> to vector<256x16xf32>
    %tile3A_114 = tpu.concatenate %slice3A_113, %slice3A_113, %slice3A_113, %slice3A_113, %slice3A_113, %slice3A_113 in 1 : vector<256x16xf32>, vector<256x16xf32>, vector<256x16xf32>, vector<256x16xf32>, vector<256x16xf32>, vector<256x16xf32> -> vector<256x96xf32>
    %concatenate3A_115 = tpu.concatenate %tile3A_110, %tile3A_112, %tile3A_114 in 1 : vector<256x32xf32>, vector<256x96xf32>, vector<256x96xf32> -> vector<256x224xf32>
    %mul3A_116 = arith.mulf %concatenate3A_115, %slice3A_108 : vector<256x224xf32>
    %slice3A_117 = vector.extract_strided_slice %get3A_1 {offsets = [0, 624], sizes = [256, 208], strides = [1, 1]} : vector<256x1664xf32> to vector<256x208xf32>
    %slice3A_118 = vector.extract_strided_slice %get3A_1 {offsets = [0, 608], sizes = [256, 16], strides = [1, 1]} : vector<256x1664xf32> to vector<256x16xf32>
    %slice3A_119 = vector.extract_strided_slice %get3A_1 {offsets = [0, 1024], sizes = [256, 16], strides = [1, 1]} : vector<256x1664xf32> to vector<256x16xf32>
    %tile3A_120 = tpu.concatenate %slice3A_119, %slice3A_119, %slice3A_119, %slice3A_119, %slice3A_119, %slice3A_119 in 1 : vector<256x16xf32>, vector<256x16xf32>, vector<256x16xf32>, vector<256x16xf32>, vector<256x16xf32>, vector<256x16xf32> -> vector<256x96xf32>
    %slice3A_121 = vector.extract_strided_slice %get3A_1 {offsets = [0, 1440], sizes = [256, 16], strides = [1, 1]} : vector<256x1664xf32> to vector<256x16xf32>
    %tile3A_122 = tpu.concatenate %slice3A_121, %slice3A_121, %slice3A_121, %slice3A_121, %slice3A_121, %slice3A_121 in 1 : vector<256x16xf32>, vector<256x16xf32>, vector<256x16xf32>, vector<256x16xf32>, vector<256x16xf32>, vector<256x16xf32> -> vector<256x96xf32>
    %concatenate3A_123 = tpu.concatenate %slice3A_118, %tile3A_120, %tile3A_122 in 1 : vector<256x16xf32>, vector<256x96xf32>, vector<256x96xf32> -> vector<256x208xf32>
    %mul3A_124 = arith.mulf %concatenate3A_123, %slice3A_117 : vector<256x208xf32>
    %slice3A_125 = vector.extract_strided_slice %get3A_1 {offsets = [0, 640], sizes = [256, 192], strides = [1, 1]} : vector<256x1664xf32> to vector<256x192xf32>
    %slice3A_126 = vector.extract_strided_slice %get3A_1 {offsets = [0, 1040], sizes = [256, 16], strides = [1, 1]} : vector<256x1664xf32> to vector<256x16xf32>
    %tile3A_127 = tpu.concatenate %slice3A_126, %slice3A_126, %slice3A_126, %slice3A_126, %slice3A_126, %slice3A_126 in 1 : vector<256x16xf32>, vector<256x16xf32>, vector<256x16xf32>, vector<256x16xf32>, vector<256x16xf32>, vector<256x16xf32> -> vector<256x96xf32>
    %slice3A_128 = vector.extract_strided_slice %get3A_1 {offsets = [0, 1456], sizes = [256, 16], strides = [1, 1]} : vector<256x1664xf32> to vector<256x16xf32>
    %tile3A_129 = tpu.concatenate %slice3A_128, %slice3A_128, %slice3A_128, %slice3A_128, %slice3A_128, %slice3A_128 in 1 : vector<256x16xf32>, vector<256x16xf32>, vector<256x16xf32>, vector<256x16xf32>, vector<256x16xf32>, vector<256x16xf32> -> vector<256x96xf32>
    %concatenate3A_130 = tpu.concatenate %tile3A_127, %tile3A_129 in 1 : vector<256x96xf32>, vector<256x96xf32> -> vector<256x192xf32>
    %mul3A_131 = arith.mulf %concatenate3A_130, %slice3A_125 : vector<256x192xf32>
    %slice3A_132 = vector.extract_strided_slice %get3A_1 {offsets = [0, 1072], sizes = [256, 176], strides = [1, 1]} : vector<256x1664xf32> to vector<256x176xf32>
    %slice3A_133 = vector.extract_strided_slice %get3A_1 {offsets = [0, 1056], sizes = [256, 16], strides = [1, 1]} : vector<256x1664xf32> to vector<256x16xf32>
    %tile3A_134 = tpu.concatenate %slice3A_133, %slice3A_133, %slice3A_133, %slice3A_133, %slice3A_133 in 1 : vector<256x16xf32>, vector<256x16xf32>, vector<256x16xf32>, vector<256x16xf32>, vector<256x16xf32> -> vector<256x80xf32>
    %slice3A_135 = vector.extract_strided_slice %get3A_1 {offsets = [0, 1472], sizes = [256, 16], strides = [1, 1]} : vector<256x1664xf32> to vector<256x16xf32>
    %tile3A_136 = tpu.concatenate %slice3A_135, %slice3A_135, %slice3A_135, %slice3A_135, %slice3A_135, %slice3A_135 in 1 : vector<256x16xf32>, vector<256x16xf32>, vector<256x16xf32>, vector<256x16xf32>, vector<256x16xf32>, vector<256x16xf32> -> vector<256x96xf32>
    %concatenate3A_137 = tpu.concatenate %tile3A_134, %tile3A_136 in 1 : vector<256x80xf32>, vector<256x96xf32> -> vector<256x176xf32>
    %mul3A_138 = arith.mulf %concatenate3A_137, %slice3A_132 : vector<256x176xf32>
    %slice3A_139 = vector.extract_strided_slice %get3A_1 {offsets = [0, 1088], sizes = [256, 160], strides = [1, 1]} : vector<256x1664xf32> to vector<256x160xf32>
    %slice3A_140 = vector.extract_strided_slice %get3A_1 {offsets = [0, 1072], sizes = [256, 16], strides = [1, 1]} : vector<256x1664xf32> to vector<256x16xf32>
    %tile3A_141 = tpu.concatenate %slice3A_140, %slice3A_140, %slice3A_140, %slice3A_140 in 1 : vector<256x16xf32>, vector<256x16xf32>, vector<256x16xf32>, vector<256x16xf32> -> vector<256x64xf32>
    %slice3A_142 = vector.extract_strided_slice %get3A_1 {offsets = [0, 1488], sizes = [256, 16], strides = [1, 1]} : vector<256x1664xf32> to vector<256x16xf32>
    %tile3A_143 = tpu.concatenate %slice3A_142, %slice3A_142, %slice3A_142, %slice3A_142, %slice3A_142, %slice3A_142 in 1 : vector<256x16xf32>, vector<256x16xf32>, vector<256x16xf32>, vector<256x16xf32>, vector<256x16xf32>, vector<256x16xf32> -> vector<256x96xf32>
    %concatenate3A_144 = tpu.concatenate %tile3A_141, %tile3A_143 in 1 : vector<256x64xf32>, vector<256x96xf32> -> vector<256x160xf32>
    %mul3A_145 = arith.mulf %concatenate3A_144, %slice3A_139 : vector<256x160xf32>
    %slice3A_146 = vector.extract_strided_slice %get3A_1 {offsets = [0, 1104], sizes = [256, 144], strides = [1, 1]} : vector<256x1664xf32> to vector<256x144xf32>
    %slice3A_147 = vector.extract_strided_slice %get3A_1 {offsets = [0, 1088], sizes = [256, 16], strides = [1, 1]} : vector<256x1664xf32> to vector<256x16xf32>
    %tile3A_148 = tpu.concatenate %slice3A_147, %slice3A_147, %slice3A_147 in 1 : vector<256x16xf32>, vector<256x16xf32>, vector<256x16xf32> -> vector<256x48xf32>
    %slice3A_149 = vector.extract_strided_slice %get3A_1 {offsets = [0, 1504], sizes = [256, 16], strides = [1, 1]} : vector<256x1664xf32> to vector<256x16xf32>
    %tile3A_150 = tpu.concatenate %slice3A_149, %slice3A_149, %slice3A_149, %slice3A_149, %slice3A_149, %slice3A_149 in 1 : vector<256x16xf32>, vector<256x16xf32>, vector<256x16xf32>, vector<256x16xf32>, vector<256x16xf32>, vector<256x16xf32> -> vector<256x96xf32>
    %concatenate3A_151 = tpu.concatenate %tile3A_148, %tile3A_150 in 1 : vector<256x48xf32>, vector<256x96xf32> -> vector<256x144xf32>
    %mul3A_152 = arith.mulf %concatenate3A_151, %slice3A_146 : vector<256x144xf32>
    %slice3A_153 = vector.extract_strided_slice %get3A_1 {offsets = [0, 1120], sizes = [256, 128], strides = [1, 1]} : vector<256x1664xf32> to vector<256x128xf32>
    %slice3A_154 = vector.extract_strided_slice %get3A_1 {offsets = [0, 1104], sizes = [256, 16], strides = [1, 1]} : vector<256x1664xf32> to vector<256x16xf32>
    %tile3A_155 = tpu.concatenate %slice3A_154, %slice3A_154 in 1 : vector<256x16xf32>, vector<256x16xf32> -> vector<256x32xf32>
    %slice3A_156 = vector.extract_strided_slice %get3A_1 {offsets = [0, 1520], sizes = [256, 16], strides = [1, 1]} : vector<256x1664xf32> to vector<256x16xf32>
    %tile3A_157 = tpu.concatenate %slice3A_156, %slice3A_156, %slice3A_156, %slice3A_156, %slice3A_156, %slice3A_156 in 1 : vector<256x16xf32>, vector<256x16xf32>, vector<256x16xf32>, vector<256x16xf32>, vector<256x16xf32>, vector<256x16xf32> -> vector<256x96xf32>
    %concatenate3A_158 = tpu.concatenate %tile3A_155, %tile3A_157 in 1 : vector<256x32xf32>, vector<256x96xf32> -> vector<256x128xf32>
    %mul3A_159 = arith.mulf %concatenate3A_158, %slice3A_153 : vector<256x128xf32>
    %slice3A_160 = vector.extract_strided_slice %get3A_1 {offsets = [0, 1136], sizes = [256, 112], strides = [1, 1]} : vector<256x1664xf32> to vector<256x112xf32>
    %slice3A_161 = vector.extract_strided_slice %get3A_1 {offsets = [0, 1120], sizes = [256, 16], strides = [1, 1]} : vector<256x1664xf32> to vector<256x16xf32>
    %slice3A_162 = vector.extract_strided_slice %get3A_1 {offsets = [0, 1536], sizes = [256, 16], strides = [1, 1]} : vector<256x1664xf32> to vector<256x16xf32>
    %tile3A_163 = tpu.concatenate %slice3A_162, %slice3A_162, %slice3A_162, %slice3A_162, %slice3A_162, %slice3A_162 in 1 : vector<256x16xf32>, vector<256x16xf32>, vector<256x16xf32>, vector<256x16xf32>, vector<256x16xf32>, vector<256x16xf32> -> vector<256x96xf32>
    %concatenate3A_164 = tpu.concatenate %slice3A_161, %tile3A_163 in 1 : vector<256x16xf32>, vector<256x96xf32> -> vector<256x112xf32>
    %mul3A_165 = arith.mulf %concatenate3A_164, %slice3A_160 : vector<256x112xf32>
    %slice3A_166 = vector.extract_strided_slice %get3A_1 {offsets = [0, 1152], sizes = [256, 96], strides = [1, 1]} : vector<256x1664xf32> to vector<256x96xf32>
    %slice3A_167 = vector.extract_strided_slice %get3A_1 {offsets = [0, 1552], sizes = [256, 16], strides = [1, 1]} : vector<256x1664xf32> to vector<256x16xf32>
    %tile3A_168 = tpu.concatenate %slice3A_167, %slice3A_167, %slice3A_167, %slice3A_167, %slice3A_167, %slice3A_167 in 1 : vector<256x16xf32>, vector<256x16xf32>, vector<256x16xf32>, vector<256x16xf32>, vector<256x16xf32>, vector<256x16xf32> -> vector<256x96xf32>
    %mul3A_169 = arith.mulf %tile3A_168, %slice3A_166 : vector<256x96xf32>
    %slice3A_170 = vector.extract_strided_slice %get3A_1 {offsets = [0, 1584], sizes = [256, 80], strides = [1, 1]} : vector<256x1664xf32> to vector<256x80xf32>
    %slice3A_171 = vector.extract_strided_slice %get3A_1 {offsets = [0, 1568], sizes = [256, 16], strides = [1, 1]} : vector<256x1664xf32> to vector<256x16xf32>
    %tile3A_172 = tpu.concatenate %slice3A_171, %slice3A_171, %slice3A_171, %slice3A_171, %slice3A_171 in 1 : vector<256x16xf32>, vector<256x16xf32>, vector<256x16xf32>, vector<256x16xf32>, vector<256x16xf32> -> vector<256x80xf32>
    %mul3A_173 = arith.mulf %tile3A_172, %slice3A_170 : vector<256x80xf32>
    %slice3A_174 = vector.extract_strided_slice %get3A_1 {offsets = [0, 1600], sizes = [256, 64], strides = [1, 1]} : vector<256x1664xf32> to vector<256x64xf32>
    %slice3A_175 = vector.extract_strided_slice %get3A_1 {offsets = [0, 1584], sizes = [256, 16], strides = [1, 1]} : vector<256x1664xf32> to vector<256x16xf32>
    %tile3A_176 = tpu.concatenate %slice3A_175, %slice3A_175, %slice3A_175, %slice3A_175 in 1 : vector<256x16xf32>, vector<256x16xf32>, vector<256x16xf32>, vector<256x16xf32> -> vector<256x64xf32>
    %mul3A_177 = arith.mulf %tile3A_176, %slice3A_174 : vector<256x64xf32>
    %slice3A_178 = vector.extract_strided_slice %get3A_1 {offsets = [0, 1616], sizes = [256, 48], strides = [1, 1]} : vector<256x1664xf32> to vector<256x48xf32>
    %slice3A_179 = vector.extract_strided_slice %get3A_1 {offsets = [0, 1600], sizes = [256, 16], strides = [1, 1]} : vector<256x1664xf32> to vector<256x16xf32>
    %tile3A_180 = tpu.concatenate %slice3A_179, %slice3A_179, %slice3A_179 in 1 : vector<256x16xf32>, vector<256x16xf32>, vector<256x16xf32> -> vector<256x48xf32>
    %mul3A_181 = arith.mulf %tile3A_180, %slice3A_178 : vector<256x48xf32>
    %slice3A_182 = vector.extract_strided_slice %get3A_1 {offsets = [0, 1632], sizes = [256, 32], strides = [1, 1]} : vector<256x1664xf32> to vector<256x32xf32>
    %slice3A_183 = vector.extract_strided_slice %get3A_1 {offsets = [0, 1616], sizes = [256, 16], strides = [1, 1]} : vector<256x1664xf32> to vector<256x16xf32>
    %tile3A_184 = tpu.concatenate %slice3A_183, %slice3A_183 in 1 : vector<256x16xf32>, vector<256x16xf32> -> vector<256x32xf32>
    %mul3A_185 = arith.mulf %tile3A_184, %slice3A_182 : vector<256x32xf32>
    %slice3A_186 = vector.extract_strided_slice %get3A_1 {offsets = [0, 1648], sizes = [256, 16], strides = [1, 1]} : vector<256x1664xf32> to vector<256x16xf32>
    %slice3A_187 = vector.extract_strided_slice %get3A_1 {offsets = [0, 1632], sizes = [256, 16], strides = [1, 1]} : vector<256x1664xf32> to vector<256x16xf32>
    %mul3A_188 = arith.mulf %slice3A_187, %slice3A_186 : vector<256x16xf32>
    %concatenate3A_189 = tpu.concatenate %mul3A, %mul3A_19, %mul3A_30, %mul3A_41, %mul3A_52, %mul3A_62, %mul3A_71, %mul3A_80, %mul3A_89, %mul3A_98, %mul3A_107, %mul3A_116, %mul3A_124, %mul3A_131, %mul3A_138, %mul3A_145, %mul3A_152, %mul3A_159, %mul3A_165, %mul3A_169, %mul3A_173, %mul3A_177, %mul3A_181, %mul3A_185, %mul3A_188 in 1 : vector<256x400xf32>, vector<256x384xf32>, vector<256x368xf32>, vector<256x352xf32>, vector<256x336xf32>, vector<256x320xf32>, vector<256x304xf32>, vector<256x288xf32>, vector<256x272xf32>, vector<256x256xf32>, vector<256x240xf32>, vector<256x224xf32>, vector<256x208xf32>, vector<256x192xf32>, vector<256x176xf32>, vector<256x160xf32>, vector<256x144xf32>, vector<256x128xf32>, vector<256x112xf32>, vector<256x96xf32>, vector<256x80xf32>, vector<256x64xf32>, vector<256x48xf32>, vector<256x32xf32>, vector<256x16xf32> -> vector<256x5200xf32>
    %swap3A = arith.constant 0 : index
    %swap3A_190 = arith.constant 0 : index
    %swap3A_191 = vector.load %arg2[%swap3A, %swap3A_190] : memref<256x5200xf32, #tpu.memory_space<vmem>>, vector<256x5200xf32>
    tpu.vector_store %arg2[%swap3A, %swap3A_190], %concatenate3A_189 {strides = array<i32>} : memref<256x5200xf32, #tpu.memory_space<vmem>>, vector<256x5200xf32>,
    return
  }
  func.func @transform_0(%arg0: i32) -> (i32, i32) {
    %c0_i32 = arith.constant 0 : i32
    %c0_i32_0 = arith.constant 0 : i32
    return %arg0, %c0_i32 : i32, i32
  }
  func.func @transform_1(%arg0: i32) -> (i32, i32) {
    %c0_i32 = arith.constant 0 : i32
    %c0_i32_0 = arith.constant 0 : i32
    return %arg0, %c0_i32 : i32, i32
  }
}

</mosaic_0001>

<sc_bundles>
// kernel: kernel.6.cloned.1.call-start
scs
__scs_entry_jumppad:
0x0: {  	(pc) =	sbr.rel $0x88, $3  }
0x1: {  	(tag) =	ssettag $0x0;
	lr =	simm.s32 $0x1  }
0x2: {  	[smem:$0x3F9F] =	sst lr;
	_ =	strace $0xD0000000  }
0x3: {  	_ = 	snop  }
0x4: {  	_ = 	snop  }
0x5: {  	_ = 	snop  }
0x6: {  	_ = 	snop  }
0x7: {  	_ = 	snop  }
__scs_overlays_trampoline_lowered:
0x8: {  	[smem:$0x3FAE] =	sst s0  }
0x9: {  	[smem:$0x3FAF] =	sst s1  }
0xa: {  	[smem:$0x3FB0] =	sst s2  }
0xb: {  	[smem:$0x3FB1] =	sst s3  }
0xc: {  	[smem:$0x3FB2] =	sst s4  }
0xd: {  	[smem:$0x3FB3] =	sst s5  }
0xe: {  	[smem:$0x3FB4] =	sst s6  }
0xf: {  	[smem:$0x3FB5] =	sst s7  }
0x10: {  	[smem:$0x3FB6] =	sst s8  }
0x11: {  	[smem:$0x3FB7] =	sst s9;
	s0 =	simm.s32 @!p0 $0x0  }
0x12: {  	s1 =	sld [smem:$0x3F9D];
	s0 =	simm.s32 @p0 $0x1  }
0x13: {  	[smem:$0x3FB8] =	sst s0;
	s0 =	simm.s32 @!p1 $0x0  }
0x14: {  	s2 =	sld [smem:$0x3F9C];
	s0 =	simm.s32 @p1 $0x1  }
0x15: {  	[smem:$0x3FB9] =	sst s0;
	s0 =	simm.s32 @!p2 $0x0  }
0x16: {  	s3 =	sld [smem:$0x3FDB];
	s0 =	simm.s32 @p2 $0x1  }
0x17: {  	s4 =	simm.s32 $0x1BF5;
	[smem:$0x3FBB] =	sst s0  }
0x18: {  	s0 =	sld [smem:$0x3F9E];
	_ =	swait.ge [sflag:s4], $0x0  }
0x19: {  	s7 =	sld [smem:$0x3F9F]  }
0x1a: {  	s8 =	sadd.s32 $0xFFFFE003, lr  }
0x1b: {  	s9 =	sadd.s32 $0xFFFFFEF7, lr;
	s5 =	simm.s32 $0xFFFFFFFF;
	p2 =	slt.u32 s8, $0xFFFFF086  }
0x1c: {  	p1 =	slt.u32 s9, $0xF7A;
	s5 =	simm.s32 @!p2 $0x0  }
0x1d: {  	s5 =	simm.s32 @p1 $0x1;
	p0 =	seq.s32 s7, s2  }
0x1e: {  	s7 =	smul.u32 @!p0 $0xF7A, s2;
	p2 =	seq.s32 @!p0 s5, $0x0  }
0x1f: {  	s9 =	smul.u32 $0xF7A, s1;
	s8 =	simm.s32 @!p0 $0x1BF5;
	p2 =	por !p2, p0  }
0x20: {  	[sflag:s8] =	ssyncset.s32 @!p0 $0xFFFFF086;
	s6 =	sadd.s32 @!p0 s3, s7;
	s7 =	simm.s32 @!p0 $0x108  }
0x21: {  	s3 =	sadd.s32 s3, s9;
	s6 =	sadd.s32 @!p0 $0x88, s6;
	s7 =	simm.s32 @p2 $0x1082  }
0x22: {  	[simem:s7], [sflag:s8] =	dma.local @!p0 [hbm:s6], $0xF7A  }
0x23: {  	s9 =	sor.u32 $0xD0000000, s2;
	s6 =	simm.s32 $0x108;
	_ =	swait.ge @!p0 [sflag:s8], $0x0  }
0x24: {  	s3 =	sadd.s32 $0x88, s3;
	s6 =	simm.s32 @!p1 $0x1082;
	[sflag:s4] =	ssyncset.s32 $0xFFFFF086  }
0x25: {  	[simem:s6], [sflag:s4] =	dma.local [hbm:s3], $0xF7A  }
0x26: {  	[smem:$0x3F9F] =	sst s1;
	(tag) =	ssettag s2;
	_ =	strace s9  }
0x27: {  	s1 =	sld [smem:$0x3FAF]  }
0x28: {  	s2 =	sld [smem:$0x3FB0]  }
0x29: {  	s4 =	sld [smem:$0x3FB2]  }
0x2a: {  	p0 =	seq.s32 s5, $0x0;
	s5 =	sld [smem:$0x3FB3]  }
0x2b: {  	s6 =	sld [smem:$0x3FB4]  }
0x2c: {  	s7 =	sld [smem:$0x3FB5]  }
0x2d: {  	s3 =	simm.s32 $0x108;
	s8 =	sld [smem:$0x3FB6]  }
0x2e: {  	s3 =	simm.s32 @!p0 $0x1082;
	s9 =	sld [smem:$0x3FB7]  }
0x2f: {  	lr =	sadd.s32 s0, s3;
	s0 =	sld [smem:$0x3FAE]  }
0x30: {  	s3 =	sld [smem:$0x3FB1]  }
0x31: {  	[smem:$0x3FBA] =	sst s10  }
0x32: {  	s10 =	sld [smem:$0x3FB8];
	_ =	sdelay $0x3  }
0x33: {  	p0 =	seq.s32 s10, $0x1;
	s10 =	sld [smem:$0x3FBA];
	_ =	sdelay $0x3  }
0x34: {  	[smem:$0x3FBA] =	sst s10  }
0x35: {  	s10 =	sld [smem:$0x3FB9];
	_ =	sdelay $0x3  }
0x36: {  	p1 =	seq.s32 s10, $0x1;
	s10 =	sld [smem:$0x3FBA];
	_ =	sdelay $0x3  }
0x37: {  	[smem:$0x3FBA] =	sst s10  }
0x38: {  	s10 =	sld [smem:$0x3FBB]  }
0x39: {  	_ = 	snop;
	(pc) =	sbr.ind lr, $3  }
0x3a: {  	_ = 	snop  }
0x3b: {  	_ = 	snop  }
0x3c: {  	p2 =	seq.s32 s10, $0x1;
	s10 =	sld [smem:$0x3FBA]  }
0x3d: {  	_ =	shalt  }
0x3e: {  	_ =	shalt  }
0x3f: {  	_ =	shalt  }
0x40: {  	_ =	shalt  }
0x41: {  	_ =	shalt  }
0x42: {  	_ =	shalt  }
0x43: {  	_ =	shalt  }
0x44: {  	_ =	shalt  }
0x45: {  	_ =	shalt  }
0x46: {  	_ =	shalt  }
0x47: {  	_ =	shalt  }
0x48: {  	_ =	shalt  }
0x49: {  	_ =	shalt  }
0x4a: {  	_ =	shalt  }
0x4b: {  	_ =	shalt  }
0x4c: {  	_ =	shalt  }
0x4d: {  	_ =	shalt  }
0x4e: {  	_ =	shalt  }
0x4f: {  	_ =	shalt  }
0x50: {  	_ =	shalt  }
0x51: {  	_ =	shalt  }
0x52: {  	_ =	shalt  }
0x53: {  	_ =	shalt  }
0x54: {  	_ =	shalt  }
0x55: {  	_ =	shalt  }
0x56: {  	_ =	shalt  }
0x57: {  	_ =	shalt  }
0x58: {  	_ =	shalt  }
0x59: {  	_ =	shalt  }
0x5a: {  	_ =	shalt  }
0x5b: {  	_ =	shalt  }
0x5c: {  	_ =	shalt  }
0x5d: {  	_ =	shalt  }
0x5e: {  	_ =	shalt  }
0x5f: {  	_ =	shalt  }
0x60: {  	_ =	shalt  }
0x61: {  	_ =	shalt  }
0x62: {  	_ =	shalt  }
0x63: {  	_ =	shalt  }
0x64: {  	_ =	shalt  }
0x65: {  	_ =	shalt  }
0x66: {  	_ =	shalt  }
0x67: {  	_ =	shalt  }
0x68: {  	_ =	shalt  }
0x69: {  	_ =	shalt  }
0x6a: {  	_ =	shalt  }
0x6b: {  	_ =	shalt  }
0x6c: {  	_ =	shalt  }
0x6d: {  	_ =	shalt  }
0x6e: {  	_ =	shalt  }
0x6f: {  	_ =	shalt  }
0x70: {  	_ =	shalt  }
0x71: {  	_ =	shalt  }
0x72: {  	_ =	shalt  }
0x73: {  	_ =	shalt  }
0x74: {  	_ =	shalt  }
0x75: {  	_ =	shalt  }
0x76: {  	_ =	shalt  }
0x77: {  	_ =	shalt  }
0x78: {  	_ =	shalt  }
0x79: {  	_ =	shalt  }
0x7a: {  	_ =	shalt  }
0x7b: {  	_ =	shalt  }
0x7c: {  	_ =	shalt  }
0x7d: {  	_ =	shalt  }
0x7e: {  	_ =	shalt  }
0x7f: {  	_ =	shalt  }
0x80: {  	_ =	shalt  }
0x81: {  	_ =	shalt  }
0x82: {  	_ =	shalt  }
0x83: {  	_ =	shalt  }
0x84: {  	_ =	shalt  }
0x85: {  	_ =	shalt  }
0x86: {  	_ =	shalt  }
0x87: {  	_ =	shalt  }
.Lfunc_end0:
.L_simem_size_0:
called_computation.1_lowered:
.L_overlay_start_0:
0x88: {  	s2 =	sld [smem:$0x3FD9]  }
0x89: {  	s3 =	sld [smem:$0x3FFE];
	_ =	sdelay $0x1  }
0x8a: {  	s1 =	srdreg.scid  }
0x8b: {  	s0 =	sand.u32 $0x1, s1  }
0x8c: {  	s17 =	sshll.u32 s0, $0xA;
	s2 =	sadd.s32 s3, s2  }
0x8d: {  	s2 =	sadd.s32 s2, s17  }
0x8e: {  	[smem:$0x3FC6] =	sst s2  }
0x8f: {  	_ = 	snop  }
0x90: {  	s2 =	sld [smem:$0x3FD0];
	(tm) =	ssettm $0x1  }
0x91: {  	s18 =	sld [smem:$0x3FFB];
	_ =	sdelay $0x3  }
0x92: {  	_ =	strace s18  }
0x93: {  	s3 =	sld [smem:$0x3FFC];
	_ =	sdelay $0x3  }
0x94: {  	_ =	strace s3  }
0x95: {  	s3 =	sld [smem:$0x3FFD];
	_ =	sdelay $0x3  }
0x96: {  	_ =	strace s3  }
0x97: {  	_ =	strace $0x8FFFFFFF  }
0x98: {  	s19 =	sld [smem:$0x3FDB];
	_ =	sdelay $0x1  }
0x99: {  	s4 =	simm.s32 $_scs_section_size  }
0x9a: {  	s5 =	simm.s32 $_size__tile_overlayer_lowered;
	s6 =	simm.s32 $_tile_overlayer_lowered  }
0x9b: {  	s22 =	simm.s32 $0x1BFF;
	s21 =	sshll.u32 s6, $0x1;
	s3 =	sadd.s32 s4, s19  }
0x9c: {  	s7 =	simm.s32 $0x0;
	s20 =	sshll.u32 s5, $0x1;
	s5 =	sadd.s32 s21, s3  }
0x9d: {  	[timem:s7], [sflag:s22] =	dma.local [hbm:s5], s20  }
0x9e: {  	_ =	swait.ge [sflag:s22], s20  }
0x9f: {  	s4 =	ssub.s32 $0x0, s20;
	[sflag:s22] =	ssyncset.done $0x0  }
0xa0: {  	[sflag:s22] =	ssyncadd.s32 s4;
	_ =	sdelay $0x1  }
0xa1: {  	s23 =	simm.s32 $0x1B8B  }
0xa2: {  	_ =	swait.ge [sflag:s23], $0x1  }
0xa3: {  	[sflag:s23] =	ssyncset.done $0x0  }
0xa4: {  	s25 =	simm.s32 $0x1B8E;
	s24 =	sld [smem:$0x3FFE];
	[sflag:s23] =	ssyncadd.s32 $0xFFFFFFFF  }
0xa5: {  	s26 =	simm.s32 $execute0_lowered;
	[smem:$0x3FD2] =	sst s25  }
0xa6: {  	s5 =	sshll.u32 s26, $0x1;
	_ =	strace $0x80000046;
	[dreg:$0x1] =	wrdreg $0xFFFFFFFF  }
0xa7: {  	s28 =	simm.s32 $_size_execute0_lowered;
	s3 =	sadd.s32 s3, s5;
	[dreg:$0x0] =	wrdreg $0x0  }
0xa8: {  	s5 =	sshll.u32 s28, $0x1;
	[dreg:$0x2] =	wrdreg s3  }
0xa9: {  	[dreg:$0x3] =	wrdreg s5  }
0xaa: {  	[dreg:$0x4] =	wrdreg $0xC0  }
0xab: {  	_ =	task [dreg:s7], $0x5FFFF  }
0xac: {  	[dreg:$0x1] =	wrdreg $0xFFFFFFFF  }
0xad: {  	[dreg:$0x0] =	wrdreg $0x60  }
0xae: {  	[dreg:$0x2] =	wrdreg s2  }
0xaf: {  	[dreg:$0x3] =	wrdreg s24  }
0xb0: {  	[dreg:$0x4] =	wrdreg $0x9  }
0xb1: {  	_ =	task.clear_ibuf [dreg:s7], $0x5FFFF;
	_ =	strace $0x90000046  }
0xb2: {  	s29 =	simm.s32 $0x9;
	_ =	strace $0x80000048  }
0xb3: {  	_ =	swait.ge [sflag:s29], $0x1  }
0xb4: {  	[sflag:s29] =	ssyncadd.s32 $0xFFFFFFFF  }
0xb5: {  	_ =	strace $0x90000048  }
0xb6: {  	_ =	sfence  }
0xb7: {  	s30 =	sld [smem:$0x0];
	_ =	sdelay $0x2  }
0xb8: {  	s31 =	sshll.u32 s1, $0xD;
	s1 =	sshrl.u32 s1, $0x2  }
0xb9: {  	s3 =	sand.u32 $0x4000, s31;
	s1 =	sadd.s32 s1, s30  }
0xba: {  	s0 =	sor.u32 s3, s0;
	s1 =	sshll.u32 s1, $0x11  }
0xbb: {  	s0 =	sor.u32 s1, s0  }
0xbc: {  	s0 =	sadd.s32 $0x8F2B, s0  }
0xbd: {  	[sflag:s0] =	ssyncadd.remote.s32 $0x1  }
0xbe: {  	_ =	sfence.sel $0xFFFF  }
0xbf: {  	[dreg:$0x0] =	wrdreg $0xFFFFFFFF;
	(pc) =	sbr.abs _section_cstart, $3  }
0xc0: {  	[dreg:$0x1] =	wrdreg $0xFFFFFFFF  }
0xc1: {  	_ =	task.clear_ibuf [dreg:s7], $0x2FFFF;
	_ =	strace $0x9FFFFFFF  }
0xc2: {  	(tm) =	ssettm $0x7FFFFFFF  }
0xc3: {  	_ =	shalt  }
tec
execute0_lowered:
.L_overlay_start_1:
0x0: {  	(tag) =	ssettag $0x1  }
0x1: {  	s0 =	srdreg.scid;
	s20 =	stileid.u32  }
0x2: {  	s3 =	rddreg [dreg:$0x0];
	s1 =	sand.u32 $0x1, s0;
	s2 =	sshll.u32 s20, $0x1  }
0x3: {  	s4 =	rddreg [dreg:$0x1];
	s0 =	sor.u32 s1, s2;
	s2 =	simm.s32 $0x0  }
0x4: {  	s8 =	simm.s32 $0x100;
	[smem:$0x7FF] =	sst s2  }
0x5: {  	s9 =	simm.s32 $0x180;
	_ =	strace $0x80000047;
	[dreg:$0x8] =	wrdreg s8  }
0x6: {  	s10 =	simm.s32 $0x200;
	[dreg:$0x9] =	wrdreg s9  }
0x7: {  	s11 =	simm.s32 $0x280;
	[dreg:$0xa] =	wrdreg s10  }
0x8: {  	s12 =	simm.s32 $0x300;
	[dreg:$0xb] =	wrdreg s11  }
0x9: {  	s13 =	simm.s32 $0x380;
	[dreg:$0xc] =	wrdreg s12  }
0xa: {  	s14 =	simm.s32 $0x400;
	[dreg:$0xd] =	wrdreg s13  }
0xb: {  	s15 =	simm.s32 $0x480;
	[dreg:$0xe] =	wrdreg s14  }
0xc: {  	s16 =	simm.s32 $0x500;
	[dreg:$0xf] =	wrdreg s15  }
0xd: {  	s17 =	simm.s32 $0x580;
	[dreg:$0x10] =	wrdreg s16  }
0xe: {  	s18 =	simm.s32 $0x600;
	s19 =	simm.s32 $0x680;
	[dreg:$0x11] =	wrdreg s17  }
0xf: {  	s21 =	simm.s32 $0x700;
	s22 =	simm.s32 $0x780;
	[dreg:$0x12] =	wrdreg s18  }
0x10: {  	s23 =	simm.s32 $0x800;
	s24 =	simm.s32 $0x880;
	[dreg:$0x13] =	wrdreg s19  }
0x11: {  	s25 =	simm.s32 $0x900;
	s26 =	simm.s32 $0x980;
	[dreg:$0x14] =	wrdreg s21  }
0x12: {  	p0 =	por $0x0, $0x0;
	s28 =	simm.s32 $0x1780;
	[dreg:$0x15] =	wrdreg s22  }
0x13: {  	s29 =	simm.s32 $0x1800;
	s30 =	simm.s32 $0x1880;
	[dreg:$0x16] =	wrdreg s23  }
0x14: {  	s31 =	simm.s32 $0x1900;
	s5 =	smul.u32 $0x340, s0;
	[dreg:$0x17] =	wrdreg s24  }
0x15: {  	s1 =	ssub.s32 $0x2, s1;
	s6 =	smul.u32 $0x1A000, s0;
	[dreg:$0x18] =	wrdreg s25  }
0x16: {  	s0 =	smul.u32 $0x3400, s0;
	[dreg:$0x19] =	wrdreg s26;
	s9 =	simm.s32 $0xC00  }
0x17: {  	s8 =	sshrl.u32 s1, $0x1;
	s10 =	simm.s32 $0xC80;
	[dreg:$0x1e] =	wrdreg s9  }
0x18: {  	s11 =	simm.s32 $0xD00;
	s12 =	simm.s32 $0xD80;
	[dreg:$0x1f] =	wrdreg s10  }
0x19: {  	s13 =	simm.s32 $0xE00;
	s14 =	simm.s32 $0xE80;
	[smem:$0x7EF] =	sst s11  }
0x1a: {  	s15 =	simm.s32 $0xF00;
	s16 =	simm.s32 $0xF80;
	[smem:$0x7F0] =	sst s12  }
0x1b: {  	s17 =	simm.s32 $0x1000;
	s18 =	simm.s32 $0x1080;
	[smem:$0x7F1] =	sst s13  }
0x1c: {  	s19 =	simm.s32 $0x1100;
	s21 =	simm.s32 $0x1180;
	[smem:$0x7F2] =	sst s14  }
0x1d: {  	s22 =	simm.s32 $0x1200;
	s23 =	simm.s32 $0x1280;
	[smem:$0x7F3] =	sst s15  }
0x1e: {  	s24 =	simm.s32 $0x1300;
	s25 =	simm.s32 $0x1380;
	[smem:$0x7F4] =	sst s16  }
0x1f: {  	s26 =	simm.s32 $0x1400;
	s5 =	sadd.s32 s5, s4;
	[smem:$0x7F5] =	sst s17  }
0x20: {  	s4 =	sadd.s32 $0x7A00, s4;
	s6 =	sshrl.u32 s6, $0x3;
	[smem:$0x7F6] =	sst s18  }
0x21: {  	s1 =	ssub.s32 s1, s8;
	s8 =	simm.s32 $0x2200;
	[smem:$0x7F7] =	sst s19  }
0x22: {  	s9 =	simm.s32 $0x2A00;
	s10 =	simm.s32 $0x3200;
	[smem:$0x7F8] =	sst s21  }
0x23: {  	s11 =	simm.s32 $0x3A00;
	s12 =	simm.s32 $0x4200;
	[smem:$0x7F9] =	sst s22  }
0x24: {  	s13 =	simm.s32 $0x4A00;
	s14 =	simm.s32 $0x5200;
	[smem:$0x7FA] =	sst s23  }
0x25: {  	s15 =	simm.s32 $0x5A00;
	s16 =	simm.s32 $0x6200;
	[smem:$0x7FB] =	sst s24  }
0x26: {  	s17 =	simm.s32 $0x6A00;
	s18 =	simm.s32 $0x7200;
	[smem:$0x7FC] =	sst s25  }
0x27: {  	s19 =	simm.s32 $0x7A00;
	[smem:$0x7FD] =	sst s26;
	s5 =	sadd.s32 $0x1200, s5  }
0x28: {  	s0 =	sadd.s32 s4, s0;
	s4 =	sadd.s32 s4, s6;
	[dreg:$0x3] =	wrdreg s5  }
0x29: {  	s22 =	simm.s32 $0x1500;
	[dreg:$0x4] =	wrdreg s0;
	s5 =	sadd.s32 $0xD00, s4  }
0x2a: {  	s23 =	simm.s32 $0x1580;
	s6 =	sadd.s32 $0x1A00, s4;
	[dreg:$0x5] =	wrdreg s5  }
0x2b: {  	s24 =	simm.s32 $0x1600;
	s7 =	sadd.s32 $0x2700, s4;
	[dreg:$0x6] =	wrdreg s6  }
0x2c: {  	s1 =	smax.u32 s1, $0x1;
	s4 =	simm.s32 $0xA00;
	[dreg:$0x7] =	wrdreg s7  }
0x2d: {  	s25 =	simm.s32 $0x1680;
	p1 =	sne.s32 s1, $0x1;
	[dreg:$0x1a] =	wrdreg s4  }
.Ltmp0:
0x2e: {  	s5 =	simm.s32 $0xA80;
	s0 =	rddreg [dreg:$0x3];
	(pc) =	sbr.rel @!p1 .LBB2_1-.Ltmp0, $4  }
0x2f: {  	s26 =	simm.s32 $0x1700;
	s6 =	simm.s32 $0xB00;
	[dreg:$0x1b] =	wrdreg s5  }
0x30: {  	s21 =	simm.s32 $0x1980;
	s7 =	simm.s32 $0xB80;
	[dreg:$0x1c] =	wrdreg s6  }
0x31: {  	s1 =	sadd.s32 $0xFFFFFFFF, s1;
	s4 =	simm.s32 $0x2;
	[dreg:$0x1d] =	wrdreg s7  }
0x32: {  	s6 =	simm.s32 $0x80;
	s5 =	simm.s32 $0x1A00;
	s7 =	simm.s32 $0x1  }
0x33: {  	[tilespmem:s2], [sflag:$0x2] =	stream.linear.gather [hbm4b:s0+s2], $0x1A00, $0x38;
	[tilespmem:$0x8200] =	vst v63  }
0x34: {  	_ =	swait.ge [sflag:s4], $0x1A00  }
0x35: {  	[sflag:s4] =	ssyncset.done $0x0  }
0x36: {  	[sflag:s4] =	ssyncadd.s32 $0xFFFFE600  }
0x37: {  	[tilespmem:s5], [sflag:$0x1] =	stream.indirect.gather [hbm4b:s3+s6], $0x10, s2, s6, $0xb8;
	[tilespmem:$0x8200] =	vst v63  }
0x38: {  	_ = 	snop  }
0x39: {  	[tilespmem:s8], [sflag:$0x1] =	stream.indirect.gather [hbm4b:s3+s6], $0x10, s6, s6, $0xb8;
	[tilespmem:$0x8200] =	vst v63  }
0x3a: {  	s0 =	rddreg [dreg:$0x8]  }
0x3b: {  	[tilespmem:s9], [sflag:$0x1] =	stream.indirect.gather [hbm4b:s3+s6], $0x10, s0, s6, $0xb8;
	[tilespmem:$0x8200] =	vst v63  }
0x3c: {  	s20 =	smov.u32 s1;
	s1 =	rddreg [dreg:$0x9]  }
0x3d: {  	[tilespmem:s10], [sflag:$0x1] =	stream.indirect.gather [hbm4b:s3+s6], $0x10, s1, s6, $0xb8;
	[tilespmem:$0x8200] =	vst v63  }
0x3e: {  	s0 =	rddreg [dreg:$0xa]  }
0x3f: {  	[tilespmem:s11], [sflag:$0x1] =	stream.indirect.gather [hbm4b:s3+s6], $0x10, s0, s6, $0xb8;
	[tilespmem:$0x8200] =	vst v63  }
0x40: {  	s1 =	rddreg [dreg:$0xb]  }
0x41: {  	[tilespmem:s12], [sflag:$0x1] =	stream.indirect.gather [hbm4b:s3+s6], $0x10, s1, s6, $0xb8;
	[tilespmem:$0x8200] =	vst v63  }
0x42: {  	s0 =	rddreg [dreg:$0xc]  }
0x43: {  	[tilespmem:s13], [sflag:$0x1] =	stream.indirect.gather [hbm4b:s3+s6], $0x10, s0, s6, $0xb8;
	[tilespmem:$0x8200] =	vst v63  }
0x44: {  	s1 =	rddreg [dreg:$0xd]  }
0x45: {  	[tilespmem:s14], [sflag:$0x1] =	stream.indirect.gather [hbm4b:s3+s6], $0x10, s1, s6, $0xb8;
	[tilespmem:$0x8200] =	vst v63  }
0x46: {  	s0 =	rddreg [dreg:$0xe]  }
0x47: {  	[tilespmem:s15], [sflag:$0x1] =	stream.indirect.gather [hbm4b:s3+s6], $0x10, s0, s6, $0xb8;
	[tilespmem:$0x8200] =	vst v63  }
0x48: {  	s1 =	rddreg [dreg:$0xf]  }
0x49: {  	[tilespmem:s16], [sflag:$0x1] =	stream.indirect.gather [hbm4b:s3+s6], $0x10, s1, s6, $0xb8;
	[tilespmem:$0x8200] =	vst v63  }
0x4a: {  	s0 =	rddreg [dreg:$0x10]  }
0x4b: {  	[tilespmem:s17], [sflag:$0x1] =	stream.indirect.gather [hbm4b:s3+s6], $0x10, s0, s6, $0xb8;
	[tilespmem:$0x8200] =	vst v63  }
0x4c: {  	s1 =	rddreg [dreg:$0x11]  }
0x4d: {  	[tilespmem:s18], [sflag:$0x1] =	stream.indirect.gather [hbm4b:s3+s6], $0x10, s1, s6, $0xb8;
	[tilespmem:$0x8200] =	vst v63  }
0x4e: {  	s0 =	rddreg [dreg:$0x12]  }
0x4f: {  	[tilespmem:s19], [sflag:$0x1] =	stream.indirect.gather [hbm4b:s3+s6], $0x10, s0, s6, $0xb8;
	[tilespmem:$0x8200] =	vst v63  }
0x50: {  	_ =	swait.ge [sflag:s7], $0x800  }
0x51: {  	[sflag:s7] =	ssyncset.done $0x0  }
0x52: {  	[sflag:s7] =	ssyncadd.s32 $0xFFFFF800  }
0x53: {  	_ =	swait.ge [sflag:s7], $0x800  }
0x54: {  	[sflag:s7] =	ssyncset.done $0x0  }
0x55: {  	[sflag:s7] =	ssyncadd.s32 $0xFFFFF800  }
0x56: {  	_ =	swait.ge [sflag:s7], $0x800  }
0x57: {  	[sflag:s7] =	ssyncset.done $0x0  }
0x58: {  	[sflag:s7] =	ssyncadd.s32 $0xFFFFF800  }
0x59: {  	_ =	swait.ge [sflag:s7], $0x800  }
0x5a: {  	[sflag:s7] =	ssyncset.done $0x0  }
0x5b: {  	[sflag:s7] =	ssyncadd.s32 $0xFFFFF800  }
0x5c: {  	_ =	swait.ge [sflag:s7], $0x800  }
0x5d: {  	[sflag:s7] =	ssyncset.done $0x0  }
0x5e: {  	[sflag:s7] =	ssyncadd.s32 $0xFFFFF800  }
0x5f: {  	_ =	swait.ge [sflag:s7], $0x800  }
0x60: {  	[sflag:s7] =	ssyncset.done $0x0  }
0x61: {  	[sflag:s7] =	ssyncadd.s32 $0xFFFFF800  }
0x62: {  	_ =	swait.ge [sflag:s7], $0x800  }
0x63: {  	[sflag:s7] =	ssyncset.done $0x0  }
0x64: {  	[sflag:s7] =	ssyncadd.s32 $0xFFFFF800  }
0x65: {  	_ =	swait.ge [sflag:s7], $0x800  }
0x66: {  	[sflag:s7] =	ssyncset.done $0x0  }
0x67: {  	[sflag:s7] =	ssyncadd.s32 $0xFFFFF800  }
0x68: {  	_ =	swait.ge [sflag:s7], $0x800  }
0x69: {  	[sflag:s7] =	ssyncset.done $0x0  }
0x6a: {  	[sflag:s7] =	ssyncadd.s32 $0xFFFFF800  }
0x6b: {  	_ =	swait.ge [sflag:s7], $0x800  }
0x6c: {  	[sflag:s7] =	ssyncset.done $0x0  }
0x6d: {  	[sflag:s7] =	ssyncadd.s32 $0xFFFFF800  }
0x6e: {  	_ =	swait.ge [sflag:s7], $0x800  }
0x6f: {  	[sflag:s7] =	ssyncset.done $0x0  }
0x70: {  	[sflag:s7] =	ssyncadd.s32 $0xFFFFF800  }
0x71: {  	_ =	swait.ge [sflag:s7], $0x800  }
0x72: {  	[sflag:s7] =	ssyncset.done $0x0  }
0x73: {  	[sflag:s7] =	ssyncadd.s32 $0xFFFFF800  }
0x74: {  	_ =	swait.ge [sflag:s7], $0x800  }
0x75: {  	[sflag:s7] =	ssyncset.done $0x0  }
0x76: {  	s1 =	rddreg [dreg:$0x4];
	[sflag:s7] =	ssyncadd.s32 $0xFFFFF800  }
0x77: {  	[hbm4b:s1+s2] =	stream.linear.scatter [tilespmem:s5], [sflag:$0x2], $0x6800, $0x38;
	[tilespmem:$0x8200] =	vst v63  }
0x78: {  	_ =	swait.ge [sflag:s4], $0x6800  }
0x79: {  	[sflag:s4] =	ssyncset.done $0x0  }
0x7a: {  	s0 =	rddreg [dreg:$0x13];
	[sflag:s4] =	ssyncadd.s32 $0xFFFF9800  }
0x7b: {  	[tilespmem:s5], [sflag:$0x1] =	stream.indirect.gather [hbm4b:s3+s6], $0x10, s0, s6, $0xb8;
	[tilespmem:$0x8200] =	vst v63  }
0x7c: {  	s1 =	rddreg [dreg:$0x14]  }
0x7d: {  	[tilespmem:s8], [sflag:$0x1] =	stream.indirect.gather [hbm4b:s3+s6], $0x10, s1, s6, $0xb8;
	[tilespmem:$0x8200] =	vst v63  }
0x7e: {  	s0 =	rddreg [dreg:$0x15]  }
0x7f: {  	[tilespmem:s9], [sflag:$0x1] =	stream.indirect.gather [hbm4b:s3+s6], $0x10, s0, s6, $0xb8;
	[tilespmem:$0x8200] =	vst v63  }
0x80: {  	s1 =	rddreg [dreg:$0x16]  }
0x81: {  	[tilespmem:s10], [sflag:$0x1] =	stream.indirect.gather [hbm4b:s3+s6], $0x10, s1, s6, $0xb8;
	[tilespmem:$0x8200] =	vst v63  }
0x82: {  	s0 =	rddreg [dreg:$0x17]  }
0x83: {  	[tilespmem:s11], [sflag:$0x1] =	stream.indirect.gather [hbm4b:s3+s6], $0x10, s0, s6, $0xb8;
	[tilespmem:$0x8200] =	vst v63  }
0x84: {  	s1 =	rddreg [dreg:$0x18]  }
0x85: {  	[tilespmem:s12], [sflag:$0x1] =	stream.indirect.gather [hbm4b:s3+s6], $0x10, s1, s6, $0xb8;
	[tilespmem:$0x8200] =	vst v63  }
0x86: {  	s0 =	rddreg [dreg:$0x19]  }
0x87: {  	[tilespmem:s13], [sflag:$0x1] =	stream.indirect.gather [hbm4b:s3+s6], $0x10, s0, s6, $0xb8;
	[tilespmem:$0x8200] =	vst v63  }
0x88: {  	s1 =	rddreg [dreg:$0x1a]  }
0x89: {  	[tilespmem:s14], [sflag:$0x1] =	stream.indirect.gather [hbm4b:s3+s6], $0x10, s1, s6, $0xb8;
	[tilespmem:$0x8200] =	vst v63  }
0x8a: {  	s0 =	rddreg [dreg:$0x1b]  }
0x8b: {  	[tilespmem:s15], [sflag:$0x1] =	stream.indirect.gather [hbm4b:s3+s6], $0x10, s0, s6, $0xb8;
	[tilespmem:$0x8200] =	vst v63  }
0x8c: {  	s1 =	rddreg [dreg:$0x1c]  }
0x8d: {  	[tilespmem:s16], [sflag:$0x1] =	stream.indirect.gather [hbm4b:s3+s6], $0x10, s1, s6, $0xb8;
	[tilespmem:$0x8200] =	vst v63  }
0x8e: {  	s0 =	rddreg [dreg:$0x1d]  }
0x8f: {  	[tilespmem:s17], [sflag:$0x1] =	stream.indirect.gather [hbm4b:s3+s6], $0x10, s0, s6, $0xb8;
	[tilespmem:$0x8200] =	vst v63  }
0x90: {  	s1 =	rddreg [dreg:$0x1e]  }
0x91: {  	[tilespmem:s18], [sflag:$0x1] =	stream.indirect.gather [hbm4b:s3+s6], $0x10, s1, s6, $0xb8;
	[tilespmem:$0x8200] =	vst v63  }
0x92: {  	s0 =	rddreg [dreg:$0x1f]  }
0x93: {  	[tilespmem:s19], [sflag:$0x1] =	stream.indirect.gather [hbm4b:s3+s6], $0x10, s0, s6, $0xb8;
	[tilespmem:$0x8200] =	vst v63  }
0x94: {  	_ =	swait.ge [sflag:s7], $0x800  }
0x95: {  	[sflag:s7] =	ssyncset.done $0x0  }
0x96: {  	[sflag:s7] =	ssyncadd.s32 $0xFFFFF800  }
0x97: {  	_ =	swait.ge [sflag:s7], $0x800  }
0x98: {  	[sflag:s7] =	ssyncset.done $0x0  }
0x99: {  	[sflag:s7] =	ssyncadd.s32 $0xFFFFF800  }
0x9a: {  	_ =	swait.ge [sflag:s7], $0x800  }
0x9b: {  	[sflag:s7] =	ssyncset.done $0x0  }
0x9c: {  	[sflag:s7] =	ssyncadd.s32 $0xFFFFF800  }
0x9d: {  	_ =	swait.ge [sflag:s7], $0x800  }
0x9e: {  	[sflag:s7] =	ssyncset.done $0x0  }
0x9f: {  	[sflag:s7] =	ssyncadd.s32 $0xFFFFF800  }
0xa0: {  	_ =	swait.ge [sflag:s7], $0x800  }
0xa1: {  	[sflag:s7] =	ssyncset.done $0x0  }
0xa2: {  	[sflag:s7] =	ssyncadd.s32 $0xFFFFF800  }
0xa3: {  	_ =	swait.ge [sflag:s7], $0x800  }
0xa4: {  	[sflag:s7] =	ssyncset.done $0x0  }
0xa5: {  	[sflag:s7] =	ssyncadd.s32 $0xFFFFF800  }
0xa6: {  	_ =	swait.ge [sflag:s7], $0x800  }
0xa7: {  	[sflag:s7] =	ssyncset.done $0x0  }
0xa8: {  	[sflag:s7] =	ssyncadd.s32 $0xFFFFF800  }
0xa9: {  	_ =	swait.ge [sflag:s7], $0x800  }
0xaa: {  	[sflag:s7] =	ssyncset.done $0x0  }
0xab: {  	[sflag:s7] =	ssyncadd.s32 $0xFFFFF800  }
0xac: {  	_ =	swait.ge [sflag:s7], $0x800  }
0xad: {  	[sflag:s7] =	ssyncset.done $0x0  }
0xae: {  	[sflag:s7] =	ssyncadd.s32 $0xFFFFF800  }
0xaf: {  	_ =	swait.ge [sflag:s7], $0x800  }
0xb0: {  	[sflag:s7] =	ssyncset.done $0x0  }
0xb1: {  	[sflag:s7] =	ssyncadd.s32 $0xFFFFF800  }
0xb2: {  	_ =	swait.ge [sflag:s7], $0x800  }
0xb3: {  	[sflag:s7] =	ssyncset.done $0x0  }
0xb4: {  	[sflag:s7] =	ssyncadd.s32 $0xFFFFF800  }
0xb5: {  	_ =	swait.ge [sflag:s7], $0x800  }
0xb6: {  	[sflag:s7] =	ssyncset.done $0x0  }
0xb7: {  	[sflag:s7] =	ssyncadd.s32 $0xFFFFF800  }
0xb8: {  	_ =	swait.ge [sflag:s7], $0x800  }
0xb9: {  	[sflag:s7] =	ssyncset.done $0x0  }
0xba: {  	s1 =	rddreg [dreg:$0x5];
	[sflag:s7] =	ssyncadd.s32 $0xFFFFF800  }
0xbb: {  	[hbm4b:s1+s2] =	stream.linear.scatter [tilespmem:s5], [sflag:$0x2], $0x6800, $0x38;
	[tilespmem:$0x8200] =	vst v63  }
0xbc: {  	_ =	swait.ge [sflag:s4], $0x6800  }
0xbd: {  	s0 =	sld [smem:$0x7EF]  }
0xbe: {  	[sflag:s4] =	ssyncset.done $0x0  }
0xbf: {  	s1 =	sld [smem:$0x7F0];
	[sflag:s4] =	ssyncadd.s32 $0xFFFF9800  }
0xc0: {  	[tilespmem:s5], [sflag:$0x1] =	stream.indirect.gather [hbm4b:s3+s6], $0x10, s0, s6, $0xb8;
	[tilespmem:$0x8200] =	vst v63  }
0xc1: {  	s0 =	sld [smem:$0x7F1]  }
0xc2: {  	[tilespmem:s8], [sflag:$0x1] =	stream.indirect.gather [hbm4b:s3+s6], $0x10, s1, s6, $0xb8;
	[tilespmem:$0x8200] =	vst v63  }
0xc3: {  	s1 =	sld [smem:$0x7F2]  }
0xc4: {  	[tilespmem:s9], [sflag:$0x1] =	stream.indirect.gather [hbm4b:s3+s6], $0x10, s0, s6, $0xb8;
	[tilespmem:$0x8200] =	vst v63  }
0xc5: {  	s0 =	sld [smem:$0x7F3]  }
0xc6: {  	[tilespmem:s10], [sflag:$0x1] =	stream.indirect.gather [hbm4b:s3+s6], $0x10, s1, s6, $0xb8;
	[tilespmem:$0x8200] =	vst v63  }
0xc7: {  	s1 =	sld [smem:$0x7F4]  }
0xc8: {  	[tilespmem:s11], [sflag:$0x1] =	stream.indirect.gather [hbm4b:s3+s6], $0x10, s0, s6, $0xb8;
	[tilespmem:$0x8200] =	vst v63  }
0xc9: {  	s0 =	sld [smem:$0x7F5]  }
0xca: {  	[tilespmem:s12], [sflag:$0x1] =	stream.indirect.gather [hbm4b:s3+s6], $0x10, s1, s6, $0xb8;
	[tilespmem:$0x8200] =	vst v63  }
0xcb: {  	s1 =	sld [smem:$0x7F6]  }
0xcc: {  	[tilespmem:s13], [sflag:$0x1] =	stream.indirect.gather [hbm4b:s3+s6], $0x10, s0, s6, $0xb8;
	[tilespmem:$0x8200] =	vst v63  }
0xcd: {  	s0 =	sld [smem:$0x7F7]  }
0xce: {  	[tilespmem:s14], [sflag:$0x1] =	stream.indirect.gather [hbm4b:s3+s6], $0x10, s1, s6, $0xb8;
	[tilespmem:$0x8200] =	vst v63  }
0xcf: {  	s1 =	sld [smem:$0x7F8]  }
0xd0: {  	[tilespmem:s15], [sflag:$0x1] =	stream.indirect.gather [hbm4b:s3+s6], $0x10, s0, s6, $0xb8;
	[tilespmem:$0x8200] =	vst v63  }
0xd1: {  	s0 =	sld [smem:$0x7F9]  }
0xd2: {  	[tilespmem:s16], [sflag:$0x1] =	stream.indirect.gather [hbm4b:s3+s6], $0x10, s1, s6, $0xb8;
	[tilespmem:$0x8200] =	vst v63  }
0xd3: {  	s1 =	sld [smem:$0x7FA]  }
0xd4: {  	[tilespmem:s17], [sflag:$0x1] =	stream.indirect.gather [hbm4b:s3+s6], $0x10, s0, s6, $0xb8;
	[tilespmem:$0x8200] =	vst v63  }
0xd5: {  	s0 =	sld [smem:$0x7FB]  }
0xd6: {  	[tilespmem:s18], [sflag:$0x1] =	stream.indirect.gather [hbm4b:s3+s6], $0x10, s1, s6, $0xb8;
	[tilespmem:$0x8200] =	vst v63  }
0xd7: {  	_ = 	snop  }
0xd8: {  	[tilespmem:s19], [sflag:$0x1] =	stream.indirect.gather [hbm4b:s3+s6], $0x10, s0, s6, $0xb8;
	[tilespmem:$0x8200] =	vst v63  }
0xd9: {  	_ =	swait.ge [sflag:s7], $0x800  }
0xda: {  	[sflag:s7] =	ssyncset.done $0x0  }
0xdb: {  	[sflag:s7] =	ssyncadd.s32 $0xFFFFF800  }
0xdc: {  	_ =	swait.ge [sflag:s7], $0x800  }
0xdd: {  	[sflag:s7] =	ssyncset.done $0x0  }
0xde: {  	[sflag:s7] =	ssyncadd.s32 $0xFFFFF800  }
0xdf: {  	_ =	swait.ge [sflag:s7], $0x800  }
0xe0: {  	[sflag:s7] =	ssyncset.done $0x0  }
0xe1: {  	[sflag:s7] =	ssyncadd.s32 $0xFFFFF800  }
0xe2: {  	_ =	swait.ge [sflag:s7], $0x800  }
0xe3: {  	[sflag:s7] =	ssyncset.done $0x0  }
0xe4: {  	[sflag:s7] =	ssyncadd.s32 $0xFFFFF800  }
0xe5: {  	_ =	swait.ge [sflag:s7], $0x800  }
0xe6: {  	[sflag:s7] =	ssyncset.done $0x0  }
0xe7: {  	[sflag:s7] =	ssyncadd.s32 $0xFFFFF800  }
0xe8: {  	_ =	swait.ge [sflag:s7], $0x800  }
0xe9: {  	[sflag:s7] =	ssyncset.done $0x0  }
0xea: {  	[sflag:s7] =	ssyncadd.s32 $0xFFFFF800  }
0xeb: {  	_ =	swait.ge [sflag:s7], $0x800  }
0xec: {  	[sflag:s7] =	ssyncset.done $0x0  }
0xed: {  	[sflag:s7] =	ssyncadd.s32 $0xFFFFF800  }
0xee: {  	_ =	swait.ge [sflag:s7], $0x800  }
0xef: {  	[sflag:s7] =	ssyncset.done $0x0  }
0xf0: {  	[sflag:s7] =	ssyncadd.s32 $0xFFFFF800  }
0xf1: {  	_ =	swait.ge [sflag:s7], $0x800  }
0xf2: {  	[sflag:s7] =	ssyncset.done $0x0  }
0xf3: {  	[sflag:s7] =	ssyncadd.s32 $0xFFFFF800  }
0xf4: {  	_ =	swait.ge [sflag:s7], $0x800  }
0xf5: {  	[sflag:s7] =	ssyncset.done $0x0  }
0xf6: {  	[sflag:s7] =	ssyncadd.s32 $0xFFFFF800  }
0xf7: {  	_ =	swait.ge [sflag:s7], $0x800  }
0xf8: {  	[sflag:s7] =	ssyncset.done $0x0  }
0xf9: {  	[sflag:s7] =	ssyncadd.s32 $0xFFFFF800  }
0xfa: {  	_ =	swait.ge [sflag:s7], $0x800  }
0xfb: {  	[sflag:s7] =	ssyncset.done $0x0  }
0xfc: {  	[sflag:s7] =	ssyncadd.s32 $0xFFFFF800  }
0xfd: {  	_ =	swait.ge [sflag:s7], $0x800  }
0xfe: {  	[sflag:s7] =	ssyncset.done $0x0  }
0xff: {  	s1 =	rddreg [dreg:$0x6];
	[sflag:s7] =	ssyncadd.s32 $0xFFFFF800  }
0x100: {  	[hbm4b:s1+s2] =	stream.linear.scatter [tilespmem:s5], [sflag:$0x2], $0x6800, $0x38;
	[tilespmem:$0x8200] =	vst v63  }
0x101: {  	_ =	swait.ge [sflag:s4], $0x6800  }
0x102: {  	s0 =	sld [smem:$0x7FC]  }
0x103: {  	[sflag:s4] =	ssyncset.done $0x0  }
0x104: {  	s1 =	sld [smem:$0x7FD];
	[sflag:s4] =	ssyncadd.s32 $0xFFFF9800  }
0x105: {  	[tilespmem:s5], [sflag:$0x1] =	stream.indirect.gather [hbm4b:s3+s6], $0x10, s0, s6, $0xb8;
	[tilespmem:$0x8200] =	vst v63  }
0x106: {  	_ = 	snop  }
0x107: {  	[tilespmem:s8], [sflag:$0x1] =	stream.indirect.gather [hbm4b:s3+s6], $0x10, s1, s6, $0xb8;
	[tilespmem:$0x8200] =	vst v63  }
0x108: {  	s1 =	simm.s32 $0x1480  }
0x109: {  	[tilespmem:s9], [sflag:$0x1] =	stream.indirect.gather [hbm4b:s3+s6], $0x10, s1, s6, $0xb8;
	[tilespmem:$0x8200] =	vst v63  }
0x10a: {  	_ = 	snop  }
0x10b: {  	[tilespmem:s10], [sflag:$0x1] =	stream.indirect.gather [hbm4b:s3+s6], $0x10, s22, s6, $0xb8;
	[tilespmem:$0x8200] =	vst v63  }
0x10c: {  	_ = 	snop  }
0x10d: {  	[tilespmem:s11], [sflag:$0x1] =	stream.indirect.gather [hbm4b:s3+s6], $0x10, s23, s6, $0xb8;
	[tilespmem:$0x8200] =	vst v63  }
0x10e: {  	_ = 	snop  }
0x10f: {  	[tilespmem:s12], [sflag:$0x1] =	stream.indirect.gather [hbm4b:s3+s6], $0x10, s24, s6, $0xb8;
	[tilespmem:$0x8200] =	vst v63  }
0x110: {  	_ = 	snop  }
0x111: {  	[tilespmem:s13], [sflag:$0x1] =	stream.indirect.gather [hbm4b:s3+s6], $0x10, s25, s6, $0xb8;
	[tilespmem:$0x8200] =	vst v63  }
0x112: {  	_ = 	snop  }
0x113: {  	[tilespmem:s14], [sflag:$0x1] =	stream.indirect.gather [hbm4b:s3+s6], $0x10, s26, s6, $0xb8;
	[tilespmem:$0x8200] =	vst v63  }
0x114: {  	_ = 	snop  }
0x115: {  	[tilespmem:s15], [sflag:$0x1] =	stream.indirect.gather [hbm4b:s3+s6], $0x10, s28, s6, $0xb8;
	[tilespmem:$0x8200] =	vst v63  }
0x116: {  	_ = 	snop  }
0x117: {  	[tilespmem:s16], [sflag:$0x1] =	stream.indirect.gather [hbm4b:s3+s6], $0x10, s29, s6, $0xb8;
	[tilespmem:$0x8200] =	vst v63  }
0x118: {  	_ = 	snop  }
0x119: {  	[tilespmem:s17], [sflag:$0x1] =	stream.indirect.gather [hbm4b:s3+s6], $0x10, s30, s6, $0xb8;
	[tilespmem:$0x8200] =	vst v63  }
0x11a: {  	_ = 	snop  }
0x11b: {  	[tilespmem:s18], [sflag:$0x1] =	stream.indirect.gather [hbm4b:s3+s6], $0x10, s31, s6, $0xb8;
	[tilespmem:$0x8200] =	vst v63  }
0x11c: {  	_ = 	snop  }
0x11d: {  	[tilespmem:s19], [sflag:$0x1] =	stream.indirect.gather [hbm4b:s3+s6], $0x10, s21, s6, $0xb8;
	[tilespmem:$0x8200] =	vst v63  }
0x11e: {  	_ =	swait.ge [sflag:s7], $0x800  }
0x11f: {  	[sflag:s7] =	ssyncset.done $0x0  }
0x120: {  	[sflag:s7] =	ssyncadd.s32 $0xFFFFF800  }
0x121: {  	_ =	swait.ge [sflag:s7], $0x800  }
0x122: {  	[sflag:s7] =	ssyncset.done $0x0  }
0x123: {  	[sflag:s7] =	ssyncadd.s32 $0xFFFFF800  }
0x124: {  	_ =	swait.ge [sflag:s7], $0x800  }
0x125: {  	[sflag:s7] =	ssyncset.done $0x0  }
0x126: {  	[sflag:s7] =	ssyncadd.s32 $0xFFFFF800  }
0x127: {  	_ =	swait.ge [sflag:s7], $0x800  }
0x128: {  	[sflag:s7] =	ssyncset.done $0x0  }
0x129: {  	[sflag:s7] =	ssyncadd.s32 $0xFFFFF800  }
0x12a: {  	_ =	swait.ge [sflag:s7], $0x800  }
0x12b: {  	[sflag:s7] =	ssyncset.done $0x0  }
0x12c: {  	[sflag:s7] =	ssyncadd.s32 $0xFFFFF800  }
0x12d: {  	_ =	swait.ge [sflag:s7], $0x800  }
0x12e: {  	[sflag:s7] =	ssyncset.done $0x0  }
0x12f: {  	[sflag:s7] =	ssyncadd.s32 $0xFFFFF800  }
0x130: {  	_ =	swait.ge [sflag:s7], $0x800  }
0x131: {  	[sflag:s7] =	ssyncset.done $0x0  }
0x132: {  	[sflag:s7] =	ssyncadd.s32 $0xFFFFF800  }
0x133: {  	_ =	swait.ge [sflag:s7], $0x800  }
0x134: {  	[sflag:s7] =	ssyncset.done $0x0  }
0x135: {  	[sflag:s7] =	ssyncadd.s32 $0xFFFFF800  }
0x136: {  	_ =	swait.ge [sflag:s7], $0x800  }
0x137: {  	[sflag:s7] =	ssyncset.done $0x0  }
0x138: {  	[sflag:s7] =	ssyncadd.s32 $0xFFFFF800  }
0x139: {  	_ =	swait.ge [sflag:s7], $0x800  }
0x13a: {  	[sflag:s7] =	ssyncset.done $0x0  }
0x13b: {  	[sflag:s7] =	ssyncadd.s32 $0xFFFFF800  }
0x13c: {  	_ =	swait.ge [sflag:s7], $0x800  }
0x13d: {  	[sflag:s7] =	ssyncset.done $0x0  }
0x13e: {  	[sflag:s7] =	ssyncadd.s32 $0xFFFFF800  }
0x13f: {  	_ =	swait.ge [sflag:s7], $0x800  }
0x140: {  	[sflag:s7] =	ssyncset.done $0x0  }
0x141: {  	[sflag:s7] =	ssyncadd.s32 $0xFFFFF800  }
0x142: {  	p1 =	sne.s32 s20, $0x1;
	_ =	swait.ge [sflag:s7], $0x800  }
.Ltmp1:
0x143: {  	[sflag:s7] =	ssyncset.done $0x0;
	(pc) =	sbr.rel @!p1 .LBB2_3-.Ltmp1, $4  }
0x144: {  	s1 =	rddreg [dreg:$0x7];
	[sflag:s7] =	ssyncadd.s32 $0xFFFFF800  }
0x145: {  	[hbm4b:s1+s2] =	stream.linear.scatter [tilespmem:s5], [sflag:$0x2], $0x6800, $0x38;
	[tilespmem:$0x8200] =	vst v63  }
0x146: {  	p0 =	por $0x1, $0x1;
	_ =	swait.ge [sflag:s4], $0x6800  }
0x147: {  	s1 =	sadd.s32 $0xFFFFFFFF, s20;
	s0 =	rddreg [dreg:$0x3];
	[sflag:s4] =	ssyncset.done $0x0  }
.LBB2_4:
0x148: {  	[sflag:s4] =	ssyncadd.s32 $0xFFFF9800  }
0x149: {  	[tilespmem:s2], [sflag:$0x2] =	stream.linear.gather [hbm4b:s0+s2], $0x1A00, $0x38;
	[tilespmem:$0x8200] =	vst v63  }
0x14a: {  	_ =	swait.ge [sflag:s4], $0x1A00  }
0x14b: {  	[sflag:s4] =	ssyncset.done $0x0  }
0x14c: {  	[sflag:s4] =	ssyncadd.s32 $0xFFFFE600  }
0x14d: {  	[tilespmem:s5], [sflag:$0x1] =	stream.indirect.gather [hbm4b:s3+s6], $0x10, s2, s6, $0xb8;
	[tilespmem:$0x8200] =	vst v63  }
0x14e: {  	_ = 	snop  }
0x14f: {  	[tilespmem:s8], [sflag:$0x1] =	stream.indirect.gather [hbm4b:s3+s6], $0x10, s6, s6, $0xb8;
	[tilespmem:$0x8200] =	vst v63  }
0x150: {  	s0 =	rddreg [dreg:$0x8]  }
0x151: {  	[tilespmem:s9], [sflag:$0x1] =	stream.indirect.gather [hbm4b:s3+s6], $0x10, s0, s6, $0xb8;
	[tilespmem:$0x8200] =	vst v63  }
0x152: {  	s20 =	rddreg [dreg:$0x9]  }
0x153: {  	[tilespmem:s10], [sflag:$0x1] =	stream.indirect.gather [hbm4b:s3+s6], $0x10, s20, s6, $0xb8;
	[tilespmem:$0x8200] =	vst v63  }
0x154: {  	s0 =	rddreg [dreg:$0xa]  }
0x155: {  	[tilespmem:s11], [sflag:$0x1] =	stream.indirect.gather [hbm4b:s3+s6], $0x10, s0, s6, $0xb8;
	[tilespmem:$0x8200] =	vst v63  }
0x156: {  	s20 =	rddreg [dreg:$0xb]  }
0x157: {  	[tilespmem:s12], [sflag:$0x1] =	stream.indirect.gather [hbm4b:s3+s6], $0x10, s20, s6, $0xb8;
	[tilespmem:$0x8200] =	vst v63  }
0x158: {  	s0 =	rddreg [dreg:$0xc]  }
0x159: {  	[tilespmem:s13], [sflag:$0x1] =	stream.indirect.gather [hbm4b:s3+s6], $0x10, s0, s6, $0xb8;
	[tilespmem:$0x8200] =	vst v63  }
0x15a: {  	s20 =	rddreg [dreg:$0xd]  }
0x15b: {  	[tilespmem:s14], [sflag:$0x1] =	stream.indirect.gather [hbm4b:s3+s6], $0x10, s20, s6, $0xb8;
	[tilespmem:$0x8200] =	vst v63  }
0x15c: {  	s0 =	rddreg [dreg:$0xe]  }
0x15d: {  	[tilespmem:s15], [sflag:$0x1] =	stream.indirect.gather [hbm4b:s3+s6], $0x10, s0, s6, $0xb8;
	[tilespmem:$0x8200] =	vst v63  }
0x15e: {  	s20 =	rddreg [dreg:$0xf]  }
0x15f: {  	[tilespmem:s16], [sflag:$0x1] =	stream.indirect.gather [hbm4b:s3+s6], $0x10, s20, s6, $0xb8;
	[tilespmem:$0x8200] =	vst v63  }
0x160: {  	s0 =	rddreg [dreg:$0x10]  }
0x161: {  	[tilespmem:s17], [sflag:$0x1] =	stream.indirect.gather [hbm4b:s3+s6], $0x10, s0, s6, $0xb8;
	[tilespmem:$0x8200] =	vst v63  }
0x162: {  	s20 =	rddreg [dreg:$0x11]  }
0x163: {  	[tilespmem:s18], [sflag:$0x1] =	stream.indirect.gather [hbm4b:s3+s6], $0x10, s20, s6, $0xb8;
	[tilespmem:$0x8200] =	vst v63  }
0x164: {  	s0 =	rddreg [dreg:$0x12]  }
0x165: {  	[tilespmem:s19], [sflag:$0x1] =	stream.indirect.gather [hbm4b:s3+s6], $0x10, s0, s6, $0xb8;
	[tilespmem:$0x8200] =	vst v63  }
0x166: {  	_ =	swait.ge [sflag:s7], $0x800  }
0x167: {  	[sflag:s7] =	ssyncset.done $0x0  }
0x168: {  	[sflag:s7] =	ssyncadd.s32 $0xFFFFF800  }
0x169: {  	_ =	swait.ge [sflag:s7], $0x800  }
0x16a: {  	[sflag:s7] =	ssyncset.done $0x0  }
0x16b: {  	[sflag:s7] =	ssyncadd.s32 $0xFFFFF800  }
0x16c: {  	_ =	swait.ge [sflag:s7], $0x800  }
0x16d: {  	[sflag:s7] =	ssyncset.done $0x0  }
0x16e: {  	[sflag:s7] =	ssyncadd.s32 $0xFFFFF800  }
0x16f: {  	_ =	swait.ge [sflag:s7], $0x800  }
0x170: {  	[sflag:s7] =	ssyncset.done $0x0  }
0x171: {  	[sflag:s7] =	ssyncadd.s32 $0xFFFFF800  }
0x172: {  	_ =	swait.ge [sflag:s7], $0x800  }
0x173: {  	[sflag:s7] =	ssyncset.done $0x0  }
0x174: {  	[sflag:s7] =	ssyncadd.s32 $0xFFFFF800  }
0x175: {  	_ =	swait.ge [sflag:s7], $0x800  }
0x176: {  	[sflag:s7] =	ssyncset.done $0x0  }
0x177: {  	[sflag:s7] =	ssyncadd.s32 $0xFFFFF800  }
0x178: {  	_ =	swait.ge [sflag:s7], $0x800  }
0x179: {  	[sflag:s7] =	ssyncset.done $0x0  }
0x17a: {  	[sflag:s7] =	ssyncadd.s32 $0xFFFFF800  }
0x17b: {  	_ =	swait.ge [sflag:s7], $0x800  }
0x17c: {  	[sflag:s7] =	ssyncset.done $0x0  }
0x17d: {  	[sflag:s7] =	ssyncadd.s32 $0xFFFFF800  }
0x17e: {  	_ =	swait.ge [sflag:s7], $0x800  }
0x17f: {  	[sflag:s7] =	ssyncset.done $0x0  }
0x180: {  	[sflag:s7] =	ssyncadd.s32 $0xFFFFF800  }
0x181: {  	_ =	swait.ge [sflag:s7], $0x800  }
0x182: {  	[sflag:s7] =	ssyncset.done $0x0  }
0x183: {  	[sflag:s7] =	ssyncadd.s32 $0xFFFFF800  }
0x184: {  	_ =	swait.ge [sflag:s7], $0x800  }
0x185: {  	[sflag:s7] =	ssyncset.done $0x0  }
0x186: {  	[sflag:s7] =	ssyncadd.s32 $0xFFFFF800  }
0x187: {  	_ =	swait.ge [sflag:s7], $0x800  }
0x188: {  	[sflag:s7] =	ssyncset.done $0x0  }
0x189: {  	[sflag:s7] =	ssyncadd.s32 $0xFFFFF800  }
0x18a: {  	_ =	swait.ge [sflag:s7], $0x800  }
0x18b: {  	[sflag:s7] =	ssyncset.done $0x0  }
0x18c: {  	s20 =	rddreg [dreg:$0x4];
	[sflag:s7] =	ssyncadd.s32 $0xFFFFF800  }
0x18d: {  	[hbm4b:s20+s2] =	stream.linear.scatter [tilespmem:s5], [sflag:$0x2], $0x6800, $0x38;
	[tilespmem:$0x8200] =	vst v63  }
0x18e: {  	_ =	swait.ge [sflag:s4], $0x6800  }
0x18f: {  	[sflag:s4] =	ssyncset.done $0x0  }
0x190: {  	s0 =	rddreg [dreg:$0x13];
	[sflag:s4] =	ssyncadd.s32 $0xFFFF9800  }
0x191: {  	[tilespmem:s5], [sflag:$0x1] =	stream.indirect.gather [hbm4b:s3+s6], $0x10, s0, s6, $0xb8;
	[tilespmem:$0x8200] =	vst v63  }
0x192: {  	s20 =	rddreg [dreg:$0x14]  }
0x193: {  	[tilespmem:s8], [sflag:$0x1] =	stream.indirect.gather [hbm4b:s3+s6], $0x10, s20, s6, $0xb8;
	[tilespmem:$0x8200] =	vst v63  }
0x194: {  	s0 =	rddreg [dreg:$0x15]  }
0x195: {  	[tilespmem:s9], [sflag:$0x1] =	stream.indirect.gather [hbm4b:s3+s6], $0x10, s0, s6, $0xb8;
	[tilespmem:$0x8200] =	vst v63  }
0x196: {  	s20 =	rddreg [dreg:$0x16]  }
0x197: {  	[tilespmem:s10], [sflag:$0x1] =	stream.indirect.gather [hbm4b:s3+s6], $0x10, s20, s6, $0xb8;
	[tilespmem:$0x8200] =	vst v63  }
0x198: {  	s0 =	rddreg [dreg:$0x17]  }
0x199: {  	[tilespmem:s11], [sflag:$0x1] =	stream.indirect.gather [hbm4b:s3+s6], $0x10, s0, s6, $0xb8;
	[tilespmem:$0x8200] =	vst v63  }
0x19a: {  	s20 =	rddreg [dreg:$0x18]  }
0x19b: {  	[tilespmem:s12], [sflag:$0x1] =	stream.indirect.gather [hbm4b:s3+s6], $0x10, s20, s6, $0xb8;
	[tilespmem:$0x8200] =	vst v63  }
0x19c: {  	s0 =	rddreg [dreg:$0x19]  }
0x19d: {  	[tilespmem:s13], [sflag:$0x1] =	stream.indirect.gather [hbm4b:s3+s6], $0x10, s0, s6, $0xb8;
	[tilespmem:$0x8200] =	vst v63  }
0x19e: {  	s20 =	rddreg [dreg:$0x1a]  }
0x19f: {  	[tilespmem:s14], [sflag:$0x1] =	stream.indirect.gather [hbm4b:s3+s6], $0x10, s20, s6, $0xb8;
	[tilespmem:$0x8200] =	vst v63  }
0x1a0: {  	s0 =	rddreg [dreg:$0x1b]  }
0x1a1: {  	[tilespmem:s15], [sflag:$0x1] =	stream.indirect.gather [hbm4b:s3+s6], $0x10, s0, s6, $0xb8;
	[tilespmem:$0x8200] =	vst v63  }
0x1a2: {  	s20 =	rddreg [dreg:$0x1c]  }
0x1a3: {  	[tilespmem:s16], [sflag:$0x1] =	stream.indirect.gather [hbm4b:s3+s6], $0x10, s20, s6, $0xb8;
	[tilespmem:$0x8200] =	vst v63  }
0x1a4: {  	s0 =	rddreg [dreg:$0x1d]  }
0x1a5: {  	[tilespmem:s17], [sflag:$0x1] =	stream.indirect.gather [hbm4b:s3+s6], $0x10, s0, s6, $0xb8;
	[tilespmem:$0x8200] =	vst v63  }
0x1a6: {  	s20 =	rddreg [dreg:$0x1e]  }
0x1a7: {  	[tilespmem:s18], [sflag:$0x1] =	stream.indirect.gather [hbm4b:s3+s6], $0x10, s20, s6, $0xb8;
	[tilespmem:$0x8200] =	vst v63  }
0x1a8: {  	s0 =	rddreg [dreg:$0x1f]  }
0x1a9: {  	[tilespmem:s19], [sflag:$0x1] =	stream.indirect.gather [hbm4b:s3+s6], $0x10, s0, s6, $0xb8;
	[tilespmem:$0x8200] =	vst v63  }
0x1aa: {  	_ =	swait.ge [sflag:s7], $0x800  }
0x1ab: {  	[sflag:s7] =	ssyncset.done $0x0  }
0x1ac: {  	[sflag:s7] =	ssyncadd.s32 $0xFFFFF800  }
0x1ad: {  	_ =	swait.ge [sflag:s7], $0x800  }
0x1ae: {  	[sflag:s7] =	ssyncset.done $0x0  }
0x1af: {  	[sflag:s7] =	ssyncadd.s32 $0xFFFFF800  }
0x1b0: {  	_ =	swait.ge [sflag:s7], $0x800  }
0x1b1: {  	[sflag:s7] =	ssyncset.done $0x0  }
0x1b2: {  	[sflag:s7] =	ssyncadd.s32 $0xFFFFF800  }
0x1b3: {  	_ =	swait.ge [sflag:s7], $0x800  }
0x1b4: {  	[sflag:s7] =	ssyncset.done $0x0  }
0x1b5: {  	[sflag:s7] =	ssyncadd.s32 $0xFFFFF800  }
0x1b6: {  	_ =	swait.ge [sflag:s7], $0x800  }
0x1b7: {  	[sflag:s7] =	ssyncset.done $0x0  }
0x1b8: {  	[sflag:s7] =	ssyncadd.s32 $0xFFFFF800  }
0x1b9: {  	_ =	swait.ge [sflag:s7], $0x800  }
0x1ba: {  	[sflag:s7] =	ssyncset.done $0x0  }
0x1bb: {  	[sflag:s7] =	ssyncadd.s32 $0xFFFFF800  }
0x1bc: {  	_ =	swait.ge [sflag:s7], $0x800  }
0x1bd: {  	[sflag:s7] =	ssyncset.done $0x0  }
0x1be: {  	[sflag:s7] =	ssyncadd.s32 $0xFFFFF800  }
0x1bf: {  	_ =	swait.ge [sflag:s7], $0x800  }
0x1c0: {  	[sflag:s7] =	ssyncset.done $0x0  }
0x1c1: {  	[sflag:s7] =	ssyncadd.s32 $0xFFFFF800  }
0x1c2: {  	_ =	swait.ge [sflag:s7], $0x800  }
0x1c3: {  	[sflag:s7] =	ssyncset.done $0x0  }
0x1c4: {  	[sflag:s7] =	ssyncadd.s32 $0xFFFFF800  }
0x1c5: {  	_ =	swait.ge [sflag:s7], $0x800  }
0x1c6: {  	[sflag:s7] =	ssyncset.done $0x0  }
0x1c7: {  	[sflag:s7] =	ssyncadd.s32 $0xFFFFF800  }
0x1c8: {  	_ =	swait.ge [sflag:s7], $0x800  }
0x1c9: {  	[sflag:s7] =	ssyncset.done $0x0  }
0x1ca: {  	[sflag:s7] =	ssyncadd.s32 $0xFFFFF800  }
0x1cb: {  	_ =	swait.ge [sflag:s7], $0x800  }
0x1cc: {  	[sflag:s7] =	ssyncset.done $0x0  }
0x1cd: {  	[sflag:s7] =	ssyncadd.s32 $0xFFFFF800  }
0x1ce: {  	_ =	swait.ge [sflag:s7], $0x800  }
0x1cf: {  	[sflag:s7] =	ssyncset.done $0x0  }
0x1d0: {  	s20 =	rddreg [dreg:$0x5];
	[sflag:s7] =	ssyncadd.s32 $0xFFFFF800  }
0x1d1: {  	[hbm4b:s20+s2] =	stream.linear.scatter [tilespmem:s5], [sflag:$0x2], $0x6800, $0x38;
	[tilespmem:$0x8200] =	vst v63  }
0x1d2: {  	_ =	swait.ge [sflag:s4], $0x6800  }
0x1d3: {  	s0 =	sld [smem:$0x7EF]  }
0x1d4: {  	[sflag:s4] =	ssyncset.done $0x0  }
0x1d5: {  	s20 =	sld [smem:$0x7F0];
	[sflag:s4] =	ssyncadd.s32 $0xFFFF9800  }
0x1d6: {  	[tilespmem:s5], [sflag:$0x1] =	stream.indirect.gather [hbm4b:s3+s6], $0x10, s0, s6, $0xb8;
	[tilespmem:$0x8200] =	vst v63  }
0x1d7: {  	s0 =	sld [smem:$0x7F1]  }
0x1d8: {  	[tilespmem:s8], [sflag:$0x1] =	stream.indirect.gather [hbm4b:s3+s6], $0x10, s20, s6, $0xb8;
	[tilespmem:$0x8200] =	vst v63  }
0x1d9: {  	s20 =	sld [smem:$0x7F2]  }
0x1da: {  	[tilespmem:s9], [sflag:$0x1] =	stream.indirect.gather [hbm4b:s3+s6], $0x10, s0, s6, $0xb8;
	[tilespmem:$0x8200] =	vst v63  }
0x1db: {  	s0 =	sld [smem:$0x7F3]  }
0x1dc: {  	[tilespmem:s10], [sflag:$0x1] =	stream.indirect.gather [hbm4b:s3+s6], $0x10, s20, s6, $0xb8;
	[tilespmem:$0x8200] =	vst v63  }
0x1dd: {  	s20 =	sld [smem:$0x7F4]  }
0x1de: {  	[tilespmem:s11], [sflag:$0x1] =	stream.indirect.gather [hbm4b:s3+s6], $0x10, s0, s6, $0xb8;
	[tilespmem:$0x8200] =	vst v63  }
0x1df: {  	s0 =	sld [smem:$0x7F5]  }
0x1e0: {  	[tilespmem:s12], [sflag:$0x1] =	stream.indirect.gather [hbm4b:s3+s6], $0x10, s20, s6, $0xb8;
	[tilespmem:$0x8200] =	vst v63  }
0x1e1: {  	s20 =	sld [smem:$0x7F6]  }
0x1e2: {  	[tilespmem:s13], [sflag:$0x1] =	stream.indirect.gather [hbm4b:s3+s6], $0x10, s0, s6, $0xb8;
	[tilespmem:$0x8200] =	vst v63  }
0x1e3: {  	s0 =	sld [smem:$0x7F7]  }
0x1e4: {  	[tilespmem:s14], [sflag:$0x1] =	stream.indirect.gather [hbm4b:s3+s6], $0x10, s20, s6, $0xb8;
	[tilespmem:$0x8200] =	vst v63  }
0x1e5: {  	s20 =	sld [smem:$0x7F8]  }
0x1e6: {  	[tilespmem:s15], [sflag:$0x1] =	stream.indirect.gather [hbm4b:s3+s6], $0x10, s0, s6, $0xb8;
	[tilespmem:$0x8200] =	vst v63  }
0x1e7: {  	s0 =	sld [smem:$0x7F9]  }
0x1e8: {  	[tilespmem:s16], [sflag:$0x1] =	stream.indirect.gather [hbm4b:s3+s6], $0x10, s20, s6, $0xb8;
	[tilespmem:$0x8200] =	vst v63  }
0x1e9: {  	s20 =	sld [smem:$0x7FA]  }
0x1ea: {  	[tilespmem:s17], [sflag:$0x1] =	stream.indirect.gather [hbm4b:s3+s6], $0x10, s0, s6, $0xb8;
	[tilespmem:$0x8200] =	vst v63  }
0x1eb: {  	s0 =	sld [smem:$0x7FB]  }
0x1ec: {  	[tilespmem:s18], [sflag:$0x1] =	stream.indirect.gather [hbm4b:s3+s6], $0x10, s20, s6, $0xb8;
	[tilespmem:$0x8200] =	vst v63  }
0x1ed: {  	_ = 	snop  }
0x1ee: {  	[tilespmem:s19], [sflag:$0x1] =	stream.indirect.gather [hbm4b:s3+s6], $0x10, s0, s6, $0xb8;
	[tilespmem:$0x8200] =	vst v63  }
0x1ef: {  	_ =	swait.ge [sflag:s7], $0x800  }
0x1f0: {  	[sflag:s7] =	ssyncset.done $0x0  }
0x1f1: {  	[sflag:s7] =	ssyncadd.s32 $0xFFFFF800  }
0x1f2: {  	_ =	swait.ge [sflag:s7], $0x800  }
0x1f3: {  	[sflag:s7] =	ssyncset.done $0x0  }
0x1f4: {  	[sflag:s7] =	ssyncadd.s32 $0xFFFFF800  }
0x1f5: {  	_ =	swait.ge [sflag:s7], $0x800  }
0x1f6: {  	[sflag:s7] =	ssyncset.done $0x0  }
0x1f7: {  	[sflag:s7] =	ssyncadd.s32 $0xFFFFF800  }
0x1f8: {  	_ =	swait.ge [sflag:s7], $0x800  }
0x1f9: {  	[sflag:s7] =	ssyncset.done $0x0  }
0x1fa: {  	[sflag:s7] =	ssyncadd.s32 $0xFFFFF800  }
0x1fb: {  	_ =	swait.ge [sflag:s7], $0x800  }
0x1fc: {  	[sflag:s7] =	ssyncset.done $0x0  }
0x1fd: {  	[sflag:s7] =	ssyncadd.s32 $0xFFFFF800  }
0x1fe: {  	_ =	swait.ge [sflag:s7], $0x800  }
0x1ff: {  	[sflag:s7] =	ssyncset.done $0x0  }
0x200: {  	[sflag:s7] =	ssyncadd.s32 $0xFFFFF800  }
0x201: {  	_ =	swait.ge [sflag:s7], $0x800  }
0x202: {  	[sflag:s7] =	ssyncset.done $0x0  }
0x203: {  	[sflag:s7] =	ssyncadd.s32 $0xFFFFF800  }
0x204: {  	_ =	swait.ge [sflag:s7], $0x800  }
0x205: {  	[sflag:s7] =	ssyncset.done $0x0  }
0x206: {  	[sflag:s7] =	ssyncadd.s32 $0xFFFFF800  }
0x207: {  	_ =	swait.ge [sflag:s7], $0x800  }
0x208: {  	[sflag:s7] =	ssyncset.done $0x0  }
0x209: {  	[sflag:s7] =	ssyncadd.s32 $0xFFFFF800  }
0x20a: {  	_ =	swait.ge [sflag:s7], $0x800  }
0x20b: {  	[sflag:s7] =	ssyncset.done $0x0  }
0x20c: {  	[sflag:s7] =	ssyncadd.s32 $0xFFFFF800  }
0x20d: {  	_ =	swait.ge [sflag:s7], $0x800  }
0x20e: {  	[sflag:s7] =	ssyncset.done $0x0  }
0x20f: {  	[sflag:s7] =	ssyncadd.s32 $0xFFFFF800  }
0x210: {  	_ =	swait.ge [sflag:s7], $0x800  }
0x211: {  	[sflag:s7] =	ssyncset.done $0x0  }
0x212: {  	[sflag:s7] =	ssyncadd.s32 $0xFFFFF800  }
0x213: {  	_ =	swait.ge [sflag:s7], $0x800  }
0x214: {  	[sflag:s7] =	ssyncset.done $0x0  }
0x215: {  	s20 =	rddreg [dreg:$0x6];
	[sflag:s7] =	ssyncadd.s32 $0xFFFFF800  }
0x216: {  	[hbm4b:s20+s2] =	stream.linear.scatter [tilespmem:s5], [sflag:$0x2], $0x6800, $0x38;
	[tilespmem:$0x8200] =	vst v63  }
0x217: {  	_ =	swait.ge [sflag:s4], $0x6800  }
0x218: {  	s0 =	sld [smem:$0x7FC]  }
0x219: {  	[sflag:s4] =	ssyncset.done $0x0  }
0x21a: {  	s20 =	sld [smem:$0x7FD];
	[sflag:s4] =	ssyncadd.s32 $0xFFFF9800  }
0x21b: {  	[tilespmem:s5], [sflag:$0x1] =	stream.indirect.gather [hbm4b:s3+s6], $0x10, s0, s6, $0xb8;
	[tilespmem:$0x8200] =	vst v63  }
0x21c: {  	_ = 	snop  }
0x21d: {  	[tilespmem:s8], [sflag:$0x1] =	stream.indirect.gather [hbm4b:s3+s6], $0x10, s20, s6, $0xb8;
	[tilespmem:$0x8200] =	vst v63  }
0x21e: {  	s20 =	simm.s32 $0x1480  }
0x21f: {  	[tilespmem:s9], [sflag:$0x1] =	stream.indirect.gather [hbm4b:s3+s6], $0x10, s20, s6, $0xb8;
	[tilespmem:$0x8200] =	vst v63  }
0x220: {  	_ = 	snop  }
0x221: {  	[tilespmem:s10], [sflag:$0x1] =	stream.indirect.gather [hbm4b:s3+s6], $0x10, s22, s6, $0xb8;
	[tilespmem:$0x8200] =	vst v63  }
0x222: {  	_ = 	snop  }
0x223: {  	[tilespmem:s11], [sflag:$0x1] =	stream.indirect.gather [hbm4b:s3+s6], $0x10, s23, s6, $0xb8;
	[tilespmem:$0x8200] =	vst v63  }
0x224: {  	_ = 	snop  }
0x225: {  	[tilespmem:s12], [sflag:$0x1] =	stream.indirect.gather [hbm4b:s3+s6], $0x10, s24, s6, $0xb8;
	[tilespmem:$0x8200] =	vst v63  }
0x226: {  	_ = 	snop  }
0x227: {  	[tilespmem:s13], [sflag:$0x1] =	stream.indirect.gather [hbm4b:s3+s6], $0x10, s25, s6, $0xb8;
	[tilespmem:$0x8200] =	vst v63  }
0x228: {  	_ = 	snop  }
0x229: {  	[tilespmem:s14], [sflag:$0x1] =	stream.indirect.gather [hbm4b:s3+s6], $0x10, s26, s6, $0xb8;
	[tilespmem:$0x8200] =	vst v63  }
0x22a: {  	_ = 	snop  }
0x22b: {  	[tilespmem:s15], [sflag:$0x1] =	stream.indirect.gather [hbm4b:s3+s6], $0x10, s28, s6, $0xb8;
	[tilespmem:$0x8200] =	vst v63  }
0x22c: {  	_ = 	snop  }
0x22d: {  	[tilespmem:s16], [sflag:$0x1] =	stream.indirect.gather [hbm4b:s3+s6], $0x10, s29, s6, $0xb8;
	[tilespmem:$0x8200] =	vst v63  }
0x22e: {  	_ = 	snop  }
0x22f: {  	[tilespmem:s17], [sflag:$0x1] =	stream.indirect.gather [hbm4b:s3+s6], $0x10, s30, s6, $0xb8;
	[tilespmem:$0x8200] =	vst v63  }
0x230: {  	_ = 	snop  }
0x231: {  	[tilespmem:s18], [sflag:$0x1] =	stream.indirect.gather [hbm4b:s3+s6], $0x10, s31, s6, $0xb8;
	[tilespmem:$0x8200] =	vst v63  }
0x232: {  	_ = 	snop  }
0x233: {  	[tilespmem:s19], [sflag:$0x1] =	stream.indirect.gather [hbm4b:s3+s6], $0x10, s21, s6, $0xb8;
	[tilespmem:$0x8200] =	vst v63  }
0x234: {  	_ =	swait.ge [sflag:s7], $0x800  }
0x235: {  	[sflag:s7] =	ssyncset.done $0x0  }
0x236: {  	[sflag:s7] =	ssyncadd.s32 $0xFFFFF800  }
0x237: {  	_ =	swait.ge [sflag:s7], $0x800  }
0x238: {  	[sflag:s7] =	ssyncset.done $0x0  }
0x239: {  	[sflag:s7] =	ssyncadd.s32 $0xFFFFF800  }
0x23a: {  	_ =	swait.ge [sflag:s7], $0x800  }
0x23b: {  	[sflag:s7] =	ssyncset.done $0x0  }
0x23c: {  	[sflag:s7] =	ssyncadd.s32 $0xFFFFF800  }
0x23d: {  	_ =	swait.ge [sflag:s7], $0x800  }
0x23e: {  	[sflag:s7] =	ssyncset.done $0x0  }
0x23f: {  	[sflag:s7] =	ssyncadd.s32 $0xFFFFF800  }
0x240: {  	_ =	swait.ge [sflag:s7], $0x800  }
0x241: {  	[sflag:s7] =	ssyncset.done $0x0  }
0x242: {  	[sflag:s7] =	ssyncadd.s32 $0xFFFFF800  }
0x243: {  	_ =	swait.ge [sflag:s7], $0x800  }
0x244: {  	[sflag:s7] =	ssyncset.done $0x0  }
0x245: {  	[sflag:s7] =	ssyncadd.s32 $0xFFFFF800  }
0x246: {  	_ =	swait.ge [sflag:s7], $0x800  }
0x247: {  	[sflag:s7] =	ssyncset.done $0x0  }
0x248: {  	[sflag:s7] =	ssyncadd.s32 $0xFFFFF800  }
0x249: {  	_ =	swait.ge [sflag:s7], $0x800  }
0x24a: {  	[sflag:s7] =	ssyncset.done $0x0  }
0x24b: {  	[sflag:s7] =	ssyncadd.s32 $0xFFFFF800  }
0x24c: {  	_ =	swait.ge [sflag:s7], $0x800  }
0x24d: {  	[sflag:s7] =	ssyncset.done $0x0  }
0x24e: {  	[sflag:s7] =	ssyncadd.s32 $0xFFFFF800  }
0x24f: {  	_ =	swait.ge [sflag:s7], $0x800  }
0x250: {  	[sflag:s7] =	ssyncset.done $0x0  }
0x251: {  	[sflag:s7] =	ssyncadd.s32 $0xFFFFF800  }
0x252: {  	_ =	swait.ge [sflag:s7], $0x800  }
0x253: {  	[sflag:s7] =	ssyncset.done $0x0  }
0x254: {  	[sflag:s7] =	ssyncadd.s32 $0xFFFFF800  }
0x255: {  	_ =	swait.ge [sflag:s7], $0x800  }
0x256: {  	[sflag:s7] =	ssyncset.done $0x0  }
0x257: {  	[sflag:s7] =	ssyncadd.s32 $0xFFFFF800  }
0x258: {  	p1 =	sne.s32 s1, $0x1;
	_ =	swait.ge [sflag:s7], $0x800  }
.Ltmp2:
0x259: {  	[sflag:s7] =	ssyncset.done $0x0;
	(pc) =	sbr.rel @p1 .LBB2_4-.Ltmp2, $4  }
0x25a: {  	s20 =	rddreg [dreg:$0x7];
	[sflag:s7] =	ssyncadd.s32 $0xFFFFF800  }
0x25b: {  	[hbm4b:s20+s2] =	stream.linear.scatter [tilespmem:s5], [sflag:$0x2], $0x6800, $0x38;
	[tilespmem:$0x8200] =	vst v63  }
0x25c: {  	_ =	swait.ge [sflag:s4], $0x6800  }
0x25d: {  	s1 =	sadd.s32 $0xFFFFFFFF, s1;
	s0 =	rddreg [dreg:$0x3];
	[sflag:s4] =	ssyncset.done $0x0  }
0x25e: {  	s31 =	simm.s32 $0x1900;
	s30 =	simm.s32 $0x1880  }
0x25f: {  	s29 =	simm.s32 $0x1800;
	s28 =	simm.s32 $0x1780;
	s26 =	simm.s32 $0x1700  }
0x260: {  	s25 =	simm.s32 $0x1680;
	s24 =	simm.s32 $0x1600;
	s23 =	simm.s32 $0x1580  }
0x261: {  	s22 =	simm.s32 $0x1500;
	s21 =	simm.s32 $0x1480;
	s20 =	stileid.u32  }
.LBB2_6:
0x262: {  	[sflag:s4] =	ssyncadd.s32 @p0 $0xFFFF9800  }
0x263: {  	[tilespmem:s2], [sflag:$0x2] =	stream.linear.gather [hbm4b:s0+s2], $0x1A00, $0x38;
	[tilespmem:$0x8200] =	vst v63  }
0x264: {  	_ =	swait.ge [sflag:s4], $0x1A00  }
0x265: {  	[sflag:s4] =	ssyncset.done $0x0  }
0x266: {  	[sflag:s4] =	ssyncadd.s32 $0xFFFFE600  }
0x267: {  	[tilespmem:s5], [sflag:$0x1] =	stream.indirect.gather [hbm4b:s3+s6], $0x10, s2, s6, $0xb8;
	[tilespmem:$0x8200] =	vst v63  }
0x268: {  	_ = 	snop  }
0x269: {  	[tilespmem:s8], [sflag:$0x1] =	stream.indirect.gather [hbm4b:s3+s6], $0x10, s6, s6, $0xb8;
	[tilespmem:$0x8200] =	vst v63  }
0x26a: {  	s0 =	rddreg [dreg:$0x8]  }
0x26b: {  	[tilespmem:s9], [sflag:$0x1] =	stream.indirect.gather [hbm4b:s3+s6], $0x10, s0, s6, $0xb8;
	[tilespmem:$0x8200] =	vst v63  }
0x26c: {  	s1 =	rddreg [dreg:$0x9]  }
0x26d: {  	[tilespmem:s10], [sflag:$0x1] =	stream.indirect.gather [hbm4b:s3+s6], $0x10, s1, s6, $0xb8;
	[tilespmem:$0x8200] =	vst v63  }
0x26e: {  	s0 =	rddreg [dreg:$0xa]  }
0x26f: {  	[tilespmem:s11], [sflag:$0x1] =	stream.indirect.gather [hbm4b:s3+s6], $0x10, s0, s6, $0xb8;
	[tilespmem:$0x8200] =	vst v63  }
0x270: {  	s1 =	rddreg [dreg:$0xb]  }
0x271: {  	[tilespmem:s12], [sflag:$0x1] =	stream.indirect.gather [hbm4b:s3+s6], $0x10, s1, s6, $0xb8;
	[tilespmem:$0x8200] =	vst v63  }
0x272: {  	s0 =	rddreg [dreg:$0xc]  }
0x273: {  	[tilespmem:s13], [sflag:$0x1] =	stream.indirect.gather [hbm4b:s3+s6], $0x10, s0, s6, $0xb8;
	[tilespmem:$0x8200] =	vst v63  }
0x274: {  	s1 =	rddreg [dreg:$0xd]  }
0x275: {  	[tilespmem:s14], [sflag:$0x1] =	stream.indirect.gather [hbm4b:s3+s6], $0x10, s1, s6, $0xb8;
	[tilespmem:$0x8200] =	vst v63  }
0x276: {  	s0 =	rddreg [dreg:$0xe]  }
0x277: {  	[tilespmem:s15], [sflag:$0x1] =	stream.indirect.gather [hbm4b:s3+s6], $0x10, s0, s6, $0xb8;
	[tilespmem:$0x8200] =	vst v63  }
0x278: {  	s1 =	rddreg [dreg:$0xf]  }
0x279: {  	[tilespmem:s16], [sflag:$0x1] =	stream.indirect.gather [hbm4b:s3+s6], $0x10, s1, s6, $0xb8;
	[tilespmem:$0x8200] =	vst v63  }
0x27a: {  	s0 =	rddreg [dreg:$0x10]  }
0x27b: {  	[tilespmem:s17], [sflag:$0x1] =	stream.indirect.gather [hbm4b:s3+s6], $0x10, s0, s6, $0xb8;
	[tilespmem:$0x8200] =	vst v63  }
0x27c: {  	s1 =	rddreg [dreg:$0x11]  }
0x27d: {  	[tilespmem:s18], [sflag:$0x1] =	stream.indirect.gather [hbm4b:s3+s6], $0x10, s1, s6, $0xb8;
	[tilespmem:$0x8200] =	vst v63  }
0x27e: {  	s0 =	rddreg [dreg:$0x12]  }
0x27f: {  	[tilespmem:s19], [sflag:$0x1] =	stream.indirect.gather [hbm4b:s3+s6], $0x10, s0, s6, $0xb8;
	[tilespmem:$0x8200] =	vst v63  }
0x280: {  	_ =	swait.ge [sflag:s7], $0x800  }
0x281: {  	[sflag:s7] =	ssyncset.done $0x0  }
0x282: {  	[sflag:s7] =	ssyncadd.s32 $0xFFFFF800  }
0x283: {  	_ =	swait.ge [sflag:s7], $0x800  }
0x284: {  	[sflag:s7] =	ssyncset.done $0x0  }
0x285: {  	[sflag:s7] =	ssyncadd.s32 $0xFFFFF800  }
0x286: {  	_ =	swait.ge [sflag:s7], $0x800  }
0x287: {  	[sflag:s7] =	ssyncset.done $0x0  }
0x288: {  	[sflag:s7] =	ssyncadd.s32 $0xFFFFF800  }
0x289: {  	_ =	swait.ge [sflag:s7], $0x800  }
0x28a: {  	[sflag:s7] =	ssyncset.done $0x0  }
0x28b: {  	[sflag:s7] =	ssyncadd.s32 $0xFFFFF800  }
0x28c: {  	_ =	swait.ge [sflag:s7], $0x800  }
0x28d: {  	[sflag:s7] =	ssyncset.done $0x0  }
0x28e: {  	[sflag:s7] =	ssyncadd.s32 $0xFFFFF800  }
0x28f: {  	_ =	swait.ge [sflag:s7], $0x800  }
0x290: {  	[sflag:s7] =	ssyncset.done $0x0  }
0x291: {  	[sflag:s7] =	ssyncadd.s32 $0xFFFFF800  }
0x292: {  	_ =	swait.ge [sflag:s7], $0x800  }
0x293: {  	[sflag:s7] =	ssyncset.done $0x0  }
0x294: {  	[sflag:s7] =	ssyncadd.s32 $0xFFFFF800  }
0x295: {  	_ =	swait.ge [sflag:s7], $0x800  }
0x296: {  	[sflag:s7] =	ssyncset.done $0x0  }
0x297: {  	[sflag:s7] =	ssyncadd.s32 $0xFFFFF800  }
0x298: {  	_ =	swait.ge [sflag:s7], $0x800  }
0x299: {  	[sflag:s7] =	ssyncset.done $0x0  }
0x29a: {  	[sflag:s7] =	ssyncadd.s32 $0xFFFFF800  }
0x29b: {  	_ =	swait.ge [sflag:s7], $0x800  }
0x29c: {  	[sflag:s7] =	ssyncset.done $0x0  }
0x29d: {  	[sflag:s7] =	ssyncadd.s32 $0xFFFFF800  }
0x29e: {  	_ =	swait.ge [sflag:s7], $0x800  }
0x29f: {  	[sflag:s7] =	ssyncset.done $0x0  }
0x2a0: {  	[sflag:s7] =	ssyncadd.s32 $0xFFFFF800  }
0x2a1: {  	_ =	swait.ge [sflag:s7], $0x800  }
0x2a2: {  	[sflag:s7] =	ssyncset.done $0x0  }
0x2a3: {  	[sflag:s7] =	ssyncadd.s32 $0xFFFFF800  }
0x2a4: {  	_ =	swait.ge [sflag:s7], $0x800  }
0x2a5: {  	[sflag:s7] =	ssyncset.done $0x0  }
0x2a6: {  	s1 =	rddreg [dreg:$0x4];
	[sflag:s7] =	ssyncadd.s32 $0xFFFFF800  }
0x2a7: {  	[hbm4b:s1+s2] =	stream.linear.scatter [tilespmem:s5], [sflag:$0x2], $0x6800, $0x38;
	[tilespmem:$0x8200] =	vst v63  }
0x2a8: {  	_ =	swait.ge [sflag:s4], $0x6800  }
0x2a9: {  	[sflag:s4] =	ssyncset.done $0x0  }
0x2aa: {  	s0 =	rddreg [dreg:$0x13];
	[sflag:s4] =	ssyncadd.s32 $0xFFFF9800  }
0x2ab: {  	[tilespmem:s5], [sflag:$0x1] =	stream.indirect.gather [hbm4b:s3+s6], $0x10, s0, s6, $0xb8;
	[tilespmem:$0x8200] =	vst v63  }
0x2ac: {  	s1 =	rddreg [dreg:$0x14]  }
0x2ad: {  	[tilespmem:s8], [sflag:$0x1] =	stream.indirect.gather [hbm4b:s3+s6], $0x10, s1, s6, $0xb8;
	[tilespmem:$0x8200] =	vst v63  }
0x2ae: {  	s0 =	rddreg [dreg:$0x15]  }
0x2af: {  	[tilespmem:s9], [sflag:$0x1] =	stream.indirect.gather [hbm4b:s3+s6], $0x10, s0, s6, $0xb8;
	[tilespmem:$0x8200] =	vst v63  }
0x2b0: {  	s1 =	rddreg [dreg:$0x16]  }
0x2b1: {  	[tilespmem:s10], [sflag:$0x1] =	stream.indirect.gather [hbm4b:s3+s6], $0x10, s1, s6, $0xb8;
	[tilespmem:$0x8200] =	vst v63  }
0x2b2: {  	s0 =	rddreg [dreg:$0x17]  }
0x2b3: {  	[tilespmem:s11], [sflag:$0x1] =	stream.indirect.gather [hbm4b:s3+s6], $0x10, s0, s6, $0xb8;
	[tilespmem:$0x8200] =	vst v63  }
0x2b4: {  	s1 =	rddreg [dreg:$0x18]  }
0x2b5: {  	[tilespmem:s12], [sflag:$0x1] =	stream.indirect.gather [hbm4b:s3+s6], $0x10, s1, s6, $0xb8;
	[tilespmem:$0x8200] =	vst v63  }
0x2b6: {  	s0 =	rddreg [dreg:$0x19]  }
0x2b7: {  	[tilespmem:s13], [sflag:$0x1] =	stream.indirect.gather [hbm4b:s3+s6], $0x10, s0, s6, $0xb8;
	[tilespmem:$0x8200] =	vst v63  }
0x2b8: {  	s1 =	rddreg [dreg:$0x1a]  }
0x2b9: {  	[tilespmem:s14], [sflag:$0x1] =	stream.indirect.gather [hbm4b:s3+s6], $0x10, s1, s6, $0xb8;
	[tilespmem:$0x8200] =	vst v63  }
0x2ba: {  	s0 =	rddreg [dreg:$0x1b]  }
0x2bb: {  	[tilespmem:s15], [sflag:$0x1] =	stream.indirect.gather [hbm4b:s3+s6], $0x10, s0, s6, $0xb8;
	[tilespmem:$0x8200] =	vst v63  }
0x2bc: {  	s1 =	rddreg [dreg:$0x1c]  }
0x2bd: {  	[tilespmem:s16], [sflag:$0x1] =	stream.indirect.gather [hbm4b:s3+s6], $0x10, s1, s6, $0xb8;
	[tilespmem:$0x8200] =	vst v63  }
0x2be: {  	s0 =	rddreg [dreg:$0x1d]  }
0x2bf: {  	[tilespmem:s17], [sflag:$0x1] =	stream.indirect.gather [hbm4b:s3+s6], $0x10, s0, s6, $0xb8;
	[tilespmem:$0x8200] =	vst v63  }
0x2c0: {  	s1 =	rddreg [dreg:$0x1e]  }
0x2c1: {  	[tilespmem:s18], [sflag:$0x1] =	stream.indirect.gather [hbm4b:s3+s6], $0x10, s1, s6, $0xb8;
	[tilespmem:$0x8200] =	vst v63  }
0x2c2: {  	s0 =	rddreg [dreg:$0x1f]  }
0x2c3: {  	[tilespmem:s19], [sflag:$0x1] =	stream.indirect.gather [hbm4b:s3+s6], $0x10, s0, s6, $0xb8;
	[tilespmem:$0x8200] =	vst v63  }
0x2c4: {  	_ =	swait.ge [sflag:s7], $0x800  }
0x2c5: {  	[sflag:s7] =	ssyncset.done $0x0  }
0x2c6: {  	[sflag:s7] =	ssyncadd.s32 $0xFFFFF800  }
0x2c7: {  	_ =	swait.ge [sflag:s7], $0x800  }
0x2c8: {  	[sflag:s7] =	ssyncset.done $0x0  }
0x2c9: {  	[sflag:s7] =	ssyncadd.s32 $0xFFFFF800  }
0x2ca: {  	_ =	swait.ge [sflag:s7], $0x800  }
0x2cb: {  	[sflag:s7] =	ssyncset.done $0x0  }
0x2cc: {  	[sflag:s7] =	ssyncadd.s32 $0xFFFFF800  }
0x2cd: {  	_ =	swait.ge [sflag:s7], $0x800  }
0x2ce: {  	[sflag:s7] =	ssyncset.done $0x0  }
0x2cf: {  	[sflag:s7] =	ssyncadd.s32 $0xFFFFF800  }
0x2d0: {  	_ =	swait.ge [sflag:s7], $0x800  }
0x2d1: {  	[sflag:s7] =	ssyncset.done $0x0  }
0x2d2: {  	[sflag:s7] =	ssyncadd.s32 $0xFFFFF800  }
0x2d3: {  	_ =	swait.ge [sflag:s7], $0x800  }
0x2d4: {  	[sflag:s7] =	ssyncset.done $0x0  }
0x2d5: {  	[sflag:s7] =	ssyncadd.s32 $0xFFFFF800  }
0x2d6: {  	_ =	swait.ge [sflag:s7], $0x800  }
0x2d7: {  	[sflag:s7] =	ssyncset.done $0x0  }
0x2d8: {  	[sflag:s7] =	ssyncadd.s32 $0xFFFFF800  }
0x2d9: {  	_ =	swait.ge [sflag:s7], $0x800  }
0x2da: {  	[sflag:s7] =	ssyncset.done $0x0  }
0x2db: {  	[sflag:s7] =	ssyncadd.s32 $0xFFFFF800  }
0x2dc: {  	_ =	swait.ge [sflag:s7], $0x800  }
0x2dd: {  	[sflag:s7] =	ssyncset.done $0x0  }
0x2de: {  	[sflag:s7] =	ssyncadd.s32 $0xFFFFF800  }
0x2df: {  	_ =	swait.ge [sflag:s7], $0x800  }
0x2e0: {  	[sflag:s7] =	ssyncset.done $0x0  }
0x2e1: {  	[sflag:s7] =	ssyncadd.s32 $0xFFFFF800  }
0x2e2: {  	_ =	swait.ge [sflag:s7], $0x800  }
0x2e3: {  	[sflag:s7] =	ssyncset.done $0x0  }
0x2e4: {  	[sflag:s7] =	ssyncadd.s32 $0xFFFFF800  }
0x2e5: {  	_ =	swait.ge [sflag:s7], $0x800  }
0x2e6: {  	[sflag:s7] =	ssyncset.done $0x0  }
0x2e7: {  	[sflag:s7] =	ssyncadd.s32 $0xFFFFF800  }
0x2e8: {  	_ =	swait.ge [sflag:s7], $0x800  }
0x2e9: {  	[sflag:s7] =	ssyncset.done $0x0  }
0x2ea: {  	s1 =	rddreg [dreg:$0x5];
	[sflag:s7] =	ssyncadd.s32 $0xFFFFF800  }
0x2eb: {  	[hbm4b:s1+s2] =	stream.linear.scatter [tilespmem:s5], [sflag:$0x2], $0x6800, $0x38;
	[tilespmem:$0x8200] =	vst v63  }
0x2ec: {  	_ =	swait.ge [sflag:s4], $0x6800  }
0x2ed: {  	s0 =	sld [smem:$0x7EF]  }
0x2ee: {  	[sflag:s4] =	ssyncset.done $0x0  }
0x2ef: {  	s1 =	sld [smem:$0x7F0];
	[sflag:s4] =	ssyncadd.s32 $0xFFFF9800  }
0x2f0: {  	[tilespmem:s5], [sflag:$0x1] =	stream.indirect.gather [hbm4b:s3+s6], $0x10, s0, s6, $0xb8;
	[tilespmem:$0x8200] =	vst v63  }
0x2f1: {  	s0 =	sld [smem:$0x7F1]  }
0x2f2: {  	[tilespmem:s8], [sflag:$0x1] =	stream.indirect.gather [hbm4b:s3+s6], $0x10, s1, s6, $0xb8;
	[tilespmem:$0x8200] =	vst v63  }
0x2f3: {  	s1 =	sld [smem:$0x7F2]  }
0x2f4: {  	[tilespmem:s9], [sflag:$0x1] =	stream.indirect.gather [hbm4b:s3+s6], $0x10, s0, s6, $0xb8;
	[tilespmem:$0x8200] =	vst v63  }
0x2f5: {  	s0 =	sld [smem:$0x7F3]  }
0x2f6: {  	[tilespmem:s10], [sflag:$0x1] =	stream.indirect.gather [hbm4b:s3+s6], $0x10, s1, s6, $0xb8;
	[tilespmem:$0x8200] =	vst v63  }
0x2f7: {  	s1 =	sld [smem:$0x7F4]  }
0x2f8: {  	[tilespmem:s11], [sflag:$0x1] =	stream.indirect.gather [hbm4b:s3+s6], $0x10, s0, s6, $0xb8;
	[tilespmem:$0x8200] =	vst v63  }
0x2f9: {  	s0 =	sld [smem:$0x7F5]  }
0x2fa: {  	[tilespmem:s12], [sflag:$0x1] =	stream.indirect.gather [hbm4b:s3+s6], $0x10, s1, s6, $0xb8;
	[tilespmem:$0x8200] =	vst v63  }
0x2fb: {  	s1 =	sld [smem:$0x7F6]  }
0x2fc: {  	[tilespmem:s13], [sflag:$0x1] =	stream.indirect.gather [hbm4b:s3+s6], $0x10, s0, s6, $0xb8;
	[tilespmem:$0x8200] =	vst v63  }
0x2fd: {  	s0 =	sld [smem:$0x7F7]  }
0x2fe: {  	[tilespmem:s14], [sflag:$0x1] =	stream.indirect.gather [hbm4b:s3+s6], $0x10, s1, s6, $0xb8;
	[tilespmem:$0x8200] =	vst v63  }
0x2ff: {  	s1 =	sld [smem:$0x7F8]  }
0x300: {  	[tilespmem:s15], [sflag:$0x1] =	stream.indirect.gather [hbm4b:s3+s6], $0x10, s0, s6, $0xb8;
	[tilespmem:$0x8200] =	vst v63  }
0x301: {  	s0 =	sld [smem:$0x7F9]  }
0x302: {  	[tilespmem:s16], [sflag:$0x1] =	stream.indirect.gather [hbm4b:s3+s6], $0x10, s1, s6, $0xb8;
	[tilespmem:$0x8200] =	vst v63  }
0x303: {  	s1 =	sld [smem:$0x7FA]  }
0x304: {  	[tilespmem:s17], [sflag:$0x1] =	stream.indirect.gather [hbm4b:s3+s6], $0x10, s0, s6, $0xb8;
	[tilespmem:$0x8200] =	vst v63  }
0x305: {  	s0 =	sld [smem:$0x7FB]  }
0x306: {  	[tilespmem:s18], [sflag:$0x1] =	stream.indirect.gather [hbm4b:s3+s6], $0x10, s1, s6, $0xb8;
	[tilespmem:$0x8200] =	vst v63  }
0x307: {  	_ = 	snop  }
0x308: {  	[tilespmem:s19], [sflag:$0x1] =	stream.indirect.gather [hbm4b:s3+s6], $0x10, s0, s6, $0xb8;
	[tilespmem:$0x8200] =	vst v63  }
0x309: {  	_ =	swait.ge [sflag:s7], $0x800  }
0x30a: {  	[sflag:s7] =	ssyncset.done $0x0  }
0x30b: {  	[sflag:s7] =	ssyncadd.s32 $0xFFFFF800  }
0x30c: {  	_ =	swait.ge [sflag:s7], $0x800  }
0x30d: {  	[sflag:s7] =	ssyncset.done $0x0  }
0x30e: {  	[sflag:s7] =	ssyncadd.s32 $0xFFFFF800  }
0x30f: {  	_ =	swait.ge [sflag:s7], $0x800  }
0x310: {  	[sflag:s7] =	ssyncset.done $0x0  }
0x311: {  	[sflag:s7] =	ssyncadd.s32 $0xFFFFF800  }
0x312: {  	_ =	swait.ge [sflag:s7], $0x800  }
0x313: {  	[sflag:s7] =	ssyncset.done $0x0  }
0x314: {  	[sflag:s7] =	ssyncadd.s32 $0xFFFFF800  }
0x315: {  	_ =	swait.ge [sflag:s7], $0x800  }
0x316: {  	[sflag:s7] =	ssyncset.done $0x0  }
0x317: {  	[sflag:s7] =	ssyncadd.s32 $0xFFFFF800  }
0x318: {  	_ =	swait.ge [sflag:s7], $0x800  }
0x319: {  	[sflag:s7] =	ssyncset.done $0x0  }
0x31a: {  	[sflag:s7] =	ssyncadd.s32 $0xFFFFF800  }
0x31b: {  	_ =	swait.ge [sflag:s7], $0x800  }
0x31c: {  	[sflag:s7] =	ssyncset.done $0x0  }
0x31d: {  	[sflag:s7] =	ssyncadd.s32 $0xFFFFF800  }
0x31e: {  	_ =	swait.ge [sflag:s7], $0x800  }
0x31f: {  	[sflag:s7] =	ssyncset.done $0x0  }
0x320: {  	[sflag:s7] =	ssyncadd.s32 $0xFFFFF800  }
0x321: {  	_ =	swait.ge [sflag:s7], $0x800  }
0x322: {  	[sflag:s7] =	ssyncset.done $0x0  }
0x323: {  	[sflag:s7] =	ssyncadd.s32 $0xFFFFF800  }
0x324: {  	_ =	swait.ge [sflag:s7], $0x800  }
0x325: {  	[sflag:s7] =	ssyncset.done $0x0  }
0x326: {  	[sflag:s7] =	ssyncadd.s32 $0xFFFFF800  }
0x327: {  	_ =	swait.ge [sflag:s7], $0x800  }
0x328: {  	[sflag:s7] =	ssyncset.done $0x0  }
0x329: {  	[sflag:s7] =	ssyncadd.s32 $0xFFFFF800  }
0x32a: {  	_ =	swait.ge [sflag:s7], $0x800  }
0x32b: {  	[sflag:s7] =	ssyncset.done $0x0  }
0x32c: {  	[sflag:s7] =	ssyncadd.s32 $0xFFFFF800  }
0x32d: {  	_ =	swait.ge [sflag:s7], $0x800  }
0x32e: {  	[sflag:s7] =	ssyncset.done $0x0  }
0x32f: {  	s1 =	rddreg [dreg:$0x6];
	[sflag:s7] =	ssyncadd.s32 $0xFFFFF800  }
0x330: {  	[hbm4b:s1+s2] =	stream.linear.scatter [tilespmem:s5], [sflag:$0x2], $0x6800, $0x38;
	[tilespmem:$0x8200] =	vst v63  }
0x331: {  	_ =	swait.ge [sflag:s4], $0x6800  }
0x332: {  	s0 =	sld [smem:$0x7FC]  }
0x333: {  	[sflag:s4] =	ssyncset.done $0x0  }
0x334: {  	s1 =	sld [smem:$0x7FD];
	[sflag:s4] =	ssyncadd.s32 $0xFFFF9800  }
0x335: {  	[tilespmem:s5], [sflag:$0x1] =	stream.indirect.gather [hbm4b:s3+s6], $0x10, s0, s6, $0xb8;
	[tilespmem:$0x8200] =	vst v63  }
0x336: {  	_ = 	snop  }
0x337: {  	[tilespmem:s8], [sflag:$0x1] =	stream.indirect.gather [hbm4b:s3+s6], $0x10, s1, s6, $0xb8;
	[tilespmem:$0x8200] =	vst v63  }
0x338: {  	_ = 	snop  }
0x339: {  	[tilespmem:s9], [sflag:$0x1] =	stream.indirect.gather [hbm4b:s3+s6], $0x10, s21, s6, $0xb8;
	[tilespmem:$0x8200] =	vst v63  }
0x33a: {  	_ = 	snop  }
0x33b: {  	[tilespmem:s10], [sflag:$0x1] =	stream.indirect.gather [hbm4b:s3+s6], $0x10, s22, s6, $0xb8;
	[tilespmem:$0x8200] =	vst v63  }
0x33c: {  	_ = 	snop  }
0x33d: {  	[tilespmem:s11], [sflag:$0x1] =	stream.indirect.gather [hbm4b:s3+s6], $0x10, s23, s6, $0xb8;
	[tilespmem:$0x8200] =	vst v63  }
0x33e: {  	_ = 	snop  }
0x33f: {  	[tilespmem:s12], [sflag:$0x1] =	stream.indirect.gather [hbm4b:s3+s6], $0x10, s24, s6, $0xb8;
	[tilespmem:$0x8200] =	vst v63  }
0x340: {  	_ = 	snop  }
0x341: {  	[tilespmem:s13], [sflag:$0x1] =	stream.indirect.gather [hbm4b:s3+s6], $0x10, s25, s6, $0xb8;
	[tilespmem:$0x8200] =	vst v63  }
0x342: {  	_ = 	snop  }
0x343: {  	[tilespmem:s14], [sflag:$0x1] =	stream.indirect.gather [hbm4b:s3+s6], $0x10, s26, s6, $0xb8;
	[tilespmem:$0x8200] =	vst v63  }
0x344: {  	_ = 	snop  }
0x345: {  	[tilespmem:s15], [sflag:$0x1] =	stream.indirect.gather [hbm4b:s3+s6], $0x10, s28, s6, $0xb8;
	[tilespmem:$0x8200] =	vst v63  }
0x346: {  	_ = 	snop  }
0x347: {  	[tilespmem:s16], [sflag:$0x1] =	stream.indirect.gather [hbm4b:s3+s6], $0x10, s29, s6, $0xb8;
	[tilespmem:$0x8200] =	vst v63  }
0x348: {  	_ = 	snop  }
0x349: {  	[tilespmem:s17], [sflag:$0x1] =	stream.indirect.gather [hbm4b:s3+s6], $0x10, s30, s6, $0xb8;
	[tilespmem:$0x8200] =	vst v63  }
0x34a: {  	_ = 	snop  }
0x34b: {  	[tilespmem:s18], [sflag:$0x1] =	stream.indirect.gather [hbm4b:s3+s6], $0x10, s31, s6, $0xb8;
	[tilespmem:$0x8200] =	vst v63  }
0x34c: {  	s30 =	simm.s32 $0x1980  }
0x34d: {  	[tilespmem:s19], [sflag:$0x1] =	stream.indirect.gather [hbm4b:s3+s6], $0x10, s30, s6, $0xb8;
	[tilespmem:$0x8200] =	vst v63  }
0x34e: {  	_ =	swait.ge [sflag:s7], $0x800  }
0x34f: {  	[sflag:s7] =	ssyncset.done $0x0  }
0x350: {  	[sflag:s7] =	ssyncadd.s32 $0xFFFFF800  }
0x351: {  	_ =	swait.ge [sflag:s7], $0x800  }
0x352: {  	[sflag:s7] =	ssyncset.done $0x0  }
0x353: {  	[sflag:s7] =	ssyncadd.s32 $0xFFFFF800  }
0x354: {  	_ =	swait.ge [sflag:s7], $0x800  }
0x355: {  	[sflag:s7] =	ssyncset.done $0x0  }
0x356: {  	[sflag:s7] =	ssyncadd.s32 $0xFFFFF800  }
0x357: {  	_ =	swait.ge [sflag:s7], $0x800  }
0x358: {  	[sflag:s7] =	ssyncset.done $0x0  }
0x359: {  	[sflag:s7] =	ssyncadd.s32 $0xFFFFF800  }
0x35a: {  	_ =	swait.ge [sflag:s7], $0x800  }
0x35b: {  	[sflag:s7] =	ssyncset.done $0x0  }
0x35c: {  	[sflag:s7] =	ssyncadd.s32 $0xFFFFF800  }
0x35d: {  	_ =	swait.ge [sflag:s7], $0x800  }
0x35e: {  	[sflag:s7] =	ssyncset.done $0x0  }
0x35f: {  	[sflag:s7] =	ssyncadd.s32 $0xFFFFF800  }
0x360: {  	_ =	swait.ge [sflag:s7], $0x800  }
0x361: {  	[sflag:s7] =	ssyncset.done $0x0  }
0x362: {  	[sflag:s7] =	ssyncadd.s32 $0xFFFFF800  }
0x363: {  	_ =	swait.ge [sflag:s7], $0x800  }
0x364: {  	[sflag:s7] =	ssyncset.done $0x0  }
0x365: {  	[sflag:s7] =	ssyncadd.s32 $0xFFFFF800  }
0x366: {  	_ =	swait.ge [sflag:s7], $0x800  }
0x367: {  	[sflag:s7] =	ssyncset.done $0x0  }
0x368: {  	[sflag:s7] =	ssyncadd.s32 $0xFFFFF800  }
0x369: {  	_ =	swait.ge [sflag:s7], $0x800  }
0x36a: {  	[sflag:s7] =	ssyncset.done $0x0  }
0x36b: {  	[sflag:s7] =	ssyncadd.s32 $0xFFFFF800  }
0x36c: {  	_ =	swait.ge [sflag:s7], $0x800  }
0x36d: {  	[sflag:s7] =	ssyncset.done $0x0  }
0x36e: {  	[sflag:s7] =	ssyncadd.s32 $0xFFFFF800  }
0x36f: {  	_ =	swait.ge [sflag:s7], $0x800  }
0x370: {  	[sflag:s7] =	ssyncset.done $0x0  }
0x371: {  	[sflag:s7] =	ssyncadd.s32 $0xFFFFF800  }
0x372: {  	_ =	swait.ge [sflag:s7], $0x800  }
0x373: {  	[sflag:s7] =	ssyncset.done $0x0  }
0x374: {  	s31 =	rddreg [dreg:$0x7];
	[sflag:s7] =	ssyncadd.s32 $0xFFFFF800  }
0x375: {  	[hbm4b:s31+s2] =	stream.linear.scatter [tilespmem:s5], [sflag:$0x2], $0x6800, $0x38;
	[tilespmem:$0x8200] =	vst v63  }
0x376: {  	_ =	swait.ge [sflag:s4], $0x6800  }
0x377: {  	[sflag:s4] =	ssyncset.done $0x0  }
0x378: {  	[sflag:s4] =	ssyncadd.s32 $0xFFFF9800  }
0x379: {  	_ =	sfence.sel $0x180000  }
0x37a: {  	[bflag:$0x0] =	sbarrier.arrive $0xFFFF  }
0x37b: {  	_ =	strace $0x90000047  }
0x37c: {  	[bflag:$0x2] =	sbarrier.arrive $0xFFFF  }
0x37d: {  	p0 =	sne.s32 s20, $0x0;
	s0 =	rddreg [dreg:$0x2]  }
0x37e: {  	s0 =	sadd.s32 @!p0 $0x100000, s0  }
0x37f: {  	[sflag:s0] =	ssyncadd.tile.s32 @!p0 $0x1;
	_ =	shalt  }
.LBB2_1:
.Ltmp3:
0x380: {  	(pc) =	sbr.rel .LBB2_6-.Ltmp3, $4  }
0x381: {  	s31 =	simm.s32 $0x1900  }
0x382: {  	s30 =	simm.s32 $0x1880;
	s29 =	simm.s32 $0x1800;
	s28 =	simm.s32 $0x1780  }
0x383: {  	s26 =	simm.s32 $0x1700;
	s25 =	simm.s32 $0x1680;
	s24 =	simm.s32 $0x1600  }
0x384: {  	s23 =	simm.s32 $0x1580;
	s22 =	simm.s32 $0x1500;
	s21 =	simm.s32 $0x1480  }
.LBB2_3:
.Ltmp4:
0x385: {  	(pc) =	sbr.rel .LBB2_6-.Ltmp4, $4  }
0x386: {  	s31 =	simm.s32 $0x1900;
	s30 =	simm.s32 $0x1880  }
0x387: {  	s29 =	simm.s32 $0x1800;
	s28 =	simm.s32 $0x1780;
	s26 =	simm.s32 $0x1700  }
0x388: {  	s25 =	simm.s32 $0x1680;
	s24 =	simm.s32 $0x1600;
	s23 =	simm.s32 $0x1580  }
0x389: {  	s22 =	simm.s32 $0x1500;
	s21 =	simm.s32 $0x1480;
	s20 =	stileid.u32  }
.Lfunc_end2:
_tile_overlayer_lowered:
.L_overlay_start_2:
0x38a: {  	(tag) =	ssettag $0x2  }
0x38b: {  	s0 =	rddreg [dreg:$0x0];
	s2 =	stileid.u32  }
0x38c: {  	s1 =	rddreg [dreg:$0x1];
	p0 =	sne.s32 s2, $0x0  }
0x38d: {  	s3 =	rddreg [dreg:$0x2];
	[bflag:$0x3] =	sbarrier.arrive $0xFFFF;
	s2 =	simm.s32 @!p0 $0x1C02  }
0x38e: {  	[timem:s3], [sflag:s2] =	dma.local @!p0 [hbm:s0], s1  }
0x38f: {  	s0 =	simm.s32 @!p0 $0x2  }
0x390: {  	_ =	swait.ge @!p0 [sflag:s0], s1  }
0x391: {  	s1 =	ssub.s32 @!p0 $0x0, s1;
	[sflag:s0] =	ssyncset.done @!p0 $0x0  }
0x392: {  	[sflag:s0] =	ssyncadd.s32 @!p0 s1  }
0x393: {  	[bflag:$0x3] =	sbarrier.arrive $0xFFFF  }
0x394: {  	_ =	shalt  }

// kernel: kernel.9.cloned.1.call-start
scs
__scs_entry_jumppad:
0x0: {  	(pc) =	sbr.rel $0x88, $3  }
0x1: {  	(tag) =	ssettag $0x0;
	lr =	simm.s32 $0x1  }
0x2: {  	[smem:$0x3F9F] =	sst lr;
	_ =	strace $0xD0000000  }
0x3: {  	_ = 	snop  }
0x4: {  	_ = 	snop  }
0x5: {  	_ = 	snop  }
0x6: {  	_ = 	snop  }
0x7: {  	_ = 	snop  }
__scs_overlays_trampoline_lowered:
0x8: {  	[smem:$0x3FAE] =	sst s0  }
0x9: {  	[smem:$0x3FAF] =	sst s1  }
0xa: {  	[smem:$0x3FB0] =	sst s2  }
0xb: {  	[smem:$0x3FB1] =	sst s3  }
0xc: {  	[smem:$0x3FB2] =	sst s4  }
0xd: {  	[smem:$0x3FB3] =	sst s5  }
0xe: {  	[smem:$0x3FB4] =	sst s6  }
0xf: {  	[smem:$0x3FB5] =	sst s7  }
0x10: {  	[smem:$0x3FB6] =	sst s8  }
0x11: {  	[smem:$0x3FB7] =	sst s9;
	s0 =	simm.s32 @!p0 $0x0  }
0x12: {  	s1 =	sld [smem:$0x3F9D];
	s0 =	simm.s32 @p0 $0x1  }
0x13: {  	[smem:$0x3FB8] =	sst s0;
	s0 =	simm.s32 @!p1 $0x0  }
0x14: {  	s2 =	sld [smem:$0x3F9C];
	s0 =	simm.s32 @p1 $0x1  }
0x15: {  	[smem:$0x3FB9] =	sst s0;
	s0 =	simm.s32 @!p2 $0x0  }
0x16: {  	s3 =	sld [smem:$0x3FDB];
	s0 =	simm.s32 @p2 $0x1  }
0x17: {  	s4 =	simm.s32 $0x1BF5;
	[smem:$0x3FBB] =	sst s0  }
0x18: {  	s0 =	sld [smem:$0x3F9E];
	_ =	swait.ge [sflag:s4], $0x0  }
0x19: {  	s7 =	sld [smem:$0x3F9F]  }
0x1a: {  	s8 =	sadd.s32 $0xFFFFE003, lr  }
0x1b: {  	s9 =	sadd.s32 $0xFFFFFEF7, lr;
	s5 =	simm.s32 $0xFFFFFFFF;
	p2 =	slt.u32 s8, $0xFFFFF086  }
0x1c: {  	p1 =	slt.u32 s9, $0xF7A;
	s5 =	simm.s32 @!p2 $0x0  }
0x1d: {  	s5 =	simm.s32 @p1 $0x1;
	p0 =	seq.s32 s7, s2  }
0x1e: {  	s7 =	smul.u32 @!p0 $0xF7A, s2;
	p2 =	seq.s32 @!p0 s5, $0x0  }
0x1f: {  	s9 =	smul.u32 $0xF7A, s1;
	s8 =	simm.s32 @!p0 $0x1BF5;
	p2 =	por !p2, p0  }
0x20: {  	[sflag:s8] =	ssyncset.s32 @!p0 $0xFFFFF086;
	s6 =	sadd.s32 @!p0 s3, s7;
	s7 =	simm.s32 @!p0 $0x108  }
0x21: {  	s3 =	sadd.s32 s3, s9;
	s6 =	sadd.s32 @!p0 $0x88, s6;
	s7 =	simm.s32 @p2 $0x1082  }
0x22: {  	[simem:s7], [sflag:s8] =	dma.local @!p0 [hbm:s6], $0xF7A  }
0x23: {  	s9 =	sor.u32 $0xD0000000, s2;
	s6 =	simm.s32 $0x108;
	_ =	swait.ge @!p0 [sflag:s8], $0x0  }
0x24: {  	s3 =	sadd.s32 $0x88, s3;
	s6 =	simm.s32 @!p1 $0x1082;
	[sflag:s4] =	ssyncset.s32 $0xFFFFF086  }
0x25: {  	[simem:s6], [sflag:s4] =	dma.local [hbm:s3], $0xF7A  }
0x26: {  	[smem:$0x3F9F] =	sst s1;
	(tag) =	ssettag s2;
	_ =	strace s9  }
0x27: {  	s1 =	sld [smem:$0x3FAF]  }
0x28: {  	s2 =	sld [smem:$0x3FB0]  }
0x29: {  	s4 =	sld [smem:$0x3FB2]  }
0x2a: {  	p0 =	seq.s32 s5, $0x0;
	s5 =	sld [smem:$0x3FB3]  }
0x2b: {  	s6 =	sld [smem:$0x3FB4]  }
0x2c: {  	s7 =	sld [smem:$0x3FB5]  }
0x2d: {  	s3 =	simm.s32 $0x108;
	s8 =	sld [smem:$0x3FB6]  }
0x2e: {  	s3 =	simm.s32 @!p0 $0x1082;
	s9 =	sld [smem:$0x3FB7]  }
0x2f: {  	lr =	sadd.s32 s0, s3;
	s0 =	sld [smem:$0x3FAE]  }
0x30: {  	s3 =	sld [smem:$0x3FB1]  }
0x31: {  	[smem:$0x3FBA] =	sst s10  }
0x32: {  	s10 =	sld [smem:$0x3FB8];
	_ =	sdelay $0x3  }
0x33: {  	p0 =	seq.s32 s10, $0x1;
	s10 =	sld [smem:$0x3FBA];
	_ =	sdelay $0x3  }
0x34: {  	[smem:$0x3FBA] =	sst s10  }
0x35: {  	s10 =	sld [smem:$0x3FB9];
	_ =	sdelay $0x3  }
0x36: {  	p1 =	seq.s32 s10, $0x1;
	s10 =	sld [smem:$0x3FBA];
	_ =	sdelay $0x3  }
0x37: {  	[smem:$0x3FBA] =	sst s10  }
0x38: {  	s10 =	sld [smem:$0x3FBB]  }
0x39: {  	_ = 	snop;
	(pc) =	sbr.ind lr, $3  }
0x3a: {  	_ = 	snop  }
0x3b: {  	_ = 	snop  }
0x3c: {  	p2 =	seq.s32 s10, $0x1;
	s10 =	sld [smem:$0x3FBA]  }
0x3d: {  	_ =	shalt  }
0x3e: {  	_ =	shalt  }
0x3f: {  	_ =	shalt  }
0x40: {  	_ =	shalt  }
0x41: {  	_ =	shalt  }
0x42: {  	_ =	shalt  }
0x43: {  	_ =	shalt  }
0x44: {  	_ =	shalt  }
0x45: {  	_ =	shalt  }
0x46: {  	_ =	shalt  }
0x47: {  	_ =	shalt  }
0x48: {  	_ =	shalt  }
0x49: {  	_ =	shalt  }
0x4a: {  	_ =	shalt  }
0x4b: {  	_ =	shalt  }
0x4c: {  	_ =	shalt  }
0x4d: {  	_ =	shalt  }
0x4e: {  	_ =	shalt  }
0x4f: {  	_ =	shalt  }
0x50: {  	_ =	shalt  }
0x51: {  	_ =	shalt  }
0x52: {  	_ =	shalt  }
0x53: {  	_ =	shalt  }
0x54: {  	_ =	shalt  }
0x55: {  	_ =	shalt  }
0x56: {  	_ =	shalt  }
0x57: {  	_ =	shalt  }
0x58: {  	_ =	shalt  }
0x59: {  	_ =	shalt  }
0x5a: {  	_ =	shalt  }
0x5b: {  	_ =	shalt  }
0x5c: {  	_ =	shalt  }
0x5d: {  	_ =	shalt  }
0x5e: {  	_ =	shalt  }
0x5f: {  	_ =	shalt  }
0x60: {  	_ =	shalt  }
0x61: {  	_ =	shalt  }
0x62: {  	_ =	shalt  }
0x63: {  	_ =	shalt  }
0x64: {  	_ =	shalt  }
0x65: {  	_ =	shalt  }
0x66: {  	_ =	shalt  }
0x67: {  	_ =	shalt  }
0x68: {  	_ =	shalt  }
0x69: {  	_ =	shalt  }
0x6a: {  	_ =	shalt  }
0x6b: {  	_ =	shalt  }
0x6c: {  	_ =	shalt  }
0x6d: {  	_ =	shalt  }
0x6e: {  	_ =	shalt  }
0x6f: {  	_ =	shalt  }
0x70: {  	_ =	shalt  }
0x71: {  	_ =	shalt  }
0x72: {  	_ =	shalt  }
0x73: {  	_ =	shalt  }
0x74: {  	_ =	shalt  }
0x75: {  	_ =	shalt  }
0x76: {  	_ =	shalt  }
0x77: {  	_ =	shalt  }
0x78: {  	_ =	shalt  }
0x79: {  	_ =	shalt  }
0x7a: {  	_ =	shalt  }
0x7b: {  	_ =	shalt  }
0x7c: {  	_ =	shalt  }
0x7d: {  	_ =	shalt  }
0x7e: {  	_ =	shalt  }
0x7f: {  	_ =	shalt  }
0x80: {  	_ =	shalt  }
0x81: {  	_ =	shalt  }
0x82: {  	_ =	shalt  }
0x83: {  	_ =	shalt  }
0x84: {  	_ =	shalt  }
0x85: {  	_ =	shalt  }
0x86: {  	_ =	shalt  }
0x87: {  	_ =	shalt  }
.Lfunc_end0:
.L_simem_size_0:
called_computation.2_lowered:
.L_overlay_start_0:
0x88: {  	s2 =	sld [smem:$0x3FD9]  }
0x89: {  	s3 =	sld [smem:$0x3FFE];
	_ =	sdelay $0x1  }
0x8a: {  	s1 =	srdreg.scid  }
0x8b: {  	s0 =	sand.u32 $0x1, s1  }
0x8c: {  	s17 =	sshll.u32 s0, $0xA;
	s2 =	sadd.s32 s3, s2  }
0x8d: {  	s2 =	sadd.s32 s2, s17  }
0x8e: {  	[smem:$0x3FC6] =	sst s2  }
0x8f: {  	_ = 	snop  }
0x90: {  	s18 =	sld [smem:$0x3FD0];
	(tm) =	ssettm $0x1  }
0x91: {  	s19 =	sld [smem:$0x3FFB];
	_ =	sdelay $0x3  }
0x92: {  	_ =	strace s19  }
0x93: {  	s2 =	sld [smem:$0x3FFC];
	_ =	sdelay $0x3  }
0x94: {  	_ =	strace s2  }
0x95: {  	s2 =	sld [smem:$0x3FFD];
	_ =	sdelay $0x3  }
0x96: {  	_ =	strace s2  }
0x97: {  	_ =	strace $0x8FFFFFFF  }
0x98: {  	s20 =	sld [smem:$0x3FDB];
	_ =	sdelay $0x1  }
0x99: {  	s4 =	simm.s32 $_scs_section_size  }
0x9a: {  	s5 =	simm.s32 $_size__tile_overlayer_lowered;
	s6 =	simm.s32 $_tile_overlayer_lowered  }
0x9b: {  	s7 =	simm.s32 $0x1BFF;
	s21 =	sshll.u32 s6, $0x1;
	s4 =	sadd.s32 s4, s20  }
0x9c: {  	s22 =	simm.s32 $0x0;
	s5 =	sshll.u32 s5, $0x1;
	s6 =	sadd.s32 s21, s4  }
0x9d: {  	[timem:s22], [sflag:s7] =	dma.local [hbm:s6], s5  }
0x9e: {  	_ =	swait.ge [sflag:s7], s5  }
0x9f: {  	s5 =	ssub.s32 $0x0, s5;
	[sflag:s7] =	ssyncset.done $0x0  }
0xa0: {  	[sflag:s7] =	ssyncadd.s32 s5;
	_ =	sdelay $0x1  }
0xa1: {  	s23 =	simm.s32 $0x1B8B  }
0xa2: {  	_ =	swait.ge [sflag:s23], $0x1  }
0xa3: {  	[sflag:s23] =	ssyncset.done $0x0  }
0xa4: {  	[sflag:s23] =	ssyncadd.s32 $0xFFFFFFFF  }
0xa5: {  	s5 =	sld [smem:$0x0]  }
0xa6: {  	s6 =	sand.u32 $0xFFFFFFFE, s1  }
0xa7: {  	p0 =	sne.s32 s1, s6  }
0xa8: {  	s6 =	sshll.u32 @p0 s6, $0xE  }
0xa9: {  	s6 =	sadd.s32 @p0 $0x11B8D, s6;
	s7 =	sshll.u32 @p0 s5, $0x11  }
0xaa: {  	s6 =	sor.u32 @p0 s7, s6  }
0xab: {  	[sflag:s6] =	ssyncadd.remote.s32 @p0 $0x1;
	_ =	sdelay $0x1  }
0xac: {  	s6 =	simm.s32 @p0 $0x1B8D  }
0xad: {  	_ =	swait.eq @p0 [sflag:s6], $0x1  }
0xae: {  	[sflag:s6] =	ssyncadd.s32 @p0 $0xFFFFFFFF  }
0xaf: {  	s7 =	sshll.u32 @!p0 s1, $0xE  }
0xb0: {  	s7 =	sor.u32 @!p0 $0x4000, s7;
	s6 =	simm.s32 @!p0 $0x1B8D  }
0xb1: {  	s5 =	sshll.u32 @!p0 s5, $0x11;
	s7 =	sadd.s32 @!p0 $0x11B8D, s7;
	_ =	swait.eq @!p0 [sflag:s6], $0x1  }
0xb2: {  	s5 =	sor.u32 @!p0 s5, s7;
	[sflag:s6] =	ssyncadd.s32 @!p0 $0xFFFFFFFF  }
0xb3: {  	s25 =	simm.s32 $0x1B8E;
	s24 =	sld [smem:$0x3FFE];
	[sflag:s5] =	ssyncadd.remote.s32 @!p0 $0x1  }
0xb4: {  	s26 =	simm.s32 $execute0_lowered;
	[smem:$0x3FD2] =	sst s25  }
0xb5: {  	s6 =	sshll.u32 s26, $0x1;
	_ =	strace $0x80000049;
	[dreg:$0x1] =	wrdreg $0xFFFFFFFF  }
0xb6: {  	s28 =	simm.s32 $_size_execute0_lowered;
	s4 =	sadd.s32 s4, s6;
	[dreg:$0x0] =	wrdreg $0x0  }
0xb7: {  	s6 =	sshll.u32 s28, $0x1;
	[dreg:$0x2] =	wrdreg s4  }
0xb8: {  	[dreg:$0x3] =	wrdreg s6  }
0xb9: {  	[dreg:$0x4] =	wrdreg $0xC0  }
0xba: {  	_ =	task [dreg:s22], $0x5FFFF  }
0xbb: {  	[dreg:$0x1] =	wrdreg $0xFFFFFFFF  }
0xbc: {  	[dreg:$0x0] =	wrdreg $0x60  }
0xbd: {  	[dreg:$0x2] =	wrdreg s18  }
0xbe: {  	[dreg:$0x3] =	wrdreg s24  }
0xbf: {  	[dreg:$0x4] =	wrdreg $0xA  }
0xc0: {  	_ =	task.clear_ibuf [dreg:s22], $0x5FFFF;
	_ =	strace $0x90000049  }
0xc1: {  	s29 =	simm.s32 $0xA;
	_ =	strace $0x8000004B  }
0xc2: {  	_ =	swait.ge [sflag:s29], $0x1  }
0xc3: {  	[sflag:s29] =	ssyncadd.s32 $0xFFFFFFFF  }
0xc4: {  	_ =	strace $0x9000004B  }
0xc5: {  	_ =	sfence  }
0xc6: {  	s30 =	sld [smem:$0x0];
	_ =	sdelay $0x2  }
0xc7: {  	s31 =	sshll.u32 s1, $0xD;
	s1 =	sshrl.u32 s1, $0x2  }
0xc8: {  	s4 =	sand.u32 $0x4000, s31;
	s1 =	sadd.s32 s1, s30  }
0xc9: {  	s0 =	sor.u32 s4, s0;
	s1 =	sshll.u32 s1, $0x11  }
0xca: {  	s0 =	sor.u32 s1, s0  }
0xcb: {  	s0 =	sadd.s32 $0x8F2B, s0  }
0xcc: {  	[sflag:s0] =	ssyncadd.remote.s32 $0x1  }
0xcd: {  	_ =	sfence.sel $0xFFFF  }
0xce: {  	[dreg:$0x0] =	wrdreg $0xFFFFFFFF;
	(pc) =	sbr.abs _section_cstart, $3  }
0xcf: {  	[dreg:$0x1] =	wrdreg $0xFFFFFFFF  }
0xd0: {  	_ =	task.clear_ibuf [dreg:s22], $0x2FFFF;
	_ =	strace $0x9FFFFFFF  }
0xd1: {  	(tm) =	ssettm $0x7FFFFFFF  }
tec
execute0_lowered:
.L_overlay_start_1:
0x0: {  	(tag) =	ssettag $0x1  }
0x1: {  	s0 =	srdreg.scid;
	s20 =	stileid.u32  }
0x2: {  	s3 =	rddreg [dreg:$0x0];
	s1 =	sand.u32 $0x1, s0;
	s2 =	sshll.u32 s20, $0x1  }
0x3: {  	s4 =	rddreg [dreg:$0x1];
	s0 =	sor.u32 s1, s2;
	s2 =	simm.s32 $0x0  }
0x4: {  	s8 =	simm.s32 $0x100;
	[smem:$0x7FF] =	sst s2  }
0x5: {  	s9 =	simm.s32 $0x180;
	_ =	strace $0x8000004A;
	[dreg:$0x8] =	wrdreg s8  }
0x6: {  	s10 =	simm.s32 $0x200;
	[dreg:$0x9] =	wrdreg s9  }
0x7: {  	s11 =	simm.s32 $0x280;
	[dreg:$0xa] =	wrdreg s10  }
0x8: {  	s12 =	simm.s32 $0x300;
	[dreg:$0xb] =	wrdreg s11  }
0x9: {  	s13 =	simm.s32 $0x380;
	[dreg:$0xc] =	wrdreg s12  }
0xa: {  	s14 =	simm.s32 $0x400;
	[dreg:$0xd] =	wrdreg s13  }
0xb: {  	s15 =	simm.s32 $0x480;
	[dreg:$0xe] =	wrdreg s14  }
0xc: {  	s16 =	simm.s32 $0x500;
	[dreg:$0xf] =	wrdreg s15  }
0xd: {  	s17 =	simm.s32 $0x580;
	[dreg:$0x10] =	wrdreg s16  }
0xe: {  	s18 =	simm.s32 $0x600;
	s19 =	simm.s32 $0x680;
	[dreg:$0x11] =	wrdreg s17  }
0xf: {  	s21 =	simm.s32 $0x700;
	s22 =	simm.s32 $0x780;
	[dreg:$0x12] =	wrdreg s18  }
0x10: {  	s23 =	simm.s32 $0x800;
	s24 =	simm.s32 $0x880;
	[dreg:$0x13] =	wrdreg s19  }
0x11: {  	s25 =	simm.s32 $0x900;
	s26 =	simm.s32 $0x980;
	[dreg:$0x14] =	wrdreg s21  }
0x12: {  	p0 =	por $0x0, $0x0;
	s28 =	simm.s32 $0x1780;
	[dreg:$0x15] =	wrdreg s22  }
0x13: {  	s29 =	simm.s32 $0x1800;
	s30 =	simm.s32 $0x1880;
	[dreg:$0x16] =	wrdreg s23  }
0x14: {  	s31 =	simm.s32 $0x1900;
	s5 =	smul.u32 $0x340, s0;
	[dreg:$0x17] =	wrdreg s24  }
0x15: {  	s1 =	ssub.s32 $0x2, s1;
	s6 =	smul.u32 $0x1A000, s0;
	[dreg:$0x18] =	wrdreg s25  }
0x16: {  	s0 =	smul.u32 $0x3400, s0;
	[dreg:$0x19] =	wrdreg s26;
	s9 =	simm.s32 $0xC00  }
0x17: {  	s8 =	sshrl.u32 s1, $0x1;
	s10 =	simm.s32 $0xC80;
	[dreg:$0x1e] =	wrdreg s9  }
0x18: {  	s11 =	simm.s32 $0xD00;
	s12 =	simm.s32 $0xD80;
	[dreg:$0x1f] =	wrdreg s10  }
0x19: {  	s13 =	simm.s32 $0xE00;
	s14 =	simm.s32 $0xE80;
	[smem:$0x7EF] =	sst s11  }
0x1a: {  	s15 =	simm.s32 $0xF00;
	s16 =	simm.s32 $0xF80;
	[smem:$0x7F0] =	sst s12  }
0x1b: {  	s17 =	simm.s32 $0x1000;
	s18 =	simm.s32 $0x1080;
	[smem:$0x7F1] =	sst s13  }
0x1c: {  	s19 =	simm.s32 $0x1100;
	s21 =	simm.s32 $0x1180;
	[smem:$0x7F2] =	sst s14  }
0x1d: {  	s22 =	simm.s32 $0x1200;
	s23 =	simm.s32 $0x1280;
	[smem:$0x7F3] =	sst s15  }
0x1e: {  	s24 =	simm.s32 $0x1300;
	s25 =	simm.s32 $0x1380;
	[smem:$0x7F4] =	sst s16  }
0x1f: {  	s26 =	simm.s32 $0x1400;
	s5 =	sadd.s32 s5, s4;
	[smem:$0x7F5] =	sst s17  }
0x20: {  	s4 =	sadd.s32 $0x76200, s4;
	s6 =	sshrl.u32 s6, $0x3;
	[smem:$0x7F6] =	sst s18  }
0x21: {  	s1 =	ssub.s32 s1, s8;
	s8 =	simm.s32 $0x2200;
	[smem:$0x7F7] =	sst s19  }
0x22: {  	s9 =	simm.s32 $0x2A00;
	s10 =	simm.s32 $0x3200;
	[smem:$0x7F8] =	sst s21  }
0x23: {  	s11 =	simm.s32 $0x3A00;
	s12 =	simm.s32 $0x4200;
	[smem:$0x7F9] =	sst s22  }
0x24: {  	s13 =	simm.s32 $0x4A00;
	s14 =	simm.s32 $0x5200;
	[smem:$0x7FA] =	sst s23  }
0x25: {  	s15 =	simm.s32 $0x5A00;
	s16 =	simm.s32 $0x6200;
	[smem:$0x7FB] =	sst s24  }
0x26: {  	s17 =	simm.s32 $0x6A00;
	s18 =	simm.s32 $0x7200;
	[smem:$0x7FC] =	sst s25  }
0x27: {  	s19 =	simm.s32 $0x7A00;
	[smem:$0x7FD] =	sst s26;
	s5 =	sadd.s32 $0x6FA00, s5  }
0x28: {  	s0 =	sadd.s32 s4, s0;
	s4 =	sadd.s32 s4, s6;
	[dreg:$0x3] =	wrdreg s5  }
0x29: {  	s22 =	simm.s32 $0x1500;
	[dreg:$0x4] =	wrdreg s0;
	s5 =	sadd.s32 $0xD00, s4  }
0x2a: {  	s23 =	simm.s32 $0x1580;
	s6 =	sadd.s32 $0x1A00, s4;
	[dreg:$0x5] =	wrdreg s5  }
0x2b: {  	s24 =	simm.s32 $0x1600;
	s7 =	sadd.s32 $0x2700, s4;
	[dreg:$0x6] =	wrdreg s6  }
0x2c: {  	s1 =	smax.u32 s1, $0x1;
	s4 =	simm.s32 $0xA00;
	[dreg:$0x7] =	wrdreg s7  }
0x2d: {  	s25 =	simm.s32 $0x1680;
	p1 =	sne.s32 s1, $0x1;
	[dreg:$0x1a] =	wrdreg s4  }
.Ltmp0:
0x2e: {  	s5 =	simm.s32 $0xA80;
	s0 =	rddreg [dreg:$0x3];
	(pc) =	sbr.rel @!p1 .LBB2_1-.Ltmp0, $4  }
0x2f: {  	s26 =	simm.s32 $0x1700;
	s6 =	simm.s32 $0xB00;
	[dreg:$0x1b] =	wrdreg s5  }
0x30: {  	s21 =	simm.s32 $0x1980;
	s7 =	simm.s32 $0xB80;
	[dreg:$0x1c] =	wrdreg s6  }
0x31: {  	s1 =	sadd.s32 $0xFFFFFFFF, s1;
	s4 =	simm.s32 $0x2;
	[dreg:$0x1d] =	wrdreg s7  }
0x32: {  	s6 =	simm.s32 $0x80;
	s5 =	simm.s32 $0x1A00;
	s7 =	simm.s32 $0x1  }
0x33: {  	[tilespmem:s2], [sflag:$0x2] =	stream.linear.gather [hbm4b:s0+s2], $0x1A00, $0x38;
	[tilespmem:$0x8200] =	vst v63  }
0x34: {  	_ =	swait.ge [sflag:s4], $0x1A00  }
0x35: {  	[sflag:s4] =	ssyncset.done $0x0  }
0x36: {  	[sflag:s4] =	ssyncadd.s32 $0xFFFFE600  }
0x37: {  	[tilespmem:s5], [sflag:$0x1] =	stream.indirect.gather [hbm4b:s3+s6], $0x10, s2, s6, $0xb8;
	[tilespmem:$0x8200] =	vst v63  }
0x38: {  	_ = 	snop  }
0x39: {  	[tilespmem:s8], [sflag:$0x1] =	stream.indirect.gather [hbm4b:s3+s6], $0x10, s6, s6, $0xb8;
	[tilespmem:$0x8200] =	vst v63  }
0x3a: {  	s0 =	rddreg [dreg:$0x8]  }
0x3b: {  	[tilespmem:s9], [sflag:$0x1] =	stream.indirect.gather [hbm4b:s3+s6], $0x10, s0, s6, $0xb8;
	[tilespmem:$0x8200] =	vst v63  }
0x3c: {  	s20 =	smov.u32 s1;
	s1 =	rddreg [dreg:$0x9]  }
0x3d: {  	[tilespmem:s10], [sflag:$0x1] =	stream.indirect.gather [hbm4b:s3+s6], $0x10, s1, s6, $0xb8;
	[tilespmem:$0x8200] =	vst v63  }
0x3e: {  	s0 =	rddreg [dreg:$0xa]  }
0x3f: {  	[tilespmem:s11], [sflag:$0x1] =	stream.indirect.gather [hbm4b:s3+s6], $0x10, s0, s6, $0xb8;
	[tilespmem:$0x8200] =	vst v63  }
0x40: {  	s1 =	rddreg [dreg:$0xb]  }
0x41: {  	[tilespmem:s12], [sflag:$0x1] =	stream.indirect.gather [hbm4b:s3+s6], $0x10, s1, s6, $0xb8;
	[tilespmem:$0x8200] =	vst v63  }
0x42: {  	s0 =	rddreg [dreg:$0xc]  }
0x43: {  	[tilespmem:s13], [sflag:$0x1] =	stream.indirect.gather [hbm4b:s3+s6], $0x10, s0, s6, $0xb8;
	[tilespmem:$0x8200] =	vst v63  }
0x44: {  	s1 =	rddreg [dreg:$0xd]  }
0x45: {  	[tilespmem:s14], [sflag:$0x1] =	stream.indirect.gather [hbm4b:s3+s6], $0x10, s1, s6, $0xb8;
	[tilespmem:$0x8200] =	vst v63  }
0x46: {  	s0 =	rddreg [dreg:$0xe]  }
0x47: {  	[tilespmem:s15], [sflag:$0x1] =	stream.indirect.gather [hbm4b:s3+s6], $0x10, s0, s6, $0xb8;
	[tilespmem:$0x8200] =	vst v63  }
0x48: {  	s1 =	rddreg [dreg:$0xf]  }
0x49: {  	[tilespmem:s16], [sflag:$0x1] =	stream.indirect.gather [hbm4b:s3+s6], $0x10, s1, s6, $0xb8;
	[tilespmem:$0x8200] =	vst v63  }
0x4a: {  	s0 =	rddreg [dreg:$0x10]  }
0x4b: {  	[tilespmem:s17], [sflag:$0x1] =	stream.indirect.gather [hbm4b:s3+s6], $0x10, s0, s6, $0xb8;
	[tilespmem:$0x8200] =	vst v63  }
0x4c: {  	s1 =	rddreg [dreg:$0x11]  }
0x4d: {  	[tilespmem:s18], [sflag:$0x1] =	stream.indirect.gather [hbm4b:s3+s6], $0x10, s1, s6, $0xb8;
	[tilespmem:$0x8200] =	vst v63  }
0x4e: {  	s0 =	rddreg [dreg:$0x12]  }
0x4f: {  	[tilespmem:s19], [sflag:$0x1] =	stream.indirect.gather [hbm4b:s3+s6], $0x10, s0, s6, $0xb8;
	[tilespmem:$0x8200] =	vst v63  }
0x50: {  	_ =	swait.ge [sflag:s7], $0x800  }
0x51: {  	[sflag:s7] =	ssyncset.done $0x0  }
0x52: {  	[sflag:s7] =	ssyncadd.s32 $0xFFFFF800  }
0x53: {  	_ =	swait.ge [sflag:s7], $0x800  }
0x54: {  	[sflag:s7] =	ssyncset.done $0x0  }
0x55: {  	[sflag:s7] =	ssyncadd.s32 $0xFFFFF800  }
0x56: {  	_ =	swait.ge [sflag:s7], $0x800  }
0x57: {  	[sflag:s7] =	ssyncset.done $0x0  }
0x58: {  	[sflag:s7] =	ssyncadd.s32 $0xFFFFF800  }
0x59: {  	_ =	swait.ge [sflag:s7], $0x800  }
0x5a: {  	[sflag:s7] =	ssyncset.done $0x0  }
0x5b: {  	[sflag:s7] =	ssyncadd.s32 $0xFFFFF800  }
0x5c: {  	_ =	swait.ge [sflag:s7], $0x800  }
0x5d: {  	[sflag:s7] =	ssyncset.done $0x0  }
0x5e: {  	[sflag:s7] =	ssyncadd.s32 $0xFFFFF800  }
0x5f: {  	_ =	swait.ge [sflag:s7], $0x800  }
0x60: {  	[sflag:s7] =	ssyncset.done $0x0  }
0x61: {  	[sflag:s7] =	ssyncadd.s32 $0xFFFFF800  }
0x62: {  	_ =	swait.ge [sflag:s7], $0x800  }
0x63: {  	[sflag:s7] =	ssyncset.done $0x0  }
0x64: {  	[sflag:s7] =	ssyncadd.s32 $0xFFFFF800  }
0x65: {  	_ =	swait.ge [sflag:s7], $0x800  }
0x66: {  	[sflag:s7] =	ssyncset.done $0x0  }
0x67: {  	[sflag:s7] =	ssyncadd.s32 $0xFFFFF800  }
0x68: {  	_ =	swait.ge [sflag:s7], $0x800  }
0x69: {  	[sflag:s7] =	ssyncset.done $0x0  }
0x6a: {  	[sflag:s7] =	ssyncadd.s32 $0xFFFFF800  }
0x6b: {  	_ =	swait.ge [sflag:s7], $0x800  }
0x6c: {  	[sflag:s7] =	ssyncset.done $0x0  }
0x6d: {  	[sflag:s7] =	ssyncadd.s32 $0xFFFFF800  }
0x6e: {  	_ =	swait.ge [sflag:s7], $0x800  }
0x6f: {  	[sflag:s7] =	ssyncset.done $0x0  }
0x70: {  	[sflag:s7] =	ssyncadd.s32 $0xFFFFF800  }
0x71: {  	_ =	swait.ge [sflag:s7], $0x800  }
0x72: {  	[sflag:s7] =	ssyncset.done $0x0  }
0x73: {  	[sflag:s7] =	ssyncadd.s32 $0xFFFFF800  }
0x74: {  	_ =	swait.ge [sflag:s7], $0x800  }
0x75: {  	[sflag:s7] =	ssyncset.done $0x0  }
0x76: {  	s1 =	rddreg [dreg:$0x4];
	[sflag:s7] =	ssyncadd.s32 $0xFFFFF800  }
0x77: {  	[hbm4b:s1+s2] =	stream.linear.scatter [tilespmem:s5], [sflag:$0x2], $0x6800, $0x38;
	[tilespmem:$0x8200] =	vst v63  }
0x78: {  	_ =	swait.ge [sflag:s4], $0x6800  }
0x79: {  	[sflag:s4] =	ssyncset.done $0x0  }
0x7a: {  	s0 =	rddreg [dreg:$0x13];
	[sflag:s4] =	ssyncadd.s32 $0xFFFF9800  }
0x7b: {  	[tilespmem:s5], [sflag:$0x1] =	stream.indirect.gather [hbm4b:s3+s6], $0x10, s0, s6, $0xb8;
	[tilespmem:$0x8200] =	vst v63  }
0x7c: {  	s1 =	rddreg [dreg:$0x14]  }
0x7d: {  	[tilespmem:s8], [sflag:$0x1] =	stream.indirect.gather [hbm4b:s3+s6], $0x10, s1, s6, $0xb8;
	[tilespmem:$0x8200] =	vst v63  }
0x7e: {  	s0 =	rddreg [dreg:$0x15]  }
0x7f: {  	[tilespmem:s9], [sflag:$0x1] =	stream.indirect.gather [hbm4b:s3+s6], $0x10, s0, s6, $0xb8;
	[tilespmem:$0x8200] =	vst v63  }
0x80: {  	s1 =	rddreg [dreg:$0x16]  }
0x81: {  	[tilespmem:s10], [sflag:$0x1] =	stream.indirect.gather [hbm4b:s3+s6], $0x10, s1, s6, $0xb8;
	[tilespmem:$0x8200] =	vst v63  }
0x82: {  	s0 =	rddreg [dreg:$0x17]  }
0x83: {  	[tilespmem:s11], [sflag:$0x1] =	stream.indirect.gather [hbm4b:s3+s6], $0x10, s0, s6, $0xb8;
	[tilespmem:$0x8200] =	vst v63  }
0x84: {  	s1 =	rddreg [dreg:$0x18]  }
0x85: {  	[tilespmem:s12], [sflag:$0x1] =	stream.indirect.gather [hbm4b:s3+s6], $0x10, s1, s6, $0xb8;
	[tilespmem:$0x8200] =	vst v63  }
0x86: {  	s0 =	rddreg [dreg:$0x19]  }
0x87: {  	[tilespmem:s13], [sflag:$0x1] =	stream.indirect.gather [hbm4b:s3+s6], $0x10, s0, s6, $0xb8;
	[tilespmem:$0x8200] =	vst v63  }
0x88: {  	s1 =	rddreg [dreg:$0x1a]  }
0x89: {  	[tilespmem:s14], [sflag:$0x1] =	stream.indirect.gather [hbm4b:s3+s6], $0x10, s1, s6, $0xb8;
	[tilespmem:$0x8200] =	vst v63  }
0x8a: {  	s0 =	rddreg [dreg:$0x1b]  }
0x8b: {  	[tilespmem:s15], [sflag:$0x1] =	stream.indirect.gather [hbm4b:s3+s6], $0x10, s0, s6, $0xb8;
	[tilespmem:$0x8200] =	vst v63  }
0x8c: {  	s1 =	rddreg [dreg:$0x1c]  }
0x8d: {  	[tilespmem:s16], [sflag:$0x1] =	stream.indirect.gather [hbm4b:s3+s6], $0x10, s1, s6, $0xb8;
	[tilespmem:$0x8200] =	vst v63  }
0x8e: {  	s0 =	rddreg [dreg:$0x1d]  }
0x8f: {  	[tilespmem:s17], [sflag:$0x1] =	stream.indirect.gather [hbm4b:s3+s6], $0x10, s0, s6, $0xb8;
	[tilespmem:$0x8200] =	vst v63  }
0x90: {  	s1 =	rddreg [dreg:$0x1e]  }
0x91: {  	[tilespmem:s18], [sflag:$0x1] =	stream.indirect.gather [hbm4b:s3+s6], $0x10, s1, s6, $0xb8;
	[tilespmem:$0x8200] =	vst v63  }
0x92: {  	s0 =	rddreg [dreg:$0x1f]  }
0x93: {  	[tilespmem:s19], [sflag:$0x1] =	stream.indirect.gather [hbm4b:s3+s6], $0x10, s0, s6, $0xb8;
	[tilespmem:$0x8200] =	vst v63  }
0x94: {  	_ =	swait.ge [sflag:s7], $0x800  }
0x95: {  	[sflag:s7] =	ssyncset.done $0x0  }
0x96: {  	[sflag:s7] =	ssyncadd.s32 $0xFFFFF800  }
0x97: {  	_ =	swait.ge [sflag:s7], $0x800  }
0x98: {  	[sflag:s7] =	ssyncset.done $0x0  }
0x99: {  	[sflag:s7] =	ssyncadd.s32 $0xFFFFF800  }
0x9a: {  	_ =	swait.ge [sflag:s7], $0x800  }
0x9b: {  	[sflag:s7] =	ssyncset.done $0x0  }
0x9c: {  	[sflag:s7] =	ssyncadd.s32 $0xFFFFF800  }
0x9d: {  	_ =	swait.ge [sflag:s7], $0x800  }
0x9e: {  	[sflag:s7] =	ssyncset.done $0x0  }
0x9f: {  	[sflag:s7] =	ssyncadd.s32 $0xFFFFF800  }
0xa0: {  	_ =	swait.ge [sflag:s7], $0x800  }
0xa1: {  	[sflag:s7] =	ssyncset.done $0x0  }
0xa2: {  	[sflag:s7] =	ssyncadd.s32 $0xFFFFF800  }
0xa3: {  	_ =	swait.ge [sflag:s7], $0x800  }
0xa4: {  	[sflag:s7] =	ssyncset.done $0x0  }
0xa5: {  	[sflag:s7] =	ssyncadd.s32 $0xFFFFF800  }
0xa6: {  	_ =	swait.ge [sflag:s7], $0x800  }
0xa7: {  	[sflag:s7] =	ssyncset.done $0x0  }
0xa8: {  	[sflag:s7] =	ssyncadd.s32 $0xFFFFF800  }
0xa9: {  	_ =	swait.ge [sflag:s7], $0x800  }
0xaa: {  	[sflag:s7] =	ssyncset.done $0x0  }
0xab: {  	[sflag:s7] =	ssyncadd.s32 $0xFFFFF800  }
0xac: {  	_ =	swait.ge [sflag:s7], $0x800  }
0xad: {  	[sflag:s7] =	ssyncset.done $0x0  }
0xae: {  	[sflag:s7] =	ssyncadd.s32 $0xFFFFF800  }
0xaf: {  	_ =	swait.ge [sflag:s7], $0x800  }
0xb0: {  	[sflag:s7] =	ssyncset.done $0x0  }
0xb1: {  	[sflag:s7] =	ssyncadd.s32 $0xFFFFF800  }
0xb2: {  	_ =	swait.ge [sflag:s7], $0x800  }
0xb3: {  	[sflag:s7] =	ssyncset.done $0x0  }
0xb4: {  	[sflag:s7] =	ssyncadd.s32 $0xFFFFF800  }
0xb5: {  	_ =	swait.ge [sflag:s7], $0x800  }
0xb6: {  	[sflag:s7] =	ssyncset.done $0x0  }
0xb7: {  	[sflag:s7] =	ssyncadd.s32 $0xFFFFF800  }
0xb8: {  	_ =	swait.ge [sflag:s7], $0x800  }
0xb9: {  	[sflag:s7] =	ssyncset.done $0x0  }
0xba: {  	s1 =	rddreg [dreg:$0x5];
	[sflag:s7] =	ssyncadd.s32 $0xFFFFF800  }
0xbb: {  	[hbm4b:s1+s2] =	stream.linear.scatter [tilespmem:s5], [sflag:$0x2], $0x6800, $0x38;
	[tilespmem:$0x8200] =	vst v63  }
0xbc: {  	_ =	swait.ge [sflag:s4], $0x6800  }
0xbd: {  	s0 =	sld [smem:$0x7EF]  }
0xbe: {  	[sflag:s4] =	ssyncset.done $0x0  }
0xbf: {  	s1 =	sld [smem:$0x7F0];
	[sflag:s4] =	ssyncadd.s32 $0xFFFF9800  }
0xc0: {  	[tilespmem:s5], [sflag:$0x1] =	stream.indirect.gather [hbm4b:s3+s6], $0x10, s0, s6, $0xb8;
	[tilespmem:$0x8200] =	vst v63  }
0xc1: {  	s0 =	sld [smem:$0x7F1]  }
0xc2: {  	[tilespmem:s8], [sflag:$0x1] =	stream.indirect.gather [hbm4b:s3+s6], $0x10, s1, s6, $0xb8;
	[tilespmem:$0x8200] =	vst v63  }
0xc3: {  	s1 =	sld [smem:$0x7F2]  }
0xc4: {  	[tilespmem:s9], [sflag:$0x1] =	stream.indirect.gather [hbm4b:s3+s6], $0x10, s0, s6, $0xb8;
	[tilespmem:$0x8200] =	vst v63  }
0xc5: {  	s0 =	sld [smem:$0x7F3]  }
0xc6: {  	[tilespmem:s10], [sflag:$0x1] =	stream.indirect.gather [hbm4b:s3+s6], $0x10, s1, s6, $0xb8;
	[tilespmem:$0x8200] =	vst v63  }
0xc7: {  	s1 =	sld [smem:$0x7F4]  }
0xc8: {  	[tilespmem:s11], [sflag:$0x1] =	stream.indirect.gather [hbm4b:s3+s6], $0x10, s0, s6, $0xb8;
	[tilespmem:$0x8200] =	vst v63  }
0xc9: {  	s0 =	sld [smem:$0x7F5]  }
0xca: {  	[tilespmem:s12], [sflag:$0x1] =	stream.indirect.gather [hbm4b:s3+s6], $0x10, s1, s6, $0xb8;
	[tilespmem:$0x8200] =	vst v63  }
0xcb: {  	s1 =	sld [smem:$0x7F6]  }
0xcc: {  	[tilespmem:s13], [sflag:$0x1] =	stream.indirect.gather [hbm4b:s3+s6], $0x10, s0, s6, $0xb8;
	[tilespmem:$0x8200] =	vst v63  }
0xcd: {  	s0 =	sld [smem:$0x7F7]  }
0xce: {  	[tilespmem:s14], [sflag:$0x1] =	stream.indirect.gather [hbm4b:s3+s6], $0x10, s1, s6, $0xb8;
	[tilespmem:$0x8200] =	vst v63  }
0xcf: {  	s1 =	sld [smem:$0x7F8]  }
0xd0: {  	[tilespmem:s15], [sflag:$0x1] =	stream.indirect.gather [hbm4b:s3+s6], $0x10, s0, s6, $0xb8;
	[tilespmem:$0x8200] =	vst v63  }
0xd1: {  	s0 =	sld [smem:$0x7F9]  }
0xd2: {  	[tilespmem:s16], [sflag:$0x1] =	stream.indirect.gather [hbm4b:s3+s6], $0x10, s1, s6, $0xb8;
	[tilespmem:$0x8200] =	vst v63  }
0xd3: {  	s1 =	sld [smem:$0x7FA]  }
0xd4: {  	[tilespmem:s17], [sflag:$0x1] =	stream.indirect.gather [hbm4b:s3+s6], $0x10, s0, s6, $0xb8;
	[tilespmem:$0x8200] =	vst v63  }
0xd5: {  	s0 =	sld [smem:$0x7FB]  }
0xd6: {  	[tilespmem:s18], [sflag:$0x1] =	stream.indirect.gather [hbm4b:s3+s6], $0x10, s1, s6, $0xb8;
	[tilespmem:$0x8200] =	vst v63  }
0xd7: {  	_ = 	snop  }
0xd8: {  	[tilespmem:s19], [sflag:$0x1] =	stream.indirect.gather [hbm4b:s3+s6], $0x10, s0, s6, $0xb8;
	[tilespmem:$0x8200] =	vst v63  }
0xd9: {  	_ =	swait.ge [sflag:s7], $0x800  }
0xda: {  	[sflag:s7] =	ssyncset.done $0x0  }
0xdb: {  	[sflag:s7] =	ssyncadd.s32 $0xFFFFF800  }
0xdc: {  	_ =	swait.ge [sflag:s7], $0x800  }
0xdd: {  	[sflag:s7] =	ssyncset.done $0x0  }
0xde: {  	[sflag:s7] =	ssyncadd.s32 $0xFFFFF800  }
0xdf: {  	_ =	swait.ge [sflag:s7], $0x800  }
0xe0: {  	[sflag:s7] =	ssyncset.done $0x0  }
0xe1: {  	[sflag:s7] =	ssyncadd.s32 $0xFFFFF800  }
0xe2: {  	_ =	swait.ge [sflag:s7], $0x800  }
0xe3: {  	[sflag:s7] =	ssyncset.done $0x0  }
0xe4: {  	[sflag:s7] =	ssyncadd.s32 $0xFFFFF800  }
0xe5: {  	_ =	swait.ge [sflag:s7], $0x800  }
0xe6: {  	[sflag:s7] =	ssyncset.done $0x0  }
0xe7: {  	[sflag:s7] =	ssyncadd.s32 $0xFFFFF800  }
0xe8: {  	_ =	swait.ge [sflag:s7], $0x800  }
0xe9: {  	[sflag:s7] =	ssyncset.done $0x0  }
0xea: {  	[sflag:s7] =	ssyncadd.s32 $0xFFFFF800  }
0xeb: {  	_ =	swait.ge [sflag:s7], $0x800  }
0xec: {  	[sflag:s7] =	ssyncset.done $0x0  }
0xed: {  	[sflag:s7] =	ssyncadd.s32 $0xFFFFF800  }
0xee: {  	_ =	swait.ge [sflag:s7], $0x800  }
0xef: {  	[sflag:s7] =	ssyncset.done $0x0  }
0xf0: {  	[sflag:s7] =	ssyncadd.s32 $0xFFFFF800  }
0xf1: {  	_ =	swait.ge [sflag:s7], $0x800  }
0xf2: {  	[sflag:s7] =	ssyncset.done $0x0  }
0xf3: {  	[sflag:s7] =	ssyncadd.s32 $0xFFFFF800  }
0xf4: {  	_ =	swait.ge [sflag:s7], $0x800  }
0xf5: {  	[sflag:s7] =	ssyncset.done $0x0  }
0xf6: {  	[sflag:s7] =	ssyncadd.s32 $0xFFFFF800  }
0xf7: {  	_ =	swait.ge [sflag:s7], $0x800  }
0xf8: {  	[sflag:s7] =	ssyncset.done $0x0  }
0xf9: {  	[sflag:s7] =	ssyncadd.s32 $0xFFFFF800  }
0xfa: {  	_ =	swait.ge [sflag:s7], $0x800  }
0xfb: {  	[sflag:s7] =	ssyncset.done $0x0  }
0xfc: {  	[sflag:s7] =	ssyncadd.s32 $0xFFFFF800  }
0xfd: {  	_ =	swait.ge [sflag:s7], $0x800  }
0xfe: {  	[sflag:s7] =	ssyncset.done $0x0  }
0xff: {  	s1 =	rddreg [dreg:$0x6];
	[sflag:s7] =	ssyncadd.s32 $0xFFFFF800  }
0x100: {  	[hbm4b:s1+s2] =	stream.linear.scatter [tilespmem:s5], [sflag:$0x2], $0x6800, $0x38;
	[tilespmem:$0x8200] =	vst v63  }
0x101: {  	_ =	swait.ge [sflag:s4], $0x6800  }
0x102: {  	s0 =	sld [smem:$0x7FC]  }
0x103: {  	[sflag:s4] =	ssyncset.done $0x0  }
0x104: {  	s1 =	sld [smem:$0x7FD];
	[sflag:s4] =	ssyncadd.s32 $0xFFFF9800  }
0x105: {  	[tilespmem:s5], [sflag:$0x1] =	stream.indirect.gather [hbm4b:s3+s6], $0x10, s0, s6, $0xb8;
	[tilespmem:$0x8200] =	vst v63  }
0x106: {  	_ = 	snop  }
0x107: {  	[tilespmem:s8], [sflag:$0x1] =	stream.indirect.gather [hbm4b:s3+s6], $0x10, s1, s6, $0xb8;
	[tilespmem:$0x8200] =	vst v63  }
0x108: {  	s1 =	simm.s32 $0x1480  }
0x109: {  	[tilespmem:s9], [sflag:$0x1] =	stream.indirect.gather [hbm4b:s3+s6], $0x10, s1, s6, $0xb8;
	[tilespmem:$0x8200] =	vst v63  }
0x10a: {  	_ = 	snop  }
0x10b: {  	[tilespmem:s10], [sflag:$0x1] =	stream.indirect.gather [hbm4b:s3+s6], $0x10, s22, s6, $0xb8;
	[tilespmem:$0x8200] =	vst v63  }
0x10c: {  	_ = 	snop  }
0x10d: {  	[tilespmem:s11], [sflag:$0x1] =	stream.indirect.gather [hbm4b:s3+s6], $0x10, s23, s6, $0xb8;
	[tilespmem:$0x8200] =	vst v63  }
0x10e: {  	_ = 	snop  }
0x10f: {  	[tilespmem:s12], [sflag:$0x1] =	stream.indirect.gather [hbm4b:s3+s6], $0x10, s24, s6, $0xb8;
	[tilespmem:$0x8200] =	vst v63  }
0x110: {  	_ = 	snop  }
0x111: {  	[tilespmem:s13], [sflag:$0x1] =	stream.indirect.gather [hbm4b:s3+s6], $0x10, s25, s6, $0xb8;
	[tilespmem:$0x8200] =	vst v63  }
0x112: {  	_ = 	snop  }
0x113: {  	[tilespmem:s14], [sflag:$0x1] =	stream.indirect.gather [hbm4b:s3+s6], $0x10, s26, s6, $0xb8;
	[tilespmem:$0x8200] =	vst v63  }
0x114: {  	_ = 	snop  }
0x115: {  	[tilespmem:s15], [sflag:$0x1] =	stream.indirect.gather [hbm4b:s3+s6], $0x10, s28, s6, $0xb8;
	[tilespmem:$0x8200] =	vst v63  }
0x116: {  	_ = 	snop  }
0x117: {  	[tilespmem:s16], [sflag:$0x1] =	stream.indirect.gather [hbm4b:s3+s6], $0x10, s29, s6, $0xb8;
	[tilespmem:$0x8200] =	vst v63  }
0x118: {  	_ = 	snop  }
0x119: {  	[tilespmem:s17], [sflag:$0x1] =	stream.indirect.gather [hbm4b:s3+s6], $0x10, s30, s6, $0xb8;
	[tilespmem:$0x8200] =	vst v63  }
0x11a: {  	_ = 	snop  }
0x11b: {  	[tilespmem:s18], [sflag:$0x1] =	stream.indirect.gather [hbm4b:s3+s6], $0x10, s31, s6, $0xb8;
	[tilespmem:$0x8200] =	vst v63  }
0x11c: {  	_ = 	snop  }
0x11d: {  	[tilespmem:s19], [sflag:$0x1] =	stream.indirect.gather [hbm4b:s3+s6], $0x10, s21, s6, $0xb8;
	[tilespmem:$0x8200] =	vst v63  }
0x11e: {  	_ =	swait.ge [sflag:s7], $0x800  }
0x11f: {  	[sflag:s7] =	ssyncset.done $0x0  }
0x120: {  	[sflag:s7] =	ssyncadd.s32 $0xFFFFF800  }
0x121: {  	_ =	swait.ge [sflag:s7], $0x800  }
0x122: {  	[sflag:s7] =	ssyncset.done $0x0  }
0x123: {  	[sflag:s7] =	ssyncadd.s32 $0xFFFFF800  }
0x124: {  	_ =	swait.ge [sflag:s7], $0x800  }
0x125: {  	[sflag:s7] =	ssyncset.done $0x0  }
0x126: {  	[sflag:s7] =	ssyncadd.s32 $0xFFFFF800  }
0x127: {  	_ =	swait.ge [sflag:s7], $0x800  }
0x128: {  	[sflag:s7] =	ssyncset.done $0x0  }
0x129: {  	[sflag:s7] =	ssyncadd.s32 $0xFFFFF800  }
0x12a: {  	_ =	swait.ge [sflag:s7], $0x800  }
0x12b: {  	[sflag:s7] =	ssyncset.done $0x0  }
0x12c: {  	[sflag:s7] =	ssyncadd.s32 $0xFFFFF800  }
0x12d: {  	_ =	swait.ge [sflag:s7], $0x800  }
0x12e: {  	[sflag:s7] =	ssyncset.done $0x0  }
0x12f: {  	[sflag:s7] =	ssyncadd.s32 $0xFFFFF800  }
0x130: {  	_ =	swait.ge [sflag:s7], $0x800  }
0x131: {  	[sflag:s7] =	ssyncset.done $0x0  }
0x132: {  	[sflag:s7] =	ssyncadd.s32 $0xFFFFF800  }
0x133: {  	_ =	swait.ge [sflag:s7], $0x800  }
0x134: {  	[sflag:s7] =	ssyncset.done $0x0  }
0x135: {  	[sflag:s7] =	ssyncadd.s32 $0xFFFFF800  }
0x136: {  	_ =	swait.ge [sflag:s7], $0x800  }
0x137: {  	[sflag:s7] =	ssyncset.done $0x0  }
0x138: {  	[sflag:s7] =	ssyncadd.s32 $0xFFFFF800  }
0x139: {  	_ =	swait.ge [sflag:s7], $0x800  }
0x13a: {  	[sflag:s7] =	ssyncset.done $0x0  }
0x13b: {  	[sflag:s7] =	ssyncadd.s32 $0xFFFFF800  }
0x13c: {  	_ =	swait.ge [sflag:s7], $0x800  }
0x13d: {  	[sflag:s7] =	ssyncset.done $0x0  }
0x13e: {  	[sflag:s7] =	ssyncadd.s32 $0xFFFFF800  }
0x13f: {  	_ =	swait.ge [sflag:s7], $0x800  }
0x140: {  	[sflag:s7] =	ssyncset.done $0x0  }
0x141: {  	[sflag:s7] =	ssyncadd.s32 $0xFFFFF800  }
0x142: {  	p1 =	sne.s32 s20, $0x1;
	_ =	swait.ge [sflag:s7], $0x800  }
.Ltmp1:
0x143: {  	[sflag:s7] =	ssyncset.done $0x0;
	(pc) =	sbr.rel @!p1 .LBB2_3-.Ltmp1, $4  }
0x144: {  	s1 =	rddreg [dreg:$0x7];
	[sflag:s7] =	ssyncadd.s32 $0xFFFFF800  }
0x145: {  	[hbm4b:s1+s2] =	stream.linear.scatter [tilespmem:s5], [sflag:$0x2], $0x6800, $0x38;
	[tilespmem:$0x8200] =	vst v63  }
0x146: {  	p0 =	por $0x1, $0x1;
	_ =	swait.ge [sflag:s4], $0x6800  }
0x147: {  	s1 =	sadd.s32 $0xFFFFFFFF, s20;
	s0 =	rddreg [dreg:$0x3];
	[sflag:s4] =	ssyncset.done $0x0  }
.LBB2_4:
0x148: {  	[sflag:s4] =	ssyncadd.s32 $0xFFFF9800  }
0x149: {  	[tilespmem:s2], [sflag:$0x2] =	stream.linear.gather [hbm4b:s0+s2], $0x1A00, $0x38;
	[tilespmem:$0x8200] =	vst v63  }
0x14a: {  	_ =	swait.ge [sflag:s4], $0x1A00  }
0x14b: {  	[sflag:s4] =	ssyncset.done $0x0  }
0x14c: {  	[sflag:s4] =	ssyncadd.s32 $0xFFFFE600  }
0x14d: {  	[tilespmem:s5], [sflag:$0x1] =	stream.indirect.gather [hbm4b:s3+s6], $0x10, s2, s6, $0xb8;
	[tilespmem:$0x8200] =	vst v63  }
0x14e: {  	_ = 	snop  }
0x14f: {  	[tilespmem:s8], [sflag:$0x1] =	stream.indirect.gather [hbm4b:s3+s6], $0x10, s6, s6, $0xb8;
	[tilespmem:$0x8200] =	vst v63  }
0x150: {  	s0 =	rddreg [dreg:$0x8]  }
0x151: {  	[tilespmem:s9], [sflag:$0x1] =	stream.indirect.gather [hbm4b:s3+s6], $0x10, s0, s6, $0xb8;
	[tilespmem:$0x8200] =	vst v63  }
0x152: {  	s20 =	rddreg [dreg:$0x9]  }
0x153: {  	[tilespmem:s10], [sflag:$0x1] =	stream.indirect.gather [hbm4b:s3+s6], $0x10, s20, s6, $0xb8;
	[tilespmem:$0x8200] =	vst v63  }
0x154: {  	s0 =	rddreg [dreg:$0xa]  }
0x155: {  	[tilespmem:s11], [sflag:$0x1] =	stream.indirect.gather [hbm4b:s3+s6], $0x10, s0, s6, $0xb8;
	[tilespmem:$0x8200] =	vst v63  }
0x156: {  	s20 =	rddreg [dreg:$0xb]  }
0x157: {  	[tilespmem:s12], [sflag:$0x1] =	stream.indirect.gather [hbm4b:s3+s6], $0x10, s20, s6, $0xb8;
	[tilespmem:$0x8200] =	vst v63  }
0x158: {  	s0 =	rddreg [dreg:$0xc]  }
0x159: {  	[tilespmem:s13], [sflag:$0x1] =	stream.indirect.gather [hbm4b:s3+s6], $0x10, s0, s6, $0xb8;
	[tilespmem:$0x8200] =	vst v63  }
0x15a: {  	s20 =	rddreg [dreg:$0xd]  }
0x15b: {  	[tilespmem:s14], [sflag:$0x1] =	stream.indirect.gather [hbm4b:s3+s6], $0x10, s20, s6, $0xb8;
	[tilespmem:$0x8200] =	vst v63  }
0x15c: {  	s0 =	rddreg [dreg:$0xe]  }
0x15d: {  	[tilespmem:s15], [sflag:$0x1] =	stream.indirect.gather [hbm4b:s3+s6], $0x10, s0, s6, $0xb8;
	[tilespmem:$0x8200] =	vst v63  }
0x15e: {  	s20 =	rddreg [dreg:$0xf]  }
0x15f: {  	[tilespmem:s16], [sflag:$0x1] =	stream.indirect.gather [hbm4b:s3+s6], $0x10, s20, s6, $0xb8;
	[tilespmem:$0x8200] =	vst v63  }
0x160: {  	s0 =	rddreg [dreg:$0x10]  }
0x161: {  	[tilespmem:s17], [sflag:$0x1] =	stream.indirect.gather [hbm4b:s3+s6], $0x10, s0, s6, $0xb8;
	[tilespmem:$0x8200] =	vst v63  }
0x162: {  	s20 =	rddreg [dreg:$0x11]  }
0x163: {  	[tilespmem:s18], [sflag:$0x1] =	stream.indirect.gather [hbm4b:s3+s6], $0x10, s20, s6, $0xb8;
	[tilespmem:$0x8200] =	vst v63  }
0x164: {  	s0 =	rddreg [dreg:$0x12]  }
0x165: {  	[tilespmem:s19], [sflag:$0x1] =	stream.indirect.gather [hbm4b:s3+s6], $0x10, s0, s6, $0xb8;
	[tilespmem:$0x8200] =	vst v63  }
0x166: {  	_ =	swait.ge [sflag:s7], $0x800  }
0x167: {  	[sflag:s7] =	ssyncset.done $0x0  }
0x168: {  	[sflag:s7] =	ssyncadd.s32 $0xFFFFF800  }
0x169: {  	_ =	swait.ge [sflag:s7], $0x800  }
0x16a: {  	[sflag:s7] =	ssyncset.done $0x0  }
0x16b: {  	[sflag:s7] =	ssyncadd.s32 $0xFFFFF800  }
0x16c: {  	_ =	swait.ge [sflag:s7], $0x800  }
0x16d: {  	[sflag:s7] =	ssyncset.done $0x0  }
0x16e: {  	[sflag:s7] =	ssyncadd.s32 $0xFFFFF800  }
0x16f: {  	_ =	swait.ge [sflag:s7], $0x800  }
0x170: {  	[sflag:s7] =	ssyncset.done $0x0  }
0x171: {  	[sflag:s7] =	ssyncadd.s32 $0xFFFFF800  }
0x172: {  	_ =	swait.ge [sflag:s7], $0x800  }
0x173: {  	[sflag:s7] =	ssyncset.done $0x0  }
0x174: {  	[sflag:s7] =	ssyncadd.s32 $0xFFFFF800  }
0x175: {  	_ =	swait.ge [sflag:s7], $0x800  }
0x176: {  	[sflag:s7] =	ssyncset.done $0x0  }
0x177: {  	[sflag:s7] =	ssyncadd.s32 $0xFFFFF800  }
0x178: {  	_ =	swait.ge [sflag:s7], $0x800  }
0x179: {  	[sflag:s7] =	ssyncset.done $0x0  }
0x17a: {  	[sflag:s7] =	ssyncadd.s32 $0xFFFFF800  }
0x17b: {  	_ =	swait.ge [sflag:s7], $0x800  }
0x17c: {  	[sflag:s7] =	ssyncset.done $0x0  }
0x17d: {  	[sflag:s7] =	ssyncadd.s32 $0xFFFFF800  }
0x17e: {  	_ =	swait.ge [sflag:s7], $0x800  }
0x17f: {  	[sflag:s7] =	ssyncset.done $0x0  }
0x180: {  	[sflag:s7] =	ssyncadd.s32 $0xFFFFF800  }
0x181: {  	_ =	swait.ge [sflag:s7], $0x800  }
0x182: {  	[sflag:s7] =	ssyncset.done $0x0  }
0x183: {  	[sflag:s7] =	ssyncadd.s32 $0xFFFFF800  }
0x184: {  	_ =	swait.ge [sflag:s7], $0x800  }
0x185: {  	[sflag:s7] =	ssyncset.done $0x0  }
0x186: {  	[sflag:s7] =	ssyncadd.s32 $0xFFFFF800  }
0x187: {  	_ =	swait.ge [sflag:s7], $0x800  }
0x188: {  	[sflag:s7] =	ssyncset.done $0x0  }
0x189: {  	[sflag:s7] =	ssyncadd.s32 $0xFFFFF800  }
0x18a: {  	_ =	swait.ge [sflag:s7], $0x800  }
0x18b: {  	[sflag:s7] =	ssyncset.done $0x0  }
0x18c: {  	s20 =	rddreg [dreg:$0x4];
	[sflag:s7] =	ssyncadd.s32 $0xFFFFF800  }
0x18d: {  	[hbm4b:s20+s2] =	stream.linear.scatter [tilespmem:s5], [sflag:$0x2], $0x6800, $0x38;
	[tilespmem:$0x8200] =	vst v63  }
0x18e: {  	_ =	swait.ge [sflag:s4], $0x6800  }
0x18f: {  	[sflag:s4] =	ssyncset.done $0x0  }
0x190: {  	s0 =	rddreg [dreg:$0x13];
	[sflag:s4] =	ssyncadd.s32 $0xFFFF9800  }
0x191: {  	[tilespmem:s5], [sflag:$0x1] =	stream.indirect.gather [hbm4b:s3+s6], $0x10, s0, s6, $0xb8;
	[tilespmem:$0x8200] =	vst v63  }
0x192: {  	s20 =	rddreg [dreg:$0x14]  }
0x193: {  	[tilespmem:s8], [sflag:$0x1] =	stream.indirect.gather [hbm4b:s3+s6], $0x10, s20, s6, $0xb8;
	[tilespmem:$0x8200] =	vst v63  }
0x194: {  	s0 =	rddreg [dreg:$0x15]  }
0x195: {  	[tilespmem:s9], [sflag:$0x1] =	stream.indirect.gather [hbm4b:s3+s6], $0x10, s0, s6, $0xb8;
	[tilespmem:$0x8200] =	vst v63  }
0x196: {  	s20 =	rddreg [dreg:$0x16]  }
0x197: {  	[tilespmem:s10], [sflag:$0x1] =	stream.indirect.gather [hbm4b:s3+s6], $0x10, s20, s6, $0xb8;
	[tilespmem:$0x8200] =	vst v63  }
0x198: {  	s0 =	rddreg [dreg:$0x17]  }
0x199: {  	[tilespmem:s11], [sflag:$0x1] =	stream.indirect.gather [hbm4b:s3+s6], $0x10, s0, s6, $0xb8;
	[tilespmem:$0x8200] =	vst v63  }
0x19a: {  	s20 =	rddreg [dreg:$0x18]  }
0x19b: {  	[tilespmem:s12], [sflag:$0x1] =	stream.indirect.gather [hbm4b:s3+s6], $0x10, s20, s6, $0xb8;
	[tilespmem:$0x8200] =	vst v63  }
0x19c: {  	s0 =	rddreg [dreg:$0x19]  }
0x19d: {  	[tilespmem:s13], [sflag:$0x1] =	stream.indirect.gather [hbm4b:s3+s6], $0x10, s0, s6, $0xb8;
	[tilespmem:$0x8200] =	vst v63  }
0x19e: {  	s20 =	rddreg [dreg:$0x1a]  }
0x19f: {  	[tilespmem:s14], [sflag:$0x1] =	stream.indirect.gather [hbm4b:s3+s6], $0x10, s20, s6, $0xb8;
	[tilespmem:$0x8200] =	vst v63  }
0x1a0: {  	s0 =	rddreg [dreg:$0x1b]  }
0x1a1: {  	[tilespmem:s15], [sflag:$0x1] =	stream.indirect.gather [hbm4b:s3+s6], $0x10, s0, s6, $0xb8;
	[tilespmem:$0x8200] =	vst v63  }
0x1a2: {  	s20 =	rddreg [dreg:$0x1c]  }
0x1a3: {  	[tilespmem:s16], [sflag:$0x1] =	stream.indirect.gather [hbm4b:s3+s6], $0x10, s20, s6, $0xb8;
	[tilespmem:$0x8200] =	vst v63  }
0x1a4: {  	s0 =	rddreg [dreg:$0x1d]  }
0x1a5: {  	[tilespmem:s17], [sflag:$0x1] =	stream.indirect.gather [hbm4b:s3+s6], $0x10, s0, s6, $0xb8;
	[tilespmem:$0x8200] =	vst v63  }
0x1a6: {  	s20 =	rddreg [dreg:$0x1e]  }
0x1a7: {  	[tilespmem:s18], [sflag:$0x1] =	stream.indirect.gather [hbm4b:s3+s6], $0x10, s20, s6, $0xb8;
	[tilespmem:$0x8200] =	vst v63  }
0x1a8: {  	s0 =	rddreg [dreg:$0x1f]  }
0x1a9: {  	[tilespmem:s19], [sflag:$0x1] =	stream.indirect.gather [hbm4b:s3+s6], $0x10, s0, s6, $0xb8;
	[tilespmem:$0x8200] =	vst v63  }
0x1aa: {  	_ =	swait.ge [sflag:s7], $0x800  }
0x1ab: {  	[sflag:s7] =	ssyncset.done $0x0  }
0x1ac: {  	[sflag:s7] =	ssyncadd.s32 $0xFFFFF800  }
0x1ad: {  	_ =	swait.ge [sflag:s7], $0x800  }
0x1ae: {  	[sflag:s7] =	ssyncset.done $0x0  }
0x1af: {  	[sflag:s7] =	ssyncadd.s32 $0xFFFFF800  }
0x1b0: {  	_ =	swait.ge [sflag:s7], $0x800  }
0x1b1: {  	[sflag:s7] =	ssyncset.done $0x0  }
0x1b2: {  	[sflag:s7] =	ssyncadd.s32 $0xFFFFF800  }
0x1b3: {  	_ =	swait.ge [sflag:s7], $0x800  }
0x1b4: {  	[sflag:s7] =	ssyncset.done $0x0  }
0x1b5: {  	[sflag:s7] =	ssyncadd.s32 $0xFFFFF800  }
0x1b6: {  	_ =	swait.ge [sflag:s7], $0x800  }
0x1b7: {  	[sflag:s7] =	ssyncset.done $0x0  }
0x1b8: {  	[sflag:s7] =	ssyncadd.s32 $0xFFFFF800  }
0x1b9: {  	_ =	swait.ge [sflag:s7], $0x800  }
0x1ba: {  	[sflag:s7] =	ssyncset.done $0x0  }
0x1bb: {  	[sflag:s7] =	ssyncadd.s32 $0xFFFFF800  }
0x1bc: {  	_ =	swait.ge [sflag:s7], $0x800  }
0x1bd: {  	[sflag:s7] =	ssyncset.done $0x0  }
0x1be: {  	[sflag:s7] =	ssyncadd.s32 $0xFFFFF800  }
0x1bf: {  	_ =	swait.ge [sflag:s7], $0x800  }
0x1c0: {  	[sflag:s7] =	ssyncset.done $0x0  }
0x1c1: {  	[sflag:s7] =	ssyncadd.s32 $0xFFFFF800  }
0x1c2: {  	_ =	swait.ge [sflag:s7], $0x800  }
0x1c3: {  	[sflag:s7] =	ssyncset.done $0x0  }
0x1c4: {  	[sflag:s7] =	ssyncadd.s32 $0xFFFFF800  }
0x1c5: {  	_ =	swait.ge [sflag:s7], $0x800  }
0x1c6: {  	[sflag:s7] =	ssyncset.done $0x0  }
0x1c7: {  	[sflag:s7] =	ssyncadd.s32 $0xFFFFF800  }
0x1c8: {  	_ =	swait.ge [sflag:s7], $0x800  }
0x1c9: {  	[sflag:s7] =	ssyncset.done $0x0  }
0x1ca: {  	[sflag:s7] =	ssyncadd.s32 $0xFFFFF800  }
0x1cb: {  	_ =	swait.ge [sflag:s7], $0x800  }
0x1cc: {  	[sflag:s7] =	ssyncset.done $0x0  }
0x1cd: {  	[sflag:s7] =	ssyncadd.s32 $0xFFFFF800  }
0x1ce: {  	_ =	swait.ge [sflag:s7], $0x800  }
0x1cf: {  	[sflag:s7] =	ssyncset.done $0x0  }
0x1d0: {  	s20 =	rddreg [dreg:$0x5];
	[sflag:s7] =	ssyncadd.s32 $0xFFFFF800  }
0x1d1: {  	[hbm4b:s20+s2] =	stream.linear.scatter [tilespmem:s5], [sflag:$0x2], $0x6800, $0x38;
	[tilespmem:$0x8200] =	vst v63  }
0x1d2: {  	_ =	swait.ge [sflag:s4], $0x6800  }
0x1d3: {  	s0 =	sld [smem:$0x7EF]  }
0x1d4: {  	[sflag:s4] =	ssyncset.done $0x0  }
0x1d5: {  	s20 =	sld [smem:$0x7F0];
	[sflag:s4] =	ssyncadd.s32 $0xFFFF9800  }
0x1d6: {  	[tilespmem:s5], [sflag:$0x1] =	stream.indirect.gather [hbm4b:s3+s6], $0x10, s0, s6, $0xb8;
	[tilespmem:$0x8200] =	vst v63  }
0x1d7: {  	s0 =	sld [smem:$0x7F1]  }
0x1d8: {  	[tilespmem:s8], [sflag:$0x1] =	stream.indirect.gather [hbm4b:s3+s6], $0x10, s20, s6, $0xb8;
	[tilespmem:$0x8200] =	vst v63  }
0x1d9: {  	s20 =	sld [smem:$0x7F2]  }
0x1da: {  	[tilespmem:s9], [sflag:$0x1] =	stream.indirect.gather [hbm4b:s3+s6], $0x10, s0, s6, $0xb8;
	[tilespmem:$0x8200] =	vst v63  }
0x1db: {  	s0 =	sld [smem:$0x7F3]  }
0x1dc: {  	[tilespmem:s10], [sflag:$0x1] =	stream.indirect.gather [hbm4b:s3+s6], $0x10, s20, s6, $0xb8;
	[tilespmem:$0x8200] =	vst v63  }
0x1dd: {  	s20 =	sld [smem:$0x7F4]  }
0x1de: {  	[tilespmem:s11], [sflag:$0x1] =	stream.indirect.gather [hbm4b:s3+s6], $0x10, s0, s6, $0xb8;
	[tilespmem:$0x8200] =	vst v63  }
0x1df: {  	s0 =	sld [smem:$0x7F5]  }
0x1e0: {  	[tilespmem:s12], [sflag:$0x1] =	stream.indirect.gather [hbm4b:s3+s6], $0x10, s20, s6, $0xb8;
	[tilespmem:$0x8200] =	vst v63  }
0x1e1: {  	s20 =	sld [smem:$0x7F6]  }
0x1e2: {  	[tilespmem:s13], [sflag:$0x1] =	stream.indirect.gather [hbm4b:s3+s6], $0x10, s0, s6, $0xb8;
	[tilespmem:$0x8200] =	vst v63  }
0x1e3: {  	s0 =	sld [smem:$0x7F7]  }
0x1e4: {  	[tilespmem:s14], [sflag:$0x1] =	stream.indirect.gather [hbm4b:s3+s6], $0x10, s20, s6, $0xb8;
	[tilespmem:$0x8200] =	vst v63  }
0x1e5: {  	s20 =	sld [smem:$0x7F8]  }
0x1e6: {  	[tilespmem:s15], [sflag:$0x1] =	stream.indirect.gather [hbm4b:s3+s6], $0x10, s0, s6, $0xb8;
	[tilespmem:$0x8200] =	vst v63  }
0x1e7: {  	s0 =	sld [smem:$0x7F9]  }
0x1e8: {  	[tilespmem:s16], [sflag:$0x1] =	stream.indirect.gather [hbm4b:s3+s6], $0x10, s20, s6, $0xb8;
	[tilespmem:$0x8200] =	vst v63  }
0x1e9: {  	s20 =	sld [smem:$0x7FA]  }
0x1ea: {  	[tilespmem:s17], [sflag:$0x1] =	stream.indirect.gather [hbm4b:s3+s6], $0x10, s0, s6, $0xb8;
	[tilespmem:$0x8200] =	vst v63  }
0x1eb: {  	s0 =	sld [smem:$0x7FB]  }
0x1ec: {  	[tilespmem:s18], [sflag:$0x1] =	stream.indirect.gather [hbm4b:s3+s6], $0x10, s20, s6, $0xb8;
	[tilespmem:$0x8200] =	vst v63  }
0x1ed: {  	_ = 	snop  }
0x1ee: {  	[tilespmem:s19], [sflag:$0x1] =	stream.indirect.gather [hbm4b:s3+s6], $0x10, s0, s6, $0xb8;
	[tilespmem:$0x8200] =	vst v63  }
0x1ef: {  	_ =	swait.ge [sflag:s7], $0x800  }
0x1f0: {  	[sflag:s7] =	ssyncset.done $0x0  }
0x1f1: {  	[sflag:s7] =	ssyncadd.s32 $0xFFFFF800  }
0x1f2: {  	_ =	swait.ge [sflag:s7], $0x800  }
0x1f3: {  	[sflag:s7] =	ssyncset.done $0x0  }
0x1f4: {  	[sflag:s7] =	ssyncadd.s32 $0xFFFFF800  }
0x1f5: {  	_ =	swait.ge [sflag:s7], $0x800  }
0x1f6: {  	[sflag:s7] =	ssyncset.done $0x0  }
0x1f7: {  	[sflag:s7] =	ssyncadd.s32 $0xFFFFF800  }
0x1f8: {  	_ =	swait.ge [sflag:s7], $0x800  }
0x1f9: {  	[sflag:s7] =	ssyncset.done $0x0  }
0x1fa: {  	[sflag:s7] =	ssyncadd.s32 $0xFFFFF800  }
0x1fb: {  	_ =	swait.ge [sflag:s7], $0x800  }
0x1fc: {  	[sflag:s7] =	ssyncset.done $0x0  }
0x1fd: {  	[sflag:s7] =	ssyncadd.s32 $0xFFFFF800  }
0x1fe: {  	_ =	swait.ge [sflag:s7], $0x800  }
0x1ff: {  	[sflag:s7] =	ssyncset.done $0x0  }
0x200: {  	[sflag:s7] =	ssyncadd.s32 $0xFFFFF800  }
0x201: {  	_ =	swait.ge [sflag:s7], $0x800  }
0x202: {  	[sflag:s7] =	ssyncset.done $0x0  }
0x203: {  	[sflag:s7] =	ssyncadd.s32 $0xFFFFF800  }
0x204: {  	_ =	swait.ge [sflag:s7], $0x800  }
0x205: {  	[sflag:s7] =	ssyncset.done $0x0  }
0x206: {  	[sflag:s7] =	ssyncadd.s32 $0xFFFFF800  }
0x207: {  	_ =	swait.ge [sflag:s7], $0x800  }
0x208: {  	[sflag:s7] =	ssyncset.done $0x0  }
0x209: {  	[sflag:s7] =	ssyncadd.s32 $0xFFFFF800  }
0x20a: {  	_ =	swait.ge [sflag:s7], $0x800  }
0x20b: {  	[sflag:s7] =	ssyncset.done $0x0  }
0x20c: {  	[sflag:s7] =	ssyncadd.s32 $0xFFFFF800  }
0x20d: {  	_ =	swait.ge [sflag:s7], $0x800  }
0x20e: {  	[sflag:s7] =	ssyncset.done $0x0  }
0x20f: {  	[sflag:s7] =	ssyncadd.s32 $0xFFFFF800  }
0x210: {  	_ =	swait.ge [sflag:s7], $0x800  }
0x211: {  	[sflag:s7] =	ssyncset.done $0x0  }
0x212: {  	[sflag:s7] =	ssyncadd.s32 $0xFFFFF800  }
0x213: {  	_ =	swait.ge [sflag:s7], $0x800  }
0x214: {  	[sflag:s7] =	ssyncset.done $0x0  }
0x215: {  	s20 =	rddreg [dreg:$0x6];
	[sflag:s7] =	ssyncadd.s32 $0xFFFFF800  }
0x216: {  	[hbm4b:s20+s2] =	stream.linear.scatter [tilespmem:s5], [sflag:$0x2], $0x6800, $0x38;
	[tilespmem:$0x8200] =	vst v63  }
0x217: {  	_ =	swait.ge [sflag:s4], $0x6800  }
0x218: {  	s0 =	sld [smem:$0x7FC]  }
0x219: {  	[sflag:s4] =	ssyncset.done $0x0  }
0x21a: {  	s20 =	sld [smem:$0x7FD];
	[sflag:s4] =	ssyncadd.s32 $0xFFFF9800  }
0x21b: {  	[tilespmem:s5], [sflag:$0x1] =	stream.indirect.gather [hbm4b:s3+s6], $0x10, s0, s6, $0xb8;
	[tilespmem:$0x8200] =	vst v63  }
0x21c: {  	_ = 	snop  }
0x21d: {  	[tilespmem:s8], [sflag:$0x1] =	stream.indirect.gather [hbm4b:s3+s6], $0x10, s20, s6, $0xb8;
	[tilespmem:$0x8200] =	vst v63  }
0x21e: {  	s20 =	simm.s32 $0x1480  }
0x21f: {  	[tilespmem:s9], [sflag:$0x1] =	stream.indirect.gather [hbm4b:s3+s6], $0x10, s20, s6, $0xb8;
	[tilespmem:$0x8200] =	vst v63  }
0x220: {  	_ = 	snop  }
0x221: {  	[tilespmem:s10], [sflag:$0x1] =	stream.indirect.gather [hbm4b:s3+s6], $0x10, s22, s6, $0xb8;
	[tilespmem:$0x8200] =	vst v63  }
0x222: {  	_ = 	snop  }
0x223: {  	[tilespmem:s11], [sflag:$0x1] =	stream.indirect.gather [hbm4b:s3+s6], $0x10, s23, s6, $0xb8;
	[tilespmem:$0x8200] =	vst v63  }
0x224: {  	_ = 	snop  }
0x225: {  	[tilespmem:s12], [sflag:$0x1] =	stream.indirect.gather [hbm4b:s3+s6], $0x10, s24, s6, $0xb8;
	[tilespmem:$0x8200] =	vst v63  }
0x226: {  	_ = 	snop  }
0x227: {  	[tilespmem:s13], [sflag:$0x1] =	stream.indirect.gather [hbm4b:s3+s6], $0x10, s25, s6, $0xb8;
	[tilespmem:$0x8200] =	vst v63  }
0x228: {  	_ = 	snop  }
0x229: {  	[tilespmem:s14], [sflag:$0x1] =	stream.indirect.gather [hbm4b:s3+s6], $0x10, s26, s6, $0xb8;
	[tilespmem:$0x8200] =	vst v63  }
0x22a: {  	_ = 	snop  }
0x22b: {  	[tilespmem:s15], [sflag:$0x1] =	stream.indirect.gather [hbm4b:s3+s6], $0x10, s28, s6, $0xb8;
	[tilespmem:$0x8200] =	vst v63  }
0x22c: {  	_ = 	snop  }
0x22d: {  	[tilespmem:s16], [sflag:$0x1] =	stream.indirect.gather [hbm4b:s3+s6], $0x10, s29, s6, $0xb8;
	[tilespmem:$0x8200] =	vst v63  }
0x22e: {  	_ = 	snop  }
0x22f: {  	[tilespmem:s17], [sflag:$0x1] =	stream.indirect.gather [hbm4b:s3+s6], $0x10, s30, s6, $0xb8;
	[tilespmem:$0x8200] =	vst v63  }
0x230: {  	_ = 	snop  }
0x231: {  	[tilespmem:s18], [sflag:$0x1] =	stream.indirect.gather [hbm4b:s3+s6], $0x10, s31, s6, $0xb8;
	[tilespmem:$0x8200] =	vst v63  }
0x232: {  	_ = 	snop  }
0x233: {  	[tilespmem:s19], [sflag:$0x1] =	stream.indirect.gather [hbm4b:s3+s6], $0x10, s21, s6, $0xb8;
	[tilespmem:$0x8200] =	vst v63  }
0x234: {  	_ =	swait.ge [sflag:s7], $0x800  }
0x235: {  	[sflag:s7] =	ssyncset.done $0x0  }
0x236: {  	[sflag:s7] =	ssyncadd.s32 $0xFFFFF800  }
0x237: {  	_ =	swait.ge [sflag:s7], $0x800  }
0x238: {  	[sflag:s7] =	ssyncset.done $0x0  }
0x239: {  	[sflag:s7] =	ssyncadd.s32 $0xFFFFF800  }
0x23a: {  	_ =	swait.ge [sflag:s7], $0x800  }
0x23b: {  	[sflag:s7] =	ssyncset.done $0x0  }
0x23c: {  	[sflag:s7] =	ssyncadd.s32 $0xFFFFF800  }
0x23d: {  	_ =	swait.ge [sflag:s7], $0x800  }
0x23e: {  	[sflag:s7] =	ssyncset.done $0x0  }
0x23f: {  	[sflag:s7] =	ssyncadd.s32 $0xFFFFF800  }
0x240: {  	_ =	swait.ge [sflag:s7], $0x800  }
0x241: {  	[sflag:s7] =	ssyncset.done $0x0  }
0x242: {  	[sflag:s7] =	ssyncadd.s32 $0xFFFFF800  }
0x243: {  	_ =	swait.ge [sflag:s7], $0x800  }
0x244: {  	[sflag:s7] =	ssyncset.done $0x0  }
0x245: {  	[sflag:s7] =	ssyncadd.s32 $0xFFFFF800  }
0x246: {  	_ =	swait.ge [sflag:s7], $0x800  }
0x247: {  	[sflag:s7] =	ssyncset.done $0x0  }
0x248: {  	[sflag:s7] =	ssyncadd.s32 $0xFFFFF800  }
0x249: {  	_ =	swait.ge [sflag:s7], $0x800  }
0x24a: {  	[sflag:s7] =	ssyncset.done $0x0  }
0x24b: {  	[sflag:s7] =	ssyncadd.s32 $0xFFFFF800  }
0x24c: {  	_ =	swait.ge [sflag:s7], $0x800  }
0x24d: {  	[sflag:s7] =	ssyncset.done $0x0  }
0x24e: {  	[sflag:s7] =	ssyncadd.s32 $0xFFFFF800  }
0x24f: {  	_ =	swait.ge [sflag:s7], $0x800  }
0x250: {  	[sflag:s7] =	ssyncset.done $0x0  }
0x251: {  	[sflag:s7] =	ssyncadd.s32 $0xFFFFF800  }
0x252: {  	_ =	swait.ge [sflag:s7], $0x800  }
0x253: {  	[sflag:s7] =	ssyncset.done $0x0  }
0x254: {  	[sflag:s7] =	ssyncadd.s32 $0xFFFFF800  }
0x255: {  	_ =	swait.ge [sflag:s7], $0x800  }
0x256: {  	[sflag:s7] =	ssyncset.done $0x0  }
0x257: {  	[sflag:s7] =	ssyncadd.s32 $0xFFFFF800  }
0x258: {  	p1 =	sne.s32 s1, $0x1;
	_ =	swait.ge [sflag:s7], $0x800  }
.Ltmp2:
0x259: {  	[sflag:s7] =	ssyncset.done $0x0;
	(pc) =	sbr.rel @p1 .LBB2_4-.Ltmp2, $4  }
0x25a: {  	s20 =	rddreg [dreg:$0x7];
	[sflag:s7] =	ssyncadd.s32 $0xFFFFF800  }
0x25b: {  	[hbm4b:s20+s2] =	stream.linear.scatter [tilespmem:s5], [sflag:$0x2], $0x6800, $0x38;
	[tilespmem:$0x8200] =	vst v63  }
0x25c: {  	_ =	swait.ge [sflag:s4], $0x6800  }
0x25d: {  	s1 =	sadd.s32 $0xFFFFFFFF, s1;
	s0 =	rddreg [dreg:$0x3];
	[sflag:s4] =	ssyncset.done $0x0  }
0x25e: {  	s31 =	simm.s32 $0x1900;
	s30 =	simm.s32 $0x1880  }
0x25f: {  	s29 =	simm.s32 $0x1800;
	s28 =	simm.s32 $0x1780;
	s26 =	simm.s32 $0x1700  }
0x260: {  	s25 =	simm.s32 $0x1680;
	s24 =	simm.s32 $0x1600;
	s23 =	simm.s32 $0x1580  }
0x261: {  	s22 =	simm.s32 $0x1500;
	s21 =	simm.s32 $0x1480;
	s20 =	stileid.u32  }
.LBB2_6:
0x262: {  	[sflag:s4] =	ssyncadd.s32 @p0 $0xFFFF9800  }
0x263: {  	[tilespmem:s2], [sflag:$0x2] =	stream.linear.gather [hbm4b:s0+s2], $0x1A00, $0x38;
	[tilespmem:$0x8200] =	vst v63  }
0x264: {  	_ =	swait.ge [sflag:s4], $0x1A00  }
0x265: {  	[sflag:s4] =	ssyncset.done $0x0  }
0x266: {  	[sflag:s4] =	ssyncadd.s32 $0xFFFFE600  }
0x267: {  	[tilespmem:s5], [sflag:$0x1] =	stream.indirect.gather [hbm4b:s3+s6], $0x10, s2, s6, $0xb8;
	[tilespmem:$0x8200] =	vst v63  }
0x268: {  	_ = 	snop  }
0x269: {  	[tilespmem:s8], [sflag:$0x1] =	stream.indirect.gather [hbm4b:s3+s6], $0x10, s6, s6, $0xb8;
	[tilespmem:$0x8200] =	vst v63  }
0x26a: {  	s0 =	rddreg [dreg:$0x8]  }
0x26b: {  	[tilespmem:s9], [sflag:$0x1] =	stream.indirect.gather [hbm4b:s3+s6], $0x10, s0, s6, $0xb8;
	[tilespmem:$0x8200] =	vst v63  }
0x26c: {  	s1 =	rddreg [dreg:$0x9]  }
0x26d: {  	[tilespmem:s10], [sflag:$0x1] =	stream.indirect.gather [hbm4b:s3+s6], $0x10, s1, s6, $0xb8;
	[tilespmem:$0x8200] =	vst v63  }
0x26e: {  	s0 =	rddreg [dreg:$0xa]  }
0x26f: {  	[tilespmem:s11], [sflag:$0x1] =	stream.indirect.gather [hbm4b:s3+s6], $0x10, s0, s6, $0xb8;
	[tilespmem:$0x8200] =	vst v63  }
0x270: {  	s1 =	rddreg [dreg:$0xb]  }
0x271: {  	[tilespmem:s12], [sflag:$0x1] =	stream.indirect.gather [hbm4b:s3+s6], $0x10, s1, s6, $0xb8;
	[tilespmem:$0x8200] =	vst v63  }
0x272: {  	s0 =	rddreg [dreg:$0xc]  }
0x273: {  	[tilespmem:s13], [sflag:$0x1] =	stream.indirect.gather [hbm4b:s3+s6], $0x10, s0, s6, $0xb8;
	[tilespmem:$0x8200] =	vst v63  }
0x274: {  	s1 =	rddreg [dreg:$0xd]  }
0x275: {  	[tilespmem:s14], [sflag:$0x1] =	stream.indirect.gather [hbm4b:s3+s6], $0x10, s1, s6, $0xb8;
	[tilespmem:$0x8200] =	vst v63  }
0x276: {  	s0 =	rddreg [dreg:$0xe]  }
0x277: {  	[tilespmem:s15], [sflag:$0x1] =	stream.indirect.gather [hbm4b:s3+s6], $0x10, s0, s6, $0xb8;
	[tilespmem:$0x8200] =	vst v63  }
0x278: {  	s1 =	rddreg [dreg:$0xf]  }
0x279: {  	[tilespmem:s16], [sflag:$0x1] =	stream.indirect.gather [hbm4b:s3+s6], $0x10, s1, s6, $0xb8;
	[tilespmem:$0x8200] =	vst v63  }
0x27a: {  	s0 =	rddreg [dreg:$0x10]  }
0x27b: {  	[tilespmem:s17], [sflag:$0x1] =	stream.indirect.gather [hbm4b:s3+s6], $0x10, s0, s6, $0xb8;
	[tilespmem:$0x8200] =	vst v63  }
0x27c: {  	s1 =	rddreg [dreg:$0x11]  }
0x27d: {  	[tilespmem:s18], [sflag:$0x1] =	stream.indirect.gather [hbm4b:s3+s6], $0x10, s1, s6, $0xb8;
	[tilespmem:$0x8200] =	vst v63  }
0x27e: {  	s0 =	rddreg [dreg:$0x12]  }
0x27f: {  	[tilespmem:s19], [sflag:$0x1] =	stream.indirect.gather [hbm4b:s3+s6], $0x10, s0, s6, $0xb8;
	[tilespmem:$0x8200] =	vst v63  }
0x280: {  	_ =	swait.ge [sflag:s7], $0x800  }
0x281: {  	[sflag:s7] =	ssyncset.done $0x0  }
0x282: {  	[sflag:s7] =	ssyncadd.s32 $0xFFFFF800  }
0x283: {  	_ =	swait.ge [sflag:s7], $0x800  }
0x284: {  	[sflag:s7] =	ssyncset.done $0x0  }
0x285: {  	[sflag:s7] =	ssyncadd.s32 $0xFFFFF800  }
0x286: {  	_ =	swait.ge [sflag:s7], $0x800  }
0x287: {  	[sflag:s7] =	ssyncset.done $0x0  }
0x288: {  	[sflag:s7] =	ssyncadd.s32 $0xFFFFF800  }
0x289: {  	_ =	swait.ge [sflag:s7], $0x800  }
0x28a: {  	[sflag:s7] =	ssyncset.done $0x0  }
0x28b: {  	[sflag:s7] =	ssyncadd.s32 $0xFFFFF800  }
0x28c: {  	_ =	swait.ge [sflag:s7], $0x800  }
0x28d: {  	[sflag:s7] =	ssyncset.done $0x0  }
0x28e: {  	[sflag:s7] =	ssyncadd.s32 $0xFFFFF800  }
0x28f: {  	_ =	swait.ge [sflag:s7], $0x800  }
0x290: {  	[sflag:s7] =	ssyncset.done $0x0  }
0x291: {  	[sflag:s7] =	ssyncadd.s32 $0xFFFFF800  }
0x292: {  	_ =	swait.ge [sflag:s7], $0x800  }
0x293: {  	[sflag:s7] =	ssyncset.done $0x0  }
0x294: {  	[sflag:s7] =	ssyncadd.s32 $0xFFFFF800  }
0x295: {  	_ =	swait.ge [sflag:s7], $0x800  }
0x296: {  	[sflag:s7] =	ssyncset.done $0x0  }
0x297: {  	[sflag:s7] =	ssyncadd.s32 $0xFFFFF800  }
0x298: {  	_ =	swait.ge [sflag:s7], $0x800  }
0x299: {  	[sflag:s7] =	ssyncset.done $0x0  }
0x29a: {  	[sflag:s7] =	ssyncadd.s32 $0xFFFFF800  }
0x29b: {  	_ =	swait.ge [sflag:s7], $0x800  }
0x29c: {  	[sflag:s7] =	ssyncset.done $0x0  }
0x29d: {  	[sflag:s7] =	ssyncadd.s32 $0xFFFFF800  }
0x29e: {  	_ =	swait.ge [sflag:s7], $0x800  }
0x29f: {  	[sflag:s7] =	ssyncset.done $0x0  }
0x2a0: {  	[sflag:s7] =	ssyncadd.s32 $0xFFFFF800  }
0x2a1: {  	_ =	swait.ge [sflag:s7], $0x800  }
0x2a2: {  	[sflag:s7] =	ssyncset.done $0x0  }
0x2a3: {  	[sflag:s7] =	ssyncadd.s32 $0xFFFFF800  }
0x2a4: {  	_ =	swait.ge [sflag:s7], $0x800  }
0x2a5: {  	[sflag:s7] =	ssyncset.done $0x0  }
0x2a6: {  	s1 =	rddreg [dreg:$0x4];
	[sflag:s7] =	ssyncadd.s32 $0xFFFFF800  }
0x2a7: {  	[hbm4b:s1+s2] =	stream.linear.scatter [tilespmem:s5], [sflag:$0x2], $0x6800, $0x38;
	[tilespmem:$0x8200] =	vst v63  }
0x2a8: {  	_ =	swait.ge [sflag:s4], $0x6800  }
0x2a9: {  	[sflag:s4] =	ssyncset.done $0x0  }
0x2aa: {  	s0 =	rddreg [dreg:$0x13];
	[sflag:s4] =	ssyncadd.s32 $0xFFFF9800  }
0x2ab: {  	[tilespmem:s5], [sflag:$0x1] =	stream.indirect.gather [hbm4b:s3+s6], $0x10, s0, s6, $0xb8;
	[tilespmem:$0x8200] =	vst v63  }
0x2ac: {  	s1 =	rddreg [dreg:$0x14]  }
0x2ad: {  	[tilespmem:s8], [sflag:$0x1] =	stream.indirect.gather [hbm4b:s3+s6], $0x10, s1, s6, $0xb8;
	[tilespmem:$0x8200] =	vst v63  }
0x2ae: {  	s0 =	rddreg [dreg:$0x15]  }
0x2af: {  	[tilespmem:s9], [sflag:$0x1] =	stream.indirect.gather [hbm4b:s3+s6], $0x10, s0, s6, $0xb8;
	[tilespmem:$0x8200] =	vst v63  }
0x2b0: {  	s1 =	rddreg [dreg:$0x16]  }
0x2b1: {  	[tilespmem:s10], [sflag:$0x1] =	stream.indirect.gather [hbm4b:s3+s6], $0x10, s1, s6, $0xb8;
	[tilespmem:$0x8200] =	vst v63  }
0x2b2: {  	s0 =	rddreg [dreg:$0x17]  }
0x2b3: {  	[tilespmem:s11], [sflag:$0x1] =	stream.indirect.gather [hbm4b:s3+s6], $0x10, s0, s6, $0xb8;
	[tilespmem:$0x8200] =	vst v63  }
0x2b4: {  	s1 =	rddreg [dreg:$0x18]  }
0x2b5: {  	[tilespmem:s12], [sflag:$0x1] =	stream.indirect.gather [hbm4b:s3+s6], $0x10, s1, s6, $0xb8;
	[tilespmem:$0x8200] =	vst v63  }
0x2b6: {  	s0 =	rddreg [dreg:$0x19]  }
0x2b7: {  	[tilespmem:s13], [sflag:$0x1] =	stream.indirect.gather [hbm4b:s3+s6], $0x10, s0, s6, $0xb8;
	[tilespmem:$0x8200] =	vst v63  }
0x2b8: {  	s1 =	rddreg [dreg:$0x1a]  }
0x2b9: {  	[tilespmem:s14], [sflag:$0x1] =	stream.indirect.gather [hbm4b:s3+s6], $0x10, s1, s6, $0xb8;
	[tilespmem:$0x8200] =	vst v63  }
0x2ba: {  	s0 =	rddreg [dreg:$0x1b]  }
0x2bb: {  	[tilespmem:s15], [sflag:$0x1] =	stream.indirect.gather [hbm4b:s3+s6], $0x10, s0, s6, $0xb8;
	[tilespmem:$0x8200] =	vst v63  }
0x2bc: {  	s1 =	rddreg [dreg:$0x1c]  }
0x2bd: {  	[tilespmem:s16], [sflag:$0x1] =	stream.indirect.gather [hbm4b:s3+s6], $0x10, s1, s6, $0xb8;
	[tilespmem:$0x8200] =	vst v63  }
0x2be: {  	s0 =	rddreg [dreg:$0x1d]  }
0x2bf: {  	[tilespmem:s17], [sflag:$0x1] =	stream.indirect.gather [hbm4b:s3+s6], $0x10, s0, s6, $0xb8;
	[tilespmem:$0x8200] =	vst v63  }
0x2c0: {  	s1 =	rddreg [dreg:$0x1e]  }
0x2c1: {  	[tilespmem:s18], [sflag:$0x1] =	stream.indirect.gather [hbm4b:s3+s6], $0x10, s1, s6, $0xb8;
	[tilespmem:$0x8200] =	vst v63  }
0x2c2: {  	s0 =	rddreg [dreg:$0x1f]  }
0x2c3: {  	[tilespmem:s19], [sflag:$0x1] =	stream.indirect.gather [hbm4b:s3+s6], $0x10, s0, s6, $0xb8;
	[tilespmem:$0x8200] =	vst v63  }
0x2c4: {  	_ =	swait.ge [sflag:s7], $0x800  }
0x2c5: {  	[sflag:s7] =	ssyncset.done $0x0  }
0x2c6: {  	[sflag:s7] =	ssyncadd.s32 $0xFFFFF800  }
0x2c7: {  	_ =	swait.ge [sflag:s7], $0x800  }
0x2c8: {  	[sflag:s7] =	ssyncset.done $0x0  }
0x2c9: {  	[sflag:s7] =	ssyncadd.s32 $0xFFFFF800  }
0x2ca: {  	_ =	swait.ge [sflag:s7], $0x800  }
0x2cb: {  	[sflag:s7] =	ssyncset.done $0x0  }
0x2cc: {  	[sflag:s7] =	ssyncadd.s32 $0xFFFFF800  }
0x2cd: {  	_ =	swait.ge [sflag:s7], $0x800  }
0x2ce: {  	[sflag:s7] =	ssyncset.done $0x0  }
0x2cf: {  	[sflag:s7] =	ssyncadd.s32 $0xFFFFF800  }
0x2d0: {  	_ =	swait.ge [sflag:s7], $0x800  }
0x2d1: {  	[sflag:s7] =	ssyncset.done $0x0  }
0x2d2: {  	[sflag:s7] =	ssyncadd.s32 $0xFFFFF800  }
0x2d3: {  	_ =	swait.ge [sflag:s7], $0x800  }
0x2d4: {  	[sflag:s7] =	ssyncset.done $0x0  }
0x2d5: {  	[sflag:s7] =	ssyncadd.s32 $0xFFFFF800  }
0x2d6: {  	_ =	swait.ge [sflag:s7], $0x800  }
0x2d7: {  	[sflag:s7] =	ssyncset.done $0x0  }
0x2d8: {  	[sflag:s7] =	ssyncadd.s32 $0xFFFFF800  }
0x2d9: {  	_ =	swait.ge [sflag:s7], $0x800  }
0x2da: {  	[sflag:s7] =	ssyncset.done $0x0  }
0x2db: {  	[sflag:s7] =	ssyncadd.s32 $0xFFFFF800  }
0x2dc: {  	_ =	swait.ge [sflag:s7], $0x800  }
0x2dd: {  	[sflag:s7] =	ssyncset.done $0x0  }
0x2de: {  	[sflag:s7] =	ssyncadd.s32 $0xFFFFF800  }
0x2df: {  	_ =	swait.ge [sflag:s7], $0x800  }
0x2e0: {  	[sflag:s7] =	ssyncset.done $0x0  }
0x2e1: {  	[sflag:s7] =	ssyncadd.s32 $0xFFFFF800  }
0x2e2: {  	_ =	swait.ge [sflag:s7], $0x800  }
0x2e3: {  	[sflag:s7] =	ssyncset.done $0x0  }
0x2e4: {  	[sflag:s7] =	ssyncadd.s32 $0xFFFFF800  }
0x2e5: {  	_ =	swait.ge [sflag:s7], $0x800  }
0x2e6: {  	[sflag:s7] =	ssyncset.done $0x0  }
0x2e7: {  	[sflag:s7] =	ssyncadd.s32 $0xFFFFF800  }
0x2e8: {  	_ =	swait.ge [sflag:s7], $0x800  }
0x2e9: {  	[sflag:s7] =	ssyncset.done $0x0  }
0x2ea: {  	s1 =	rddreg [dreg:$0x5];
	[sflag:s7] =	ssyncadd.s32 $0xFFFFF800  }
0x2eb: {  	[hbm4b:s1+s2] =	stream.linear.scatter [tilespmem:s5], [sflag:$0x2], $0x6800, $0x38;
	[tilespmem:$0x8200] =	vst v63  }
0x2ec: {  	_ =	swait.ge [sflag:s4], $0x6800  }
0x2ed: {  	s0 =	sld [smem:$0x7EF]  }
0x2ee: {  	[sflag:s4] =	ssyncset.done $0x0  }
0x2ef: {  	s1 =	sld [smem:$0x7F0];
	[sflag:s4] =	ssyncadd.s32 $0xFFFF9800  }
0x2f0: {  	[tilespmem:s5], [sflag:$0x1] =	stream.indirect.gather [hbm4b:s3+s6], $0x10, s0, s6, $0xb8;
	[tilespmem:$0x8200] =	vst v63  }
0x2f1: {  	s0 =	sld [smem:$0x7F1]  }
0x2f2: {  	[tilespmem:s8], [sflag:$0x1] =	stream.indirect.gather [hbm4b:s3+s6], $0x10, s1, s6, $0xb8;
	[tilespmem:$0x8200] =	vst v63  }
0x2f3: {  	s1 =	sld [smem:$0x7F2]  }
0x2f4: {  	[tilespmem:s9], [sflag:$0x1] =	stream.indirect.gather [hbm4b:s3+s6], $0x10, s0, s6, $0xb8;
	[tilespmem:$0x8200] =	vst v63  }
0x2f5: {  	s0 =	sld [smem:$0x7F3]  }
0x2f6: {  	[tilespmem:s10], [sflag:$0x1] =	stream.indirect.gather [hbm4b:s3+s6], $0x10, s1, s6, $0xb8;
	[tilespmem:$0x8200] =	vst v63  }
0x2f7: {  	s1 =	sld [smem:$0x7F4]  }
0x2f8: {  	[tilespmem:s11], [sflag:$0x1] =	stream.indirect.gather [hbm4b:s3+s6], $0x10, s0, s6, $0xb8;
	[tilespmem:$0x8200] =	vst v63  }
0x2f9: {  	s0 =	sld [smem:$0x7F5]  }
0x2fa: {  	[tilespmem:s12], [sflag:$0x1] =	stream.indirect.gather [hbm4b:s3+s6], $0x10, s1, s6, $0xb8;
	[tilespmem:$0x8200] =	vst v63  }
0x2fb: {  	s1 =	sld [smem:$0x7F6]  }
0x2fc: {  	[tilespmem:s13], [sflag:$0x1] =	stream.indirect.gather [hbm4b:s3+s6], $0x10, s0, s6, $0xb8;
	[tilespmem:$0x8200] =	vst v63  }
0x2fd: {  	s0 =	sld [smem:$0x7F7]  }
0x2fe: {  	[tilespmem:s14], [sflag:$0x1] =	stream.indirect.gather [hbm4b:s3+s6], $0x10, s1, s6, $0xb8;
	[tilespmem:$0x8200] =	vst v63  }
0x2ff: {  	s1 =	sld [smem:$0x7F8]  }
0x300: {  	[tilespmem:s15], [sflag:$0x1] =	stream.indirect.gather [hbm4b:s3+s6], $0x10, s0, s6, $0xb8;
	[tilespmem:$0x8200] =	vst v63  }
0x301: {  	s0 =	sld [smem:$0x7F9]  }
0x302: {  	[tilespmem:s16], [sflag:$0x1] =	stream.indirect.gather [hbm4b:s3+s6], $0x10, s1, s6, $0xb8;
	[tilespmem:$0x8200] =	vst v63  }
0x303: {  	s1 =	sld [smem:$0x7FA]  }
0x304: {  	[tilespmem:s17], [sflag:$0x1] =	stream.indirect.gather [hbm4b:s3+s6], $0x10, s0, s6, $0xb8;
	[tilespmem:$0x8200] =	vst v63  }
0x305: {  	s0 =	sld [smem:$0x7FB]  }
0x306: {  	[tilespmem:s18], [sflag:$0x1] =	stream.indirect.gather [hbm4b:s3+s6], $0x10, s1, s6, $0xb8;
	[tilespmem:$0x8200] =	vst v63  }
0x307: {  	_ = 	snop  }
0x308: {  	[tilespmem:s19], [sflag:$0x1] =	stream.indirect.gather [hbm4b:s3+s6], $0x10, s0, s6, $0xb8;
	[tilespmem:$0x8200] =	vst v63  }
0x309: {  	_ =	swait.ge [sflag:s7], $0x800  }
0x30a: {  	[sflag:s7] =	ssyncset.done $0x0  }
0x30b: {  	[sflag:s7] =	ssyncadd.s32 $0xFFFFF800  }
0x30c: {  	_ =	swait.ge [sflag:s7], $0x800  }
0x30d: {  	[sflag:s7] =	ssyncset.done $0x0  }
0x30e: {  	[sflag:s7] =	ssyncadd.s32 $0xFFFFF800  }
0x30f: {  	_ =	swait.ge [sflag:s7], $0x800  }
0x310: {  	[sflag:s7] =	ssyncset.done $0x0  }
0x311: {  	[sflag:s7] =	ssyncadd.s32 $0xFFFFF800  }
0x312: {  	_ =	swait.ge [sflag:s7], $0x800  }
0x313: {  	[sflag:s7] =	ssyncset.done $0x0  }
0x314: {  	[sflag:s7] =	ssyncadd.s32 $0xFFFFF800  }
0x315: {  	_ =	swait.ge [sflag:s7], $0x800  }
0x316: {  	[sflag:s7] =	ssyncset.done $0x0  }
0x317: {  	[sflag:s7] =	ssyncadd.s32 $0xFFFFF800  }
0x318: {  	_ =	swait.ge [sflag:s7], $0x800  }
0x319: {  	[sflag:s7] =	ssyncset.done $0x0  }
0x31a: {  	[sflag:s7] =	ssyncadd.s32 $0xFFFFF800  }
0x31b: {  	_ =	swait.ge [sflag:s7], $0x800  }
0x31c: {  	[sflag:s7] =	ssyncset.done $0x0  }
0x31d: {  	[sflag:s7] =	ssyncadd.s32 $0xFFFFF800  }
0x31e: {  	_ =	swait.ge [sflag:s7], $0x800  }
0x31f: {  	[sflag:s7] =	ssyncset.done $0x0  }
0x320: {  	[sflag:s7] =	ssyncadd.s32 $0xFFFFF800  }
0x321: {  	_ =	swait.ge [sflag:s7], $0x800  }
0x322: {  	[sflag:s7] =	ssyncset.done $0x0  }
0x323: {  	[sflag:s7] =	ssyncadd.s32 $0xFFFFF800  }
0x324: {  	_ =	swait.ge [sflag:s7], $0x800  }
0x325: {  	[sflag:s7] =	ssyncset.done $0x0  }
0x326: {  	[sflag:s7] =	ssyncadd.s32 $0xFFFFF800  }
0x327: {  	_ =	swait.ge [sflag:s7], $0x800  }
0x328: {  	[sflag:s7] =	ssyncset.done $0x0  }
0x329: {  	[sflag:s7] =	ssyncadd.s32 $0xFFFFF800  }
0x32a: {  	_ =	swait.ge [sflag:s7], $0x800  }
0x32b: {  	[sflag:s7] =	ssyncset.done $0x0  }
0x32c: {  	[sflag:s7] =	ssyncadd.s32 $0xFFFFF800  }
0x32d: {  	_ =	swait.ge [sflag:s7], $0x800  }
0x32e: {  	[sflag:s7] =	ssyncset.done $0x0  }
0x32f: {  	s1 =	rddreg [dreg:$0x6];
	[sflag:s7] =	ssyncadd.s32 $0xFFFFF800  }
0x330: {  	[hbm4b:s1+s2] =	stream.linear.scatter [tilespmem:s5], [sflag:$0x2], $0x6800, $0x38;
	[tilespmem:$0x8200] =	vst v63  }
0x331: {  	_ =	swait.ge [sflag:s4], $0x6800  }
0x332: {  	s0 =	sld [smem:$0x7FC]  }
0x333: {  	[sflag:s4] =	ssyncset.done $0x0  }
0x334: {  	s1 =	sld [smem:$0x7FD];
	[sflag:s4] =	ssyncadd.s32 $0xFFFF9800  }
0x335: {  	[tilespmem:s5], [sflag:$0x1] =	stream.indirect.gather [hbm4b:s3+s6], $0x10, s0, s6, $0xb8;
	[tilespmem:$0x8200] =	vst v63  }
0x336: {  	_ = 	snop  }
0x337: {  	[tilespmem:s8], [sflag:$0x1] =	stream.indirect.gather [hbm4b:s3+s6], $0x10, s1, s6, $0xb8;
	[tilespmem:$0x8200] =	vst v63  }
0x338: {  	_ = 	snop  }
0x339: {  	[tilespmem:s9], [sflag:$0x1] =	stream.indirect.gather [hbm4b:s3+s6], $0x10, s21, s6, $0xb8;
	[tilespmem:$0x8200] =	vst v63  }
0x33a: {  	_ = 	snop  }
0x33b: {  	[tilespmem:s10], [sflag:$0x1] =	stream.indirect.gather [hbm4b:s3+s6], $0x10, s22, s6, $0xb8;
	[tilespmem:$0x8200] =	vst v63  }
0x33c: {  	_ = 	snop  }
0x33d: {  	[tilespmem:s11], [sflag:$0x1] =	stream.indirect.gather [hbm4b:s3+s6], $0x10, s23, s6, $0xb8;
	[tilespmem:$0x8200] =	vst v63  }
0x33e: {  	_ = 	snop  }
0x33f: {  	[tilespmem:s12], [sflag:$0x1] =	stream.indirect.gather [hbm4b:s3+s6], $0x10, s24, s6, $0xb8;
	[tilespmem:$0x8200] =	vst v63  }
0x340: {  	_ = 	snop  }
0x341: {  	[tilespmem:s13], [sflag:$0x1] =	stream.indirect.gather [hbm4b:s3+s6], $0x10, s25, s6, $0xb8;
	[tilespmem:$0x8200] =	vst v63  }
0x342: {  	_ = 	snop  }
0x343: {  	[tilespmem:s14], [sflag:$0x1] =	stream.indirect.gather [hbm4b:s3+s6], $0x10, s26, s6, $0xb8;
	[tilespmem:$0x8200] =	vst v63  }
0x344: {  	_ = 	snop  }
0x345: {  	[tilespmem:s15], [sflag:$0x1] =	stream.indirect.gather [hbm4b:s3+s6], $0x10, s28, s6, $0xb8;
	[tilespmem:$0x8200] =	vst v63  }
0x346: {  	_ = 	snop  }
0x347: {  	[tilespmem:s16], [sflag:$0x1] =	stream.indirect.gather [hbm4b:s3+s6], $0x10, s29, s6, $0xb8;
	[tilespmem:$0x8200] =	vst v63  }
0x348: {  	_ = 	snop  }
0x349: {  	[tilespmem:s17], [sflag:$0x1] =	stream.indirect.gather [hbm4b:s3+s6], $0x10, s30, s6, $0xb8;
	[tilespmem:$0x8200] =	vst v63  }
0x34a: {  	_ = 	snop  }
0x34b: {  	[tilespmem:s18], [sflag:$0x1] =	stream.indirect.gather [hbm4b:s3+s6], $0x10, s31, s6, $0xb8;
	[tilespmem:$0x8200] =	vst v63  }
0x34c: {  	s30 =	simm.s32 $0x1980  }
0x34d: {  	[tilespmem:s19], [sflag:$0x1] =	stream.indirect.gather [hbm4b:s3+s6], $0x10, s30, s6, $0xb8;
	[tilespmem:$0x8200] =	vst v63  }
0x34e: {  	_ =	swait.ge [sflag:s7], $0x800  }
0x34f: {  	[sflag:s7] =	ssyncset.done $0x0  }
0x350: {  	[sflag:s7] =	ssyncadd.s32 $0xFFFFF800  }
0x351: {  	_ =	swait.ge [sflag:s7], $0x800  }
0x352: {  	[sflag:s7] =	ssyncset.done $0x0  }
0x353: {  	[sflag:s7] =	ssyncadd.s32 $0xFFFFF800  }
0x354: {  	_ =	swait.ge [sflag:s7], $0x800  }
0x355: {  	[sflag:s7] =	ssyncset.done $0x0  }
0x356: {  	[sflag:s7] =	ssyncadd.s32 $0xFFFFF800  }
0x357: {  	_ =	swait.ge [sflag:s7], $0x800  }
0x358: {  	[sflag:s7] =	ssyncset.done $0x0  }
0x359: {  	[sflag:s7] =	ssyncadd.s32 $0xFFFFF800  }
0x35a: {  	_ =	swait.ge [sflag:s7], $0x800  }
0x35b: {  	[sflag:s7] =	ssyncset.done $0x0  }
0x35c: {  	[sflag:s7] =	ssyncadd.s32 $0xFFFFF800  }
0x35d: {  	_ =	swait.ge [sflag:s7], $0x800  }
0x35e: {  	[sflag:s7] =	ssyncset.done $0x0  }
0x35f: {  	[sflag:s7] =	ssyncadd.s32 $0xFFFFF800  }
0x360: {  	_ =	swait.ge [sflag:s7], $0x800  }
0x361: {  	[sflag:s7] =	ssyncset.done $0x0  }
0x362: {  	[sflag:s7] =	ssyncadd.s32 $0xFFFFF800  }
0x363: {  	_ =	swait.ge [sflag:s7], $0x800  }
0x364: {  	[sflag:s7] =	ssyncset.done $0x0  }
0x365: {  	[sflag:s7] =	ssyncadd.s32 $0xFFFFF800  }
0x366: {  	_ =	swait.ge [sflag:s7], $0x800  }
0x367: {  	[sflag:s7] =	ssyncset.done $0x0  }
0x368: {  	[sflag:s7] =	ssyncadd.s32 $0xFFFFF800  }
0x369: {  	_ =	swait.ge [sflag:s7], $0x800  }
0x36a: {  	[sflag:s7] =	ssyncset.done $0x0  }
0x36b: {  	[sflag:s7] =	ssyncadd.s32 $0xFFFFF800  }
0x36c: {  	_ =	swait.ge [sflag:s7], $0x800  }
0x36d: {  	[sflag:s7] =	ssyncset.done $0x0  }
0x36e: {  	[sflag:s7] =	ssyncadd.s32 $0xFFFFF800  }
0x36f: {  	_ =	swait.ge [sflag:s7], $0x800  }
0x370: {  	[sflag:s7] =	ssyncset.done $0x0  }
0x371: {  	[sflag:s7] =	ssyncadd.s32 $0xFFFFF800  }
0x372: {  	_ =	swait.ge [sflag:s7], $0x800  }
0x373: {  	[sflag:s7] =	ssyncset.done $0x0  }
0x374: {  	s31 =	rddreg [dreg:$0x7];
	[sflag:s7] =	ssyncadd.s32 $0xFFFFF800  }
0x375: {  	[hbm4b:s31+s2] =	stream.linear.scatter [tilespmem:s5], [sflag:$0x2], $0x6800, $0x38;
	[tilespmem:$0x8200] =	vst v63  }
0x376: {  	_ =	swait.ge [sflag:s4], $0x6800  }
0x377: {  	[sflag:s4] =	ssyncset.done $0x0  }
0x378: {  	[sflag:s4] =	ssyncadd.s32 $0xFFFF9800  }
0x379: {  	_ =	sfence.sel $0x180000  }
0x37a: {  	[bflag:$0x0] =	sbarrier.arrive $0xFFFF  }
0x37b: {  	_ =	strace $0x9000004A  }
0x37c: {  	[bflag:$0x2] =	sbarrier.arrive $0xFFFF  }
0x37d: {  	p0 =	sne.s32 s20, $0x0;
	s0 =	rddreg [dreg:$0x2]  }
0x37e: {  	s0 =	sadd.s32 @!p0 $0x100000, s0  }
0x37f: {  	[sflag:s0] =	ssyncadd.tile.s32 @!p0 $0x1;
	_ =	shalt  }
.LBB2_1:
.Ltmp3:
0x380: {  	(pc) =	sbr.rel .LBB2_6-.Ltmp3, $4  }
0x381: {  	s31 =	simm.s32 $0x1900  }
0x382: {  	s30 =	simm.s32 $0x1880;
	s29 =	simm.s32 $0x1800;
	s28 =	simm.s32 $0x1780  }
0x383: {  	s26 =	simm.s32 $0x1700;
	s25 =	simm.s32 $0x1680;
	s24 =	simm.s32 $0x1600  }
0x384: {  	s23 =	simm.s32 $0x1580;
	s22 =	simm.s32 $0x1500;
	s21 =	simm.s32 $0x1480  }
.LBB2_3:
.Ltmp4:
0x385: {  	(pc) =	sbr.rel .LBB2_6-.Ltmp4, $4  }
0x386: {  	s31 =	simm.s32 $0x1900;
	s30 =	simm.s32 $0x1880  }
0x387: {  	s29 =	simm.s32 $0x1800;
	s28 =	simm.s32 $0x1780;
	s26 =	simm.s32 $0x1700  }
0x388: {  	s25 =	simm.s32 $0x1680;
	s24 =	simm.s32 $0x1600;
	s23 =	simm.s32 $0x1580  }
0x389: {  	s22 =	simm.s32 $0x1500;
	s21 =	simm.s32 $0x1480;
	s20 =	stileid.u32  }
.Lfunc_end2:
_tile_overlayer_lowered:
.L_overlay_start_2:
0x38a: {  	(tag) =	ssettag $0x2  }
0x38b: {  	s0 =	rddreg [dreg:$0x0];
	s2 =	stileid.u32  }
0x38c: {  	s1 =	rddreg [dreg:$0x1];
	p0 =	sne.s32 s2, $0x0  }
0x38d: {  	s3 =	rddreg [dreg:$0x2];
	[bflag:$0x3] =	sbarrier.arrive $0xFFFF;
	s2 =	simm.s32 @!p0 $0x1C02  }
0x38e: {  	[timem:s3], [sflag:s2] =	dma.local @!p0 [hbm:s0], s1  }
0x38f: {  	s0 =	simm.s32 @!p0 $0x2  }
0x390: {  	_ =	swait.ge @!p0 [sflag:s0], s1  }
0x391: {  	s1 =	ssub.s32 @!p0 $0x0, s1;
	[sflag:s0] =	ssyncset.done @!p0 $0x0  }
0x392: {  	[sflag:s0] =	ssyncadd.s32 @!p0 s1  }
0x393: {  	[bflag:$0x3] =	sbarrier.arrive $0xFFFF  }
0x394: {  	_ =	shalt  }

// kernel: sparse-core-data-format-call.cloned.1.call-start
scs
called_computation_lowered:
.L_overlay_start_0:
0x0: {  	s2 =	sld [smem:$0x3FD9]  }
0x1: {  	s3 =	sld [smem:$0x3FFE];
	_ =	sdelay $0x1  }
0x2: {  	s1 =	srdreg.scid  }
0x3: {  	s0 =	sand.u32 $0x1, s1  }
0x4: {  	s18 =	sshll.u32 s0, $0xA;
	s2 =	sadd.s32 s3, s2  }
0x5: {  	s2 =	sadd.s32 s2, s18  }
0x6: {  	[smem:$0x3FC6] =	sst s2  }
0x7: {  	_ = 	snop  }
0x8: {  	s2 =	sld [smem:$0x3FD0];
	(tm) =	ssettm $0x1  }
0x9: {  	s19 =	sld [smem:$0x3FFB];
	_ =	sdelay $0x3  }
0xa: {  	_ =	strace s19  }
0xb: {  	s3 =	sld [smem:$0x3FFC];
	_ =	sdelay $0x3  }
0xc: {  	_ =	strace s3  }
0xd: {  	s3 =	sld [smem:$0x3FFD];
	_ =	sdelay $0x3  }
0xe: {  	_ =	strace s3  }
0xf: {  	_ =	strace $0x8FFFFFFF  }
0x10: {  	s20 =	sld [smem:$0x3FDB];
	_ =	sdelay $0x1  }
0x11: {  	s4 =	simm.s32 $_scs_section_size  }
0x12: {  	s5 =	simm.s32 $_size__tile_overlayer_lowered;
	s6 =	simm.s32 $_tile_overlayer_lowered  }
0x13: {  	s23 =	simm.s32 $0x1BFF;
	s22 =	sshll.u32 s6, $0x1;
	s3 =	sadd.s32 s4, s20  }
0x14: {  	s7 =	simm.s32 $0x0;
	s21 =	sshll.u32 s5, $0x1;
	s5 =	sadd.s32 s22, s3  }
0x15: {  	[timem:s7], [sflag:s23] =	dma.local [hbm:s5], s21  }
0x16: {  	_ =	swait.ge [sflag:s23], s21  }
0x17: {  	s4 =	ssub.s32 $0x0, s21;
	[sflag:s23] =	ssyncset.done $0x0  }
0x18: {  	[sflag:s23] =	ssyncadd.s32 s4;
	_ =	sdelay $0x1  }
0x19: {  	s24 =	simm.s32 $0x1B8B  }
0x1a: {  	_ =	swait.ge [sflag:s24], $0x1  }
0x1b: {  	[sflag:s24] =	ssyncset.done $0x0  }
0x1c: {  	s26 =	simm.s32 $0x1B8E;
	s25 =	sld [smem:$0x3FFE];
	[sflag:s24] =	ssyncadd.s32 $0xFFFFFFFF  }
0x1d: {  	s27 =	simm.s32 $execute0_lowered;
	[smem:$0x3FD2] =	sst s26  }
0x1e: {  	s5 =	sshll.u32 s27, $0x1;
	_ =	strace $0x8000004C;
	[dreg:$0x1] =	wrdreg $0xFFFFFFFF  }
0x1f: {  	s28 =	simm.s32 $_size_execute0_lowered;
	s3 =	sadd.s32 s3, s5;
	[dreg:$0x0] =	wrdreg $0x0  }
0x20: {  	s5 =	sshll.u32 s28, $0x1;
	[dreg:$0x2] =	wrdreg s3  }
0x21: {  	[dreg:$0x3] =	wrdreg s5  }
0x22: {  	[dreg:$0x4] =	wrdreg $0xC0  }
0x23: {  	_ =	task [dreg:s7], $0x5FFFF  }
0x24: {  	[dreg:$0x1] =	wrdreg $0xFFFFFFFF  }
0x25: {  	[dreg:$0x0] =	wrdreg $0x60  }
0x26: {  	[dreg:$0x2] =	wrdreg s25  }
0x27: {  	[dreg:$0x3] =	wrdreg s2  }
0x28: {  	[dreg:$0x4] =	wrdreg $0x9  }
0x29: {  	_ =	task.clear_ibuf [dreg:s7], $0x5FFFF;
	_ =	strace $0x9000004C  }
0x2a: {  	s29 =	simm.s32 $0x9;
	_ =	strace $0x8000004E  }
0x2b: {  	_ =	swait.ge [sflag:s29], $0x1  }
0x2c: {  	[sflag:s29] =	ssyncadd.s32 $0xFFFFFFFF  }
0x2d: {  	_ =	strace $0x9000004E  }
0x2e: {  	_ =	sfence  }
0x2f: {  	s30 =	sld [smem:$0x0];
	_ =	sdelay $0x2  }
0x30: {  	s31 =	sshll.u32 s1, $0xD;
	s1 =	sshrl.u32 s1, $0x2  }
0x31: {  	s3 =	sand.u32 $0x4000, s31;
	s1 =	sadd.s32 s1, s30  }
0x32: {  	s0 =	sor.u32 s3, s0;
	s1 =	sshll.u32 s1, $0x11  }
0x33: {  	s0 =	sor.u32 s1, s0  }
0x34: {  	s0 =	sadd.s32 $0x8F2B, s0  }
0x35: {  	[sflag:s0] =	ssyncadd.remote.s32 $0x1  }
0x36: {  	_ =	sfence.sel $0xFFFF  }
0x37: {  	[dreg:$0x0] =	wrdreg $0xFFFFFFFF;
	(pc) =	sbr.abs _section_cstart, $3  }
0x38: {  	[dreg:$0x1] =	wrdreg $0xFFFFFFFF  }
0x39: {  	_ =	task.clear_ibuf [dreg:s7], $0x2FFFF;
	_ =	strace $0x9FFFFFFF  }
0x3a: {  	(tm) =	ssettm $0x7FFFFFFF  }
0x3b: {  	_ =	shalt  }
tec
execute0_lowered:
.L_overlay_start_1:
0x0: {  	(tag) =	ssettag $0x1  }
0x1: {  	s0 =	srdreg.scid  }
0x2: {  	s1 =	sshll.u32 s0, $0x4  }
0x3: {  	s6 =	rddreg [dreg:$0x0];
	s0 =	stileid.u32;
	s1 =	sand.u32 $0x10, s1  }
0x4: {  	s3 =	rddreg [dreg:$0x1];
	s1 =	sor.u32 s0, s1  }
0x5: {  	s5 =	simm.s32 $0x1;
	s31 =	simm.s32 $0x2;
	s2 =	sshll.u32 s1, $0x7  }
0x6: {  	s15 =	simm.s32 $0x0;
	s8 =	simm.s32 $0x8000;
	s4 =	ssub.s32 $0x1000, s2  }
0x7: {  	s14 =	simm.s32 $0x0;
	s9 =	simm.s32 $0x0;
	s30 =	sand.u32 $0xF80, s4  }
0x8: {  	s10 =	simm.s32 $0x0;
	s11 =	simm.s32 $0x0;
	p0 =	sne.s32 s30, $0x0  }
.Ltmp0:
0x9: {  	s7 =	sshrl.u32 s4, $0xC;
	s5 =	simm.s32 @!p0 $0x0;
	(pc) =	sbr.rel .LBB1_1-.Ltmp0, $4  }
0xa: {  	s13 =	simm.s32 $0x0;
	s1 =	rddreg [dreg:$0x2];
	s5 =	sadd.s32 s5, s7  }
0xb: {  	_ =	strace $0x8000004D;
	s4 =	simm.s32 $0x1;
	s5 =	smul.u32 $0x29, s5  }
0xc: {  	s6 =	sadd.s32 $0x226200, s6;
	s12 =	smov.u32 s2;
	[sflag:s4] =	ssyncpa.u1 $0x0  }
0xd: {  	[sflag:s31] =	ssyncpa.u1 $0x0;
	p0 =	por $0x0, $0x0;
	s7 =	sadd.s32 $0x1, s5  }
.LBB1_4:
0xe: {  	s20 =	sshra.s32 s20, $0x2  }
0xf: {  	s28 =	sand.u32 $0x78, s10;
	s21 =	sshll.u32 s9, $0xC;
	s22 =	sshll.u32 s10, $0x3  }
0x10: {  	s24 =	sshll.u32 s9, $0x7;
	p1 =	sgt.s32 s9, $0x13D0;
	s30 =	sshra.s32 s9, $0x1F  }
0x11: {  	s26 =	sshra.s32 s10, $0x1F;
	s19 =	sadd.s32 s20, s19;
	s21 =	sand.u32 $0xFFFF8000, s21  }
0x12: {  	v5 =	vld [tilespmem:s17+$0xFFFFFFD0];
	[tilespmem:s18+$0x2040 ss:$0x81] =	vst.msk $0xffff, v4;
	s23 =	sand.u32 $0xFFFFFC00, s22;
	s29 =	sand.u32 $0x380, s24;
	s22 =	sand.u32 $0xC00, s22  }
0x13: {  	v58 =	vld [tilespmem:s17+$0xFFFFFFE0];
	[tilespmem:s18+$0x2850 ss:$0x81] =	vst.msk $0xffff, v3;
	s21 =	sadd.s32 s23, s21;
	s20 =	sor.u32 s28, s22;
	s22 =	smov.u32 s9  }
0x14: {  	v59 =	vld [tilespmem:s17+$0xFFFFFFF0];
	[tilespmem:s18+$0x3060 ss:$0x81] =	vst.msk $0xffff, v2;
	s24 =	sand.u32 s30, s9;
	s21 =	sshrl.u32 s21, $0xC;
	s22 =	simm.s32 @!p1 $0x13D0  }
0x15: {  	v60 =	vld [tilespmem:s17+$0x0];
	[tilespmem:s18+$0x0 ss:$0x81] =	vst.msk $0xffff, v1;
	p1 =	sgt.s32 s10, $0xF80;
	s31 =	ssub.s32 s22, s24;
	s22 =	smov.u32 s10  }
0x16: {  	v61 =	vld [tilespmem:s17+$0x10];
	[tilespmem:s19+$0x3870 ss:$0x81] =	vst.msk $0xffff, v0;
	s25 =	smulhi.u32 $0xC9A64, s21;
	s24 =	sand.u32 s26, s10;
	s22 =	simm.s32 @!p1 $0xF80  }
0x17: {  	v62 =	vld [tilespmem:s17+$0x20];
	s20 =	sor.u32 s29, s20;
	[tilespmem:s19+$0x810 ss:$0x81] =	vst.msk $0xffff, v5;
	s27 =	sadd.s32 $0xFFFFEC30, s31;
	s22 =	ssub.s32 s22, s24  }
0x18: {  	v63 =	vld [tilespmem:s17+$0xFFFFFFC0];
	[tilespmem:s19+$0x1020 ss:$0x81] =	vst.msk $0xffff, v58;
	s18 =	ssub.s32 $0x1450, s31;
	s28 =	smul.u32 $0x1450, s25;
	s29 =	sadd.s32 $0xFFFFF080, s22  }
0x19: {  	[tilespmem:s19+$0x1830 ss:$0x81] =	vst.msk $0xffff, v59;
	p1 =	sgt.s32 s27, $0x7F;
	s22 =	ssub.s32 $0x1000, s22;
	p2 =	sgt.s32 s29, $0x7F  }
0x1a: {  	s30 =	sand.u32 $0x7, s10;
	[tilespmem:s19+$0x2040 ss:$0x81] =	vst.msk $0xffff, v60;
	s18 =	simm.s32 @p1 $0x0;
	s22 =	simm.s32 @p2 $0x0  }
0x1b: {  	s20 =	sshrl.u32 s20, $0x3;
	[tilespmem:s19+$0x2850 ss:$0x81] =	vst.msk $0xffff, v61;
	s17 =	ssub.s32 s21, s28;
	s18 =	smul.u32 s22, s18  }
0x1c: {  	[tilespmem:s19+$0x3060 ss:$0x81] =	vst.msk $0xffff, v62;
	s20 =	sadd.s32 s3, s20;
	s21 =	sshll.u32 s30, $0x12;
	s17 =	sshll.u32 s17, $0x9  }
0x1d: {  	[tilespmem:s19+$0x0 ss:$0x81] =	vst.msk $0xffff, v63;
	s31 =	sor.u32 $0x400, s21;
	s17 =	sadd.s32 s17, s20;
	s18 =	sand.u32 $0x3FFFFFFF, s18  }
0x1e: {  	[hbm4b:s17+s31] =	stream.strided.scatter [tilespmem:s16], [sflag:$0x2], s18, s8, s31, $0x20;
	[tilespmem:$0x10100] =	vst v63  }
.LBB1_5:
0x1f: {  	p1 =	slt.u32 s13, $0x2  }
0x20: {  	s17 =	smov.u32 s15;
	p2 =	sgt.s32 @!p1 s15, $0x13D0;
	s16 =	sshra.s32 @!p1 s15, $0x1F  }
0x21: {  	p3 =	sgt.s32 @!p1 s14, $0xF80;
	s18 =	sshra.s32 @!p1 s14, $0x1F;
	p2 =	por !p2, p1  }
0x22: {  	s15 =	sand.u32 @!p1 s16, s15;
	p3 =	por !p3, p1;
	s16 =	smov.u32 s14  }
0x23: {  	s14 =	sand.u32 @!p1 s18, s14;
	s17 =	simm.s32 @p2 $0x13D0;
	s16 =	simm.s32 @p3 $0xF80  }
0x24: {  	s15 =	ssub.s32 @!p1 s17, s15;
	s14 =	ssub.s32 @!p1 s16, s14  }
0x25: {  	s18 =	smov.u32 s12;
	s16 =	sadd.s32 @!p1 $0xFFFFEC30, s15;
	s17 =	sadd.s32 @!p1 $0xFFFFF080, s14  }
0x26: {  	s15 =	ssub.s32 @!p1 $0x1450, s15;
	p2 =	sgt.s32 @!p1 s16, $0x7F;
	p3 =	sgt.s32 @!p1 s17, $0x7F  }
0x27: {  	s14 =	ssub.s32 @!p1 $0x1000, s14;
	p2 =	por !p2, p1;
	p3 =	por !p3, p1  }
0x28: {  	s16 =	sadd.s32 $0x80, s11;
	s15 =	simm.s32 @!p2 $0x0;
	s14 =	simm.s32 @!p3 $0x0  }
0x29: {  	p2 =	sgt.s32 s16, $0x144F;
	s14 =	smul.u32 @!p1 s14, s15;
	s15 =	sadd.s32 $0x1000, s12  }
0x2a: {  	s18 =	smov.u32 @p2 s15  }
0x2b: {  	s16 =	simm.s32 @p2 $0x0;
	p2 =	sgt.s32 s18, $0xFFF  }
0x2c: {  	s18 =	smov.u32 @p2 s2;
	p2 =	sne.s32 s13, s7  }
.Ltmp1:
0x2d: {  	p0 =	por !p0, !p0;
	s17 =	simm.s32 @!p1 $0x2;
	(pc) =	sbr.rel @!p2 .LBB1_6-.Ltmp1, $4  }
0x2e: {  	s15 =	smov.u32 s9;
	s9 =	smov.u32 s11;
	s14 =	sand.u32 @!p1 $0x3FFFFFFF, s14  }
0x2f: {  	s11 =	smov.u32 s16;
	_ =	swait.ge @!p1 [sflag:s17], s14;
	s19 =	ssub.s32 @!p1 $0x0, s14  }
0x30: {  	s14 =	smov.u32 s10;
	s13 =	sadd.s32 $0x1, s13;
	[sflag:s17] =	ssyncset.done @!p1 $0x0  }
0x31: {  	s10 =	smov.u32 s12;
	s12 =	smov.u32 s18;
	[sflag:s17] =	ssyncadd.s32 @!p1 s19  }
.LBB1_1:
0x32: {  	p1 =	sge.u32 s13, s5  }
0x33: {  	s16 =	sshrl.u32 @!p1 s12, $0x3  }
0x34: {  	s17 =	sshll.u32 @!p1 s11, $0x3;
	s16 =	smul.u32 @!p1 $0xA400, s16  }
0x35: {  	s18 =	sshll.u32 @!p1 s12, $0x7;
	s17 =	sand.u32 @!p1 $0xFFFFFC00, s17  }
0x36: {  	s16 =	sadd.s32 @!p1 s16, s17;
	s17 =	sand.u32 @!p1 $0x380, s18  }
0x37: {  	s18 =	sand.u32 @!p1 $0x7F, s11;
	s16 =	sor.u32 @!p1 s17, s16  }
0x38: {  	s17 =	sor.u32 @!p1 s18, s16  }
0x39: {  	s18 =	smulhi.u32 @!p1 $0xC7CE0C7D, s17;
	_ =	sdelay $0x1  }
0x3a: {  	s16 =	smulhi.u32 @!p1 $0xC7CE0C7D, s16;
	s18 =	sshrl.u32 @!p1 s18, $0xC  }
0x3b: {  	s18 =	smul.u32 @!p1 $0x1480, s18  }
0x3c: {  	s31 =	sadd.s32 $0xFFFFFFFF, s13;
	s19 =	sxor.u32 @!p1 $0xFFFFFFFF, s13;
	s16 =	sshrl.u32 @!p1 s16, $0xC  }
0x3d: {  	s19 =	sshll.u32 @!p1 s19, $0xE;
	s16 =	sand.u32 @!p1 $0xFFF, s16;
	s17 =	ssub.s32 @!p1 s17, s18  }
0x3e: {  	s16 =	smul.u32 @!p1 $0x290, s16;
	s18 =	sshrl.u32 @!p1 s17, $0x3;
	s17 =	sand.u32 @!p1 $0x7, s17  }
0x3f: {  	s19 =	sand.u32 @!p1 $0x4000, s19;
	s18 =	sadd.s32 @!p1 s6, s18;
	s17 =	sshll.u32 @!p1 s17, $0x12  }
0x40: {  	s16 =	sadd.s32 @!p1 s16, s18;
	s17 =	sor.u32 @!p1 $0x400, s17;
	s18 =	simm.s32 @!p1 $0xA400  }
0x41: {  	[tilespmem:s19], [sflag:$0x1] =	stream.strided.gather @!p1 [hbm4b:s16+s17], $0x4000, s18, s17, $0x38;
	[tilespmem:$0x10100] =	vst v63  }
0x42: {  	p1 =	sge.u32 s31, s5  }
.Ltmp2:
0x43: {  	_ = 	snop;
	(pc) =	sbr.rel @p1 .LBB1_5-.Ltmp2, $1  }
0x44: {  	_ =	sdelay $0x3  }
0x45: {  	s16 =	simm.s32 $0x1  }
0x46: {  	_ =	swait.ge [sflag:s4], $0x4000;
	s16 =	simm.s32 @!p0 $0x0  }
0x47: {  	[sflag:s4] =	ssyncset.done $0x0;
	s17 =	sshll.u32 s16, $0xE  }
0x48: {  	[sflag:s4] =	ssyncadd.s32 $0xFFFFC000;
	s17 =	sor.u32 $0x40, s17  }
0x49: {  	s16 =	smul.u32 $0x10200, s16;
	v0 =	vld [tilespmem:s17+$0x30]  }
0x4a: {  	v1 =	vld [tilespmem:s17+$0xFFFFFFD0]  }
0x4b: {  	s16 =	sshrl.u32 s16, $0x2;
	v5 =	vld [tilespmem:s17+$0xFFFFFFE0]  }
0x4c: {  	v6 =	vld [tilespmem:s17+$0xFFFFFFF0];
	s19 =	sor.u32 $0x8000, s16  }
0x4d: {  	s31 =	sand.u32 $0x1, s13;
	v4 =	vld [tilespmem:s17+$0x0];
	s18 =	sadd.s32 $0x0, s19  }
0x4e: {  	v3 =	vld [tilespmem:s17+$0x10];
	s16 =	smul.u32 $0x10200, s31;
	[tilespmem:s18+$0x3870 ss:$0x81] =	vst.msk $0xffff, v0  }
0x4f: {  	v2 =	vld [tilespmem:s17+$0x20];
	[tilespmem:s18+$0x810 ss:$0x81] =	vst.msk $0xffff, v1  }
0x50: {  	s16 =	sshrl.u32 s16, $0x2;
	v1 =	vld [tilespmem:s17+$0xFFFFFFC0];
	[tilespmem:s18+$0x1020 ss:$0x81] =	vst.msk $0xffff, v5;
	s17 =	sadd.s32 $0x80, s17  }
0x51: {  	s20 =	simm.s32 $0x4;
	s21 =	simm.s32 $0x8;
	s16 =	sor.u32 $0x8000, s16;
	[tilespmem:s18+$0x1830 ss:$0x81] =	vst.msk $0xffff, v6;
	v0 =	vld [tilespmem:s17+$0x30]  }
.LBB1_3:
0x52: {  	p1 =	sne.s32 s21, $0x1FC;
	v5 =	vld [tilespmem:s17+$0xFFFFFFD0];
	[tilespmem:s18+$0x2040 ss:$0x81] =	vst.msk $0xffff, v4  }
0x53: {  	v6 =	vld [tilespmem:s17+$0xFFFFFFE0];
	[tilespmem:s18+$0x2850 ss:$0x81] =	vst.msk $0xffff, v3  }
0x54: {  	s22 =	sshra.s32 s20, $0x2;
	s20 =	smov.u32 s21;
	v7 =	vld [tilespmem:s17+$0xFFFFFFF0];
	[tilespmem:s18+$0x3060 ss:$0x81] =	vst.msk $0xffff, v2  }
.Ltmp3:
0x55: {  	v4 =	vld [tilespmem:s17+$0x0];
	[tilespmem:s18+$0x0 ss:$0x81] =	vst.msk $0xffff, v1;
	s18 =	sadd.s32 s22, s19;
	(pc) =	sbr.rel @p1 .LBB1_3-.Ltmp3, $4  }
0x56: {  	v3 =	vld [tilespmem:s17+$0x10];
	[tilespmem:s18+$0x3870 ss:$0x81] =	vst.msk $0xffff, v0  }
0x57: {  	[tilespmem:s18+$0x810 ss:$0x81] =	vst.msk $0xffff, v5;
	v2 =	vld [tilespmem:s17+$0x20]  }
0x58: {  	v1 =	vld [tilespmem:s17+$0xFFFFFFC0];
	[tilespmem:s18+$0x1020 ss:$0x81] =	vst.msk $0xffff, v6;
	s17 =	sadd.s32 $0x80, s17  }
0x59: {  	s21 =	sadd.s32 $0x4, s21;
	v0 =	vld [tilespmem:s17+$0x30];
	[tilespmem:s18+$0x1830 ss:$0x81] =	vst.msk $0xffff, v7  }
.Ltmp4:
0x5a: {  	_ = 	snop;
	(pc) =	sbr.rel .LBB1_4-.Ltmp4, $1  }
0x5b: {  	_ =	sdelay $0x3  }
.LBB1_6:
0x5c: {  	_ =	sfence.sel $0x180000  }
0x5d: {  	s2 =	simm.s32 $0x1;
	[bflag:$0x0] =	sbarrier.arrive $0xFFFF  }
0x5e: {  	s31 =	simm.s32 $0x2;
	[sflag:s2] =	ssyncpa.u1 $0x1  }
0x5f: {  	[sflag:s31] =	ssyncpa.u1 $0x1  }
0x60: {  	p0 =	sne.s32 s0, $0x0;
	_ =	strace $0x9000004D  }
0x61: {  	s0 =	sadd.s32 @!p0 $0x100000, s1;
	[bflag:$0x2] =	sbarrier.arrive $0xFFFF  }
0x62: {  	[sflag:s0] =	ssyncadd.tile.s32 @!p0 $0x1;
	_ =	shalt  }
.Lfunc_end1:
_tile_overlayer_lowered:
.L_overlay_start_2:
0x63: {  	(tag) =	ssettag $0x2  }
0x64: {  	s0 =	rddreg [dreg:$0x0];
	s2 =	stileid.u32  }
0x65: {  	s1 =	rddreg [dreg:$0x1];
	p0 =	sne.s32 s2, $0x0  }
0x66: {  	s3 =	rddreg [dreg:$0x2];
	[bflag:$0x3] =	sbarrier.arrive $0xFFFF;
	s2 =	simm.s32 @!p0 $0x1C01  }
0x67: {  	[timem:s3], [sflag:s2] =	dma.local @!p0 [hbm:s0], s1  }
0x68: {  	s0 =	simm.s32 @!p0 $0x1  }
0x69: {  	_ =	swait.ge @!p0 [sflag:s0], s1  }
0x6a: {  	s1 =	ssub.s32 @!p0 $0x0, s1;
	[sflag:s0] =	ssyncset.done @!p0 $0x0  }
0x6b: {  	[sflag:s0] =	ssyncadd.s32 @!p0 s1  }
0x6c: {  	[bflag:$0x3] =	sbarrier.arrive $0xFFFF  }
0x6d: {  	_ =	shalt  }

</sc_bundles>
